<compile_context>
chip_gen: v7x
topology: tpu7x:2x2x1
jax: 0.10.2.dev20260603
libtpu: 0.0.44.dev20260713+nightly
codegen_flags: <defaults>
</compile_context>

<pallas_src>
import functools

import jax
import jax.numpy as jnp
from jax import lax
from jax.experimental import pallas as pl
from jax.experimental.pallas import tpu as pltpu
from jax.experimental.pallas import tpu_sc as plsc

_GATHER_DN = lax.GatherDimensionNumbers(
    offset_dims=(), collapsed_slice_dims=(0,), start_index_map=(0,))


def _lane_bcast(vec, lane):
    idx = jnp.full((16, 1), lane, jnp.int32)
    return lax.gather(vec, idx, _GATHER_DN, slice_sizes=(1,),
                      mode=lax.GatherScatterMode.PROMISE_IN_BOUNDS)


N_NODES = 2708
N_EDGES = 13264
D_IN = 1433
D_OUT = 16

NT = 16
NC = 2
CH = 64
NCH = 13
E_TILE = CH * NCH
N_PAD = 2816
DUMMY = N_NODES
ROWS_INIT = N_PAD // NT
ROWS_OUT = N_PAD // (NT * NC)


def _mm_body(xt_ref, w_ref, o_ref):
    o_ref[...] = lax.dot_general(
        xt_ref[...], w_ref[...],
        dimension_numbers=(((0,), (1,)), ((), ())),
        preferred_element_type=jnp.float32,
    )


def _matmul(xt, w):
    blk = 1408
    grid = N_PAD // blk
    return pl.pallas_call(
        _mm_body,
        grid=(grid,),
        in_specs=[
            pl.BlockSpec((D_IN, blk), lambda i: (0, i)),
            pl.BlockSpec((D_OUT, D_IN), lambda i: (0, 0)),
        ],
        out_specs=pl.BlockSpec((blk, D_OUT), lambda i: (i, 0)),
        out_shape=jax.ShapeDtypeStruct((N_PAD, D_OUT), jnp.float32),
    )(xt, w)


def _sc_aggregate_kernel(mm_hbm, edges_hbm, w_hbm, bias_hbm, out_hbm,
                         src_v, dst_v, w_v, dst2_v, rows_v, bias_v, biasblk_v,
                         acc_shared, mm_shared, sem, sem_g, sem_s):
    c = lax.axis_index("c")
    s = lax.axis_index("s")
    a = pl.multiple_of(s * E_TILE, 8)

    scp = pltpu.async_copy(edges_hbm.at[0, pl.ds(a, E_TILE)], src_v, sem)
    mcp = pltpu.async_copy(mm_hbm.at[pl.ds(s * ROWS_INIT, ROWS_INIT)],
                           mm_shared.at[pl.ds(s * ROWS_INIT, ROWS_INIT)],
                           sem_g)
    dcp = pltpu.async_copy(edges_hbm.at[1, pl.ds(a, E_TILE)], dst_v, sem)
    wcp = pltpu.async_copy(w_hbm.at[pl.ds(a, E_TILE)], w_v, sem)

    pltpu.sync_copy(bias_hbm, bias_v)
    bvec = bias_v[...]

    def _initrow(r, carry):
        biasblk_v[r, :] = bvec
        return carry

    lax.fori_loop(0, ROWS_INIT, _initrow, 0)
    pltpu.sync_copy(biasblk_v, acc_shared.at[pl.ds(s * ROWS_INIT, ROWS_INIT)])
    scp.wait()
    dcp.wait()
    wcp.wait()

    lanes = lax.iota(jnp.int32, 16)
    zeros16 = jnp.zeros((16,), jnp.int32)
    dummy16 = jnp.full((16,), DUMMY, jnp.int32)
    nedges16 = jnp.full((16,), N_EDGES, jnp.int32)
    abase = jnp.full((16,), a, jnp.int32)

    def _sanitize(g, carry):
        off = g * 16
        eidx = abase + off + lanes
        ok = eidx < nedges16
        svec = jnp.where(ok, src_v[pl.ds(off, 16)], zeros16)
        dvec = jnp.where(ok, dst_v[pl.ds(off, 16)], dummy16)
        src_v[pl.ds(off, 16)] = svec
        dst2_v[g // (CH // 16), pl.ds((g % (CH // 16)) * 16, 16)] = dvec
        return carry

    lax.fori_loop(0, E_TILE // 16, _sanitize, 0)

    mcp.wait()
    plsc.subcore_barrier()

    gathers = [
        pltpu.async_copy(mm_shared.at[src_v.at[pl.ds(ch * CH, CH)]],
                         rows_v.at[pl.ds(ch * CH, CH)], sem_g)
        for ch in range(NCH)
    ]
    scatters = []
    for ch in range(NCH):
        gathers[ch].wait()

        def _group(g, carry, ch=ch):
            wvec = w_v[pl.ds(ch * CH + g * 16, 16)]
            for e in range(16):
                r = ch * CH + g * 16 + e
                rows_v[r, :] = rows_v[r, :] * _lane_bcast(wvec, e)
            return carry

        lax.fori_loop(0, CH // 16, _group, 0)
        scatters.append(
            pltpu.async_copy(rows_v.at[pl.ds(ch * CH, CH)],
                             acc_shared.at[dst2_v.at[ch]], sem_s, add=True))

    for cp in scatters:
        cp.wait()
    plsc.subcore_barrier()

    row0 = (c * NT + s) * ROWS_OUT
    pltpu.sync_copy(acc_shared.at[pl.ds(row0, ROWS_OUT)],
                    out_hbm.at[pl.ds(row0, ROWS_OUT)])


def _sc_aggregate(mm, edges, w, bias):
    mesh = plsc.VectorSubcoreMesh(core_axis_name="c", subcore_axis_name="s")
    kern = functools.partial(
        pl.kernel,
        mesh=mesh,
        compiler_params=pltpu.CompilerParams(use_tc_tiling_on_sc=False),
        out_type=jax.ShapeDtypeStruct((N_PAD, D_OUT), jnp.float32),
        scratch_types=[
            pltpu.VMEM((E_TILE,), jnp.int32),
            pltpu.VMEM((E_TILE,), jnp.int32),
            pltpu.VMEM((E_TILE,), jnp.float32),
            pltpu.VMEM((NCH, CH), jnp.int32),
            pltpu.VMEM((E_TILE, D_OUT), jnp.float32),
            pltpu.VMEM((D_OUT,), jnp.float32),
            pltpu.VMEM((ROWS_INIT, D_OUT), jnp.float32),
            pltpu.VMEM_SHARED((N_PAD, D_OUT), jnp.float32),
            pltpu.VMEM_SHARED((N_PAD, D_OUT), jnp.float32),
            pltpu.SemaphoreType.DMA,
            pltpu.SemaphoreType.DMA,
            pltpu.SemaphoreType.DMA,
        ],
    )(_sc_aggregate_kernel)
    return kern(mm, edges, w, bias)


def kernel(arg0_1, arg1_1, arg2_1, arg3_1, arg4_1):
    mm = _matmul(arg4_1.T, arg0_1)
    out = _sc_aggregate(mm, arg2_1.astype(jnp.int32), arg3_1, arg1_1)
    return out[:N_NODES]

# --- scband reference (transcript-rebuilt; emitter-appended) ---
"""Pipeline reference for scband-repro-63428077027476 (READ-ONLY COPY).

The authoritative reference and input builder live on the scoring server;
editing this copy changes nothing except your own understanding.
"""

import jax, jax.numpy as jnp
import numpy as np

N_NODES = 2708
N_EDGES = 13264
D_IN = 1433
D_OUT = 16


def setup_inputs(seed: int = 0) -> dict:
    key = jax.random.key(seed)
    k0, k1, k2, k3, k4 = jax.random.split(key, 5)
    arg0_1 = jax.random.normal(k0, (D_OUT, D_IN), dtype=jnp.float32)
    arg1_1 = jax.random.normal(k1, (D_OUT,), dtype=jnp.float32)
    arg2_1 = jax.random.randint(k2, (2, N_EDGES), 0, N_NODES, dtype=jnp.int64)
    arg3_1 = jax.random.uniform(k3, (N_EDGES,), dtype=jnp.float32)
    arg4_1 = jax.random.normal(k4, (N_NODES, D_IN), dtype=jnp.float32)
    return {"arg0_1": arg0_1, "arg1_1": arg1_1, "arg2_1": arg2_1, "arg3_1": arg3_1, "arg4_1": arg4_1}


def reference(arg0_1, arg1_1, arg2_1, arg3_1, arg4_1):
    # mm = x @ W^T  -> transformed node features [N, D_OUT]
    mm = arg4_1 @ arg0_1.T
    src = arg2_1[0]  # gather index (select 0)
    dst = arg2_1[1]  # scatter index (select 1)
    gathered = jnp.take(mm, src, axis=0)            # [E, D_OUT]
    msg = arg3_1.reshape(-1, 1) * gathered          # edge-weighted messages
    out = jnp.zeros((N_NODES, D_OUT), dtype=jnp.float32).at[dst].add(msg)
    out = out + arg1_1
    return out

if __name__ == "__main__":
    import jax
    _d = setup_inputs()
    print(jax.jit(kernel)(*tuple(_d.values())))

</pallas_src>

<mosaic_0001>
#map = affine_map<(d0, d1) -> (0, 0)>
#map1 = affine_map<(d0, d1) -> (0)>
module attributes {stable_mosaic.version = 14 : i64} {
  func.func @_sc_aggregate_kernel(%arg0: i32, %arg1: i32, %arg2: memref<2816x16xf32, #tpu.memory_space<hbm>>, %arg3: memref<2x13264xi32, #tpu.memory_space<hbm>>, %arg4: memref<13264xf32, #tpu.memory_space<hbm>>, %arg5: memref<16xf32, #tpu.memory_space<hbm>>, %arg6: memref<2816x16xf32, #tpu.memory_space<hbm>>, %arg7: memref<832xi32, #tpu.memory_space<vmem>>, %arg8: memref<832xi32, #tpu.memory_space<vmem>>, %arg9: memref<832xf32, #tpu.memory_space<vmem>>, %arg10: memref<13x64xi32, #tpu.memory_space<vmem>>, %arg11: memref<832x16xf32, #tpu.memory_space<vmem>>, %arg12: memref<16xf32, #tpu.memory_space<vmem>>, %arg13: memref<176x16xf32, #tpu.memory_space<vmem>>, %arg14: memref<2816x16xf32, #tpu.memory_space<vmem_shared>>, %arg15: memref<2816x16xf32, #tpu.memory_space<vmem_shared>>, %arg16: memref<!tpu.dma_semaphore, #tpu.memory_space<semaphore_mem>>, %arg17: memref<!tpu.dma_semaphore, #tpu.memory_space<semaphore_mem>>, %arg18: memref<!tpu.dma_semaphore, #tpu.memory_space<semaphore_mem>>) attributes {dimension_semantics = [#tpu.dimension_semantics<core_parallel>, #tpu.dimension_semantics<subcore_parallel>], iteration_bounds = array<i64: 2, 16>, scalar_prefetch = 0 : i64, scratch_operands = 12 : i64, tpu.core_type = #tpu.core_type<sc_vector_subcore>, window_params = [{transform_indices = #map}, {transform_indices = #map}, {transform_indices = #map1}, {transform_indices = #map1}, {transform_indices = #map}]} {
    %mul3A = arith.constant 832 : i32
    %mul3A_0 = arith.muli %arg1, %mul3A : i32
    %multiple_of3A = tpu.assume_multiple %mul3A_0, 8 : i32
    %dma_start3A = arith.constant 0 : i32
    %dma_start3A_1 = tpu.memref_slice %arg3[%dma_start3A, %multiple_of3A] : memref<2x13264xi32, #tpu.memory_space<hbm>> -> memref<1x832xi32, #tpu.memory_space<hbm>>
    %dma_start3A_2 = tpu.memref_squeeze %dma_start3A_1 : memref<1x832xi32, #tpu.memory_space<hbm>> -> memref<832xi32, #tpu.memory_space<hbm>>
    %dma_start3A_3 = tpu.memref_slice %arg3[%dma_start3A, %multiple_of3A] : memref<2x13264xi32, #tpu.memory_space<hbm>> -> memref<1x832xi32, #tpu.memory_space<hbm>>
    %dma_start3A_4 = tpu.memref_squeeze %dma_start3A_3 : memref<1x832xi32, #tpu.memory_space<hbm>> -> memref<832xi32, #tpu.memory_space<hbm>>
    tpu.enqueue_dma source(%dma_start3A_4 : memref<832xi32, #tpu.memory_space<hbm>>) target(%arg7 : memref<832xi32, #tpu.memory_space<vmem>>) target_semaphore(%arg16 : memref<!tpu.dma_semaphore, #tpu.memory_space<semaphore_mem>>)
    %mul3A_5 = arith.constant 176 : i32
    %mul3A_6 = arith.muli %arg1, %mul3A_5 : i32
    %mul3A_7 = arith.constant 176 : i32
    %mul3A_8 = arith.muli %arg1, %mul3A_7 : i32
    %dma_start3A_9 = arith.constant 0 : i32
    %dma_start3A_10 = tpu.memref_slice %arg15[%mul3A_8, %dma_start3A_9] : memref<2816x16xf32, #tpu.memory_space<vmem_shared>> -> memref<176x16xf32, #tpu.memory_space<vmem_shared>>
    %dma_start3A_11 = arith.constant 0 : i32
    %dma_start3A_12 = tpu.memref_slice %arg2[%mul3A_6, %dma_start3A_11] : memref<2816x16xf32, #tpu.memory_space<hbm>> -> memref<176x16xf32, #tpu.memory_space<hbm>>
    tpu.enqueue_dma source(%dma_start3A_12 : memref<176x16xf32, #tpu.memory_space<hbm>>) target(%dma_start3A_10 : memref<176x16xf32, #tpu.memory_space<vmem_shared>>) target_semaphore(%arg17 : memref<!tpu.dma_semaphore, #tpu.memory_space<semaphore_mem>>)
    %dma_start3A_13 = arith.constant 1 : i32
    %dma_start3A_14 = tpu.memref_slice %arg3[%dma_start3A_13, %multiple_of3A] : memref<2x13264xi32, #tpu.memory_space<hbm>> -> memref<1x832xi32, #tpu.memory_space<hbm>>
    %dma_start3A_15 = tpu.memref_squeeze %dma_start3A_14 : memref<1x832xi32, #tpu.memory_space<hbm>> -> memref<832xi32, #tpu.memory_space<hbm>>
    %dma_start3A_16 = tpu.memref_slice %arg3[%dma_start3A_13, %multiple_of3A] : memref<2x13264xi32, #tpu.memory_space<hbm>> -> memref<1x832xi32, #tpu.memory_space<hbm>>
    %dma_start3A_17 = tpu.memref_squeeze %dma_start3A_16 : memref<1x832xi32, #tpu.memory_space<hbm>> -> memref<832xi32, #tpu.memory_space<hbm>>
    tpu.enqueue_dma source(%dma_start3A_17 : memref<832xi32, #tpu.memory_space<hbm>>) target(%arg8 : memref<832xi32, #tpu.memory_space<vmem>>) target_semaphore(%arg16 : memref<!tpu.dma_semaphore, #tpu.memory_space<semaphore_mem>>)
    %dma_start3A_18 = tpu.memref_slice %arg4[%multiple_of3A] : memref<13264xf32, #tpu.memory_space<hbm>> -> memref<832xf32, #tpu.memory_space<hbm>>
    %dma_start3A_19 = tpu.memref_slice %arg4[%multiple_of3A] : memref<13264xf32, #tpu.memory_space<hbm>> -> memref<832xf32, #tpu.memory_space<hbm>>
    tpu.enqueue_dma source(%dma_start3A_19 : memref<832xf32, #tpu.memory_space<hbm>>) target(%arg9 : memref<832xf32, #tpu.memory_space<vmem>>) target_semaphore(%arg16 : memref<!tpu.dma_semaphore, #tpu.memory_space<semaphore_mem>>)
    "tpu.region"() ({
      %run_scoped3A = tpu.sem_alloc : memref<!tpu.dma_semaphore, #tpu.memory_space<semaphore_mem>>
      tpu.enqueue_dma source(%arg5 : memref<16xf32, #tpu.memory_space<hbm>>) target(%arg12 : memref<16xf32, #tpu.memory_space<vmem>>) target_semaphore(%run_scoped3A : memref<!tpu.dma_semaphore, #tpu.memory_space<semaphore_mem>>)
      tpu.wait_dma2 semaphore(%run_scoped3A : memref<!tpu.dma_semaphore, #tpu.memory_space<semaphore_mem>>) src(%arg5 : memref<16xf32, #tpu.memory_space<hbm>>) dst(%arg12 : memref<16xf32, #tpu.memory_space<vmem>>)
      tpu.yield
    }) : () -> ()
    %get3A = arith.constant 0 : index
    %get3A_20 = tpu.vector_load %arg12[%get3A] {strides = array<i32>} : memref<16xf32, #tpu.memory_space<vmem>>, vector<16xf32>,
    %get3A_21 = vector.shape_cast %get3A_20 : vector<16xf32> to vector<16xf32>
    %scan3A = arith.constant 0 : i32
    %scan3A_22 = arith.constant 0 : i32
    %scan3A_23 = arith.constant 176 : i32
    %scan3A_24 = arith.addi %scan3A_22, %scan3A_23 : i32
    %scan3A_25 = arith.constant 1 : i32
    scf.for %scan3A_607 = %scan3A_22 to %scan3A_24 step %scan3A_25  : i32 {
      %swap3A = arith.index_cast %scan3A_607 : i32 to index
      %swap3A_608 = arith.constant 0 : index
      %swap3A_609 = tpu.vector_load %arg13[%swap3A, %swap3A_608] {strides = array<i32>} : memref<176x16xf32, #tpu.memory_space<vmem>>, vector<1x16xf32>,
      %swap3A_610 = vector.shape_cast %swap3A_609 : vector<1x16xf32> to vector<16xf32>
      %swap3A_611 = vector.shape_cast %get3A_21 : vector<16xf32> to vector<1x16xf32>
      tpu.vector_store %arg13[%swap3A, %swap3A_608], %swap3A_611 {strides = array<i32>} : memref<176x16xf32, #tpu.memory_space<vmem>>, vector<1x16xf32>,
    }
    %scan3A_26 = arith.constant 176 : i32
    %mul3A_27 = arith.constant 176 : i32
    %mul3A_28 = arith.muli %arg1, %mul3A_27 : i32
    "tpu.region"() ({
      %run_scoped3A = tpu.sem_alloc : memref<!tpu.dma_semaphore, #tpu.memory_space<semaphore_mem>>
      %dma_start3A_607 = arith.constant 0 : i32
      %dma_start3A_608 = tpu.memref_slice %arg14[%mul3A_28, %dma_start3A_607] : memref<2816x16xf32, #tpu.memory_space<vmem_shared>> -> memref<176x16xf32, #tpu.memory_space<vmem_shared>>
      %dma_start3A_609 = arith.constant 0 : i32
      %dma_start3A_610 = tpu.memref_slice %arg14[%mul3A_28, %dma_start3A_609] : memref<2816x16xf32, #tpu.memory_space<vmem_shared>> -> memref<176x16xf32, #tpu.memory_space<vmem_shared>>
      tpu.enqueue_dma source(%arg13 : memref<176x16xf32, #tpu.memory_space<vmem>>) target(%dma_start3A_610 : memref<176x16xf32, #tpu.memory_space<vmem_shared>>) target_semaphore(%run_scoped3A : memref<!tpu.dma_semaphore, #tpu.memory_space<semaphore_mem>>)
      %dma_wait3A_611 = arith.constant 0 : i32
      %dma_wait3A_612 = tpu.memref_slice %arg14[%mul3A_28, %dma_wait3A_611] : memref<2816x16xf32, #tpu.memory_space<vmem_shared>> -> memref<176x16xf32, #tpu.memory_space<vmem_shared>>
      %dma_wait3A_613 = arith.constant 0 : i32
      %dma_wait3A_614 = tpu.memref_slice %arg14[%mul3A_28, %dma_wait3A_613] : memref<2816x16xf32, #tpu.memory_space<vmem_shared>> -> memref<176x16xf32, #tpu.memory_space<vmem_shared>>
      tpu.wait_dma2 semaphore(%run_scoped3A : memref<!tpu.dma_semaphore, #tpu.memory_space<semaphore_mem>>) src(%arg13 : memref<176x16xf32, #tpu.memory_space<vmem>>) dst(%dma_wait3A_614 : memref<176x16xf32, #tpu.memory_space<vmem_shared>>)
      tpu.yield
    }) : () -> ()
    %dma_wait3A = arith.constant 0 : i32
    %dma_wait3A_29 = tpu.memref_slice %arg3[%dma_wait3A, %multiple_of3A] : memref<2x13264xi32, #tpu.memory_space<hbm>> -> memref<1x832xi32, #tpu.memory_space<hbm>>
    %dma_wait3A_30 = tpu.memref_squeeze %dma_wait3A_29 : memref<1x832xi32, #tpu.memory_space<hbm>> -> memref<832xi32, #tpu.memory_space<hbm>>
    %dma_wait3A_31 = tpu.memref_slice %arg3[%dma_wait3A, %multiple_of3A] : memref<2x13264xi32, #tpu.memory_space<hbm>> -> memref<1x832xi32, #tpu.memory_space<hbm>>
    %dma_wait3A_32 = tpu.memref_squeeze %dma_wait3A_31 : memref<1x832xi32, #tpu.memory_space<hbm>> -> memref<832xi32, #tpu.memory_space<hbm>>
    tpu.wait_dma2 semaphore(%arg16 : memref<!tpu.dma_semaphore, #tpu.memory_space<semaphore_mem>>) src(%dma_wait3A_32 : memref<832xi32, #tpu.memory_space<hbm>>) dst(%arg7 : memref<832xi32, #tpu.memory_space<vmem>>)
    %dma_wait3A_33 = arith.constant 1 : i32
    %dma_wait3A_34 = tpu.memref_slice %arg3[%dma_wait3A_33, %multiple_of3A] : memref<2x13264xi32, #tpu.memory_space<hbm>> -> memref<1x832xi32, #tpu.memory_space<hbm>>
    %dma_wait3A_35 = tpu.memref_squeeze %dma_wait3A_34 : memref<1x832xi32, #tpu.memory_space<hbm>> -> memref<832xi32, #tpu.memory_space<hbm>>
    %dma_wait3A_36 = tpu.memref_slice %arg3[%dma_wait3A_33, %multiple_of3A] : memref<2x13264xi32, #tpu.memory_space<hbm>> -> memref<1x832xi32, #tpu.memory_space<hbm>>
    %dma_wait3A_37 = tpu.memref_squeeze %dma_wait3A_36 : memref<1x832xi32, #tpu.memory_space<hbm>> -> memref<832xi32, #tpu.memory_space<hbm>>
    tpu.wait_dma2 semaphore(%arg16 : memref<!tpu.dma_semaphore, #tpu.memory_space<semaphore_mem>>) src(%dma_wait3A_37 : memref<832xi32, #tpu.memory_space<hbm>>) dst(%arg8 : memref<832xi32, #tpu.memory_space<vmem>>)
    %dma_wait3A_38 = tpu.memref_slice %arg4[%multiple_of3A] : memref<13264xf32, #tpu.memory_space<hbm>> -> memref<832xf32, #tpu.memory_space<hbm>>
    %dma_wait3A_39 = tpu.memref_slice %arg4[%multiple_of3A] : memref<13264xf32, #tpu.memory_space<hbm>> -> memref<832xf32, #tpu.memory_space<hbm>>
    tpu.wait_dma2 semaphore(%arg16 : memref<!tpu.dma_semaphore, #tpu.memory_space<semaphore_mem>>) src(%dma_wait3A_39 : memref<832xf32, #tpu.memory_space<hbm>>) dst(%arg9 : memref<832xf32, #tpu.memory_space<vmem>>)
    %iota3A = tpu.iota {dimensions = array<i32: 0>} : vector<16xi32>
    %broadcast_in_dim3A = arith.constant 0 : i32
    %broadcast_in_dim3A_40 = vector.broadcast %broadcast_in_dim3A : i32 to vector<16xi32>
    %broadcast_in_dim3A_41 = arith.constant 2708 : i32
    %broadcast_in_dim3A_42 = vector.broadcast %broadcast_in_dim3A_41 : i32 to vector<16xi32>
    %broadcast_in_dim3A_43 = arith.constant 13264 : i32
    %broadcast_in_dim3A_44 = vector.broadcast %broadcast_in_dim3A_43 : i32 to vector<16xi32>
    %broadcast_in_dim3A_45 = vector.broadcast %multiple_of3A : i32 to vector<16xi32>
    %scan3A_46 = arith.constant 0 : i32
    %scan3A_47 = arith.constant 0 : i32
    %scan3A_48 = arith.constant 52 : i32
    %scan3A_49 = arith.addi %scan3A_47, %scan3A_48 : i32
    %scan3A_50 = arith.constant 1 : i32
    scf.for %scan3A_607 = %scan3A_47 to %scan3A_49 step %scan3A_50  : i32 {
      %mul3A_608 = arith.constant 16 : i32
      %mul3A_609 = arith.muli %scan3A_607, %mul3A_608 : i32
      %add3A_610 = vector.broadcast %mul3A_609 : i32 to vector<16xi32>
      %add3A_611 = arith.addi %broadcast_in_dim3A_45, %add3A_610 : vector<16xi32>
      %add3A_612 = arith.addi %add3A_611, %iota3A : vector<16xi32>
      %lt3A = arith.cmpi slt, %add3A_612, %broadcast_in_dim3A_44 : vector<16xi32>
      %get3A_613 = arith.index_cast %mul3A_609 : i32 to index
      %get3A_614 = tpu.vector_load %arg7[%get3A_613] {strides = array<i32>} : memref<832xi32, #tpu.memory_space<vmem>>, vector<16xi32>,
      %get3A_615 = vector.shape_cast %get3A_614 : vector<16xi32> to vector<16xi32>
      %select_n3A = arith.select %lt3A, %get3A_615, %broadcast_in_dim3A_40 : vector<16xi1>, vector<16xi32>
      %get3A_616 = arith.index_cast %mul3A_609 : i32 to index
      %get3A_617 = tpu.vector_load %arg8[%get3A_616] {strides = array<i32>} : memref<832xi32, #tpu.memory_space<vmem>>, vector<16xi32>,
      %get3A_618 = vector.shape_cast %get3A_617 : vector<16xi32> to vector<16xi32>
      %select_n3A_619 = arith.select %lt3A, %get3A_618, %broadcast_in_dim3A_42 : vector<16xi1>, vector<16xi32>
      %swap3A = arith.index_cast %mul3A_609 : i32 to index
      %swap3A_620 = tpu.vector_load %arg7[%swap3A] {strides = array<i32>} : memref<832xi32, #tpu.memory_space<vmem>>, vector<16xi32>,
      %swap3A_621 = vector.shape_cast %swap3A_620 : vector<16xi32> to vector<16xi32>
      %swap3A_622 = vector.shape_cast %select_n3A : vector<16xi32> to vector<16xi32>
      tpu.vector_store %arg7[%swap3A], %swap3A_622 {strides = array<i32>} : memref<832xi32, #tpu.memory_space<vmem>>, vector<16xi32>,
      %jit3A = arith.constant 4 : i32
      %div3A = arith.divsi %scan3A_607, %jit3A : i32
      %sign3A = arith.constant 0 : i32
      %sign3A_623 = arith.cmpi sgt, %scan3A_607, %sign3A : i32
      %sign3A_624 = arith.extui %sign3A_623 : i1 to i32
      %sign3A_625 = arith.constant 0 : i32
      %sign3A_626 = arith.cmpi slt, %scan3A_607, %sign3A_625 : i32
      %sign3A_627 = arith.extui %sign3A_626 : i1 to i32
      %sign3A_628 = arith.subi %sign3A_624, %sign3A_627 : i32
      %sign3A_629 = arith.constant 0 : i32
      %sign3A_630 = arith.cmpi sgt, %jit3A, %sign3A_629 : i32
      %sign3A_631 = arith.extui %sign3A_630 : i1 to i32
      %sign3A_632 = arith.constant 0 : i32
      %sign3A_633 = arith.cmpi slt, %jit3A, %sign3A_632 : i32
      %sign3A_634 = arith.extui %sign3A_633 : i1 to i32
      %sign3A_635 = arith.subi %sign3A_631, %sign3A_634 : i32
      %ne3A = arith.cmpi ne, %sign3A_628, %sign3A_635 : i32
      %rem3A = arith.remsi %scan3A_607, %jit3A : i32
      %ne3A_636 = arith.constant 0 : i32
      %ne3A_637 = arith.cmpi ne, %rem3A, %ne3A_636 : i32
      %and3A = arith.andi %ne3A, %ne3A_637 : i1
      %sub3A = arith.constant 1 : i32
      %sub3A_638 = arith.subi %div3A, %sub3A : i32
      %select_n3A_639 = arith.select %and3A, %sub3A_638, %div3A : i32
      %jit3A_640 = arith.constant 4 : i32
      %eq3A = arith.constant 0 : i32
      %eq3A_641 = arith.cmpi eq, %jit3A_640, %eq3A : i32
      %jit3A_642 = arith.constant 1 : i32
      %select_n3A_643 = arith.select %eq3A_641, %jit3A_642, %jit3A_640 : i32
      %rem3A_644 = arith.remsi %scan3A_607, %select_n3A_643 : i32
      %ne3A_645 = arith.constant 0 : i32
      %ne3A_646 = arith.cmpi ne, %rem3A_644, %ne3A_645 : i32
      %lt3A_647 = arith.constant 0 : i32
      %lt3A_648 = arith.cmpi slt, %rem3A_644, %lt3A_647 : i32
      %lt3A_649 = arith.constant 0 : i32
      %lt3A_650 = arith.cmpi slt, %select_n3A_643, %lt3A_649 : i32
      %ne3A_651 = arith.xori %lt3A_648, %lt3A_650 : i1
      %and3A_652 = arith.andi %ne3A_651, %ne3A_646 : i1
      %add3A_653 = arith.addi %rem3A_644, %select_n3A_643 : i32
      %select_n3A_654 = arith.select %and3A_652, %add3A_653, %rem3A_644 : i32
      %mul3A_655 = arith.constant 16 : i32
      %mul3A_656 = arith.muli %select_n3A_654, %mul3A_655 : i32
      %swap3A_657 = arith.index_cast %select_n3A_639 : i32 to index
      %swap3A_658 = arith.index_cast %mul3A_656 : i32 to index
      %swap3A_659 = tpu.vector_load %arg10[%swap3A_657, %swap3A_658] {strides = array<i32>} : memref<13x64xi32, #tpu.memory_space<vmem>>, vector<1x16xi32>,
      %swap3A_660 = vector.shape_cast %swap3A_659 : vector<1x16xi32> to vector<16xi32>
      %swap3A_661 = vector.shape_cast %select_n3A_619 : vector<16xi32> to vector<1x16xi32>
      tpu.vector_store %arg10[%swap3A_657, %swap3A_658], %swap3A_661 {strides = array<i32>} : memref<13x64xi32, #tpu.memory_space<vmem>>, vector<1x16xi32>,
    }
    %scan3A_51 = arith.constant 52 : i32
    %dma_wait3A_52 = arith.constant 0 : i32
    %dma_wait3A_53 = tpu.memref_slice %arg15[%mul3A_8, %dma_wait3A_52] : memref<2816x16xf32, #tpu.memory_space<vmem_shared>> -> memref<176x16xf32, #tpu.memory_space<vmem_shared>>
    %dma_wait3A_54 = arith.constant 0 : i32
    %dma_wait3A_55 = tpu.memref_slice %arg2[%mul3A_6, %dma_wait3A_54] : memref<2816x16xf32, #tpu.memory_space<hbm>> -> memref<176x16xf32, #tpu.memory_space<hbm>>
    tpu.wait_dma2 semaphore(%arg17 : memref<!tpu.dma_semaphore, #tpu.memory_space<semaphore_mem>>) src(%dma_wait3A_55 : memref<176x16xf32, #tpu.memory_space<hbm>>) dst(%dma_wait3A_53 : memref<176x16xf32, #tpu.memory_space<vmem_shared>>)
    %barrier3A = arith.constant 0 : index
    tpu.barrier barrier_id(%barrier3A)
    %dma_start3A_56 = arith.constant 0 : i32
    %dma_start3A_57 = arith.constant 0 : i32
    %dma_start3A_58 = tpu.memref_slice %arg11[%dma_start3A_56, %dma_start3A_57] : memref<832x16xf32, #tpu.memory_space<vmem>> -> memref<64x16xf32, #tpu.memory_space<vmem>>
    %dma_start3A_59 = arith.constant 0 : i32
    %dma_start3A_60 = tpu.memref_slice %arg7[%dma_start3A_59] : memref<832xi32, #tpu.memory_space<vmem>> -> memref<64xi32, #tpu.memory_space<vmem>>
    %dma_start3A_61 = arith.constant 0 : i32
    %dma_start3A_62 = arith.constant 0 : i32
    %dma_start3A_63 = tpu.memref_slice %arg15[%dma_start3A_61, %dma_start3A_62] : memref<2816x16xf32, #tpu.memory_space<vmem_shared>> -> memref<2816x16xf32, #tpu.memory_space<vmem_shared>>
    tpu.enqueue_indirect_dma source(%dma_start3A_63 : memref<2816x16xf32, #tpu.memory_space<vmem_shared>>) target(%dma_start3A_58 : memref<64x16xf32, #tpu.memory_space<vmem>>) offsets(%dma_start3A_60 : memref<64xi32, #tpu.memory_space<vmem>>) semaphore(%arg17 : memref<!tpu.dma_semaphore, #tpu.memory_space<semaphore_mem>>)
    %dma_start3A_64 = arith.constant 64 : i32
    %dma_start3A_65 = arith.constant 0 : i32
    %dma_start3A_66 = tpu.memref_slice %arg11[%dma_start3A_64, %dma_start3A_65] : memref<832x16xf32, #tpu.memory_space<vmem>> -> memref<64x16xf32, #tpu.memory_space<vmem>>
    %dma_start3A_67 = arith.constant 64 : i32
    %dma_start3A_68 = tpu.memref_slice %arg7[%dma_start3A_67] : memref<832xi32, #tpu.memory_space<vmem>> -> memref<64xi32, #tpu.memory_space<vmem>>
    %dma_start3A_69 = arith.constant 0 : i32
    %dma_start3A_70 = arith.constant 0 : i32
    %dma_start3A_71 = tpu.memref_slice %arg15[%dma_start3A_69, %dma_start3A_70] : memref<2816x16xf32, #tpu.memory_space<vmem_shared>> -> memref<2816x16xf32, #tpu.memory_space<vmem_shared>>
    tpu.enqueue_indirect_dma source(%dma_start3A_71 : memref<2816x16xf32, #tpu.memory_space<vmem_shared>>) target(%dma_start3A_66 : memref<64x16xf32, #tpu.memory_space<vmem>>) offsets(%dma_start3A_68 : memref<64xi32, #tpu.memory_space<vmem>>) semaphore(%arg17 : memref<!tpu.dma_semaphore, #tpu.memory_space<semaphore_mem>>)
    %dma_start3A_72 = arith.constant 128 : i32
    %dma_start3A_73 = arith.constant 0 : i32
    %dma_start3A_74 = tpu.memref_slice %arg11[%dma_start3A_72, %dma_start3A_73] : memref<832x16xf32, #tpu.memory_space<vmem>> -> memref<64x16xf32, #tpu.memory_space<vmem>>
    %dma_start3A_75 = arith.constant 128 : i32
    %dma_start3A_76 = tpu.memref_slice %arg7[%dma_start3A_75] : memref<832xi32, #tpu.memory_space<vmem>> -> memref<64xi32, #tpu.memory_space<vmem>>
    %dma_start3A_77 = arith.constant 0 : i32
    %dma_start3A_78 = arith.constant 0 : i32
    %dma_start3A_79 = tpu.memref_slice %arg15[%dma_start3A_77, %dma_start3A_78] : memref<2816x16xf32, #tpu.memory_space<vmem_shared>> -> memref<2816x16xf32, #tpu.memory_space<vmem_shared>>
    tpu.enqueue_indirect_dma source(%dma_start3A_79 : memref<2816x16xf32, #tpu.memory_space<vmem_shared>>) target(%dma_start3A_74 : memref<64x16xf32, #tpu.memory_space<vmem>>) offsets(%dma_start3A_76 : memref<64xi32, #tpu.memory_space<vmem>>) semaphore(%arg17 : memref<!tpu.dma_semaphore, #tpu.memory_space<semaphore_mem>>)
    %dma_start3A_80 = arith.constant 192 : i32
    %dma_start3A_81 = arith.constant 0 : i32
    %dma_start3A_82 = tpu.memref_slice %arg11[%dma_start3A_80, %dma_start3A_81] : memref<832x16xf32, #tpu.memory_space<vmem>> -> memref<64x16xf32, #tpu.memory_space<vmem>>
    %dma_start3A_83 = arith.constant 192 : i32
    %dma_start3A_84 = tpu.memref_slice %arg7[%dma_start3A_83] : memref<832xi32, #tpu.memory_space<vmem>> -> memref<64xi32, #tpu.memory_space<vmem>>
    %dma_start3A_85 = arith.constant 0 : i32
    %dma_start3A_86 = arith.constant 0 : i32
    %dma_start3A_87 = tpu.memref_slice %arg15[%dma_start3A_85, %dma_start3A_86] : memref<2816x16xf32, #tpu.memory_space<vmem_shared>> -> memref<2816x16xf32, #tpu.memory_space<vmem_shared>>
    tpu.enqueue_indirect_dma source(%dma_start3A_87 : memref<2816x16xf32, #tpu.memory_space<vmem_shared>>) target(%dma_start3A_82 : memref<64x16xf32, #tpu.memory_space<vmem>>) offsets(%dma_start3A_84 : memref<64xi32, #tpu.memory_space<vmem>>) semaphore(%arg17 : memref<!tpu.dma_semaphore, #tpu.memory_space<semaphore_mem>>)
    %dma_start3A_88 = arith.constant 256 : i32
    %dma_start3A_89 = arith.constant 0 : i32
    %dma_start3A_90 = tpu.memref_slice %arg11[%dma_start3A_88, %dma_start3A_89] : memref<832x16xf32, #tpu.memory_space<vmem>> -> memref<64x16xf32, #tpu.memory_space<vmem>>
    %dma_start3A_91 = arith.constant 256 : i32
    %dma_start3A_92 = tpu.memref_slice %arg7[%dma_start3A_91] : memref<832xi32, #tpu.memory_space<vmem>> -> memref<64xi32, #tpu.memory_space<vmem>>
    %dma_start3A_93 = arith.constant 0 : i32
    %dma_start3A_94 = arith.constant 0 : i32
    %dma_start3A_95 = tpu.memref_slice %arg15[%dma_start3A_93, %dma_start3A_94] : memref<2816x16xf32, #tpu.memory_space<vmem_shared>> -> memref<2816x16xf32, #tpu.memory_space<vmem_shared>>
    tpu.enqueue_indirect_dma source(%dma_start3A_95 : memref<2816x16xf32, #tpu.memory_space<vmem_shared>>) target(%dma_start3A_90 : memref<64x16xf32, #tpu.memory_space<vmem>>) offsets(%dma_start3A_92 : memref<64xi32, #tpu.memory_space<vmem>>) semaphore(%arg17 : memref<!tpu.dma_semaphore, #tpu.memory_space<semaphore_mem>>)
    %dma_start3A_96 = arith.constant 320 : i32
    %dma_start3A_97 = arith.constant 0 : i32
    %dma_start3A_98 = tpu.memref_slice %arg11[%dma_start3A_96, %dma_start3A_97] : memref<832x16xf32, #tpu.memory_space<vmem>> -> memref<64x16xf32, #tpu.memory_space<vmem>>
    %dma_start3A_99 = arith.constant 320 : i32
    %dma_start3A_100 = tpu.memref_slice %arg7[%dma_start3A_99] : memref<832xi32, #tpu.memory_space<vmem>> -> memref<64xi32, #tpu.memory_space<vmem>>
    %dma_start3A_101 = arith.constant 0 : i32
    %dma_start3A_102 = arith.constant 0 : i32
    %dma_start3A_103 = tpu.memref_slice %arg15[%dma_start3A_101, %dma_start3A_102] : memref<2816x16xf32, #tpu.memory_space<vmem_shared>> -> memref<2816x16xf32, #tpu.memory_space<vmem_shared>>
    tpu.enqueue_indirect_dma source(%dma_start3A_103 : memref<2816x16xf32, #tpu.memory_space<vmem_shared>>) target(%dma_start3A_98 : memref<64x16xf32, #tpu.memory_space<vmem>>) offsets(%dma_start3A_100 : memref<64xi32, #tpu.memory_space<vmem>>) semaphore(%arg17 : memref<!tpu.dma_semaphore, #tpu.memory_space<semaphore_mem>>)
    %dma_start3A_104 = arith.constant 384 : i32
    %dma_start3A_105 = arith.constant 0 : i32
    %dma_start3A_106 = tpu.memref_slice %arg11[%dma_start3A_104, %dma_start3A_105] : memref<832x16xf32, #tpu.memory_space<vmem>> -> memref<64x16xf32, #tpu.memory_space<vmem>>
    %dma_start3A_107 = arith.constant 384 : i32
    %dma_start3A_108 = tpu.memref_slice %arg7[%dma_start3A_107] : memref<832xi32, #tpu.memory_space<vmem>> -> memref<64xi32, #tpu.memory_space<vmem>>
    %dma_start3A_109 = arith.constant 0 : i32
    %dma_start3A_110 = arith.constant 0 : i32
    %dma_start3A_111 = tpu.memref_slice %arg15[%dma_start3A_109, %dma_start3A_110] : memref<2816x16xf32, #tpu.memory_space<vmem_shared>> -> memref<2816x16xf32, #tpu.memory_space<vmem_shared>>
    tpu.enqueue_indirect_dma source(%dma_start3A_111 : memref<2816x16xf32, #tpu.memory_space<vmem_shared>>) target(%dma_start3A_106 : memref<64x16xf32, #tpu.memory_space<vmem>>) offsets(%dma_start3A_108 : memref<64xi32, #tpu.memory_space<vmem>>) semaphore(%arg17 : memref<!tpu.dma_semaphore, #tpu.memory_space<semaphore_mem>>)
    %dma_start3A_112 = arith.constant 448 : i32
    %dma_start3A_113 = arith.constant 0 : i32
    %dma_start3A_114 = tpu.memref_slice %arg11[%dma_start3A_112, %dma_start3A_113] : memref<832x16xf32, #tpu.memory_space<vmem>> -> memref<64x16xf32, #tpu.memory_space<vmem>>
    %dma_start3A_115 = arith.constant 448 : i32
    %dma_start3A_116 = tpu.memref_slice %arg7[%dma_start3A_115] : memref<832xi32, #tpu.memory_space<vmem>> -> memref<64xi32, #tpu.memory_space<vmem>>
    %dma_start3A_117 = arith.constant 0 : i32
    %dma_start3A_118 = arith.constant 0 : i32
    %dma_start3A_119 = tpu.memref_slice %arg15[%dma_start3A_117, %dma_start3A_118] : memref<2816x16xf32, #tpu.memory_space<vmem_shared>> -> memref<2816x16xf32, #tpu.memory_space<vmem_shared>>
    tpu.enqueue_indirect_dma source(%dma_start3A_119 : memref<2816x16xf32, #tpu.memory_space<vmem_shared>>) target(%dma_start3A_114 : memref<64x16xf32, #tpu.memory_space<vmem>>) offsets(%dma_start3A_116 : memref<64xi32, #tpu.memory_space<vmem>>) semaphore(%arg17 : memref<!tpu.dma_semaphore, #tpu.memory_space<semaphore_mem>>)
    %dma_start3A_120 = arith.constant 512 : i32
    %dma_start3A_121 = arith.constant 0 : i32
    %dma_start3A_122 = tpu.memref_slice %arg11[%dma_start3A_120, %dma_start3A_121] : memref<832x16xf32, #tpu.memory_space<vmem>> -> memref<64x16xf32, #tpu.memory_space<vmem>>
    %dma_start3A_123 = arith.constant 512 : i32
    %dma_start3A_124 = tpu.memref_slice %arg7[%dma_start3A_123] : memref<832xi32, #tpu.memory_space<vmem>> -> memref<64xi32, #tpu.memory_space<vmem>>
    %dma_start3A_125 = arith.constant 0 : i32
    %dma_start3A_126 = arith.constant 0 : i32
    %dma_start3A_127 = tpu.memref_slice %arg15[%dma_start3A_125, %dma_start3A_126] : memref<2816x16xf32, #tpu.memory_space<vmem_shared>> -> memref<2816x16xf32, #tpu.memory_space<vmem_shared>>
    tpu.enqueue_indirect_dma source(%dma_start3A_127 : memref<2816x16xf32, #tpu.memory_space<vmem_shared>>) target(%dma_start3A_122 : memref<64x16xf32, #tpu.memory_space<vmem>>) offsets(%dma_start3A_124 : memref<64xi32, #tpu.memory_space<vmem>>) semaphore(%arg17 : memref<!tpu.dma_semaphore, #tpu.memory_space<semaphore_mem>>)
    %dma_start3A_128 = arith.constant 576 : i32
    %dma_start3A_129 = arith.constant 0 : i32
    %dma_start3A_130 = tpu.memref_slice %arg11[%dma_start3A_128, %dma_start3A_129] : memref<832x16xf32, #tpu.memory_space<vmem>> -> memref<64x16xf32, #tpu.memory_space<vmem>>
    %dma_start3A_131 = arith.constant 576 : i32
    %dma_start3A_132 = tpu.memref_slice %arg7[%dma_start3A_131] : memref<832xi32, #tpu.memory_space<vmem>> -> memref<64xi32, #tpu.memory_space<vmem>>
    %dma_start3A_133 = arith.constant 0 : i32
    %dma_start3A_134 = arith.constant 0 : i32
    %dma_start3A_135 = tpu.memref_slice %arg15[%dma_start3A_133, %dma_start3A_134] : memref<2816x16xf32, #tpu.memory_space<vmem_shared>> -> memref<2816x16xf32, #tpu.memory_space<vmem_shared>>
    tpu.enqueue_indirect_dma source(%dma_start3A_135 : memref<2816x16xf32, #tpu.memory_space<vmem_shared>>) target(%dma_start3A_130 : memref<64x16xf32, #tpu.memory_space<vmem>>) offsets(%dma_start3A_132 : memref<64xi32, #tpu.memory_space<vmem>>) semaphore(%arg17 : memref<!tpu.dma_semaphore, #tpu.memory_space<semaphore_mem>>)
    %dma_start3A_136 = arith.constant 640 : i32
    %dma_start3A_137 = arith.constant 0 : i32
    %dma_start3A_138 = tpu.memref_slice %arg11[%dma_start3A_136, %dma_start3A_137] : memref<832x16xf32, #tpu.memory_space<vmem>> -> memref<64x16xf32, #tpu.memory_space<vmem>>
    %dma_start3A_139 = arith.constant 640 : i32
    %dma_start3A_140 = tpu.memref_slice %arg7[%dma_start3A_139] : memref<832xi32, #tpu.memory_space<vmem>> -> memref<64xi32, #tpu.memory_space<vmem>>
    %dma_start3A_141 = arith.constant 0 : i32
    %dma_start3A_142 = arith.constant 0 : i32
    %dma_start3A_143 = tpu.memref_slice %arg15[%dma_start3A_141, %dma_start3A_142] : memref<2816x16xf32, #tpu.memory_space<vmem_shared>> -> memref<2816x16xf32, #tpu.memory_space<vmem_shared>>
    tpu.enqueue_indirect_dma source(%dma_start3A_143 : memref<2816x16xf32, #tpu.memory_space<vmem_shared>>) target(%dma_start3A_138 : memref<64x16xf32, #tpu.memory_space<vmem>>) offsets(%dma_start3A_140 : memref<64xi32, #tpu.memory_space<vmem>>) semaphore(%arg17 : memref<!tpu.dma_semaphore, #tpu.memory_space<semaphore_mem>>)
    %dma_start3A_144 = arith.constant 704 : i32
    %dma_start3A_145 = arith.constant 0 : i32
    %dma_start3A_146 = tpu.memref_slice %arg11[%dma_start3A_144, %dma_start3A_145] : memref<832x16xf32, #tpu.memory_space<vmem>> -> memref<64x16xf32, #tpu.memory_space<vmem>>
    %dma_start3A_147 = arith.constant 704 : i32
    %dma_start3A_148 = tpu.memref_slice %arg7[%dma_start3A_147] : memref<832xi32, #tpu.memory_space<vmem>> -> memref<64xi32, #tpu.memory_space<vmem>>
    %dma_start3A_149 = arith.constant 0 : i32
    %dma_start3A_150 = arith.constant 0 : i32
    %dma_start3A_151 = tpu.memref_slice %arg15[%dma_start3A_149, %dma_start3A_150] : memref<2816x16xf32, #tpu.memory_space<vmem_shared>> -> memref<2816x16xf32, #tpu.memory_space<vmem_shared>>
    tpu.enqueue_indirect_dma source(%dma_start3A_151 : memref<2816x16xf32, #tpu.memory_space<vmem_shared>>) target(%dma_start3A_146 : memref<64x16xf32, #tpu.memory_space<vmem>>) offsets(%dma_start3A_148 : memref<64xi32, #tpu.memory_space<vmem>>) semaphore(%arg17 : memref<!tpu.dma_semaphore, #tpu.memory_space<semaphore_mem>>)
    %dma_start3A_152 = arith.constant 768 : i32
    %dma_start3A_153 = arith.constant 0 : i32
    %dma_start3A_154 = tpu.memref_slice %arg11[%dma_start3A_152, %dma_start3A_153] : memref<832x16xf32, #tpu.memory_space<vmem>> -> memref<64x16xf32, #tpu.memory_space<vmem>>
    %dma_start3A_155 = arith.constant 768 : i32
    %dma_start3A_156 = tpu.memref_slice %arg7[%dma_start3A_155] : memref<832xi32, #tpu.memory_space<vmem>> -> memref<64xi32, #tpu.memory_space<vmem>>
    %dma_start3A_157 = arith.constant 0 : i32
    %dma_start3A_158 = arith.constant 0 : i32
    %dma_start3A_159 = tpu.memref_slice %arg15[%dma_start3A_157, %dma_start3A_158] : memref<2816x16xf32, #tpu.memory_space<vmem_shared>> -> memref<2816x16xf32, #tpu.memory_space<vmem_shared>>
    tpu.enqueue_indirect_dma source(%dma_start3A_159 : memref<2816x16xf32, #tpu.memory_space<vmem_shared>>) target(%dma_start3A_154 : memref<64x16xf32, #tpu.memory_space<vmem>>) offsets(%dma_start3A_156 : memref<64xi32, #tpu.memory_space<vmem>>) semaphore(%arg17 : memref<!tpu.dma_semaphore, #tpu.memory_space<semaphore_mem>>)
    %dma_wait3A_160 = arith.constant 0 : i32
    %dma_wait3A_161 = arith.constant 0 : i32
    %dma_wait3A_162 = tpu.memref_slice %arg11[%dma_wait3A_160, %dma_wait3A_161] : memref<832x16xf32, #tpu.memory_space<vmem>> -> memref<64x16xf32, #tpu.memory_space<vmem>>
    %dma_wait3A_163 = arith.constant 0 : i32
    %dma_wait3A_164 = tpu.memref_slice %arg7[%dma_wait3A_163] : memref<832xi32, #tpu.memory_space<vmem>> -> memref<64xi32, #tpu.memory_space<vmem>>
    %dma_wait3A_165 = arith.constant 0 : i32
    %dma_wait3A_166 = arith.constant 0 : i32
    %dma_wait3A_167 = tpu.memref_slice %arg15[%dma_wait3A_165, %dma_wait3A_166] : memref<2816x16xf32, #tpu.memory_space<vmem_shared>> -> memref<2816x16xf32, #tpu.memory_space<vmem_shared>>
    tpu.wait_indirect_dma semaphore(%arg17 : memref<!tpu.dma_semaphore, #tpu.memory_space<semaphore_mem>>) src(%dma_wait3A_167 : memref<2816x16xf32, #tpu.memory_space<vmem_shared>>) dst(%dma_wait3A_162 : memref<64x16xf32, #tpu.memory_space<vmem>>)
    %scan3A_168 = arith.constant 0 : i32
    %scan3A_169 = arith.constant 0 : i32
    %scan3A_170 = arith.constant 4 : i32
    %scan3A_171 = arith.addi %scan3A_169, %scan3A_170 : i32
    %scan3A_172 = arith.constant 1 : i32
    scf.for %scan3A_607 = %scan3A_169 to %scan3A_171 step %scan3A_172  : i32 {
      %mul3A_608 = arith.constant 16 : i32
      %mul3A_609 = arith.muli %scan3A_607, %mul3A_608 : i32
      %add3A_610 = arith.constant 0 : i32
      %add3A_611 = arith.addi %add3A_610, %mul3A_609 : i32
      %get3A_612 = arith.index_cast %add3A_611 : i32 to index
      %get3A_613 = tpu.vector_load %arg9[%get3A_612] {strides = array<i32>} : memref<832xf32, #tpu.memory_space<vmem>>, vector<16xf32>,
      %get3A_614 = vector.shape_cast %get3A_613 : vector<16xf32> to vector<16xf32>
      %mul3A_615 = arith.constant 16 : i32
      %mul3A_616 = arith.muli %scan3A_607, %mul3A_615 : i32
      %add3A_617 = arith.constant 0 : i32
      %add3A_618 = arith.addi %add3A_617, %mul3A_616 : i32
      %add3A_619 = arith.constant 0 : i32
      %add3A_620 = arith.addi %add3A_618, %add3A_619 : i32
      %get3A_621 = arith.index_cast %add3A_620 : i32 to index
      %get3A_622 = arith.constant 0 : index
      %get3A_623 = tpu.vector_load %arg11[%get3A_621, %get3A_622] {strides = array<i32>} : memref<832x16xf32, #tpu.memory_space<vmem>>, vector<1x16xf32>,
      %get3A_624 = vector.shape_cast %get3A_623 : vector<1x16xf32> to vector<16xf32>
      %broadcast_in_dim3A_625 = arith.constant 0 : i32
      %broadcast_in_dim3A_626 = vector.broadcast %broadcast_in_dim3A_625 : i32 to vector<16x1xi32>
      %gather3A = vector.shape_cast %broadcast_in_dim3A_626 : vector<16x1xi32> to vector<16xi32>
      %gather3A_627 = tpu.dynamic_gather %get3A_614[%gather3A] in [0] : vector<16xf32>, vector<16xi32> -> vector<16xf32>
      %mul3A_628 = arith.mulf %get3A_624, %gather3A_627 : vector<16xf32>
      %swap3A = arith.index_cast %add3A_620 : i32 to index
      %swap3A_629 = arith.constant 0 : index
      %swap3A_630 = tpu.vector_load %arg11[%swap3A, %swap3A_629] {strides = array<i32>} : memref<832x16xf32, #tpu.memory_space<vmem>>, vector<1x16xf32>,
      %swap3A_631 = vector.shape_cast %swap3A_630 : vector<1x16xf32> to vector<16xf32>
      %swap3A_632 = vector.shape_cast %mul3A_628 : vector<16xf32> to vector<1x16xf32>
      tpu.vector_store %arg11[%swap3A, %swap3A_629], %swap3A_632 {strides = array<i32>} : memref<832x16xf32, #tpu.memory_space<vmem>>, vector<1x16xf32>,
      %mul3A_633 = arith.constant 16 : i32
      %mul3A_634 = arith.muli %scan3A_607, %mul3A_633 : i32
      %add3A_635 = arith.constant 0 : i32
      %add3A_636 = arith.addi %add3A_635, %mul3A_634 : i32
      %add3A_637 = arith.constant 1 : i32
      %add3A_638 = arith.addi %add3A_636, %add3A_637 : i32
      %get3A_639 = arith.index_cast %add3A_638 : i32 to index
      %get3A_640 = arith.constant 0 : index
      %get3A_641 = tpu.vector_load %arg11[%get3A_639, %get3A_640] {strides = array<i32>} : memref<832x16xf32, #tpu.memory_space<vmem>>, vector<1x16xf32>,
      %get3A_642 = vector.shape_cast %get3A_641 : vector<1x16xf32> to vector<16xf32>
      %broadcast_in_dim3A_643 = arith.constant 1 : i32
      %broadcast_in_dim3A_644 = vector.broadcast %broadcast_in_dim3A_643 : i32 to vector<16x1xi32>
      %gather3A_645 = vector.shape_cast %broadcast_in_dim3A_644 : vector<16x1xi32> to vector<16xi32>
      %gather3A_646 = tpu.dynamic_gather %get3A_614[%gather3A_645] in [0] : vector<16xf32>, vector<16xi32> -> vector<16xf32>
      %mul3A_647 = arith.mulf %get3A_642, %gather3A_646 : vector<16xf32>
      %swap3A_648 = arith.index_cast %add3A_638 : i32 to index
      %swap3A_649 = arith.constant 0 : index
      %swap3A_650 = tpu.vector_load %arg11[%swap3A_648, %swap3A_649] {strides = array<i32>} : memref<832x16xf32, #tpu.memory_space<vmem>>, vector<1x16xf32>,
      %swap3A_651 = vector.shape_cast %swap3A_650 : vector<1x16xf32> to vector<16xf32>
      %swap3A_652 = vector.shape_cast %mul3A_647 : vector<16xf32> to vector<1x16xf32>
      tpu.vector_store %arg11[%swap3A_648, %swap3A_649], %swap3A_652 {strides = array<i32>} : memref<832x16xf32, #tpu.memory_space<vmem>>, vector<1x16xf32>,
      %mul3A_653 = arith.constant 16 : i32
      %mul3A_654 = arith.muli %scan3A_607, %mul3A_653 : i32
      %add3A_655 = arith.constant 0 : i32
      %add3A_656 = arith.addi %add3A_655, %mul3A_654 : i32
      %add3A_657 = arith.constant 2 : i32
      %add3A_658 = arith.addi %add3A_656, %add3A_657 : i32
      %get3A_659 = arith.index_cast %add3A_658 : i32 to index
      %get3A_660 = arith.constant 0 : index
      %get3A_661 = tpu.vector_load %arg11[%get3A_659, %get3A_660] {strides = array<i32>} : memref<832x16xf32, #tpu.memory_space<vmem>>, vector<1x16xf32>,
      %get3A_662 = vector.shape_cast %get3A_661 : vector<1x16xf32> to vector<16xf32>
      %broadcast_in_dim3A_663 = arith.constant 2 : i32
      %broadcast_in_dim3A_664 = vector.broadcast %broadcast_in_dim3A_663 : i32 to vector<16x1xi32>
      %gather3A_665 = vector.shape_cast %broadcast_in_dim3A_664 : vector<16x1xi32> to vector<16xi32>
      %gather3A_666 = tpu.dynamic_gather %get3A_614[%gather3A_665] in [0] : vector<16xf32>, vector<16xi32> -> vector<16xf32>
      %mul3A_667 = arith.mulf %get3A_662, %gather3A_666 : vector<16xf32>
      %swap3A_668 = arith.index_cast %add3A_658 : i32 to index
      %swap3A_669 = arith.constant 0 : index
      %swap3A_670 = tpu.vector_load %arg11[%swap3A_668, %swap3A_669] {strides = array<i32>} : memref<832x16xf32, #tpu.memory_space<vmem>>, vector<1x16xf32>,
      %swap3A_671 = vector.shape_cast %swap3A_670 : vector<1x16xf32> to vector<16xf32>
      %swap3A_672 = vector.shape_cast %mul3A_667 : vector<16xf32> to vector<1x16xf32>
      tpu.vector_store %arg11[%swap3A_668, %swap3A_669], %swap3A_672 {strides = array<i32>} : memref<832x16xf32, #tpu.memory_space<vmem>>, vector<1x16xf32>,
      %mul3A_673 = arith.constant 16 : i32
      %mul3A_674 = arith.muli %scan3A_607, %mul3A_673 : i32
      %add3A_675 = arith.constant 0 : i32
      %add3A_676 = arith.addi %add3A_675, %mul3A_674 : i32
      %add3A_677 = arith.constant 3 : i32
      %add3A_678 = arith.addi %add3A_676, %add3A_677 : i32
      %get3A_679 = arith.index_cast %add3A_678 : i32 to index
      %get3A_680 = arith.constant 0 : index
      %get3A_681 = tpu.vector_load %arg11[%get3A_679, %get3A_680] {strides = array<i32>} : memref<832x16xf32, #tpu.memory_space<vmem>>, vector<1x16xf32>,
      %get3A_682 = vector.shape_cast %get3A_681 : vector<1x16xf32> to vector<16xf32>
      %broadcast_in_dim3A_683 = arith.constant 3 : i32
      %broadcast_in_dim3A_684 = vector.broadcast %broadcast_in_dim3A_683 : i32 to vector<16x1xi32>
      %gather3A_685 = vector.shape_cast %broadcast_in_dim3A_684 : vector<16x1xi32> to vector<16xi32>
      %gather3A_686 = tpu.dynamic_gather %get3A_614[%gather3A_685] in [0] : vector<16xf32>, vector<16xi32> -> vector<16xf32>
      %mul3A_687 = arith.mulf %get3A_682, %gather3A_686 : vector<16xf32>
      %swap3A_688 = arith.index_cast %add3A_678 : i32 to index
      %swap3A_689 = arith.constant 0 : index
      %swap3A_690 = tpu.vector_load %arg11[%swap3A_688, %swap3A_689] {strides = array<i32>} : memref<832x16xf32, #tpu.memory_space<vmem>>, vector<1x16xf32>,
      %swap3A_691 = vector.shape_cast %swap3A_690 : vector<1x16xf32> to vector<16xf32>
      %swap3A_692 = vector.shape_cast %mul3A_687 : vector<16xf32> to vector<1x16xf32>
      tpu.vector_store %arg11[%swap3A_688, %swap3A_689], %swap3A_692 {strides = array<i32>} : memref<832x16xf32, #tpu.memory_space<vmem>>, vector<1x16xf32>,
      %mul3A_693 = arith.constant 16 : i32
      %mul3A_694 = arith.muli %scan3A_607, %mul3A_693 : i32
      %add3A_695 = arith.constant 0 : i32
      %add3A_696 = arith.addi %add3A_695, %mul3A_694 : i32
      %add3A_697 = arith.constant 4 : i32
      %add3A_698 = arith.addi %add3A_696, %add3A_697 : i32
      %get3A_699 = arith.index_cast %add3A_698 : i32 to index
      %get3A_700 = arith.constant 0 : index
      %get3A_701 = tpu.vector_load %arg11[%get3A_699, %get3A_700] {strides = array<i32>} : memref<832x16xf32, #tpu.memory_space<vmem>>, vector<1x16xf32>,
      %get3A_702 = vector.shape_cast %get3A_701 : vector<1x16xf32> to vector<16xf32>
      %broadcast_in_dim3A_703 = arith.constant 4 : i32
      %broadcast_in_dim3A_704 = vector.broadcast %broadcast_in_dim3A_703 : i32 to vector<16x1xi32>
      %gather3A_705 = vector.shape_cast %broadcast_in_dim3A_704 : vector<16x1xi32> to vector<16xi32>
      %gather3A_706 = tpu.dynamic_gather %get3A_614[%gather3A_705] in [0] : vector<16xf32>, vector<16xi32> -> vector<16xf32>
      %mul3A_707 = arith.mulf %get3A_702, %gather3A_706 : vector<16xf32>
      %swap3A_708 = arith.index_cast %add3A_698 : i32 to index
      %swap3A_709 = arith.constant 0 : index
      %swap3A_710 = tpu.vector_load %arg11[%swap3A_708, %swap3A_709] {strides = array<i32>} : memref<832x16xf32, #tpu.memory_space<vmem>>, vector<1x16xf32>,
      %swap3A_711 = vector.shape_cast %swap3A_710 : vector<1x16xf32> to vector<16xf32>
      %swap3A_712 = vector.shape_cast %mul3A_707 : vector<16xf32> to vector<1x16xf32>
      tpu.vector_store %arg11[%swap3A_708, %swap3A_709], %swap3A_712 {strides = array<i32>} : memref<832x16xf32, #tpu.memory_space<vmem>>, vector<1x16xf32>,
      %mul3A_713 = arith.constant 16 : i32
      %mul3A_714 = arith.muli %scan3A_607, %mul3A_713 : i32
      %add3A_715 = arith.constant 0 : i32
      %add3A_716 = arith.addi %add3A_715, %mul3A_714 : i32
      %add3A_717 = arith.constant 5 : i32
      %add3A_718 = arith.addi %add3A_716, %add3A_717 : i32
      %get3A_719 = arith.index_cast %add3A_718 : i32 to index
      %get3A_720 = arith.constant 0 : index
      %get3A_721 = tpu.vector_load %arg11[%get3A_719, %get3A_720] {strides = array<i32>} : memref<832x16xf32, #tpu.memory_space<vmem>>, vector<1x16xf32>,
      %get3A_722 = vector.shape_cast %get3A_721 : vector<1x16xf32> to vector<16xf32>
      %broadcast_in_dim3A_723 = arith.constant 5 : i32
      %broadcast_in_dim3A_724 = vector.broadcast %broadcast_in_dim3A_723 : i32 to vector<16x1xi32>
      %gather3A_725 = vector.shape_cast %broadcast_in_dim3A_724 : vector<16x1xi32> to vector<16xi32>
      %gather3A_726 = tpu.dynamic_gather %get3A_614[%gather3A_725] in [0] : vector<16xf32>, vector<16xi32> -> vector<16xf32>
      %mul3A_727 = arith.mulf %get3A_722, %gather3A_726 : vector<16xf32>
      %swap3A_728 = arith.index_cast %add3A_718 : i32 to index
      %swap3A_729 = arith.constant 0 : index
      %swap3A_730 = tpu.vector_load %arg11[%swap3A_728, %swap3A_729] {strides = array<i32>} : memref<832x16xf32, #tpu.memory_space<vmem>>, vector<1x16xf32>,
      %swap3A_731 = vector.shape_cast %swap3A_730 : vector<1x16xf32> to vector<16xf32>
      %swap3A_732 = vector.shape_cast %mul3A_727 : vector<16xf32> to vector<1x16xf32>
      tpu.vector_store %arg11[%swap3A_728, %swap3A_729], %swap3A_732 {strides = array<i32>} : memref<832x16xf32, #tpu.memory_space<vmem>>, vector<1x16xf32>,
      %mul3A_733 = arith.constant 16 : i32
      %mul3A_734 = arith.muli %scan3A_607, %mul3A_733 : i32
      %add3A_735 = arith.constant 0 : i32
      %add3A_736 = arith.addi %add3A_735, %mul3A_734 : i32
      %add3A_737 = arith.constant 6 : i32
      %add3A_738 = arith.addi %add3A_736, %add3A_737 : i32
      %get3A_739 = arith.index_cast %add3A_738 : i32 to index
      %get3A_740 = arith.constant 0 : index
      %get3A_741 = tpu.vector_load %arg11[%get3A_739, %get3A_740] {strides = array<i32>} : memref<832x16xf32, #tpu.memory_space<vmem>>, vector<1x16xf32>,
      %get3A_742 = vector.shape_cast %get3A_741 : vector<1x16xf32> to vector<16xf32>
      %broadcast_in_dim3A_743 = arith.constant 6 : i32
      %broadcast_in_dim3A_744 = vector.broadcast %broadcast_in_dim3A_743 : i32 to vector<16x1xi32>
      %gather3A_745 = vector.shape_cast %broadcast_in_dim3A_744 : vector<16x1xi32> to vector<16xi32>
      %gather3A_746 = tpu.dynamic_gather %get3A_614[%gather3A_745] in [0] : vector<16xf32>, vector<16xi32> -> vector<16xf32>
      %mul3A_747 = arith.mulf %get3A_742, %gather3A_746 : vector<16xf32>
      %swap3A_748 = arith.index_cast %add3A_738 : i32 to index
      %swap3A_749 = arith.constant 0 : index
      %swap3A_750 = tpu.vector_load %arg11[%swap3A_748, %swap3A_749] {strides = array<i32>} : memref<832x16xf32, #tpu.memory_space<vmem>>, vector<1x16xf32>,
      %swap3A_751 = vector.shape_cast %swap3A_750 : vector<1x16xf32> to vector<16xf32>
      %swap3A_752 = vector.shape_cast %mul3A_747 : vector<16xf32> to vector<1x16xf32>
      tpu.vector_store %arg11[%swap3A_748, %swap3A_749], %swap3A_752 {strides = array<i32>} : memref<832x16xf32, #tpu.memory_space<vmem>>, vector<1x16xf32>,
      %mul3A_753 = arith.constant 16 : i32
      %mul3A_754 = arith.muli %scan3A_607, %mul3A_753 : i32
      %add3A_755 = arith.constant 0 : i32
      %add3A_756 = arith.addi %add3A_755, %mul3A_754 : i32
      %add3A_757 = arith.constant 7 : i32
      %add3A_758 = arith.addi %add3A_756, %add3A_757 : i32
      %get3A_759 = arith.index_cast %add3A_758 : i32 to index
      %get3A_760 = arith.constant 0 : index
      %get3A_761 = tpu.vector_load %arg11[%get3A_759, %get3A_760] {strides = array<i32>} : memref<832x16xf32, #tpu.memory_space<vmem>>, vector<1x16xf32>,
      %get3A_762 = vector.shape_cast %get3A_761 : vector<1x16xf32> to vector<16xf32>
      %broadcast_in_dim3A_763 = arith.constant 7 : i32
      %broadcast_in_dim3A_764 = vector.broadcast %broadcast_in_dim3A_763 : i32 to vector<16x1xi32>
      %gather3A_765 = vector.shape_cast %broadcast_in_dim3A_764 : vector<16x1xi32> to vector<16xi32>
      %gather3A_766 = tpu.dynamic_gather %get3A_614[%gather3A_765] in [0] : vector<16xf32>, vector<16xi32> -> vector<16xf32>
      %mul3A_767 = arith.mulf %get3A_762, %gather3A_766 : vector<16xf32>
      %swap3A_768 = arith.index_cast %add3A_758 : i32 to index
      %swap3A_769 = arith.constant 0 : index
      %swap3A_770 = tpu.vector_load %arg11[%swap3A_768, %swap3A_769] {strides = array<i32>} : memref<832x16xf32, #tpu.memory_space<vmem>>, vector<1x16xf32>,
      %swap3A_771 = vector.shape_cast %swap3A_770 : vector<1x16xf32> to vector<16xf32>
      %swap3A_772 = vector.shape_cast %mul3A_767 : vector<16xf32> to vector<1x16xf32>
      tpu.vector_store %arg11[%swap3A_768, %swap3A_769], %swap3A_772 {strides = array<i32>} : memref<832x16xf32, #tpu.memory_space<vmem>>, vector<1x16xf32>,
      %mul3A_773 = arith.constant 16 : i32
      %mul3A_774 = arith.muli %scan3A_607, %mul3A_773 : i32
      %add3A_775 = arith.constant 0 : i32
      %add3A_776 = arith.addi %add3A_775, %mul3A_774 : i32
      %add3A_777 = arith.constant 8 : i32
      %add3A_778 = arith.addi %add3A_776, %add3A_777 : i32
      %get3A_779 = arith.index_cast %add3A_778 : i32 to index
      %get3A_780 = arith.constant 0 : index
      %get3A_781 = tpu.vector_load %arg11[%get3A_779, %get3A_780] {strides = array<i32>} : memref<832x16xf32, #tpu.memory_space<vmem>>, vector<1x16xf32>,
      %get3A_782 = vector.shape_cast %get3A_781 : vector<1x16xf32> to vector<16xf32>
      %broadcast_in_dim3A_783 = arith.constant 8 : i32
      %broadcast_in_dim3A_784 = vector.broadcast %broadcast_in_dim3A_783 : i32 to vector<16x1xi32>
      %gather3A_785 = vector.shape_cast %broadcast_in_dim3A_784 : vector<16x1xi32> to vector<16xi32>
      %gather3A_786 = tpu.dynamic_gather %get3A_614[%gather3A_785] in [0] : vector<16xf32>, vector<16xi32> -> vector<16xf32>
      %mul3A_787 = arith.mulf %get3A_782, %gather3A_786 : vector<16xf32>
      %swap3A_788 = arith.index_cast %add3A_778 : i32 to index
      %swap3A_789 = arith.constant 0 : index
      %swap3A_790 = tpu.vector_load %arg11[%swap3A_788, %swap3A_789] {strides = array<i32>} : memref<832x16xf32, #tpu.memory_space<vmem>>, vector<1x16xf32>,
      %swap3A_791 = vector.shape_cast %swap3A_790 : vector<1x16xf32> to vector<16xf32>
      %swap3A_792 = vector.shape_cast %mul3A_787 : vector<16xf32> to vector<1x16xf32>
      tpu.vector_store %arg11[%swap3A_788, %swap3A_789], %swap3A_792 {strides = array<i32>} : memref<832x16xf32, #tpu.memory_space<vmem>>, vector<1x16xf32>,
      %mul3A_793 = arith.constant 16 : i32
      %mul3A_794 = arith.muli %scan3A_607, %mul3A_793 : i32
      %add3A_795 = arith.constant 0 : i32
      %add3A_796 = arith.addi %add3A_795, %mul3A_794 : i32
      %add3A_797 = arith.constant 9 : i32
      %add3A_798 = arith.addi %add3A_796, %add3A_797 : i32
      %get3A_799 = arith.index_cast %add3A_798 : i32 to index
      %get3A_800 = arith.constant 0 : index
      %get3A_801 = tpu.vector_load %arg11[%get3A_799, %get3A_800] {strides = array<i32>} : memref<832x16xf32, #tpu.memory_space<vmem>>, vector<1x16xf32>,
      %get3A_802 = vector.shape_cast %get3A_801 : vector<1x16xf32> to vector<16xf32>
      %broadcast_in_dim3A_803 = arith.constant 9 : i32
      %broadcast_in_dim3A_804 = vector.broadcast %broadcast_in_dim3A_803 : i32 to vector<16x1xi32>
      %gather3A_805 = vector.shape_cast %broadcast_in_dim3A_804 : vector<16x1xi32> to vector<16xi32>
      %gather3A_806 = tpu.dynamic_gather %get3A_614[%gather3A_805] in [0] : vector<16xf32>, vector<16xi32> -> vector<16xf32>
      %mul3A_807 = arith.mulf %get3A_802, %gather3A_806 : vector<16xf32>
      %swap3A_808 = arith.index_cast %add3A_798 : i32 to index
      %swap3A_809 = arith.constant 0 : index
      %swap3A_810 = tpu.vector_load %arg11[%swap3A_808, %swap3A_809] {strides = array<i32>} : memref<832x16xf32, #tpu.memory_space<vmem>>, vector<1x16xf32>,
      %swap3A_811 = vector.shape_cast %swap3A_810 : vector<1x16xf32> to vector<16xf32>
      %swap3A_812 = vector.shape_cast %mul3A_807 : vector<16xf32> to vector<1x16xf32>
      tpu.vector_store %arg11[%swap3A_808, %swap3A_809], %swap3A_812 {strides = array<i32>} : memref<832x16xf32, #tpu.memory_space<vmem>>, vector<1x16xf32>,
      %mul3A_813 = arith.constant 16 : i32
      %mul3A_814 = arith.muli %scan3A_607, %mul3A_813 : i32
      %add3A_815 = arith.constant 0 : i32
      %add3A_816 = arith.addi %add3A_815, %mul3A_814 : i32
      %add3A_817 = arith.constant 10 : i32
      %add3A_818 = arith.addi %add3A_816, %add3A_817 : i32
      %get3A_819 = arith.index_cast %add3A_818 : i32 to index
      %get3A_820 = arith.constant 0 : index
      %get3A_821 = tpu.vector_load %arg11[%get3A_819, %get3A_820] {strides = array<i32>} : memref<832x16xf32, #tpu.memory_space<vmem>>, vector<1x16xf32>,
      %get3A_822 = vector.shape_cast %get3A_821 : vector<1x16xf32> to vector<16xf32>
      %broadcast_in_dim3A_823 = arith.constant 10 : i32
      %broadcast_in_dim3A_824 = vector.broadcast %broadcast_in_dim3A_823 : i32 to vector<16x1xi32>
      %gather3A_825 = vector.shape_cast %broadcast_in_dim3A_824 : vector<16x1xi32> to vector<16xi32>
      %gather3A_826 = tpu.dynamic_gather %get3A_614[%gather3A_825] in [0] : vector<16xf32>, vector<16xi32> -> vector<16xf32>
      %mul3A_827 = arith.mulf %get3A_822, %gather3A_826 : vector<16xf32>
      %swap3A_828 = arith.index_cast %add3A_818 : i32 to index
      %swap3A_829 = arith.constant 0 : index
      %swap3A_830 = tpu.vector_load %arg11[%swap3A_828, %swap3A_829] {strides = array<i32>} : memref<832x16xf32, #tpu.memory_space<vmem>>, vector<1x16xf32>,
      %swap3A_831 = vector.shape_cast %swap3A_830 : vector<1x16xf32> to vector<16xf32>
      %swap3A_832 = vector.shape_cast %mul3A_827 : vector<16xf32> to vector<1x16xf32>
      tpu.vector_store %arg11[%swap3A_828, %swap3A_829], %swap3A_832 {strides = array<i32>} : memref<832x16xf32, #tpu.memory_space<vmem>>, vector<1x16xf32>,
      %mul3A_833 = arith.constant 16 : i32
      %mul3A_834 = arith.muli %scan3A_607, %mul3A_833 : i32
      %add3A_835 = arith.constant 0 : i32
      %add3A_836 = arith.addi %add3A_835, %mul3A_834 : i32
      %add3A_837 = arith.constant 11 : i32
      %add3A_838 = arith.addi %add3A_836, %add3A_837 : i32
      %get3A_839 = arith.index_cast %add3A_838 : i32 to index
      %get3A_840 = arith.constant 0 : index
      %get3A_841 = tpu.vector_load %arg11[%get3A_839, %get3A_840] {strides = array<i32>} : memref<832x16xf32, #tpu.memory_space<vmem>>, vector<1x16xf32>,
      %get3A_842 = vector.shape_cast %get3A_841 : vector<1x16xf32> to vector<16xf32>
      %broadcast_in_dim3A_843 = arith.constant 11 : i32
      %broadcast_in_dim3A_844 = vector.broadcast %broadcast_in_dim3A_843 : i32 to vector<16x1xi32>
      %gather3A_845 = vector.shape_cast %broadcast_in_dim3A_844 : vector<16x1xi32> to vector<16xi32>
      %gather3A_846 = tpu.dynamic_gather %get3A_614[%gather3A_845] in [0] : vector<16xf32>, vector<16xi32> -> vector<16xf32>
      %mul3A_847 = arith.mulf %get3A_842, %gather3A_846 : vector<16xf32>
      %swap3A_848 = arith.index_cast %add3A_838 : i32 to index
      %swap3A_849 = arith.constant 0 : index
      %swap3A_850 = tpu.vector_load %arg11[%swap3A_848, %swap3A_849] {strides = array<i32>} : memref<832x16xf32, #tpu.memory_space<vmem>>, vector<1x16xf32>,
      %swap3A_851 = vector.shape_cast %swap3A_850 : vector<1x16xf32> to vector<16xf32>
      %swap3A_852 = vector.shape_cast %mul3A_847 : vector<16xf32> to vector<1x16xf32>
      tpu.vector_store %arg11[%swap3A_848, %swap3A_849], %swap3A_852 {strides = array<i32>} : memref<832x16xf32, #tpu.memory_space<vmem>>, vector<1x16xf32>,
      %mul3A_853 = arith.constant 16 : i32
      %mul3A_854 = arith.muli %scan3A_607, %mul3A_853 : i32
      %add3A_855 = arith.constant 0 : i32
      %add3A_856 = arith.addi %add3A_855, %mul3A_854 : i32
      %add3A_857 = arith.constant 12 : i32
      %add3A_858 = arith.addi %add3A_856, %add3A_857 : i32
      %get3A_859 = arith.index_cast %add3A_858 : i32 to index
      %get3A_860 = arith.constant 0 : index
      %get3A_861 = tpu.vector_load %arg11[%get3A_859, %get3A_860] {strides = array<i32>} : memref<832x16xf32, #tpu.memory_space<vmem>>, vector<1x16xf32>,
      %get3A_862 = vector.shape_cast %get3A_861 : vector<1x16xf32> to vector<16xf32>
      %broadcast_in_dim3A_863 = arith.constant 12 : i32
      %broadcast_in_dim3A_864 = vector.broadcast %broadcast_in_dim3A_863 : i32 to vector<16x1xi32>
      %gather3A_865 = vector.shape_cast %broadcast_in_dim3A_864 : vector<16x1xi32> to vector<16xi32>
      %gather3A_866 = tpu.dynamic_gather %get3A_614[%gather3A_865] in [0] : vector<16xf32>, vector<16xi32> -> vector<16xf32>
      %mul3A_867 = arith.mulf %get3A_862, %gather3A_866 : vector<16xf32>
      %swap3A_868 = arith.index_cast %add3A_858 : i32 to index
      %swap3A_869 = arith.constant 0 : index
      %swap3A_870 = tpu.vector_load %arg11[%swap3A_868, %swap3A_869] {strides = array<i32>} : memref<832x16xf32, #tpu.memory_space<vmem>>, vector<1x16xf32>,
      %swap3A_871 = vector.shape_cast %swap3A_870 : vector<1x16xf32> to vector<16xf32>
      %swap3A_872 = vector.shape_cast %mul3A_867 : vector<16xf32> to vector<1x16xf32>
      tpu.vector_store %arg11[%swap3A_868, %swap3A_869], %swap3A_872 {strides = array<i32>} : memref<832x16xf32, #tpu.memory_space<vmem>>, vector<1x16xf32>,
      %mul3A_873 = arith.constant 16 : i32
      %mul3A_874 = arith.muli %scan3A_607, %mul3A_873 : i32
      %add3A_875 = arith.constant 0 : i32
      %add3A_876 = arith.addi %add3A_875, %mul3A_874 : i32
      %add3A_877 = arith.constant 13 : i32
      %add3A_878 = arith.addi %add3A_876, %add3A_877 : i32
      %get3A_879 = arith.index_cast %add3A_878 : i32 to index
      %get3A_880 = arith.constant 0 : index
      %get3A_881 = tpu.vector_load %arg11[%get3A_879, %get3A_880] {strides = array<i32>} : memref<832x16xf32, #tpu.memory_space<vmem>>, vector<1x16xf32>,
      %get3A_882 = vector.shape_cast %get3A_881 : vector<1x16xf32> to vector<16xf32>
      %broadcast_in_dim3A_883 = arith.constant 13 : i32
      %broadcast_in_dim3A_884 = vector.broadcast %broadcast_in_dim3A_883 : i32 to vector<16x1xi32>
      %gather3A_885 = vector.shape_cast %broadcast_in_dim3A_884 : vector<16x1xi32> to vector<16xi32>
      %gather3A_886 = tpu.dynamic_gather %get3A_614[%gather3A_885] in [0] : vector<16xf32>, vector<16xi32> -> vector<16xf32>
      %mul3A_887 = arith.mulf %get3A_882, %gather3A_886 : vector<16xf32>
      %swap3A_888 = arith.index_cast %add3A_878 : i32 to index
      %swap3A_889 = arith.constant 0 : index
      %swap3A_890 = tpu.vector_load %arg11[%swap3A_888, %swap3A_889] {strides = array<i32>} : memref<832x16xf32, #tpu.memory_space<vmem>>, vector<1x16xf32>,
      %swap3A_891 = vector.shape_cast %swap3A_890 : vector<1x16xf32> to vector<16xf32>
      %swap3A_892 = vector.shape_cast %mul3A_887 : vector<16xf32> to vector<1x16xf32>
      tpu.vector_store %arg11[%swap3A_888, %swap3A_889], %swap3A_892 {strides = array<i32>} : memref<832x16xf32, #tpu.memory_space<vmem>>, vector<1x16xf32>,
      %mul3A_893 = arith.constant 16 : i32
      %mul3A_894 = arith.muli %scan3A_607, %mul3A_893 : i32
      %add3A_895 = arith.constant 0 : i32
      %add3A_896 = arith.addi %add3A_895, %mul3A_894 : i32
      %add3A_897 = arith.constant 14 : i32
      %add3A_898 = arith.addi %add3A_896, %add3A_897 : i32
      %get3A_899 = arith.index_cast %add3A_898 : i32 to index
      %get3A_900 = arith.constant 0 : index
      %get3A_901 = tpu.vector_load %arg11[%get3A_899, %get3A_900] {strides = array<i32>} : memref<832x16xf32, #tpu.memory_space<vmem>>, vector<1x16xf32>,
      %get3A_902 = vector.shape_cast %get3A_901 : vector<1x16xf32> to vector<16xf32>
      %broadcast_in_dim3A_903 = arith.constant 14 : i32
      %broadcast_in_dim3A_904 = vector.broadcast %broadcast_in_dim3A_903 : i32 to vector<16x1xi32>
      %gather3A_905 = vector.shape_cast %broadcast_in_dim3A_904 : vector<16x1xi32> to vector<16xi32>
      %gather3A_906 = tpu.dynamic_gather %get3A_614[%gather3A_905] in [0] : vector<16xf32>, vector<16xi32> -> vector<16xf32>
      %mul3A_907 = arith.mulf %get3A_902, %gather3A_906 : vector<16xf32>
      %swap3A_908 = arith.index_cast %add3A_898 : i32 to index
      %swap3A_909 = arith.constant 0 : index
      %swap3A_910 = tpu.vector_load %arg11[%swap3A_908, %swap3A_909] {strides = array<i32>} : memref<832x16xf32, #tpu.memory_space<vmem>>, vector<1x16xf32>,
      %swap3A_911 = vector.shape_cast %swap3A_910 : vector<1x16xf32> to vector<16xf32>
      %swap3A_912 = vector.shape_cast %mul3A_907 : vector<16xf32> to vector<1x16xf32>
      tpu.vector_store %arg11[%swap3A_908, %swap3A_909], %swap3A_912 {strides = array<i32>} : memref<832x16xf32, #tpu.memory_space<vmem>>, vector<1x16xf32>,
      %mul3A_913 = arith.constant 16 : i32
      %mul3A_914 = arith.muli %scan3A_607, %mul3A_913 : i32
      %add3A_915 = arith.constant 0 : i32
      %add3A_916 = arith.addi %add3A_915, %mul3A_914 : i32
      %add3A_917 = arith.constant 15 : i32
      %add3A_918 = arith.addi %add3A_916, %add3A_917 : i32
      %get3A_919 = arith.index_cast %add3A_918 : i32 to index
      %get3A_920 = arith.constant 0 : index
      %get3A_921 = tpu.vector_load %arg11[%get3A_919, %get3A_920] {strides = array<i32>} : memref<832x16xf32, #tpu.memory_space<vmem>>, vector<1x16xf32>,
      %get3A_922 = vector.shape_cast %get3A_921 : vector<1x16xf32> to vector<16xf32>
      %broadcast_in_dim3A_923 = arith.constant 15 : i32
      %broadcast_in_dim3A_924 = vector.broadcast %broadcast_in_dim3A_923 : i32 to vector<16x1xi32>
      %gather3A_925 = vector.shape_cast %broadcast_in_dim3A_924 : vector<16x1xi32> to vector<16xi32>
      %gather3A_926 = tpu.dynamic_gather %get3A_614[%gather3A_925] in [0] : vector<16xf32>, vector<16xi32> -> vector<16xf32>
      %mul3A_927 = arith.mulf %get3A_922, %gather3A_926 : vector<16xf32>
      %swap3A_928 = arith.index_cast %add3A_918 : i32 to index
      %swap3A_929 = arith.constant 0 : index
      %swap3A_930 = tpu.vector_load %arg11[%swap3A_928, %swap3A_929] {strides = array<i32>} : memref<832x16xf32, #tpu.memory_space<vmem>>, vector<1x16xf32>,
      %swap3A_931 = vector.shape_cast %swap3A_930 : vector<1x16xf32> to vector<16xf32>
      %swap3A_932 = vector.shape_cast %mul3A_927 : vector<16xf32> to vector<1x16xf32>
      tpu.vector_store %arg11[%swap3A_928, %swap3A_929], %swap3A_932 {strides = array<i32>} : memref<832x16xf32, #tpu.memory_space<vmem>>, vector<1x16xf32>,
    }
    %scan3A_173 = arith.constant 4 : i32
    %dma_start3A_174 = arith.constant 0 : i32
    %dma_start3A_175 = arith.constant 0 : i32
    %dma_start3A_176 = arith.constant 0 : i32
    %dma_start3A_177 = tpu.memref_slice %arg11[%dma_start3A_175, %dma_start3A_176] : memref<832x16xf32, #tpu.memory_space<vmem>> -> memref<64x16xf32, #tpu.memory_space<vmem>>
    %dma_start3A_178 = arith.constant 0 : i32
    %dma_start3A_179 = tpu.memref_slice %arg10[%dma_start3A_174, %dma_start3A_178] : memref<13x64xi32, #tpu.memory_space<vmem>> -> memref<1x64xi32, #tpu.memory_space<vmem>>
    %dma_start3A_180 = tpu.memref_squeeze %dma_start3A_179 : memref<1x64xi32, #tpu.memory_space<vmem>> -> memref<64xi32, #tpu.memory_space<vmem>>
    %dma_start3A_181 = arith.constant 0 : i32
    %dma_start3A_182 = arith.constant 0 : i32
    %dma_start3A_183 = tpu.memref_slice %arg14[%dma_start3A_181, %dma_start3A_182] : memref<2816x16xf32, #tpu.memory_space<vmem_shared>> -> memref<2816x16xf32, #tpu.memory_space<vmem_shared>>
    tpu.enqueue_indirect_dma source(%dma_start3A_177 : memref<64x16xf32, #tpu.memory_space<vmem>>) target(%dma_start3A_183 : memref<2816x16xf32, #tpu.memory_space<vmem_shared>>) offsets(%dma_start3A_180 : memref<64xi32, #tpu.memory_space<vmem>>) semaphore(%arg18 : memref<!tpu.dma_semaphore, #tpu.memory_space<semaphore_mem>>) {add = true}
    %dma_wait3A_184 = arith.constant 64 : i32
    %dma_wait3A_185 = arith.constant 0 : i32
    %dma_wait3A_186 = tpu.memref_slice %arg11[%dma_wait3A_184, %dma_wait3A_185] : memref<832x16xf32, #tpu.memory_space<vmem>> -> memref<64x16xf32, #tpu.memory_space<vmem>>
    %dma_wait3A_187 = arith.constant 64 : i32
    %dma_wait3A_188 = tpu.memref_slice %arg7[%dma_wait3A_187] : memref<832xi32, #tpu.memory_space<vmem>> -> memref<64xi32, #tpu.memory_space<vmem>>
    %dma_wait3A_189 = arith.constant 0 : i32
    %dma_wait3A_190 = arith.constant 0 : i32
    %dma_wait3A_191 = tpu.memref_slice %arg15[%dma_wait3A_189, %dma_wait3A_190] : memref<2816x16xf32, #tpu.memory_space<vmem_shared>> -> memref<2816x16xf32, #tpu.memory_space<vmem_shared>>
    tpu.wait_indirect_dma semaphore(%arg17 : memref<!tpu.dma_semaphore, #tpu.memory_space<semaphore_mem>>) src(%dma_wait3A_191 : memref<2816x16xf32, #tpu.memory_space<vmem_shared>>) dst(%dma_wait3A_186 : memref<64x16xf32, #tpu.memory_space<vmem>>)
    %scan3A_192 = arith.constant 0 : i32
    %scan3A_193 = arith.constant 0 : i32
    %scan3A_194 = arith.constant 4 : i32
    %scan3A_195 = arith.addi %scan3A_193, %scan3A_194 : i32
    %scan3A_196 = arith.constant 1 : i32
    scf.for %scan3A_607 = %scan3A_193 to %scan3A_195 step %scan3A_196  : i32 {
      %mul3A_608 = arith.constant 16 : i32
      %mul3A_609 = arith.muli %scan3A_607, %mul3A_608 : i32
      %add3A_610 = arith.constant 64 : i32
      %add3A_611 = arith.addi %add3A_610, %mul3A_609 : i32
      %get3A_612 = arith.index_cast %add3A_611 : i32 to index
      %get3A_613 = tpu.vector_load %arg9[%get3A_612] {strides = array<i32>} : memref<832xf32, #tpu.memory_space<vmem>>, vector<16xf32>,
      %get3A_614 = vector.shape_cast %get3A_613 : vector<16xf32> to vector<16xf32>
      %mul3A_615 = arith.constant 16 : i32
      %mul3A_616 = arith.muli %scan3A_607, %mul3A_615 : i32
      %add3A_617 = arith.constant 64 : i32
      %add3A_618 = arith.addi %add3A_617, %mul3A_616 : i32
      %add3A_619 = arith.constant 0 : i32
      %add3A_620 = arith.addi %add3A_618, %add3A_619 : i32
      %get3A_621 = arith.index_cast %add3A_620 : i32 to index
      %get3A_622 = arith.constant 0 : index
      %get3A_623 = tpu.vector_load %arg11[%get3A_621, %get3A_622] {strides = array<i32>} : memref<832x16xf32, #tpu.memory_space<vmem>>, vector<1x16xf32>,
      %get3A_624 = vector.shape_cast %get3A_623 : vector<1x16xf32> to vector<16xf32>
      %broadcast_in_dim3A_625 = arith.constant 0 : i32
      %broadcast_in_dim3A_626 = vector.broadcast %broadcast_in_dim3A_625 : i32 to vector<16x1xi32>
      %gather3A = vector.shape_cast %broadcast_in_dim3A_626 : vector<16x1xi32> to vector<16xi32>
      %gather3A_627 = tpu.dynamic_gather %get3A_614[%gather3A] in [0] : vector<16xf32>, vector<16xi32> -> vector<16xf32>
      %mul3A_628 = arith.mulf %get3A_624, %gather3A_627 : vector<16xf32>
      %swap3A = arith.index_cast %add3A_620 : i32 to index
      %swap3A_629 = arith.constant 0 : index
      %swap3A_630 = tpu.vector_load %arg11[%swap3A, %swap3A_629] {strides = array<i32>} : memref<832x16xf32, #tpu.memory_space<vmem>>, vector<1x16xf32>,
      %swap3A_631 = vector.shape_cast %swap3A_630 : vector<1x16xf32> to vector<16xf32>
      %swap3A_632 = vector.shape_cast %mul3A_628 : vector<16xf32> to vector<1x16xf32>
      tpu.vector_store %arg11[%swap3A, %swap3A_629], %swap3A_632 {strides = array<i32>} : memref<832x16xf32, #tpu.memory_space<vmem>>, vector<1x16xf32>,
      %mul3A_633 = arith.constant 16 : i32
      %mul3A_634 = arith.muli %scan3A_607, %mul3A_633 : i32
      %add3A_635 = arith.constant 64 : i32
      %add3A_636 = arith.addi %add3A_635, %mul3A_634 : i32
      %add3A_637 = arith.constant 1 : i32
      %add3A_638 = arith.addi %add3A_636, %add3A_637 : i32
      %get3A_639 = arith.index_cast %add3A_638 : i32 to index
      %get3A_640 = arith.constant 0 : index
      %get3A_641 = tpu.vector_load %arg11[%get3A_639, %get3A_640] {strides = array<i32>} : memref<832x16xf32, #tpu.memory_space<vmem>>, vector<1x16xf32>,
      %get3A_642 = vector.shape_cast %get3A_641 : vector<1x16xf32> to vector<16xf32>
      %broadcast_in_dim3A_643 = arith.constant 1 : i32
      %broadcast_in_dim3A_644 = vector.broadcast %broadcast_in_dim3A_643 : i32 to vector<16x1xi32>
      %gather3A_645 = vector.shape_cast %broadcast_in_dim3A_644 : vector<16x1xi32> to vector<16xi32>
      %gather3A_646 = tpu.dynamic_gather %get3A_614[%gather3A_645] in [0] : vector<16xf32>, vector<16xi32> -> vector<16xf32>
      %mul3A_647 = arith.mulf %get3A_642, %gather3A_646 : vector<16xf32>
      %swap3A_648 = arith.index_cast %add3A_638 : i32 to index
      %swap3A_649 = arith.constant 0 : index
      %swap3A_650 = tpu.vector_load %arg11[%swap3A_648, %swap3A_649] {strides = array<i32>} : memref<832x16xf32, #tpu.memory_space<vmem>>, vector<1x16xf32>,
      %swap3A_651 = vector.shape_cast %swap3A_650 : vector<1x16xf32> to vector<16xf32>
      %swap3A_652 = vector.shape_cast %mul3A_647 : vector<16xf32> to vector<1x16xf32>
      tpu.vector_store %arg11[%swap3A_648, %swap3A_649], %swap3A_652 {strides = array<i32>} : memref<832x16xf32, #tpu.memory_space<vmem>>, vector<1x16xf32>,
      %mul3A_653 = arith.constant 16 : i32
      %mul3A_654 = arith.muli %scan3A_607, %mul3A_653 : i32
      %add3A_655 = arith.constant 64 : i32
      %add3A_656 = arith.addi %add3A_655, %mul3A_654 : i32
      %add3A_657 = arith.constant 2 : i32
      %add3A_658 = arith.addi %add3A_656, %add3A_657 : i32
      %get3A_659 = arith.index_cast %add3A_658 : i32 to index
      %get3A_660 = arith.constant 0 : index
      %get3A_661 = tpu.vector_load %arg11[%get3A_659, %get3A_660] {strides = array<i32>} : memref<832x16xf32, #tpu.memory_space<vmem>>, vector<1x16xf32>,
      %get3A_662 = vector.shape_cast %get3A_661 : vector<1x16xf32> to vector<16xf32>
      %broadcast_in_dim3A_663 = arith.constant 2 : i32
      %broadcast_in_dim3A_664 = vector.broadcast %broadcast_in_dim3A_663 : i32 to vector<16x1xi32>
      %gather3A_665 = vector.shape_cast %broadcast_in_dim3A_664 : vector<16x1xi32> to vector<16xi32>
      %gather3A_666 = tpu.dynamic_gather %get3A_614[%gather3A_665] in [0] : vector<16xf32>, vector<16xi32> -> vector<16xf32>
      %mul3A_667 = arith.mulf %get3A_662, %gather3A_666 : vector<16xf32>
      %swap3A_668 = arith.index_cast %add3A_658 : i32 to index
      %swap3A_669 = arith.constant 0 : index
      %swap3A_670 = tpu.vector_load %arg11[%swap3A_668, %swap3A_669] {strides = array<i32>} : memref<832x16xf32, #tpu.memory_space<vmem>>, vector<1x16xf32>,
      %swap3A_671 = vector.shape_cast %swap3A_670 : vector<1x16xf32> to vector<16xf32>
      %swap3A_672 = vector.shape_cast %mul3A_667 : vector<16xf32> to vector<1x16xf32>
      tpu.vector_store %arg11[%swap3A_668, %swap3A_669], %swap3A_672 {strides = array<i32>} : memref<832x16xf32, #tpu.memory_space<vmem>>, vector<1x16xf32>,
      %mul3A_673 = arith.constant 16 : i32
      %mul3A_674 = arith.muli %scan3A_607, %mul3A_673 : i32
      %add3A_675 = arith.constant 64 : i32
      %add3A_676 = arith.addi %add3A_675, %mul3A_674 : i32
      %add3A_677 = arith.constant 3 : i32
      %add3A_678 = arith.addi %add3A_676, %add3A_677 : i32
      %get3A_679 = arith.index_cast %add3A_678 : i32 to index
      %get3A_680 = arith.constant 0 : index
      %get3A_681 = tpu.vector_load %arg11[%get3A_679, %get3A_680] {strides = array<i32>} : memref<832x16xf32, #tpu.memory_space<vmem>>, vector<1x16xf32>,
      %get3A_682 = vector.shape_cast %get3A_681 : vector<1x16xf32> to vector<16xf32>
      %broadcast_in_dim3A_683 = arith.constant 3 : i32
      %broadcast_in_dim3A_684 = vector.broadcast %broadcast_in_dim3A_683 : i32 to vector<16x1xi32>
      %gather3A_685 = vector.shape_cast %broadcast_in_dim3A_684 : vector<16x1xi32> to vector<16xi32>
      %gather3A_686 = tpu.dynamic_gather %get3A_614[%gather3A_685] in [0] : vector<16xf32>, vector<16xi32> -> vector<16xf32>
      %mul3A_687 = arith.mulf %get3A_682, %gather3A_686 : vector<16xf32>
      %swap3A_688 = arith.index_cast %add3A_678 : i32 to index
      %swap3A_689 = arith.constant 0 : index
      %swap3A_690 = tpu.vector_load %arg11[%swap3A_688, %swap3A_689] {strides = array<i32>} : memref<832x16xf32, #tpu.memory_space<vmem>>, vector<1x16xf32>,
      %swap3A_691 = vector.shape_cast %swap3A_690 : vector<1x16xf32> to vector<16xf32>
      %swap3A_692 = vector.shape_cast %mul3A_687 : vector<16xf32> to vector<1x16xf32>
      tpu.vector_store %arg11[%swap3A_688, %swap3A_689], %swap3A_692 {strides = array<i32>} : memref<832x16xf32, #tpu.memory_space<vmem>>, vector<1x16xf32>,
      %mul3A_693 = arith.constant 16 : i32
      %mul3A_694 = arith.muli %scan3A_607, %mul3A_693 : i32
      %add3A_695 = arith.constant 64 : i32
      %add3A_696 = arith.addi %add3A_695, %mul3A_694 : i32
      %add3A_697 = arith.constant 4 : i32
      %add3A_698 = arith.addi %add3A_696, %add3A_697 : i32
      %get3A_699 = arith.index_cast %add3A_698 : i32 to index
      %get3A_700 = arith.constant 0 : index
      %get3A_701 = tpu.vector_load %arg11[%get3A_699, %get3A_700] {strides = array<i32>} : memref<832x16xf32, #tpu.memory_space<vmem>>, vector<1x16xf32>,
      %get3A_702 = vector.shape_cast %get3A_701 : vector<1x16xf32> to vector<16xf32>
      %broadcast_in_dim3A_703 = arith.constant 4 : i32
      %broadcast_in_dim3A_704 = vector.broadcast %broadcast_in_dim3A_703 : i32 to vector<16x1xi32>
      %gather3A_705 = vector.shape_cast %broadcast_in_dim3A_704 : vector<16x1xi32> to vector<16xi32>
      %gather3A_706 = tpu.dynamic_gather %get3A_614[%gather3A_705] in [0] : vector<16xf32>, vector<16xi32> -> vector<16xf32>
      %mul3A_707 = arith.mulf %get3A_702, %gather3A_706 : vector<16xf32>
      %swap3A_708 = arith.index_cast %add3A_698 : i32 to index
      %swap3A_709 = arith.constant 0 : index
      %swap3A_710 = tpu.vector_load %arg11[%swap3A_708, %swap3A_709] {strides = array<i32>} : memref<832x16xf32, #tpu.memory_space<vmem>>, vector<1x16xf32>,
      %swap3A_711 = vector.shape_cast %swap3A_710 : vector<1x16xf32> to vector<16xf32>
      %swap3A_712 = vector.shape_cast %mul3A_707 : vector<16xf32> to vector<1x16xf32>
      tpu.vector_store %arg11[%swap3A_708, %swap3A_709], %swap3A_712 {strides = array<i32>} : memref<832x16xf32, #tpu.memory_space<vmem>>, vector<1x16xf32>,
      %mul3A_713 = arith.constant 16 : i32
      %mul3A_714 = arith.muli %scan3A_607, %mul3A_713 : i32
      %add3A_715 = arith.constant 64 : i32
      %add3A_716 = arith.addi %add3A_715, %mul3A_714 : i32
      %add3A_717 = arith.constant 5 : i32
      %add3A_718 = arith.addi %add3A_716, %add3A_717 : i32
      %get3A_719 = arith.index_cast %add3A_718 : i32 to index
      %get3A_720 = arith.constant 0 : index
      %get3A_721 = tpu.vector_load %arg11[%get3A_719, %get3A_720] {strides = array<i32>} : memref<832x16xf32, #tpu.memory_space<vmem>>, vector<1x16xf32>,
      %get3A_722 = vector.shape_cast %get3A_721 : vector<1x16xf32> to vector<16xf32>
      %broadcast_in_dim3A_723 = arith.constant 5 : i32
      %broadcast_in_dim3A_724 = vector.broadcast %broadcast_in_dim3A_723 : i32 to vector<16x1xi32>
      %gather3A_725 = vector.shape_cast %broadcast_in_dim3A_724 : vector<16x1xi32> to vector<16xi32>
      %gather3A_726 = tpu.dynamic_gather %get3A_614[%gather3A_725] in [0] : vector<16xf32>, vector<16xi32> -> vector<16xf32>
      %mul3A_727 = arith.mulf %get3A_722, %gather3A_726 : vector<16xf32>
      %swap3A_728 = arith.index_cast %add3A_718 : i32 to index
      %swap3A_729 = arith.constant 0 : index
      %swap3A_730 = tpu.vector_load %arg11[%swap3A_728, %swap3A_729] {strides = array<i32>} : memref<832x16xf32, #tpu.memory_space<vmem>>, vector<1x16xf32>,
      %swap3A_731 = vector.shape_cast %swap3A_730 : vector<1x16xf32> to vector<16xf32>
      %swap3A_732 = vector.shape_cast %mul3A_727 : vector<16xf32> to vector<1x16xf32>
      tpu.vector_store %arg11[%swap3A_728, %swap3A_729], %swap3A_732 {strides = array<i32>} : memref<832x16xf32, #tpu.memory_space<vmem>>, vector<1x16xf32>,
      %mul3A_733 = arith.constant 16 : i32
      %mul3A_734 = arith.muli %scan3A_607, %mul3A_733 : i32
      %add3A_735 = arith.constant 64 : i32
      %add3A_736 = arith.addi %add3A_735, %mul3A_734 : i32
      %add3A_737 = arith.constant 6 : i32
      %add3A_738 = arith.addi %add3A_736, %add3A_737 : i32
      %get3A_739 = arith.index_cast %add3A_738 : i32 to index
      %get3A_740 = arith.constant 0 : index
      %get3A_741 = tpu.vector_load %arg11[%get3A_739, %get3A_740] {strides = array<i32>} : memref<832x16xf32, #tpu.memory_space<vmem>>, vector<1x16xf32>,
      %get3A_742 = vector.shape_cast %get3A_741 : vector<1x16xf32> to vector<16xf32>
      %broadcast_in_dim3A_743 = arith.constant 6 : i32
      %broadcast_in_dim3A_744 = vector.broadcast %broadcast_in_dim3A_743 : i32 to vector<16x1xi32>
      %gather3A_745 = vector.shape_cast %broadcast_in_dim3A_744 : vector<16x1xi32> to vector<16xi32>
      %gather3A_746 = tpu.dynamic_gather %get3A_614[%gather3A_745] in [0] : vector<16xf32>, vector<16xi32> -> vector<16xf32>
      %mul3A_747 = arith.mulf %get3A_742, %gather3A_746 : vector<16xf32>
      %swap3A_748 = arith.index_cast %add3A_738 : i32 to index
      %swap3A_749 = arith.constant 0 : index
      %swap3A_750 = tpu.vector_load %arg11[%swap3A_748, %swap3A_749] {strides = array<i32>} : memref<832x16xf32, #tpu.memory_space<vmem>>, vector<1x16xf32>,
      %swap3A_751 = vector.shape_cast %swap3A_750 : vector<1x16xf32> to vector<16xf32>
      %swap3A_752 = vector.shape_cast %mul3A_747 : vector<16xf32> to vector<1x16xf32>
      tpu.vector_store %arg11[%swap3A_748, %swap3A_749], %swap3A_752 {strides = array<i32>} : memref<832x16xf32, #tpu.memory_space<vmem>>, vector<1x16xf32>,
      %mul3A_753 = arith.constant 16 : i32
      %mul3A_754 = arith.muli %scan3A_607, %mul3A_753 : i32
      %add3A_755 = arith.constant 64 : i32
      %add3A_756 = arith.addi %add3A_755, %mul3A_754 : i32
      %add3A_757 = arith.constant 7 : i32
      %add3A_758 = arith.addi %add3A_756, %add3A_757 : i32
      %get3A_759 = arith.index_cast %add3A_758 : i32 to index
      %get3A_760 = arith.constant 0 : index
      %get3A_761 = tpu.vector_load %arg11[%get3A_759, %get3A_760] {strides = array<i32>} : memref<832x16xf32, #tpu.memory_space<vmem>>, vector<1x16xf32>,
      %get3A_762 = vector.shape_cast %get3A_761 : vector<1x16xf32> to vector<16xf32>
      %broadcast_in_dim3A_763 = arith.constant 7 : i32
      %broadcast_in_dim3A_764 = vector.broadcast %broadcast_in_dim3A_763 : i32 to vector<16x1xi32>
      %gather3A_765 = vector.shape_cast %broadcast_in_dim3A_764 : vector<16x1xi32> to vector<16xi32>
      %gather3A_766 = tpu.dynamic_gather %get3A_614[%gather3A_765] in [0] : vector<16xf32>, vector<16xi32> -> vector<16xf32>
      %mul3A_767 = arith.mulf %get3A_762, %gather3A_766 : vector<16xf32>
      %swap3A_768 = arith.index_cast %add3A_758 : i32 to index
      %swap3A_769 = arith.constant 0 : index
      %swap3A_770 = tpu.vector_load %arg11[%swap3A_768, %swap3A_769] {strides = array<i32>} : memref<832x16xf32, #tpu.memory_space<vmem>>, vector<1x16xf32>,
      %swap3A_771 = vector.shape_cast %swap3A_770 : vector<1x16xf32> to vector<16xf32>
      %swap3A_772 = vector.shape_cast %mul3A_767 : vector<16xf32> to vector<1x16xf32>
      tpu.vector_store %arg11[%swap3A_768, %swap3A_769], %swap3A_772 {strides = array<i32>} : memref<832x16xf32, #tpu.memory_space<vmem>>, vector<1x16xf32>,
      %mul3A_773 = arith.constant 16 : i32
      %mul3A_774 = arith.muli %scan3A_607, %mul3A_773 : i32
      %add3A_775 = arith.constant 64 : i32
      %add3A_776 = arith.addi %add3A_775, %mul3A_774 : i32
      %add3A_777 = arith.constant 8 : i32
      %add3A_778 = arith.addi %add3A_776, %add3A_777 : i32
      %get3A_779 = arith.index_cast %add3A_778 : i32 to index
      %get3A_780 = arith.constant 0 : index
      %get3A_781 = tpu.vector_load %arg11[%get3A_779, %get3A_780] {strides = array<i32>} : memref<832x16xf32, #tpu.memory_space<vmem>>, vector<1x16xf32>,
      %get3A_782 = vector.shape_cast %get3A_781 : vector<1x16xf32> to vector<16xf32>
      %broadcast_in_dim3A_783 = arith.constant 8 : i32
      %broadcast_in_dim3A_784 = vector.broadcast %broadcast_in_dim3A_783 : i32 to vector<16x1xi32>
      %gather3A_785 = vector.shape_cast %broadcast_in_dim3A_784 : vector<16x1xi32> to vector<16xi32>
      %gather3A_786 = tpu.dynamic_gather %get3A_614[%gather3A_785] in [0] : vector<16xf32>, vector<16xi32> -> vector<16xf32>
      %mul3A_787 = arith.mulf %get3A_782, %gather3A_786 : vector<16xf32>
      %swap3A_788 = arith.index_cast %add3A_778 : i32 to index
      %swap3A_789 = arith.constant 0 : index
      %swap3A_790 = tpu.vector_load %arg11[%swap3A_788, %swap3A_789] {strides = array<i32>} : memref<832x16xf32, #tpu.memory_space<vmem>>, vector<1x16xf32>,
      %swap3A_791 = vector.shape_cast %swap3A_790 : vector<1x16xf32> to vector<16xf32>
      %swap3A_792 = vector.shape_cast %mul3A_787 : vector<16xf32> to vector<1x16xf32>
      tpu.vector_store %arg11[%swap3A_788, %swap3A_789], %swap3A_792 {strides = array<i32>} : memref<832x16xf32, #tpu.memory_space<vmem>>, vector<1x16xf32>,
      %mul3A_793 = arith.constant 16 : i32
      %mul3A_794 = arith.muli %scan3A_607, %mul3A_793 : i32
      %add3A_795 = arith.constant 64 : i32
      %add3A_796 = arith.addi %add3A_795, %mul3A_794 : i32
      %add3A_797 = arith.constant 9 : i32
      %add3A_798 = arith.addi %add3A_796, %add3A_797 : i32
      %get3A_799 = arith.index_cast %add3A_798 : i32 to index
      %get3A_800 = arith.constant 0 : index
      %get3A_801 = tpu.vector_load %arg11[%get3A_799, %get3A_800] {strides = array<i32>} : memref<832x16xf32, #tpu.memory_space<vmem>>, vector<1x16xf32>,
      %get3A_802 = vector.shape_cast %get3A_801 : vector<1x16xf32> to vector<16xf32>
      %broadcast_in_dim3A_803 = arith.constant 9 : i32
      %broadcast_in_dim3A_804 = vector.broadcast %broadcast_in_dim3A_803 : i32 to vector<16x1xi32>
      %gather3A_805 = vector.shape_cast %broadcast_in_dim3A_804 : vector<16x1xi32> to vector<16xi32>
      %gather3A_806 = tpu.dynamic_gather %get3A_614[%gather3A_805] in [0] : vector<16xf32>, vector<16xi32> -> vector<16xf32>
      %mul3A_807 = arith.mulf %get3A_802, %gather3A_806 : vector<16xf32>
      %swap3A_808 = arith.index_cast %add3A_798 : i32 to index
      %swap3A_809 = arith.constant 0 : index
      %swap3A_810 = tpu.vector_load %arg11[%swap3A_808, %swap3A_809] {strides = array<i32>} : memref<832x16xf32, #tpu.memory_space<vmem>>, vector<1x16xf32>,
      %swap3A_811 = vector.shape_cast %swap3A_810 : vector<1x16xf32> to vector<16xf32>
      %swap3A_812 = vector.shape_cast %mul3A_807 : vector<16xf32> to vector<1x16xf32>
      tpu.vector_store %arg11[%swap3A_808, %swap3A_809], %swap3A_812 {strides = array<i32>} : memref<832x16xf32, #tpu.memory_space<vmem>>, vector<1x16xf32>,
      %mul3A_813 = arith.constant 16 : i32
      %mul3A_814 = arith.muli %scan3A_607, %mul3A_813 : i32
      %add3A_815 = arith.constant 64 : i32
      %add3A_816 = arith.addi %add3A_815, %mul3A_814 : i32
      %add3A_817 = arith.constant 10 : i32
      %add3A_818 = arith.addi %add3A_816, %add3A_817 : i32
      %get3A_819 = arith.index_cast %add3A_818 : i32 to index
      %get3A_820 = arith.constant 0 : index
      %get3A_821 = tpu.vector_load %arg11[%get3A_819, %get3A_820] {strides = array<i32>} : memref<832x16xf32, #tpu.memory_space<vmem>>, vector<1x16xf32>,
      %get3A_822 = vector.shape_cast %get3A_821 : vector<1x16xf32> to vector<16xf32>
      %broadcast_in_dim3A_823 = arith.constant 10 : i32
      %broadcast_in_dim3A_824 = vector.broadcast %broadcast_in_dim3A_823 : i32 to vector<16x1xi32>
      %gather3A_825 = vector.shape_cast %broadcast_in_dim3A_824 : vector<16x1xi32> to vector<16xi32>
      %gather3A_826 = tpu.dynamic_gather %get3A_614[%gather3A_825] in [0] : vector<16xf32>, vector<16xi32> -> vector<16xf32>
      %mul3A_827 = arith.mulf %get3A_822, %gather3A_826 : vector<16xf32>
      %swap3A_828 = arith.index_cast %add3A_818 : i32 to index
      %swap3A_829 = arith.constant 0 : index
      %swap3A_830 = tpu.vector_load %arg11[%swap3A_828, %swap3A_829] {strides = array<i32>} : memref<832x16xf32, #tpu.memory_space<vmem>>, vector<1x16xf32>,
      %swap3A_831 = vector.shape_cast %swap3A_830 : vector<1x16xf32> to vector<16xf32>
      %swap3A_832 = vector.shape_cast %mul3A_827 : vector<16xf32> to vector<1x16xf32>
      tpu.vector_store %arg11[%swap3A_828, %swap3A_829], %swap3A_832 {strides = array<i32>} : memref<832x16xf32, #tpu.memory_space<vmem>>, vector<1x16xf32>,
      %mul3A_833 = arith.constant 16 : i32
      %mul3A_834 = arith.muli %scan3A_607, %mul3A_833 : i32
      %add3A_835 = arith.constant 64 : i32
      %add3A_836 = arith.addi %add3A_835, %mul3A_834 : i32
      %add3A_837 = arith.constant 11 : i32
      %add3A_838 = arith.addi %add3A_836, %add3A_837 : i32
      %get3A_839 = arith.index_cast %add3A_838 : i32 to index
      %get3A_840 = arith.constant 0 : index
      %get3A_841 = tpu.vector_load %arg11[%get3A_839, %get3A_840] {strides = array<i32>} : memref<832x16xf32, #tpu.memory_space<vmem>>, vector<1x16xf32>,
      %get3A_842 = vector.shape_cast %get3A_841 : vector<1x16xf32> to vector<16xf32>
      %broadcast_in_dim3A_843 = arith.constant 11 : i32
      %broadcast_in_dim3A_844 = vector.broadcast %broadcast_in_dim3A_843 : i32 to vector<16x1xi32>
      %gather3A_845 = vector.shape_cast %broadcast_in_dim3A_844 : vector<16x1xi32> to vector<16xi32>
      %gather3A_846 = tpu.dynamic_gather %get3A_614[%gather3A_845] in [0] : vector<16xf32>, vector<16xi32> -> vector<16xf32>
      %mul3A_847 = arith.mulf %get3A_842, %gather3A_846 : vector<16xf32>
      %swap3A_848 = arith.index_cast %add3A_838 : i32 to index
      %swap3A_849 = arith.constant 0 : index
      %swap3A_850 = tpu.vector_load %arg11[%swap3A_848, %swap3A_849] {strides = array<i32>} : memref<832x16xf32, #tpu.memory_space<vmem>>, vector<1x16xf32>,
      %swap3A_851 = vector.shape_cast %swap3A_850 : vector<1x16xf32> to vector<16xf32>
      %swap3A_852 = vector.shape_cast %mul3A_847 : vector<16xf32> to vector<1x16xf32>
      tpu.vector_store %arg11[%swap3A_848, %swap3A_849], %swap3A_852 {strides = array<i32>} : memref<832x16xf32, #tpu.memory_space<vmem>>, vector<1x16xf32>,
      %mul3A_853 = arith.constant 16 : i32
      %mul3A_854 = arith.muli %scan3A_607, %mul3A_853 : i32
      %add3A_855 = arith.constant 64 : i32
      %add3A_856 = arith.addi %add3A_855, %mul3A_854 : i32
      %add3A_857 = arith.constant 12 : i32
      %add3A_858 = arith.addi %add3A_856, %add3A_857 : i32
      %get3A_859 = arith.index_cast %add3A_858 : i32 to index
      %get3A_860 = arith.constant 0 : index
      %get3A_861 = tpu.vector_load %arg11[%get3A_859, %get3A_860] {strides = array<i32>} : memref<832x16xf32, #tpu.memory_space<vmem>>, vector<1x16xf32>,
      %get3A_862 = vector.shape_cast %get3A_861 : vector<1x16xf32> to vector<16xf32>
      %broadcast_in_dim3A_863 = arith.constant 12 : i32
      %broadcast_in_dim3A_864 = vector.broadcast %broadcast_in_dim3A_863 : i32 to vector<16x1xi32>
      %gather3A_865 = vector.shape_cast %broadcast_in_dim3A_864 : vector<16x1xi32> to vector<16xi32>
      %gather3A_866 = tpu.dynamic_gather %get3A_614[%gather3A_865] in [0] : vector<16xf32>, vector<16xi32> -> vector<16xf32>
      %mul3A_867 = arith.mulf %get3A_862, %gather3A_866 : vector<16xf32>
      %swap3A_868 = arith.index_cast %add3A_858 : i32 to index
      %swap3A_869 = arith.constant 0 : index
      %swap3A_870 = tpu.vector_load %arg11[%swap3A_868, %swap3A_869] {strides = array<i32>} : memref<832x16xf32, #tpu.memory_space<vmem>>, vector<1x16xf32>,
      %swap3A_871 = vector.shape_cast %swap3A_870 : vector<1x16xf32> to vector<16xf32>
      %swap3A_872 = vector.shape_cast %mul3A_867 : vector<16xf32> to vector<1x16xf32>
      tpu.vector_store %arg11[%swap3A_868, %swap3A_869], %swap3A_872 {strides = array<i32>} : memref<832x16xf32, #tpu.memory_space<vmem>>, vector<1x16xf32>,
      %mul3A_873 = arith.constant 16 : i32
      %mul3A_874 = arith.muli %scan3A_607, %mul3A_873 : i32
      %add3A_875 = arith.constant 64 : i32
      %add3A_876 = arith.addi %add3A_875, %mul3A_874 : i32
      %add3A_877 = arith.constant 13 : i32
      %add3A_878 = arith.addi %add3A_876, %add3A_877 : i32
      %get3A_879 = arith.index_cast %add3A_878 : i32 to index
      %get3A_880 = arith.constant 0 : index
      %get3A_881 = tpu.vector_load %arg11[%get3A_879, %get3A_880] {strides = array<i32>} : memref<832x16xf32, #tpu.memory_space<vmem>>, vector<1x16xf32>,
      %get3A_882 = vector.shape_cast %get3A_881 : vector<1x16xf32> to vector<16xf32>
      %broadcast_in_dim3A_883 = arith.constant 13 : i32
      %broadcast_in_dim3A_884 = vector.broadcast %broadcast_in_dim3A_883 : i32 to vector<16x1xi32>
      %gather3A_885 = vector.shape_cast %broadcast_in_dim3A_884 : vector<16x1xi32> to vector<16xi32>
      %gather3A_886 = tpu.dynamic_gather %get3A_614[%gather3A_885] in [0] : vector<16xf32>, vector<16xi32> -> vector<16xf32>
      %mul3A_887 = arith.mulf %get3A_882, %gather3A_886 : vector<16xf32>
      %swap3A_888 = arith.index_cast %add3A_878 : i32 to index
      %swap3A_889 = arith.constant 0 : index
      %swap3A_890 = tpu.vector_load %arg11[%swap3A_888, %swap3A_889] {strides = array<i32>} : memref<832x16xf32, #tpu.memory_space<vmem>>, vector<1x16xf32>,
      %swap3A_891 = vector.shape_cast %swap3A_890 : vector<1x16xf32> to vector<16xf32>
      %swap3A_892 = vector.shape_cast %mul3A_887 : vector<16xf32> to vector<1x16xf32>
      tpu.vector_store %arg11[%swap3A_888, %swap3A_889], %swap3A_892 {strides = array<i32>} : memref<832x16xf32, #tpu.memory_space<vmem>>, vector<1x16xf32>,
      %mul3A_893 = arith.constant 16 : i32
      %mul3A_894 = arith.muli %scan3A_607, %mul3A_893 : i32
      %add3A_895 = arith.constant 64 : i32
      %add3A_896 = arith.addi %add3A_895, %mul3A_894 : i32
      %add3A_897 = arith.constant 14 : i32
      %add3A_898 = arith.addi %add3A_896, %add3A_897 : i32
      %get3A_899 = arith.index_cast %add3A_898 : i32 to index
      %get3A_900 = arith.constant 0 : index
      %get3A_901 = tpu.vector_load %arg11[%get3A_899, %get3A_900] {strides = array<i32>} : memref<832x16xf32, #tpu.memory_space<vmem>>, vector<1x16xf32>,
      %get3A_902 = vector.shape_cast %get3A_901 : vector<1x16xf32> to vector<16xf32>
      %broadcast_in_dim3A_903 = arith.constant 14 : i32
      %broadcast_in_dim3A_904 = vector.broadcast %broadcast_in_dim3A_903 : i32 to vector<16x1xi32>
      %gather3A_905 = vector.shape_cast %broadcast_in_dim3A_904 : vector<16x1xi32> to vector<16xi32>
      %gather3A_906 = tpu.dynamic_gather %get3A_614[%gather3A_905] in [0] : vector<16xf32>, vector<16xi32> -> vector<16xf32>
      %mul3A_907 = arith.mulf %get3A_902, %gather3A_906 : vector<16xf32>
      %swap3A_908 = arith.index_cast %add3A_898 : i32 to index
      %swap3A_909 = arith.constant 0 : index
      %swap3A_910 = tpu.vector_load %arg11[%swap3A_908, %swap3A_909] {strides = array<i32>} : memref<832x16xf32, #tpu.memory_space<vmem>>, vector<1x16xf32>,
      %swap3A_911 = vector.shape_cast %swap3A_910 : vector<1x16xf32> to vector<16xf32>
      %swap3A_912 = vector.shape_cast %mul3A_907 : vector<16xf32> to vector<1x16xf32>
      tpu.vector_store %arg11[%swap3A_908, %swap3A_909], %swap3A_912 {strides = array<i32>} : memref<832x16xf32, #tpu.memory_space<vmem>>, vector<1x16xf32>,
      %mul3A_913 = arith.constant 16 : i32
      %mul3A_914 = arith.muli %scan3A_607, %mul3A_913 : i32
      %add3A_915 = arith.constant 64 : i32
      %add3A_916 = arith.addi %add3A_915, %mul3A_914 : i32
      %add3A_917 = arith.constant 15 : i32
      %add3A_918 = arith.addi %add3A_916, %add3A_917 : i32
      %get3A_919 = arith.index_cast %add3A_918 : i32 to index
      %get3A_920 = arith.constant 0 : index
      %get3A_921 = tpu.vector_load %arg11[%get3A_919, %get3A_920] {strides = array<i32>} : memref<832x16xf32, #tpu.memory_space<vmem>>, vector<1x16xf32>,
      %get3A_922 = vector.shape_cast %get3A_921 : vector<1x16xf32> to vector<16xf32>
      %broadcast_in_dim3A_923 = arith.constant 15 : i32
      %broadcast_in_dim3A_924 = vector.broadcast %broadcast_in_dim3A_923 : i32 to vector<16x1xi32>
      %gather3A_925 = vector.shape_cast %broadcast_in_dim3A_924 : vector<16x1xi32> to vector<16xi32>
      %gather3A_926 = tpu.dynamic_gather %get3A_614[%gather3A_925] in [0] : vector<16xf32>, vector<16xi32> -> vector<16xf32>
      %mul3A_927 = arith.mulf %get3A_922, %gather3A_926 : vector<16xf32>
      %swap3A_928 = arith.index_cast %add3A_918 : i32 to index
      %swap3A_929 = arith.constant 0 : index
      %swap3A_930 = tpu.vector_load %arg11[%swap3A_928, %swap3A_929] {strides = array<i32>} : memref<832x16xf32, #tpu.memory_space<vmem>>, vector<1x16xf32>,
      %swap3A_931 = vector.shape_cast %swap3A_930 : vector<1x16xf32> to vector<16xf32>
      %swap3A_932 = vector.shape_cast %mul3A_927 : vector<16xf32> to vector<1x16xf32>
      tpu.vector_store %arg11[%swap3A_928, %swap3A_929], %swap3A_932 {strides = array<i32>} : memref<832x16xf32, #tpu.memory_space<vmem>>, vector<1x16xf32>,
    }
    %scan3A_197 = arith.constant 4 : i32
    %dma_start3A_198 = arith.constant 1 : i32
    %dma_start3A_199 = arith.constant 64 : i32
    %dma_start3A_200 = arith.constant 0 : i32
    %dma_start3A_201 = tpu.memref_slice %arg11[%dma_start3A_199, %dma_start3A_200] : memref<832x16xf32, #tpu.memory_space<vmem>> -> memref<64x16xf32, #tpu.memory_space<vmem>>
    %dma_start3A_202 = arith.constant 0 : i32
    %dma_start3A_203 = tpu.memref_slice %arg10[%dma_start3A_198, %dma_start3A_202] : memref<13x64xi32, #tpu.memory_space<vmem>> -> memref<1x64xi32, #tpu.memory_space<vmem>>
    %dma_start3A_204 = tpu.memref_squeeze %dma_start3A_203 : memref<1x64xi32, #tpu.memory_space<vmem>> -> memref<64xi32, #tpu.memory_space<vmem>>
    %dma_start3A_205 = arith.constant 0 : i32
    %dma_start3A_206 = arith.constant 0 : i32
    %dma_start3A_207 = tpu.memref_slice %arg14[%dma_start3A_205, %dma_start3A_206] : memref<2816x16xf32, #tpu.memory_space<vmem_shared>> -> memref<2816x16xf32, #tpu.memory_space<vmem_shared>>
    tpu.enqueue_indirect_dma source(%dma_start3A_201 : memref<64x16xf32, #tpu.memory_space<vmem>>) target(%dma_start3A_207 : memref<2816x16xf32, #tpu.memory_space<vmem_shared>>) offsets(%dma_start3A_204 : memref<64xi32, #tpu.memory_space<vmem>>) semaphore(%arg18 : memref<!tpu.dma_semaphore, #tpu.memory_space<semaphore_mem>>) {add = true}
    %dma_wait3A_208 = arith.constant 128 : i32
    %dma_wait3A_209 = arith.constant 0 : i32
    %dma_wait3A_210 = tpu.memref_slice %arg11[%dma_wait3A_208, %dma_wait3A_209] : memref<832x16xf32, #tpu.memory_space<vmem>> -> memref<64x16xf32, #tpu.memory_space<vmem>>
    %dma_wait3A_211 = arith.constant 128 : i32
    %dma_wait3A_212 = tpu.memref_slice %arg7[%dma_wait3A_211] : memref<832xi32, #tpu.memory_space<vmem>> -> memref<64xi32, #tpu.memory_space<vmem>>
    %dma_wait3A_213 = arith.constant 0 : i32
    %dma_wait3A_214 = arith.constant 0 : i32
    %dma_wait3A_215 = tpu.memref_slice %arg15[%dma_wait3A_213, %dma_wait3A_214] : memref<2816x16xf32, #tpu.memory_space<vmem_shared>> -> memref<2816x16xf32, #tpu.memory_space<vmem_shared>>
    tpu.wait_indirect_dma semaphore(%arg17 : memref<!tpu.dma_semaphore, #tpu.memory_space<semaphore_mem>>) src(%dma_wait3A_215 : memref<2816x16xf32, #tpu.memory_space<vmem_shared>>) dst(%dma_wait3A_210 : memref<64x16xf32, #tpu.memory_space<vmem>>)
    %scan3A_216 = arith.constant 0 : i32
    %scan3A_217 = arith.constant 0 : i32
    %scan3A_218 = arith.constant 4 : i32
    %scan3A_219 = arith.addi %scan3A_217, %scan3A_218 : i32
    %scan3A_220 = arith.constant 1 : i32
    scf.for %scan3A_607 = %scan3A_217 to %scan3A_219 step %scan3A_220  : i32 {
      %mul3A_608 = arith.constant 16 : i32
      %mul3A_609 = arith.muli %scan3A_607, %mul3A_608 : i32
      %add3A_610 = arith.constant 128 : i32
      %add3A_611 = arith.addi %add3A_610, %mul3A_609 : i32
      %get3A_612 = arith.index_cast %add3A_611 : i32 to index
      %get3A_613 = tpu.vector_load %arg9[%get3A_612] {strides = array<i32>} : memref<832xf32, #tpu.memory_space<vmem>>, vector<16xf32>,
      %get3A_614 = vector.shape_cast %get3A_613 : vector<16xf32> to vector<16xf32>
      %mul3A_615 = arith.constant 16 : i32
      %mul3A_616 = arith.muli %scan3A_607, %mul3A_615 : i32
      %add3A_617 = arith.constant 128 : i32
      %add3A_618 = arith.addi %add3A_617, %mul3A_616 : i32
      %add3A_619 = arith.constant 0 : i32
      %add3A_620 = arith.addi %add3A_618, %add3A_619 : i32
      %get3A_621 = arith.index_cast %add3A_620 : i32 to index
      %get3A_622 = arith.constant 0 : index
      %get3A_623 = tpu.vector_load %arg11[%get3A_621, %get3A_622] {strides = array<i32>} : memref<832x16xf32, #tpu.memory_space<vmem>>, vector<1x16xf32>,
      %get3A_624 = vector.shape_cast %get3A_623 : vector<1x16xf32> to vector<16xf32>
      %broadcast_in_dim3A_625 = arith.constant 0 : i32
      %broadcast_in_dim3A_626 = vector.broadcast %broadcast_in_dim3A_625 : i32 to vector<16x1xi32>
      %gather3A = vector.shape_cast %broadcast_in_dim3A_626 : vector<16x1xi32> to vector<16xi32>
      %gather3A_627 = tpu.dynamic_gather %get3A_614[%gather3A] in [0] : vector<16xf32>, vector<16xi32> -> vector<16xf32>
      %mul3A_628 = arith.mulf %get3A_624, %gather3A_627 : vector<16xf32>
      %swap3A = arith.index_cast %add3A_620 : i32 to index
      %swap3A_629 = arith.constant 0 : index
      %swap3A_630 = tpu.vector_load %arg11[%swap3A, %swap3A_629] {strides = array<i32>} : memref<832x16xf32, #tpu.memory_space<vmem>>, vector<1x16xf32>,
      %swap3A_631 = vector.shape_cast %swap3A_630 : vector<1x16xf32> to vector<16xf32>
      %swap3A_632 = vector.shape_cast %mul3A_628 : vector<16xf32> to vector<1x16xf32>
      tpu.vector_store %arg11[%swap3A, %swap3A_629], %swap3A_632 {strides = array<i32>} : memref<832x16xf32, #tpu.memory_space<vmem>>, vector<1x16xf32>,
      %mul3A_633 = arith.constant 16 : i32
      %mul3A_634 = arith.muli %scan3A_607, %mul3A_633 : i32
      %add3A_635 = arith.constant 128 : i32
      %add3A_636 = arith.addi %add3A_635, %mul3A_634 : i32
      %add3A_637 = arith.constant 1 : i32
      %add3A_638 = arith.addi %add3A_636, %add3A_637 : i32
      %get3A_639 = arith.index_cast %add3A_638 : i32 to index
      %get3A_640 = arith.constant 0 : index
      %get3A_641 = tpu.vector_load %arg11[%get3A_639, %get3A_640] {strides = array<i32>} : memref<832x16xf32, #tpu.memory_space<vmem>>, vector<1x16xf32>,
      %get3A_642 = vector.shape_cast %get3A_641 : vector<1x16xf32> to vector<16xf32>
      %broadcast_in_dim3A_643 = arith.constant 1 : i32
      %broadcast_in_dim3A_644 = vector.broadcast %broadcast_in_dim3A_643 : i32 to vector<16x1xi32>
      %gather3A_645 = vector.shape_cast %broadcast_in_dim3A_644 : vector<16x1xi32> to vector<16xi32>
      %gather3A_646 = tpu.dynamic_gather %get3A_614[%gather3A_645] in [0] : vector<16xf32>, vector<16xi32> -> vector<16xf32>
      %mul3A_647 = arith.mulf %get3A_642, %gather3A_646 : vector<16xf32>
      %swap3A_648 = arith.index_cast %add3A_638 : i32 to index
      %swap3A_649 = arith.constant 0 : index
      %swap3A_650 = tpu.vector_load %arg11[%swap3A_648, %swap3A_649] {strides = array<i32>} : memref<832x16xf32, #tpu.memory_space<vmem>>, vector<1x16xf32>,
      %swap3A_651 = vector.shape_cast %swap3A_650 : vector<1x16xf32> to vector<16xf32>
      %swap3A_652 = vector.shape_cast %mul3A_647 : vector<16xf32> to vector<1x16xf32>
      tpu.vector_store %arg11[%swap3A_648, %swap3A_649], %swap3A_652 {strides = array<i32>} : memref<832x16xf32, #tpu.memory_space<vmem>>, vector<1x16xf32>,
      %mul3A_653 = arith.constant 16 : i32
      %mul3A_654 = arith.muli %scan3A_607, %mul3A_653 : i32
      %add3A_655 = arith.constant 128 : i32
      %add3A_656 = arith.addi %add3A_655, %mul3A_654 : i32
      %add3A_657 = arith.constant 2 : i32
      %add3A_658 = arith.addi %add3A_656, %add3A_657 : i32
      %get3A_659 = arith.index_cast %add3A_658 : i32 to index
      %get3A_660 = arith.constant 0 : index
      %get3A_661 = tpu.vector_load %arg11[%get3A_659, %get3A_660] {strides = array<i32>} : memref<832x16xf32, #tpu.memory_space<vmem>>, vector<1x16xf32>,
      %get3A_662 = vector.shape_cast %get3A_661 : vector<1x16xf32> to vector<16xf32>
      %broadcast_in_dim3A_663 = arith.constant 2 : i32
      %broadcast_in_dim3A_664 = vector.broadcast %broadcast_in_dim3A_663 : i32 to vector<16x1xi32>
      %gather3A_665 = vector.shape_cast %broadcast_in_dim3A_664 : vector<16x1xi32> to vector<16xi32>
      %gather3A_666 = tpu.dynamic_gather %get3A_614[%gather3A_665] in [0] : vector<16xf32>, vector<16xi32> -> vector<16xf32>
      %mul3A_667 = arith.mulf %get3A_662, %gather3A_666 : vector<16xf32>
      %swap3A_668 = arith.index_cast %add3A_658 : i32 to index
      %swap3A_669 = arith.constant 0 : index
      %swap3A_670 = tpu.vector_load %arg11[%swap3A_668, %swap3A_669] {strides = array<i32>} : memref<832x16xf32, #tpu.memory_space<vmem>>, vector<1x16xf32>,
      %swap3A_671 = vector.shape_cast %swap3A_670 : vector<1x16xf32> to vector<16xf32>
      %swap3A_672 = vector.shape_cast %mul3A_667 : vector<16xf32> to vector<1x16xf32>
      tpu.vector_store %arg11[%swap3A_668, %swap3A_669], %swap3A_672 {strides = array<i32>} : memref<832x16xf32, #tpu.memory_space<vmem>>, vector<1x16xf32>,
      %mul3A_673 = arith.constant 16 : i32
      %mul3A_674 = arith.muli %scan3A_607, %mul3A_673 : i32
      %add3A_675 = arith.constant 128 : i32
      %add3A_676 = arith.addi %add3A_675, %mul3A_674 : i32
      %add3A_677 = arith.constant 3 : i32
      %add3A_678 = arith.addi %add3A_676, %add3A_677 : i32
      %get3A_679 = arith.index_cast %add3A_678 : i32 to index
      %get3A_680 = arith.constant 0 : index
      %get3A_681 = tpu.vector_load %arg11[%get3A_679, %get3A_680] {strides = array<i32>} : memref<832x16xf32, #tpu.memory_space<vmem>>, vector<1x16xf32>,
      %get3A_682 = vector.shape_cast %get3A_681 : vector<1x16xf32> to vector<16xf32>
      %broadcast_in_dim3A_683 = arith.constant 3 : i32
      %broadcast_in_dim3A_684 = vector.broadcast %broadcast_in_dim3A_683 : i32 to vector<16x1xi32>
      %gather3A_685 = vector.shape_cast %broadcast_in_dim3A_684 : vector<16x1xi32> to vector<16xi32>
      %gather3A_686 = tpu.dynamic_gather %get3A_614[%gather3A_685] in [0] : vector<16xf32>, vector<16xi32> -> vector<16xf32>
      %mul3A_687 = arith.mulf %get3A_682, %gather3A_686 : vector<16xf32>
      %swap3A_688 = arith.index_cast %add3A_678 : i32 to index
      %swap3A_689 = arith.constant 0 : index
      %swap3A_690 = tpu.vector_load %arg11[%swap3A_688, %swap3A_689] {strides = array<i32>} : memref<832x16xf32, #tpu.memory_space<vmem>>, vector<1x16xf32>,
      %swap3A_691 = vector.shape_cast %swap3A_690 : vector<1x16xf32> to vector<16xf32>
      %swap3A_692 = vector.shape_cast %mul3A_687 : vector<16xf32> to vector<1x16xf32>
      tpu.vector_store %arg11[%swap3A_688, %swap3A_689], %swap3A_692 {strides = array<i32>} : memref<832x16xf32, #tpu.memory_space<vmem>>, vector<1x16xf32>,
      %mul3A_693 = arith.constant 16 : i32
      %mul3A_694 = arith.muli %scan3A_607, %mul3A_693 : i32
      %add3A_695 = arith.constant 128 : i32
      %add3A_696 = arith.addi %add3A_695, %mul3A_694 : i32
      %add3A_697 = arith.constant 4 : i32
      %add3A_698 = arith.addi %add3A_696, %add3A_697 : i32
      %get3A_699 = arith.index_cast %add3A_698 : i32 to index
      %get3A_700 = arith.constant 0 : index
      %get3A_701 = tpu.vector_load %arg11[%get3A_699, %get3A_700] {strides = array<i32>} : memref<832x16xf32, #tpu.memory_space<vmem>>, vector<1x16xf32>,
      %get3A_702 = vector.shape_cast %get3A_701 : vector<1x16xf32> to vector<16xf32>
      %broadcast_in_dim3A_703 = arith.constant 4 : i32
      %broadcast_in_dim3A_704 = vector.broadcast %broadcast_in_dim3A_703 : i32 to vector<16x1xi32>
      %gather3A_705 = vector.shape_cast %broadcast_in_dim3A_704 : vector<16x1xi32> to vector<16xi32>
      %gather3A_706 = tpu.dynamic_gather %get3A_614[%gather3A_705] in [0] : vector<16xf32>, vector<16xi32> -> vector<16xf32>
      %mul3A_707 = arith.mulf %get3A_702, %gather3A_706 : vector<16xf32>
      %swap3A_708 = arith.index_cast %add3A_698 : i32 to index
      %swap3A_709 = arith.constant 0 : index
      %swap3A_710 = tpu.vector_load %arg11[%swap3A_708, %swap3A_709] {strides = array<i32>} : memref<832x16xf32, #tpu.memory_space<vmem>>, vector<1x16xf32>,
      %swap3A_711 = vector.shape_cast %swap3A_710 : vector<1x16xf32> to vector<16xf32>
      %swap3A_712 = vector.shape_cast %mul3A_707 : vector<16xf32> to vector<1x16xf32>
      tpu.vector_store %arg11[%swap3A_708, %swap3A_709], %swap3A_712 {strides = array<i32>} : memref<832x16xf32, #tpu.memory_space<vmem>>, vector<1x16xf32>,
      %mul3A_713 = arith.constant 16 : i32
      %mul3A_714 = arith.muli %scan3A_607, %mul3A_713 : i32
      %add3A_715 = arith.constant 128 : i32
      %add3A_716 = arith.addi %add3A_715, %mul3A_714 : i32
      %add3A_717 = arith.constant 5 : i32
      %add3A_718 = arith.addi %add3A_716, %add3A_717 : i32
      %get3A_719 = arith.index_cast %add3A_718 : i32 to index
      %get3A_720 = arith.constant 0 : index
      %get3A_721 = tpu.vector_load %arg11[%get3A_719, %get3A_720] {strides = array<i32>} : memref<832x16xf32, #tpu.memory_space<vmem>>, vector<1x16xf32>,
      %get3A_722 = vector.shape_cast %get3A_721 : vector<1x16xf32> to vector<16xf32>
      %broadcast_in_dim3A_723 = arith.constant 5 : i32
      %broadcast_in_dim3A_724 = vector.broadcast %broadcast_in_dim3A_723 : i32 to vector<16x1xi32>
      %gather3A_725 = vector.shape_cast %broadcast_in_dim3A_724 : vector<16x1xi32> to vector<16xi32>
      %gather3A_726 = tpu.dynamic_gather %get3A_614[%gather3A_725] in [0] : vector<16xf32>, vector<16xi32> -> vector<16xf32>
      %mul3A_727 = arith.mulf %get3A_722, %gather3A_726 : vector<16xf32>
      %swap3A_728 = arith.index_cast %add3A_718 : i32 to index
      %swap3A_729 = arith.constant 0 : index
      %swap3A_730 = tpu.vector_load %arg11[%swap3A_728, %swap3A_729] {strides = array<i32>} : memref<832x16xf32, #tpu.memory_space<vmem>>, vector<1x16xf32>,
      %swap3A_731 = vector.shape_cast %swap3A_730 : vector<1x16xf32> to vector<16xf32>
      %swap3A_732 = vector.shape_cast %mul3A_727 : vector<16xf32> to vector<1x16xf32>
      tpu.vector_store %arg11[%swap3A_728, %swap3A_729], %swap3A_732 {strides = array<i32>} : memref<832x16xf32, #tpu.memory_space<vmem>>, vector<1x16xf32>,
      %mul3A_733 = arith.constant 16 : i32
      %mul3A_734 = arith.muli %scan3A_607, %mul3A_733 : i32
      %add3A_735 = arith.constant 128 : i32
      %add3A_736 = arith.addi %add3A_735, %mul3A_734 : i32
      %add3A_737 = arith.constant 6 : i32
      %add3A_738 = arith.addi %add3A_736, %add3A_737 : i32
      %get3A_739 = arith.index_cast %add3A_738 : i32 to index
      %get3A_740 = arith.constant 0 : index
      %get3A_741 = tpu.vector_load %arg11[%get3A_739, %get3A_740] {strides = array<i32>} : memref<832x16xf32, #tpu.memory_space<vmem>>, vector<1x16xf32>,
      %get3A_742 = vector.shape_cast %get3A_741 : vector<1x16xf32> to vector<16xf32>
      %broadcast_in_dim3A_743 = arith.constant 6 : i32
      %broadcast_in_dim3A_744 = vector.broadcast %broadcast_in_dim3A_743 : i32 to vector<16x1xi32>
      %gather3A_745 = vector.shape_cast %broadcast_in_dim3A_744 : vector<16x1xi32> to vector<16xi32>
      %gather3A_746 = tpu.dynamic_gather %get3A_614[%gather3A_745] in [0] : vector<16xf32>, vector<16xi32> -> vector<16xf32>
      %mul3A_747 = arith.mulf %get3A_742, %gather3A_746 : vector<16xf32>
      %swap3A_748 = arith.index_cast %add3A_738 : i32 to index
      %swap3A_749 = arith.constant 0 : index
      %swap3A_750 = tpu.vector_load %arg11[%swap3A_748, %swap3A_749] {strides = array<i32>} : memref<832x16xf32, #tpu.memory_space<vmem>>, vector<1x16xf32>,
      %swap3A_751 = vector.shape_cast %swap3A_750 : vector<1x16xf32> to vector<16xf32>
      %swap3A_752 = vector.shape_cast %mul3A_747 : vector<16xf32> to vector<1x16xf32>
      tpu.vector_store %arg11[%swap3A_748, %swap3A_749], %swap3A_752 {strides = array<i32>} : memref<832x16xf32, #tpu.memory_space<vmem>>, vector<1x16xf32>,
      %mul3A_753 = arith.constant 16 : i32
      %mul3A_754 = arith.muli %scan3A_607, %mul3A_753 : i32
      %add3A_755 = arith.constant 128 : i32
      %add3A_756 = arith.addi %add3A_755, %mul3A_754 : i32
      %add3A_757 = arith.constant 7 : i32
      %add3A_758 = arith.addi %add3A_756, %add3A_757 : i32
      %get3A_759 = arith.index_cast %add3A_758 : i32 to index
      %get3A_760 = arith.constant 0 : index
      %get3A_761 = tpu.vector_load %arg11[%get3A_759, %get3A_760] {strides = array<i32>} : memref<832x16xf32, #tpu.memory_space<vmem>>, vector<1x16xf32>,
      %get3A_762 = vector.shape_cast %get3A_761 : vector<1x16xf32> to vector<16xf32>
      %broadcast_in_dim3A_763 = arith.constant 7 : i32
      %broadcast_in_dim3A_764 = vector.broadcast %broadcast_in_dim3A_763 : i32 to vector<16x1xi32>
      %gather3A_765 = vector.shape_cast %broadcast_in_dim3A_764 : vector<16x1xi32> to vector<16xi32>
      %gather3A_766 = tpu.dynamic_gather %get3A_614[%gather3A_765] in [0] : vector<16xf32>, vector<16xi32> -> vector<16xf32>
      %mul3A_767 = arith.mulf %get3A_762, %gather3A_766 : vector<16xf32>
      %swap3A_768 = arith.index_cast %add3A_758 : i32 to index
      %swap3A_769 = arith.constant 0 : index
      %swap3A_770 = tpu.vector_load %arg11[%swap3A_768, %swap3A_769] {strides = array<i32>} : memref<832x16xf32, #tpu.memory_space<vmem>>, vector<1x16xf32>,
      %swap3A_771 = vector.shape_cast %swap3A_770 : vector<1x16xf32> to vector<16xf32>
      %swap3A_772 = vector.shape_cast %mul3A_767 : vector<16xf32> to vector<1x16xf32>
      tpu.vector_store %arg11[%swap3A_768, %swap3A_769], %swap3A_772 {strides = array<i32>} : memref<832x16xf32, #tpu.memory_space<vmem>>, vector<1x16xf32>,
      %mul3A_773 = arith.constant 16 : i32
      %mul3A_774 = arith.muli %scan3A_607, %mul3A_773 : i32
      %add3A_775 = arith.constant 128 : i32
      %add3A_776 = arith.addi %add3A_775, %mul3A_774 : i32
      %add3A_777 = arith.constant 8 : i32
      %add3A_778 = arith.addi %add3A_776, %add3A_777 : i32
      %get3A_779 = arith.index_cast %add3A_778 : i32 to index
      %get3A_780 = arith.constant 0 : index
      %get3A_781 = tpu.vector_load %arg11[%get3A_779, %get3A_780] {strides = array<i32>} : memref<832x16xf32, #tpu.memory_space<vmem>>, vector<1x16xf32>,
      %get3A_782 = vector.shape_cast %get3A_781 : vector<1x16xf32> to vector<16xf32>
      %broadcast_in_dim3A_783 = arith.constant 8 : i32
      %broadcast_in_dim3A_784 = vector.broadcast %broadcast_in_dim3A_783 : i32 to vector<16x1xi32>
      %gather3A_785 = vector.shape_cast %broadcast_in_dim3A_784 : vector<16x1xi32> to vector<16xi32>
      %gather3A_786 = tpu.dynamic_gather %get3A_614[%gather3A_785] in [0] : vector<16xf32>, vector<16xi32> -> vector<16xf32>
      %mul3A_787 = arith.mulf %get3A_782, %gather3A_786 : vector<16xf32>
      %swap3A_788 = arith.index_cast %add3A_778 : i32 to index
      %swap3A_789 = arith.constant 0 : index
      %swap3A_790 = tpu.vector_load %arg11[%swap3A_788, %swap3A_789] {strides = array<i32>} : memref<832x16xf32, #tpu.memory_space<vmem>>, vector<1x16xf32>,
      %swap3A_791 = vector.shape_cast %swap3A_790 : vector<1x16xf32> to vector<16xf32>
      %swap3A_792 = vector.shape_cast %mul3A_787 : vector<16xf32> to vector<1x16xf32>
      tpu.vector_store %arg11[%swap3A_788, %swap3A_789], %swap3A_792 {strides = array<i32>} : memref<832x16xf32, #tpu.memory_space<vmem>>, vector<1x16xf32>,
      %mul3A_793 = arith.constant 16 : i32
      %mul3A_794 = arith.muli %scan3A_607, %mul3A_793 : i32
      %add3A_795 = arith.constant 128 : i32
      %add3A_796 = arith.addi %add3A_795, %mul3A_794 : i32
      %add3A_797 = arith.constant 9 : i32
      %add3A_798 = arith.addi %add3A_796, %add3A_797 : i32
      %get3A_799 = arith.index_cast %add3A_798 : i32 to index
      %get3A_800 = arith.constant 0 : index
      %get3A_801 = tpu.vector_load %arg11[%get3A_799, %get3A_800] {strides = array<i32>} : memref<832x16xf32, #tpu.memory_space<vmem>>, vector<1x16xf32>,
      %get3A_802 = vector.shape_cast %get3A_801 : vector<1x16xf32> to vector<16xf32>
      %broadcast_in_dim3A_803 = arith.constant 9 : i32
      %broadcast_in_dim3A_804 = vector.broadcast %broadcast_in_dim3A_803 : i32 to vector<16x1xi32>
      %gather3A_805 = vector.shape_cast %broadcast_in_dim3A_804 : vector<16x1xi32> to vector<16xi32>
      %gather3A_806 = tpu.dynamic_gather %get3A_614[%gather3A_805] in [0] : vector<16xf32>, vector<16xi32> -> vector<16xf32>
      %mul3A_807 = arith.mulf %get3A_802, %gather3A_806 : vector<16xf32>
      %swap3A_808 = arith.index_cast %add3A_798 : i32 to index
      %swap3A_809 = arith.constant 0 : index
      %swap3A_810 = tpu.vector_load %arg11[%swap3A_808, %swap3A_809] {strides = array<i32>} : memref<832x16xf32, #tpu.memory_space<vmem>>, vector<1x16xf32>,
      %swap3A_811 = vector.shape_cast %swap3A_810 : vector<1x16xf32> to vector<16xf32>
      %swap3A_812 = vector.shape_cast %mul3A_807 : vector<16xf32> to vector<1x16xf32>
      tpu.vector_store %arg11[%swap3A_808, %swap3A_809], %swap3A_812 {strides = array<i32>} : memref<832x16xf32, #tpu.memory_space<vmem>>, vector<1x16xf32>,
      %mul3A_813 = arith.constant 16 : i32
      %mul3A_814 = arith.muli %scan3A_607, %mul3A_813 : i32
      %add3A_815 = arith.constant 128 : i32
      %add3A_816 = arith.addi %add3A_815, %mul3A_814 : i32
      %add3A_817 = arith.constant 10 : i32
      %add3A_818 = arith.addi %add3A_816, %add3A_817 : i32
      %get3A_819 = arith.index_cast %add3A_818 : i32 to index
      %get3A_820 = arith.constant 0 : index
      %get3A_821 = tpu.vector_load %arg11[%get3A_819, %get3A_820] {strides = array<i32>} : memref<832x16xf32, #tpu.memory_space<vmem>>, vector<1x16xf32>,
      %get3A_822 = vector.shape_cast %get3A_821 : vector<1x16xf32> to vector<16xf32>
      %broadcast_in_dim3A_823 = arith.constant 10 : i32
      %broadcast_in_dim3A_824 = vector.broadcast %broadcast_in_dim3A_823 : i32 to vector<16x1xi32>
      %gather3A_825 = vector.shape_cast %broadcast_in_dim3A_824 : vector<16x1xi32> to vector<16xi32>
      %gather3A_826 = tpu.dynamic_gather %get3A_614[%gather3A_825] in [0] : vector<16xf32>, vector<16xi32> -> vector<16xf32>
      %mul3A_827 = arith.mulf %get3A_822, %gather3A_826 : vector<16xf32>
      %swap3A_828 = arith.index_cast %add3A_818 : i32 to index
      %swap3A_829 = arith.constant 0 : index
      %swap3A_830 = tpu.vector_load %arg11[%swap3A_828, %swap3A_829] {strides = array<i32>} : memref<832x16xf32, #tpu.memory_space<vmem>>, vector<1x16xf32>,
      %swap3A_831 = vector.shape_cast %swap3A_830 : vector<1x16xf32> to vector<16xf32>
      %swap3A_832 = vector.shape_cast %mul3A_827 : vector<16xf32> to vector<1x16xf32>
      tpu.vector_store %arg11[%swap3A_828, %swap3A_829], %swap3A_832 {strides = array<i32>} : memref<832x16xf32, #tpu.memory_space<vmem>>, vector<1x16xf32>,
      %mul3A_833 = arith.constant 16 : i32
      %mul3A_834 = arith.muli %scan3A_607, %mul3A_833 : i32
      %add3A_835 = arith.constant 128 : i32
      %add3A_836 = arith.addi %add3A_835, %mul3A_834 : i32
      %add3A_837 = arith.constant 11 : i32
      %add3A_838 = arith.addi %add3A_836, %add3A_837 : i32
      %get3A_839 = arith.index_cast %add3A_838 : i32 to index
      %get3A_840 = arith.constant 0 : index
      %get3A_841 = tpu.vector_load %arg11[%get3A_839, %get3A_840] {strides = array<i32>} : memref<832x16xf32, #tpu.memory_space<vmem>>, vector<1x16xf32>,
      %get3A_842 = vector.shape_cast %get3A_841 : vector<1x16xf32> to vector<16xf32>
      %broadcast_in_dim3A_843 = arith.constant 11 : i32
      %broadcast_in_dim3A_844 = vector.broadcast %broadcast_in_dim3A_843 : i32 to vector<16x1xi32>
      %gather3A_845 = vector.shape_cast %broadcast_in_dim3A_844 : vector<16x1xi32> to vector<16xi32>
      %gather3A_846 = tpu.dynamic_gather %get3A_614[%gather3A_845] in [0] : vector<16xf32>, vector<16xi32> -> vector<16xf32>
      %mul3A_847 = arith.mulf %get3A_842, %gather3A_846 : vector<16xf32>
      %swap3A_848 = arith.index_cast %add3A_838 : i32 to index
      %swap3A_849 = arith.constant 0 : index
      %swap3A_850 = tpu.vector_load %arg11[%swap3A_848, %swap3A_849] {strides = array<i32>} : memref<832x16xf32, #tpu.memory_space<vmem>>, vector<1x16xf32>,
      %swap3A_851 = vector.shape_cast %swap3A_850 : vector<1x16xf32> to vector<16xf32>
      %swap3A_852 = vector.shape_cast %mul3A_847 : vector<16xf32> to vector<1x16xf32>
      tpu.vector_store %arg11[%swap3A_848, %swap3A_849], %swap3A_852 {strides = array<i32>} : memref<832x16xf32, #tpu.memory_space<vmem>>, vector<1x16xf32>,
      %mul3A_853 = arith.constant 16 : i32
      %mul3A_854 = arith.muli %scan3A_607, %mul3A_853 : i32
      %add3A_855 = arith.constant 128 : i32
      %add3A_856 = arith.addi %add3A_855, %mul3A_854 : i32
      %add3A_857 = arith.constant 12 : i32
      %add3A_858 = arith.addi %add3A_856, %add3A_857 : i32
      %get3A_859 = arith.index_cast %add3A_858 : i32 to index
      %get3A_860 = arith.constant 0 : index
      %get3A_861 = tpu.vector_load %arg11[%get3A_859, %get3A_860] {strides = array<i32>} : memref<832x16xf32, #tpu.memory_space<vmem>>, vector<1x16xf32>,
      %get3A_862 = vector.shape_cast %get3A_861 : vector<1x16xf32> to vector<16xf32>
      %broadcast_in_dim3A_863 = arith.constant 12 : i32
      %broadcast_in_dim3A_864 = vector.broadcast %broadcast_in_dim3A_863 : i32 to vector<16x1xi32>
      %gather3A_865 = vector.shape_cast %broadcast_in_dim3A_864 : vector<16x1xi32> to vector<16xi32>
      %gather3A_866 = tpu.dynamic_gather %get3A_614[%gather3A_865] in [0] : vector<16xf32>, vector<16xi32> -> vector<16xf32>
      %mul3A_867 = arith.mulf %get3A_862, %gather3A_866 : vector<16xf32>
      %swap3A_868 = arith.index_cast %add3A_858 : i32 to index
      %swap3A_869 = arith.constant 0 : index
      %swap3A_870 = tpu.vector_load %arg11[%swap3A_868, %swap3A_869] {strides = array<i32>} : memref<832x16xf32, #tpu.memory_space<vmem>>, vector<1x16xf32>,
      %swap3A_871 = vector.shape_cast %swap3A_870 : vector<1x16xf32> to vector<16xf32>
      %swap3A_872 = vector.shape_cast %mul3A_867 : vector<16xf32> to vector<1x16xf32>
      tpu.vector_store %arg11[%swap3A_868, %swap3A_869], %swap3A_872 {strides = array<i32>} : memref<832x16xf32, #tpu.memory_space<vmem>>, vector<1x16xf32>,
      %mul3A_873 = arith.constant 16 : i32
      %mul3A_874 = arith.muli %scan3A_607, %mul3A_873 : i32
      %add3A_875 = arith.constant 128 : i32
      %add3A_876 = arith.addi %add3A_875, %mul3A_874 : i32
      %add3A_877 = arith.constant 13 : i32
      %add3A_878 = arith.addi %add3A_876, %add3A_877 : i32
      %get3A_879 = arith.index_cast %add3A_878 : i32 to index
      %get3A_880 = arith.constant 0 : index
      %get3A_881 = tpu.vector_load %arg11[%get3A_879, %get3A_880] {strides = array<i32>} : memref<832x16xf32, #tpu.memory_space<vmem>>, vector<1x16xf32>,
      %get3A_882 = vector.shape_cast %get3A_881 : vector<1x16xf32> to vector<16xf32>
      %broadcast_in_dim3A_883 = arith.constant 13 : i32
      %broadcast_in_dim3A_884 = vector.broadcast %broadcast_in_dim3A_883 : i32 to vector<16x1xi32>
      %gather3A_885 = vector.shape_cast %broadcast_in_dim3A_884 : vector<16x1xi32> to vector<16xi32>
      %gather3A_886 = tpu.dynamic_gather %get3A_614[%gather3A_885] in [0] : vector<16xf32>, vector<16xi32> -> vector<16xf32>
      %mul3A_887 = arith.mulf %get3A_882, %gather3A_886 : vector<16xf32>
      %swap3A_888 = arith.index_cast %add3A_878 : i32 to index
      %swap3A_889 = arith.constant 0 : index
      %swap3A_890 = tpu.vector_load %arg11[%swap3A_888, %swap3A_889] {strides = array<i32>} : memref<832x16xf32, #tpu.memory_space<vmem>>, vector<1x16xf32>,
      %swap3A_891 = vector.shape_cast %swap3A_890 : vector<1x16xf32> to vector<16xf32>
      %swap3A_892 = vector.shape_cast %mul3A_887 : vector<16xf32> to vector<1x16xf32>
      tpu.vector_store %arg11[%swap3A_888, %swap3A_889], %swap3A_892 {strides = array<i32>} : memref<832x16xf32, #tpu.memory_space<vmem>>, vector<1x16xf32>,
      %mul3A_893 = arith.constant 16 : i32
      %mul3A_894 = arith.muli %scan3A_607, %mul3A_893 : i32
      %add3A_895 = arith.constant 128 : i32
      %add3A_896 = arith.addi %add3A_895, %mul3A_894 : i32
      %add3A_897 = arith.constant 14 : i32
      %add3A_898 = arith.addi %add3A_896, %add3A_897 : i32
      %get3A_899 = arith.index_cast %add3A_898 : i32 to index
      %get3A_900 = arith.constant 0 : index
      %get3A_901 = tpu.vector_load %arg11[%get3A_899, %get3A_900] {strides = array<i32>} : memref<832x16xf32, #tpu.memory_space<vmem>>, vector<1x16xf32>,
      %get3A_902 = vector.shape_cast %get3A_901 : vector<1x16xf32> to vector<16xf32>
      %broadcast_in_dim3A_903 = arith.constant 14 : i32
      %broadcast_in_dim3A_904 = vector.broadcast %broadcast_in_dim3A_903 : i32 to vector<16x1xi32>
      %gather3A_905 = vector.shape_cast %broadcast_in_dim3A_904 : vector<16x1xi32> to vector<16xi32>
      %gather3A_906 = tpu.dynamic_gather %get3A_614[%gather3A_905] in [0] : vector<16xf32>, vector<16xi32> -> vector<16xf32>
      %mul3A_907 = arith.mulf %get3A_902, %gather3A_906 : vector<16xf32>
      %swap3A_908 = arith.index_cast %add3A_898 : i32 to index
      %swap3A_909 = arith.constant 0 : index
      %swap3A_910 = tpu.vector_load %arg11[%swap3A_908, %swap3A_909] {strides = array<i32>} : memref<832x16xf32, #tpu.memory_space<vmem>>, vector<1x16xf32>,
      %swap3A_911 = vector.shape_cast %swap3A_910 : vector<1x16xf32> to vector<16xf32>
      %swap3A_912 = vector.shape_cast %mul3A_907 : vector<16xf32> to vector<1x16xf32>
      tpu.vector_store %arg11[%swap3A_908, %swap3A_909], %swap3A_912 {strides = array<i32>} : memref<832x16xf32, #tpu.memory_space<vmem>>, vector<1x16xf32>,
      %mul3A_913 = arith.constant 16 : i32
      %mul3A_914 = arith.muli %scan3A_607, %mul3A_913 : i32
      %add3A_915 = arith.constant 128 : i32
      %add3A_916 = arith.addi %add3A_915, %mul3A_914 : i32
      %add3A_917 = arith.constant 15 : i32
      %add3A_918 = arith.addi %add3A_916, %add3A_917 : i32
      %get3A_919 = arith.index_cast %add3A_918 : i32 to index
      %get3A_920 = arith.constant 0 : index
      %get3A_921 = tpu.vector_load %arg11[%get3A_919, %get3A_920] {strides = array<i32>} : memref<832x16xf32, #tpu.memory_space<vmem>>, vector<1x16xf32>,
      %get3A_922 = vector.shape_cast %get3A_921 : vector<1x16xf32> to vector<16xf32>
      %broadcast_in_dim3A_923 = arith.constant 15 : i32
      %broadcast_in_dim3A_924 = vector.broadcast %broadcast_in_dim3A_923 : i32 to vector<16x1xi32>
      %gather3A_925 = vector.shape_cast %broadcast_in_dim3A_924 : vector<16x1xi32> to vector<16xi32>
      %gather3A_926 = tpu.dynamic_gather %get3A_614[%gather3A_925] in [0] : vector<16xf32>, vector<16xi32> -> vector<16xf32>
      %mul3A_927 = arith.mulf %get3A_922, %gather3A_926 : vector<16xf32>
      %swap3A_928 = arith.index_cast %add3A_918 : i32 to index
      %swap3A_929 = arith.constant 0 : index
      %swap3A_930 = tpu.vector_load %arg11[%swap3A_928, %swap3A_929] {strides = array<i32>} : memref<832x16xf32, #tpu.memory_space<vmem>>, vector<1x16xf32>,
      %swap3A_931 = vector.shape_cast %swap3A_930 : vector<1x16xf32> to vector<16xf32>
      %swap3A_932 = vector.shape_cast %mul3A_927 : vector<16xf32> to vector<1x16xf32>
      tpu.vector_store %arg11[%swap3A_928, %swap3A_929], %swap3A_932 {strides = array<i32>} : memref<832x16xf32, #tpu.memory_space<vmem>>, vector<1x16xf32>,
    }
    %scan3A_221 = arith.constant 4 : i32
    %dma_start3A_222 = arith.constant 2 : i32
    %dma_start3A_223 = arith.constant 128 : i32
    %dma_start3A_224 = arith.constant 0 : i32
    %dma_start3A_225 = tpu.memref_slice %arg11[%dma_start3A_223, %dma_start3A_224] : memref<832x16xf32, #tpu.memory_space<vmem>> -> memref<64x16xf32, #tpu.memory_space<vmem>>
    %dma_start3A_226 = arith.constant 0 : i32
    %dma_start3A_227 = tpu.memref_slice %arg10[%dma_start3A_222, %dma_start3A_226] : memref<13x64xi32, #tpu.memory_space<vmem>> -> memref<1x64xi32, #tpu.memory_space<vmem>>
    %dma_start3A_228 = tpu.memref_squeeze %dma_start3A_227 : memref<1x64xi32, #tpu.memory_space<vmem>> -> memref<64xi32, #tpu.memory_space<vmem>>
    %dma_start3A_229 = arith.constant 0 : i32
    %dma_start3A_230 = arith.constant 0 : i32
    %dma_start3A_231 = tpu.memref_slice %arg14[%dma_start3A_229, %dma_start3A_230] : memref<2816x16xf32, #tpu.memory_space<vmem_shared>> -> memref<2816x16xf32, #tpu.memory_space<vmem_shared>>
    tpu.enqueue_indirect_dma source(%dma_start3A_225 : memref<64x16xf32, #tpu.memory_space<vmem>>) target(%dma_start3A_231 : memref<2816x16xf32, #tpu.memory_space<vmem_shared>>) offsets(%dma_start3A_228 : memref<64xi32, #tpu.memory_space<vmem>>) semaphore(%arg18 : memref<!tpu.dma_semaphore, #tpu.memory_space<semaphore_mem>>) {add = true}
    %dma_wait3A_232 = arith.constant 192 : i32
    %dma_wait3A_233 = arith.constant 0 : i32
    %dma_wait3A_234 = tpu.memref_slice %arg11[%dma_wait3A_232, %dma_wait3A_233] : memref<832x16xf32, #tpu.memory_space<vmem>> -> memref<64x16xf32, #tpu.memory_space<vmem>>
    %dma_wait3A_235 = arith.constant 192 : i32
    %dma_wait3A_236 = tpu.memref_slice %arg7[%dma_wait3A_235] : memref<832xi32, #tpu.memory_space<vmem>> -> memref<64xi32, #tpu.memory_space<vmem>>
    %dma_wait3A_237 = arith.constant 0 : i32
    %dma_wait3A_238 = arith.constant 0 : i32
    %dma_wait3A_239 = tpu.memref_slice %arg15[%dma_wait3A_237, %dma_wait3A_238] : memref<2816x16xf32, #tpu.memory_space<vmem_shared>> -> memref<2816x16xf32, #tpu.memory_space<vmem_shared>>
    tpu.wait_indirect_dma semaphore(%arg17 : memref<!tpu.dma_semaphore, #tpu.memory_space<semaphore_mem>>) src(%dma_wait3A_239 : memref<2816x16xf32, #tpu.memory_space<vmem_shared>>) dst(%dma_wait3A_234 : memref<64x16xf32, #tpu.memory_space<vmem>>)
    %scan3A_240 = arith.constant 0 : i32
    %scan3A_241 = arith.constant 0 : i32
    %scan3A_242 = arith.constant 4 : i32
    %scan3A_243 = arith.addi %scan3A_241, %scan3A_242 : i32
    %scan3A_244 = arith.constant 1 : i32
    scf.for %scan3A_607 = %scan3A_241 to %scan3A_243 step %scan3A_244  : i32 {
      %mul3A_608 = arith.constant 16 : i32
      %mul3A_609 = arith.muli %scan3A_607, %mul3A_608 : i32
      %add3A_610 = arith.constant 192 : i32
      %add3A_611 = arith.addi %add3A_610, %mul3A_609 : i32
      %get3A_612 = arith.index_cast %add3A_611 : i32 to index
      %get3A_613 = tpu.vector_load %arg9[%get3A_612] {strides = array<i32>} : memref<832xf32, #tpu.memory_space<vmem>>, vector<16xf32>,
      %get3A_614 = vector.shape_cast %get3A_613 : vector<16xf32> to vector<16xf32>
      %mul3A_615 = arith.constant 16 : i32
      %mul3A_616 = arith.muli %scan3A_607, %mul3A_615 : i32
      %add3A_617 = arith.constant 192 : i32
      %add3A_618 = arith.addi %add3A_617, %mul3A_616 : i32
      %add3A_619 = arith.constant 0 : i32
      %add3A_620 = arith.addi %add3A_618, %add3A_619 : i32
      %get3A_621 = arith.index_cast %add3A_620 : i32 to index
      %get3A_622 = arith.constant 0 : index
      %get3A_623 = tpu.vector_load %arg11[%get3A_621, %get3A_622] {strides = array<i32>} : memref<832x16xf32, #tpu.memory_space<vmem>>, vector<1x16xf32>,
      %get3A_624 = vector.shape_cast %get3A_623 : vector<1x16xf32> to vector<16xf32>
      %broadcast_in_dim3A_625 = arith.constant 0 : i32
      %broadcast_in_dim3A_626 = vector.broadcast %broadcast_in_dim3A_625 : i32 to vector<16x1xi32>
      %gather3A = vector.shape_cast %broadcast_in_dim3A_626 : vector<16x1xi32> to vector<16xi32>
      %gather3A_627 = tpu.dynamic_gather %get3A_614[%gather3A] in [0] : vector<16xf32>, vector<16xi32> -> vector<16xf32>
      %mul3A_628 = arith.mulf %get3A_624, %gather3A_627 : vector<16xf32>
      %swap3A = arith.index_cast %add3A_620 : i32 to index
      %swap3A_629 = arith.constant 0 : index
      %swap3A_630 = tpu.vector_load %arg11[%swap3A, %swap3A_629] {strides = array<i32>} : memref<832x16xf32, #tpu.memory_space<vmem>>, vector<1x16xf32>,
      %swap3A_631 = vector.shape_cast %swap3A_630 : vector<1x16xf32> to vector<16xf32>
      %swap3A_632 = vector.shape_cast %mul3A_628 : vector<16xf32> to vector<1x16xf32>
      tpu.vector_store %arg11[%swap3A, %swap3A_629], %swap3A_632 {strides = array<i32>} : memref<832x16xf32, #tpu.memory_space<vmem>>, vector<1x16xf32>,
      %mul3A_633 = arith.constant 16 : i32
      %mul3A_634 = arith.muli %scan3A_607, %mul3A_633 : i32
      %add3A_635 = arith.constant 192 : i32
      %add3A_636 = arith.addi %add3A_635, %mul3A_634 : i32
      %add3A_637 = arith.constant 1 : i32
      %add3A_638 = arith.addi %add3A_636, %add3A_637 : i32
      %get3A_639 = arith.index_cast %add3A_638 : i32 to index
      %get3A_640 = arith.constant 0 : index
      %get3A_641 = tpu.vector_load %arg11[%get3A_639, %get3A_640] {strides = array<i32>} : memref<832x16xf32, #tpu.memory_space<vmem>>, vector<1x16xf32>,
      %get3A_642 = vector.shape_cast %get3A_641 : vector<1x16xf32> to vector<16xf32>
      %broadcast_in_dim3A_643 = arith.constant 1 : i32
      %broadcast_in_dim3A_644 = vector.broadcast %broadcast_in_dim3A_643 : i32 to vector<16x1xi32>
      %gather3A_645 = vector.shape_cast %broadcast_in_dim3A_644 : vector<16x1xi32> to vector<16xi32>
      %gather3A_646 = tpu.dynamic_gather %get3A_614[%gather3A_645] in [0] : vector<16xf32>, vector<16xi32> -> vector<16xf32>
      %mul3A_647 = arith.mulf %get3A_642, %gather3A_646 : vector<16xf32>
      %swap3A_648 = arith.index_cast %add3A_638 : i32 to index
      %swap3A_649 = arith.constant 0 : index
      %swap3A_650 = tpu.vector_load %arg11[%swap3A_648, %swap3A_649] {strides = array<i32>} : memref<832x16xf32, #tpu.memory_space<vmem>>, vector<1x16xf32>,
      %swap3A_651 = vector.shape_cast %swap3A_650 : vector<1x16xf32> to vector<16xf32>
      %swap3A_652 = vector.shape_cast %mul3A_647 : vector<16xf32> to vector<1x16xf32>
      tpu.vector_store %arg11[%swap3A_648, %swap3A_649], %swap3A_652 {strides = array<i32>} : memref<832x16xf32, #tpu.memory_space<vmem>>, vector<1x16xf32>,
      %mul3A_653 = arith.constant 16 : i32
      %mul3A_654 = arith.muli %scan3A_607, %mul3A_653 : i32
      %add3A_655 = arith.constant 192 : i32
      %add3A_656 = arith.addi %add3A_655, %mul3A_654 : i32
      %add3A_657 = arith.constant 2 : i32
      %add3A_658 = arith.addi %add3A_656, %add3A_657 : i32
      %get3A_659 = arith.index_cast %add3A_658 : i32 to index
      %get3A_660 = arith.constant 0 : index
      %get3A_661 = tpu.vector_load %arg11[%get3A_659, %get3A_660] {strides = array<i32>} : memref<832x16xf32, #tpu.memory_space<vmem>>, vector<1x16xf32>,
      %get3A_662 = vector.shape_cast %get3A_661 : vector<1x16xf32> to vector<16xf32>
      %broadcast_in_dim3A_663 = arith.constant 2 : i32
      %broadcast_in_dim3A_664 = vector.broadcast %broadcast_in_dim3A_663 : i32 to vector<16x1xi32>
      %gather3A_665 = vector.shape_cast %broadcast_in_dim3A_664 : vector<16x1xi32> to vector<16xi32>
      %gather3A_666 = tpu.dynamic_gather %get3A_614[%gather3A_665] in [0] : vector<16xf32>, vector<16xi32> -> vector<16xf32>
      %mul3A_667 = arith.mulf %get3A_662, %gather3A_666 : vector<16xf32>
      %swap3A_668 = arith.index_cast %add3A_658 : i32 to index
      %swap3A_669 = arith.constant 0 : index
      %swap3A_670 = tpu.vector_load %arg11[%swap3A_668, %swap3A_669] {strides = array<i32>} : memref<832x16xf32, #tpu.memory_space<vmem>>, vector<1x16xf32>,
      %swap3A_671 = vector.shape_cast %swap3A_670 : vector<1x16xf32> to vector<16xf32>
      %swap3A_672 = vector.shape_cast %mul3A_667 : vector<16xf32> to vector<1x16xf32>
      tpu.vector_store %arg11[%swap3A_668, %swap3A_669], %swap3A_672 {strides = array<i32>} : memref<832x16xf32, #tpu.memory_space<vmem>>, vector<1x16xf32>,
      %mul3A_673 = arith.constant 16 : i32
      %mul3A_674 = arith.muli %scan3A_607, %mul3A_673 : i32
      %add3A_675 = arith.constant 192 : i32
      %add3A_676 = arith.addi %add3A_675, %mul3A_674 : i32
      %add3A_677 = arith.constant 3 : i32
      %add3A_678 = arith.addi %add3A_676, %add3A_677 : i32
      %get3A_679 = arith.index_cast %add3A_678 : i32 to index
      %get3A_680 = arith.constant 0 : index
      %get3A_681 = tpu.vector_load %arg11[%get3A_679, %get3A_680] {strides = array<i32>} : memref<832x16xf32, #tpu.memory_space<vmem>>, vector<1x16xf32>,
      %get3A_682 = vector.shape_cast %get3A_681 : vector<1x16xf32> to vector<16xf32>
      %broadcast_in_dim3A_683 = arith.constant 3 : i32
      %broadcast_in_dim3A_684 = vector.broadcast %broadcast_in_dim3A_683 : i32 to vector<16x1xi32>
      %gather3A_685 = vector.shape_cast %broadcast_in_dim3A_684 : vector<16x1xi32> to vector<16xi32>
      %gather3A_686 = tpu.dynamic_gather %get3A_614[%gather3A_685] in [0] : vector<16xf32>, vector<16xi32> -> vector<16xf32>
      %mul3A_687 = arith.mulf %get3A_682, %gather3A_686 : vector<16xf32>
      %swap3A_688 = arith.index_cast %add3A_678 : i32 to index
      %swap3A_689 = arith.constant 0 : index
      %swap3A_690 = tpu.vector_load %arg11[%swap3A_688, %swap3A_689] {strides = array<i32>} : memref<832x16xf32, #tpu.memory_space<vmem>>, vector<1x16xf32>,
      %swap3A_691 = vector.shape_cast %swap3A_690 : vector<1x16xf32> to vector<16xf32>
      %swap3A_692 = vector.shape_cast %mul3A_687 : vector<16xf32> to vector<1x16xf32>
      tpu.vector_store %arg11[%swap3A_688, %swap3A_689], %swap3A_692 {strides = array<i32>} : memref<832x16xf32, #tpu.memory_space<vmem>>, vector<1x16xf32>,
      %mul3A_693 = arith.constant 16 : i32
      %mul3A_694 = arith.muli %scan3A_607, %mul3A_693 : i32
      %add3A_695 = arith.constant 192 : i32
      %add3A_696 = arith.addi %add3A_695, %mul3A_694 : i32
      %add3A_697 = arith.constant 4 : i32
      %add3A_698 = arith.addi %add3A_696, %add3A_697 : i32
      %get3A_699 = arith.index_cast %add3A_698 : i32 to index
      %get3A_700 = arith.constant 0 : index
      %get3A_701 = tpu.vector_load %arg11[%get3A_699, %get3A_700] {strides = array<i32>} : memref<832x16xf32, #tpu.memory_space<vmem>>, vector<1x16xf32>,
      %get3A_702 = vector.shape_cast %get3A_701 : vector<1x16xf32> to vector<16xf32>
      %broadcast_in_dim3A_703 = arith.constant 4 : i32
      %broadcast_in_dim3A_704 = vector.broadcast %broadcast_in_dim3A_703 : i32 to vector<16x1xi32>
      %gather3A_705 = vector.shape_cast %broadcast_in_dim3A_704 : vector<16x1xi32> to vector<16xi32>
      %gather3A_706 = tpu.dynamic_gather %get3A_614[%gather3A_705] in [0] : vector<16xf32>, vector<16xi32> -> vector<16xf32>
      %mul3A_707 = arith.mulf %get3A_702, %gather3A_706 : vector<16xf32>
      %swap3A_708 = arith.index_cast %add3A_698 : i32 to index
      %swap3A_709 = arith.constant 0 : index
      %swap3A_710 = tpu.vector_load %arg11[%swap3A_708, %swap3A_709] {strides = array<i32>} : memref<832x16xf32, #tpu.memory_space<vmem>>, vector<1x16xf32>,
      %swap3A_711 = vector.shape_cast %swap3A_710 : vector<1x16xf32> to vector<16xf32>
      %swap3A_712 = vector.shape_cast %mul3A_707 : vector<16xf32> to vector<1x16xf32>
      tpu.vector_store %arg11[%swap3A_708, %swap3A_709], %swap3A_712 {strides = array<i32>} : memref<832x16xf32, #tpu.memory_space<vmem>>, vector<1x16xf32>,
      %mul3A_713 = arith.constant 16 : i32
      %mul3A_714 = arith.muli %scan3A_607, %mul3A_713 : i32
      %add3A_715 = arith.constant 192 : i32
      %add3A_716 = arith.addi %add3A_715, %mul3A_714 : i32
      %add3A_717 = arith.constant 5 : i32
      %add3A_718 = arith.addi %add3A_716, %add3A_717 : i32
      %get3A_719 = arith.index_cast %add3A_718 : i32 to index
      %get3A_720 = arith.constant 0 : index
      %get3A_721 = tpu.vector_load %arg11[%get3A_719, %get3A_720] {strides = array<i32>} : memref<832x16xf32, #tpu.memory_space<vmem>>, vector<1x16xf32>,
      %get3A_722 = vector.shape_cast %get3A_721 : vector<1x16xf32> to vector<16xf32>
      %broadcast_in_dim3A_723 = arith.constant 5 : i32
      %broadcast_in_dim3A_724 = vector.broadcast %broadcast_in_dim3A_723 : i32 to vector<16x1xi32>
      %gather3A_725 = vector.shape_cast %broadcast_in_dim3A_724 : vector<16x1xi32> to vector<16xi32>
      %gather3A_726 = tpu.dynamic_gather %get3A_614[%gather3A_725] in [0] : vector<16xf32>, vector<16xi32> -> vector<16xf32>
      %mul3A_727 = arith.mulf %get3A_722, %gather3A_726 : vector<16xf32>
      %swap3A_728 = arith.index_cast %add3A_718 : i32 to index
      %swap3A_729 = arith.constant 0 : index
      %swap3A_730 = tpu.vector_load %arg11[%swap3A_728, %swap3A_729] {strides = array<i32>} : memref<832x16xf32, #tpu.memory_space<vmem>>, vector<1x16xf32>,
      %swap3A_731 = vector.shape_cast %swap3A_730 : vector<1x16xf32> to vector<16xf32>
      %swap3A_732 = vector.shape_cast %mul3A_727 : vector<16xf32> to vector<1x16xf32>
      tpu.vector_store %arg11[%swap3A_728, %swap3A_729], %swap3A_732 {strides = array<i32>} : memref<832x16xf32, #tpu.memory_space<vmem>>, vector<1x16xf32>,
      %mul3A_733 = arith.constant 16 : i32
      %mul3A_734 = arith.muli %scan3A_607, %mul3A_733 : i32
      %add3A_735 = arith.constant 192 : i32
      %add3A_736 = arith.addi %add3A_735, %mul3A_734 : i32
      %add3A_737 = arith.constant 6 : i32
      %add3A_738 = arith.addi %add3A_736, %add3A_737 : i32
      %get3A_739 = arith.index_cast %add3A_738 : i32 to index
      %get3A_740 = arith.constant 0 : index
      %get3A_741 = tpu.vector_load %arg11[%get3A_739, %get3A_740] {strides = array<i32>} : memref<832x16xf32, #tpu.memory_space<vmem>>, vector<1x16xf32>,
      %get3A_742 = vector.shape_cast %get3A_741 : vector<1x16xf32> to vector<16xf32>
      %broadcast_in_dim3A_743 = arith.constant 6 : i32
      %broadcast_in_dim3A_744 = vector.broadcast %broadcast_in_dim3A_743 : i32 to vector<16x1xi32>
      %gather3A_745 = vector.shape_cast %broadcast_in_dim3A_744 : vector<16x1xi32> to vector<16xi32>
      %gather3A_746 = tpu.dynamic_gather %get3A_614[%gather3A_745] in [0] : vector<16xf32>, vector<16xi32> -> vector<16xf32>
      %mul3A_747 = arith.mulf %get3A_742, %gather3A_746 : vector<16xf32>
      %swap3A_748 = arith.index_cast %add3A_738 : i32 to index
      %swap3A_749 = arith.constant 0 : index
      %swap3A_750 = tpu.vector_load %arg11[%swap3A_748, %swap3A_749] {strides = array<i32>} : memref<832x16xf32, #tpu.memory_space<vmem>>, vector<1x16xf32>,
      %swap3A_751 = vector.shape_cast %swap3A_750 : vector<1x16xf32> to vector<16xf32>
      %swap3A_752 = vector.shape_cast %mul3A_747 : vector<16xf32> to vector<1x16xf32>
      tpu.vector_store %arg11[%swap3A_748, %swap3A_749], %swap3A_752 {strides = array<i32>} : memref<832x16xf32, #tpu.memory_space<vmem>>, vector<1x16xf32>,
      %mul3A_753 = arith.constant 16 : i32
      %mul3A_754 = arith.muli %scan3A_607, %mul3A_753 : i32
      %add3A_755 = arith.constant 192 : i32
      %add3A_756 = arith.addi %add3A_755, %mul3A_754 : i32
      %add3A_757 = arith.constant 7 : i32
      %add3A_758 = arith.addi %add3A_756, %add3A_757 : i32
      %get3A_759 = arith.index_cast %add3A_758 : i32 to index
      %get3A_760 = arith.constant 0 : index
      %get3A_761 = tpu.vector_load %arg11[%get3A_759, %get3A_760] {strides = array<i32>} : memref<832x16xf32, #tpu.memory_space<vmem>>, vector<1x16xf32>,
      %get3A_762 = vector.shape_cast %get3A_761 : vector<1x16xf32> to vector<16xf32>
      %broadcast_in_dim3A_763 = arith.constant 7 : i32
      %broadcast_in_dim3A_764 = vector.broadcast %broadcast_in_dim3A_763 : i32 to vector<16x1xi32>
      %gather3A_765 = vector.shape_cast %broadcast_in_dim3A_764 : vector<16x1xi32> to vector<16xi32>
      %gather3A_766 = tpu.dynamic_gather %get3A_614[%gather3A_765] in [0] : vector<16xf32>, vector<16xi32> -> vector<16xf32>
      %mul3A_767 = arith.mulf %get3A_762, %gather3A_766 : vector<16xf32>
      %swap3A_768 = arith.index_cast %add3A_758 : i32 to index
      %swap3A_769 = arith.constant 0 : index
      %swap3A_770 = tpu.vector_load %arg11[%swap3A_768, %swap3A_769] {strides = array<i32>} : memref<832x16xf32, #tpu.memory_space<vmem>>, vector<1x16xf32>,
      %swap3A_771 = vector.shape_cast %swap3A_770 : vector<1x16xf32> to vector<16xf32>
      %swap3A_772 = vector.shape_cast %mul3A_767 : vector<16xf32> to vector<1x16xf32>
      tpu.vector_store %arg11[%swap3A_768, %swap3A_769], %swap3A_772 {strides = array<i32>} : memref<832x16xf32, #tpu.memory_space<vmem>>, vector<1x16xf32>,
      %mul3A_773 = arith.constant 16 : i32
      %mul3A_774 = arith.muli %scan3A_607, %mul3A_773 : i32
      %add3A_775 = arith.constant 192 : i32
      %add3A_776 = arith.addi %add3A_775, %mul3A_774 : i32
      %add3A_777 = arith.constant 8 : i32
      %add3A_778 = arith.addi %add3A_776, %add3A_777 : i32
      %get3A_779 = arith.index_cast %add3A_778 : i32 to index
      %get3A_780 = arith.constant 0 : index
      %get3A_781 = tpu.vector_load %arg11[%get3A_779, %get3A_780] {strides = array<i32>} : memref<832x16xf32, #tpu.memory_space<vmem>>, vector<1x16xf32>,
      %get3A_782 = vector.shape_cast %get3A_781 : vector<1x16xf32> to vector<16xf32>
      %broadcast_in_dim3A_783 = arith.constant 8 : i32
      %broadcast_in_dim3A_784 = vector.broadcast %broadcast_in_dim3A_783 : i32 to vector<16x1xi32>
      %gather3A_785 = vector.shape_cast %broadcast_in_dim3A_784 : vector<16x1xi32> to vector<16xi32>
      %gather3A_786 = tpu.dynamic_gather %get3A_614[%gather3A_785] in [0] : vector<16xf32>, vector<16xi32> -> vector<16xf32>
      %mul3A_787 = arith.mulf %get3A_782, %gather3A_786 : vector<16xf32>
      %swap3A_788 = arith.index_cast %add3A_778 : i32 to index
      %swap3A_789 = arith.constant 0 : index
      %swap3A_790 = tpu.vector_load %arg11[%swap3A_788, %swap3A_789] {strides = array<i32>} : memref<832x16xf32, #tpu.memory_space<vmem>>, vector<1x16xf32>,
      %swap3A_791 = vector.shape_cast %swap3A_790 : vector<1x16xf32> to vector<16xf32>
      %swap3A_792 = vector.shape_cast %mul3A_787 : vector<16xf32> to vector<1x16xf32>
      tpu.vector_store %arg11[%swap3A_788, %swap3A_789], %swap3A_792 {strides = array<i32>} : memref<832x16xf32, #tpu.memory_space<vmem>>, vector<1x16xf32>,
      %mul3A_793 = arith.constant 16 : i32
      %mul3A_794 = arith.muli %scan3A_607, %mul3A_793 : i32
      %add3A_795 = arith.constant 192 : i32
      %add3A_796 = arith.addi %add3A_795, %mul3A_794 : i32
      %add3A_797 = arith.constant 9 : i32
      %add3A_798 = arith.addi %add3A_796, %add3A_797 : i32
      %get3A_799 = arith.index_cast %add3A_798 : i32 to index
      %get3A_800 = arith.constant 0 : index
      %get3A_801 = tpu.vector_load %arg11[%get3A_799, %get3A_800] {strides = array<i32>} : memref<832x16xf32, #tpu.memory_space<vmem>>, vector<1x16xf32>,
      %get3A_802 = vector.shape_cast %get3A_801 : vector<1x16xf32> to vector<16xf32>
      %broadcast_in_dim3A_803 = arith.constant 9 : i32
      %broadcast_in_dim3A_804 = vector.broadcast %broadcast_in_dim3A_803 : i32 to vector<16x1xi32>
      %gather3A_805 = vector.shape_cast %broadcast_in_dim3A_804 : vector<16x1xi32> to vector<16xi32>
      %gather3A_806 = tpu.dynamic_gather %get3A_614[%gather3A_805] in [0] : vector<16xf32>, vector<16xi32> -> vector<16xf32>
      %mul3A_807 = arith.mulf %get3A_802, %gather3A_806 : vector<16xf32>
      %swap3A_808 = arith.index_cast %add3A_798 : i32 to index
      %swap3A_809 = arith.constant 0 : index
      %swap3A_810 = tpu.vector_load %arg11[%swap3A_808, %swap3A_809] {strides = array<i32>} : memref<832x16xf32, #tpu.memory_space<vmem>>, vector<1x16xf32>,
      %swap3A_811 = vector.shape_cast %swap3A_810 : vector<1x16xf32> to vector<16xf32>
      %swap3A_812 = vector.shape_cast %mul3A_807 : vector<16xf32> to vector<1x16xf32>
      tpu.vector_store %arg11[%swap3A_808, %swap3A_809], %swap3A_812 {strides = array<i32>} : memref<832x16xf32, #tpu.memory_space<vmem>>, vector<1x16xf32>,
      %mul3A_813 = arith.constant 16 : i32
      %mul3A_814 = arith.muli %scan3A_607, %mul3A_813 : i32
      %add3A_815 = arith.constant 192 : i32
      %add3A_816 = arith.addi %add3A_815, %mul3A_814 : i32
      %add3A_817 = arith.constant 10 : i32
      %add3A_818 = arith.addi %add3A_816, %add3A_817 : i32
      %get3A_819 = arith.index_cast %add3A_818 : i32 to index
      %get3A_820 = arith.constant 0 : index
      %get3A_821 = tpu.vector_load %arg11[%get3A_819, %get3A_820] {strides = array<i32>} : memref<832x16xf32, #tpu.memory_space<vmem>>, vector<1x16xf32>,
      %get3A_822 = vector.shape_cast %get3A_821 : vector<1x16xf32> to vector<16xf32>
      %broadcast_in_dim3A_823 = arith.constant 10 : i32
      %broadcast_in_dim3A_824 = vector.broadcast %broadcast_in_dim3A_823 : i32 to vector<16x1xi32>
      %gather3A_825 = vector.shape_cast %broadcast_in_dim3A_824 : vector<16x1xi32> to vector<16xi32>
      %gather3A_826 = tpu.dynamic_gather %get3A_614[%gather3A_825] in [0] : vector<16xf32>, vector<16xi32> -> vector<16xf32>
      %mul3A_827 = arith.mulf %get3A_822, %gather3A_826 : vector<16xf32>
      %swap3A_828 = arith.index_cast %add3A_818 : i32 to index
      %swap3A_829 = arith.constant 0 : index
      %swap3A_830 = tpu.vector_load %arg11[%swap3A_828, %swap3A_829] {strides = array<i32>} : memref<832x16xf32, #tpu.memory_space<vmem>>, vector<1x16xf32>,
      %swap3A_831 = vector.shape_cast %swap3A_830 : vector<1x16xf32> to vector<16xf32>
      %swap3A_832 = vector.shape_cast %mul3A_827 : vector<16xf32> to vector<1x16xf32>
      tpu.vector_store %arg11[%swap3A_828, %swap3A_829], %swap3A_832 {strides = array<i32>} : memref<832x16xf32, #tpu.memory_space<vmem>>, vector<1x16xf32>,
      %mul3A_833 = arith.constant 16 : i32
      %mul3A_834 = arith.muli %scan3A_607, %mul3A_833 : i32
      %add3A_835 = arith.constant 192 : i32
      %add3A_836 = arith.addi %add3A_835, %mul3A_834 : i32
      %add3A_837 = arith.constant 11 : i32
      %add3A_838 = arith.addi %add3A_836, %add3A_837 : i32
      %get3A_839 = arith.index_cast %add3A_838 : i32 to index
      %get3A_840 = arith.constant 0 : index
      %get3A_841 = tpu.vector_load %arg11[%get3A_839, %get3A_840] {strides = array<i32>} : memref<832x16xf32, #tpu.memory_space<vmem>>, vector<1x16xf32>,
      %get3A_842 = vector.shape_cast %get3A_841 : vector<1x16xf32> to vector<16xf32>
      %broadcast_in_dim3A_843 = arith.constant 11 : i32
      %broadcast_in_dim3A_844 = vector.broadcast %broadcast_in_dim3A_843 : i32 to vector<16x1xi32>
      %gather3A_845 = vector.shape_cast %broadcast_in_dim3A_844 : vector<16x1xi32> to vector<16xi32>
      %gather3A_846 = tpu.dynamic_gather %get3A_614[%gather3A_845] in [0] : vector<16xf32>, vector<16xi32> -> vector<16xf32>
      %mul3A_847 = arith.mulf %get3A_842, %gather3A_846 : vector<16xf32>
      %swap3A_848 = arith.index_cast %add3A_838 : i32 to index
      %swap3A_849 = arith.constant 0 : index
      %swap3A_850 = tpu.vector_load %arg11[%swap3A_848, %swap3A_849] {strides = array<i32>} : memref<832x16xf32, #tpu.memory_space<vmem>>, vector<1x16xf32>,
      %swap3A_851 = vector.shape_cast %swap3A_850 : vector<1x16xf32> to vector<16xf32>
      %swap3A_852 = vector.shape_cast %mul3A_847 : vector<16xf32> to vector<1x16xf32>
      tpu.vector_store %arg11[%swap3A_848, %swap3A_849], %swap3A_852 {strides = array<i32>} : memref<832x16xf32, #tpu.memory_space<vmem>>, vector<1x16xf32>,
      %mul3A_853 = arith.constant 16 : i32
      %mul3A_854 = arith.muli %scan3A_607, %mul3A_853 : i32
      %add3A_855 = arith.constant 192 : i32
      %add3A_856 = arith.addi %add3A_855, %mul3A_854 : i32
      %add3A_857 = arith.constant 12 : i32
      %add3A_858 = arith.addi %add3A_856, %add3A_857 : i32
      %get3A_859 = arith.index_cast %add3A_858 : i32 to index
      %get3A_860 = arith.constant 0 : index
      %get3A_861 = tpu.vector_load %arg11[%get3A_859, %get3A_860] {strides = array<i32>} : memref<832x16xf32, #tpu.memory_space<vmem>>, vector<1x16xf32>,
      %get3A_862 = vector.shape_cast %get3A_861 : vector<1x16xf32> to vector<16xf32>
      %broadcast_in_dim3A_863 = arith.constant 12 : i32
      %broadcast_in_dim3A_864 = vector.broadcast %broadcast_in_dim3A_863 : i32 to vector<16x1xi32>
      %gather3A_865 = vector.shape_cast %broadcast_in_dim3A_864 : vector<16x1xi32> to vector<16xi32>
      %gather3A_866 = tpu.dynamic_gather %get3A_614[%gather3A_865] in [0] : vector<16xf32>, vector<16xi32> -> vector<16xf32>
      %mul3A_867 = arith.mulf %get3A_862, %gather3A_866 : vector<16xf32>
      %swap3A_868 = arith.index_cast %add3A_858 : i32 to index
      %swap3A_869 = arith.constant 0 : index
      %swap3A_870 = tpu.vector_load %arg11[%swap3A_868, %swap3A_869] {strides = array<i32>} : memref<832x16xf32, #tpu.memory_space<vmem>>, vector<1x16xf32>,
      %swap3A_871 = vector.shape_cast %swap3A_870 : vector<1x16xf32> to vector<16xf32>
      %swap3A_872 = vector.shape_cast %mul3A_867 : vector<16xf32> to vector<1x16xf32>
      tpu.vector_store %arg11[%swap3A_868, %swap3A_869], %swap3A_872 {strides = array<i32>} : memref<832x16xf32, #tpu.memory_space<vmem>>, vector<1x16xf32>,
      %mul3A_873 = arith.constant 16 : i32
      %mul3A_874 = arith.muli %scan3A_607, %mul3A_873 : i32
      %add3A_875 = arith.constant 192 : i32
      %add3A_876 = arith.addi %add3A_875, %mul3A_874 : i32
      %add3A_877 = arith.constant 13 : i32
      %add3A_878 = arith.addi %add3A_876, %add3A_877 : i32
      %get3A_879 = arith.index_cast %add3A_878 : i32 to index
      %get3A_880 = arith.constant 0 : index
      %get3A_881 = tpu.vector_load %arg11[%get3A_879, %get3A_880] {strides = array<i32>} : memref<832x16xf32, #tpu.memory_space<vmem>>, vector<1x16xf32>,
      %get3A_882 = vector.shape_cast %get3A_881 : vector<1x16xf32> to vector<16xf32>
      %broadcast_in_dim3A_883 = arith.constant 13 : i32
      %broadcast_in_dim3A_884 = vector.broadcast %broadcast_in_dim3A_883 : i32 to vector<16x1xi32>
      %gather3A_885 = vector.shape_cast %broadcast_in_dim3A_884 : vector<16x1xi32> to vector<16xi32>
      %gather3A_886 = tpu.dynamic_gather %get3A_614[%gather3A_885] in [0] : vector<16xf32>, vector<16xi32> -> vector<16xf32>
      %mul3A_887 = arith.mulf %get3A_882, %gather3A_886 : vector<16xf32>
      %swap3A_888 = arith.index_cast %add3A_878 : i32 to index
      %swap3A_889 = arith.constant 0 : index
      %swap3A_890 = tpu.vector_load %arg11[%swap3A_888, %swap3A_889] {strides = array<i32>} : memref<832x16xf32, #tpu.memory_space<vmem>>, vector<1x16xf32>,
      %swap3A_891 = vector.shape_cast %swap3A_890 : vector<1x16xf32> to vector<16xf32>
      %swap3A_892 = vector.shape_cast %mul3A_887 : vector<16xf32> to vector<1x16xf32>
      tpu.vector_store %arg11[%swap3A_888, %swap3A_889], %swap3A_892 {strides = array<i32>} : memref<832x16xf32, #tpu.memory_space<vmem>>, vector<1x16xf32>,
      %mul3A_893 = arith.constant 16 : i32
      %mul3A_894 = arith.muli %scan3A_607, %mul3A_893 : i32
      %add3A_895 = arith.constant 192 : i32
      %add3A_896 = arith.addi %add3A_895, %mul3A_894 : i32
      %add3A_897 = arith.constant 14 : i32
      %add3A_898 = arith.addi %add3A_896, %add3A_897 : i32
      %get3A_899 = arith.index_cast %add3A_898 : i32 to index
      %get3A_900 = arith.constant 0 : index
      %get3A_901 = tpu.vector_load %arg11[%get3A_899, %get3A_900] {strides = array<i32>} : memref<832x16xf32, #tpu.memory_space<vmem>>, vector<1x16xf32>,
      %get3A_902 = vector.shape_cast %get3A_901 : vector<1x16xf32> to vector<16xf32>
      %broadcast_in_dim3A_903 = arith.constant 14 : i32
      %broadcast_in_dim3A_904 = vector.broadcast %broadcast_in_dim3A_903 : i32 to vector<16x1xi32>
      %gather3A_905 = vector.shape_cast %broadcast_in_dim3A_904 : vector<16x1xi32> to vector<16xi32>
      %gather3A_906 = tpu.dynamic_gather %get3A_614[%gather3A_905] in [0] : vector<16xf32>, vector<16xi32> -> vector<16xf32>
      %mul3A_907 = arith.mulf %get3A_902, %gather3A_906 : vector<16xf32>
      %swap3A_908 = arith.index_cast %add3A_898 : i32 to index
      %swap3A_909 = arith.constant 0 : index
      %swap3A_910 = tpu.vector_load %arg11[%swap3A_908, %swap3A_909] {strides = array<i32>} : memref<832x16xf32, #tpu.memory_space<vmem>>, vector<1x16xf32>,
      %swap3A_911 = vector.shape_cast %swap3A_910 : vector<1x16xf32> to vector<16xf32>
      %swap3A_912 = vector.shape_cast %mul3A_907 : vector<16xf32> to vector<1x16xf32>
      tpu.vector_store %arg11[%swap3A_908, %swap3A_909], %swap3A_912 {strides = array<i32>} : memref<832x16xf32, #tpu.memory_space<vmem>>, vector<1x16xf32>,
      %mul3A_913 = arith.constant 16 : i32
      %mul3A_914 = arith.muli %scan3A_607, %mul3A_913 : i32
      %add3A_915 = arith.constant 192 : i32
      %add3A_916 = arith.addi %add3A_915, %mul3A_914 : i32
      %add3A_917 = arith.constant 15 : i32
      %add3A_918 = arith.addi %add3A_916, %add3A_917 : i32
      %get3A_919 = arith.index_cast %add3A_918 : i32 to index
      %get3A_920 = arith.constant 0 : index
      %get3A_921 = tpu.vector_load %arg11[%get3A_919, %get3A_920] {strides = array<i32>} : memref<832x16xf32, #tpu.memory_space<vmem>>, vector<1x16xf32>,
      %get3A_922 = vector.shape_cast %get3A_921 : vector<1x16xf32> to vector<16xf32>
      %broadcast_in_dim3A_923 = arith.constant 15 : i32
      %broadcast_in_dim3A_924 = vector.broadcast %broadcast_in_dim3A_923 : i32 to vector<16x1xi32>
      %gather3A_925 = vector.shape_cast %broadcast_in_dim3A_924 : vector<16x1xi32> to vector<16xi32>
      %gather3A_926 = tpu.dynamic_gather %get3A_614[%gather3A_925] in [0] : vector<16xf32>, vector<16xi32> -> vector<16xf32>
      %mul3A_927 = arith.mulf %get3A_922, %gather3A_926 : vector<16xf32>
      %swap3A_928 = arith.index_cast %add3A_918 : i32 to index
      %swap3A_929 = arith.constant 0 : index
      %swap3A_930 = tpu.vector_load %arg11[%swap3A_928, %swap3A_929] {strides = array<i32>} : memref<832x16xf32, #tpu.memory_space<vmem>>, vector<1x16xf32>,
      %swap3A_931 = vector.shape_cast %swap3A_930 : vector<1x16xf32> to vector<16xf32>
      %swap3A_932 = vector.shape_cast %mul3A_927 : vector<16xf32> to vector<1x16xf32>
      tpu.vector_store %arg11[%swap3A_928, %swap3A_929], %swap3A_932 {strides = array<i32>} : memref<832x16xf32, #tpu.memory_space<vmem>>, vector<1x16xf32>,
    }
    %scan3A_245 = arith.constant 4 : i32
    %dma_start3A_246 = arith.constant 3 : i32
    %dma_start3A_247 = arith.constant 192 : i32
    %dma_start3A_248 = arith.constant 0 : i32
    %dma_start3A_249 = tpu.memref_slice %arg11[%dma_start3A_247, %dma_start3A_248] : memref<832x16xf32, #tpu.memory_space<vmem>> -> memref<64x16xf32, #tpu.memory_space<vmem>>
    %dma_start3A_250 = arith.constant 0 : i32
    %dma_start3A_251 = tpu.memref_slice %arg10[%dma_start3A_246, %dma_start3A_250] : memref<13x64xi32, #tpu.memory_space<vmem>> -> memref<1x64xi32, #tpu.memory_space<vmem>>
    %dma_start3A_252 = tpu.memref_squeeze %dma_start3A_251 : memref<1x64xi32, #tpu.memory_space<vmem>> -> memref<64xi32, #tpu.memory_space<vmem>>
    %dma_start3A_253 = arith.constant 0 : i32
    %dma_start3A_254 = arith.constant 0 : i32
    %dma_start3A_255 = tpu.memref_slice %arg14[%dma_start3A_253, %dma_start3A_254] : memref<2816x16xf32, #tpu.memory_space<vmem_shared>> -> memref<2816x16xf32, #tpu.memory_space<vmem_shared>>
    tpu.enqueue_indirect_dma source(%dma_start3A_249 : memref<64x16xf32, #tpu.memory_space<vmem>>) target(%dma_start3A_255 : memref<2816x16xf32, #tpu.memory_space<vmem_shared>>) offsets(%dma_start3A_252 : memref<64xi32, #tpu.memory_space<vmem>>) semaphore(%arg18 : memref<!tpu.dma_semaphore, #tpu.memory_space<semaphore_mem>>) {add = true}
    %dma_wait3A_256 = arith.constant 256 : i32
    %dma_wait3A_257 = arith.constant 0 : i32
    %dma_wait3A_258 = tpu.memref_slice %arg11[%dma_wait3A_256, %dma_wait3A_257] : memref<832x16xf32, #tpu.memory_space<vmem>> -> memref<64x16xf32, #tpu.memory_space<vmem>>
    %dma_wait3A_259 = arith.constant 256 : i32
    %dma_wait3A_260 = tpu.memref_slice %arg7[%dma_wait3A_259] : memref<832xi32, #tpu.memory_space<vmem>> -> memref<64xi32, #tpu.memory_space<vmem>>
    %dma_wait3A_261 = arith.constant 0 : i32
    %dma_wait3A_262 = arith.constant 0 : i32
    %dma_wait3A_263 = tpu.memref_slice %arg15[%dma_wait3A_261, %dma_wait3A_262] : memref<2816x16xf32, #tpu.memory_space<vmem_shared>> -> memref<2816x16xf32, #tpu.memory_space<vmem_shared>>
    tpu.wait_indirect_dma semaphore(%arg17 : memref<!tpu.dma_semaphore, #tpu.memory_space<semaphore_mem>>) src(%dma_wait3A_263 : memref<2816x16xf32, #tpu.memory_space<vmem_shared>>) dst(%dma_wait3A_258 : memref<64x16xf32, #tpu.memory_space<vmem>>)
    %scan3A_264 = arith.constant 0 : i32
    %scan3A_265 = arith.constant 0 : i32
    %scan3A_266 = arith.constant 4 : i32
    %scan3A_267 = arith.addi %scan3A_265, %scan3A_266 : i32
    %scan3A_268 = arith.constant 1 : i32
    scf.for %scan3A_607 = %scan3A_265 to %scan3A_267 step %scan3A_268  : i32 {
      %mul3A_608 = arith.constant 16 : i32
      %mul3A_609 = arith.muli %scan3A_607, %mul3A_608 : i32
      %add3A_610 = arith.constant 256 : i32
      %add3A_611 = arith.addi %add3A_610, %mul3A_609 : i32
      %get3A_612 = arith.index_cast %add3A_611 : i32 to index
      %get3A_613 = tpu.vector_load %arg9[%get3A_612] {strides = array<i32>} : memref<832xf32, #tpu.memory_space<vmem>>, vector<16xf32>,
      %get3A_614 = vector.shape_cast %get3A_613 : vector<16xf32> to vector<16xf32>
      %mul3A_615 = arith.constant 16 : i32
      %mul3A_616 = arith.muli %scan3A_607, %mul3A_615 : i32
      %add3A_617 = arith.constant 256 : i32
      %add3A_618 = arith.addi %add3A_617, %mul3A_616 : i32
      %add3A_619 = arith.constant 0 : i32
      %add3A_620 = arith.addi %add3A_618, %add3A_619 : i32
      %get3A_621 = arith.index_cast %add3A_620 : i32 to index
      %get3A_622 = arith.constant 0 : index
      %get3A_623 = tpu.vector_load %arg11[%get3A_621, %get3A_622] {strides = array<i32>} : memref<832x16xf32, #tpu.memory_space<vmem>>, vector<1x16xf32>,
      %get3A_624 = vector.shape_cast %get3A_623 : vector<1x16xf32> to vector<16xf32>
      %broadcast_in_dim3A_625 = arith.constant 0 : i32
      %broadcast_in_dim3A_626 = vector.broadcast %broadcast_in_dim3A_625 : i32 to vector<16x1xi32>
      %gather3A = vector.shape_cast %broadcast_in_dim3A_626 : vector<16x1xi32> to vector<16xi32>
      %gather3A_627 = tpu.dynamic_gather %get3A_614[%gather3A] in [0] : vector<16xf32>, vector<16xi32> -> vector<16xf32>
      %mul3A_628 = arith.mulf %get3A_624, %gather3A_627 : vector<16xf32>
      %swap3A = arith.index_cast %add3A_620 : i32 to index
      %swap3A_629 = arith.constant 0 : index
      %swap3A_630 = tpu.vector_load %arg11[%swap3A, %swap3A_629] {strides = array<i32>} : memref<832x16xf32, #tpu.memory_space<vmem>>, vector<1x16xf32>,
      %swap3A_631 = vector.shape_cast %swap3A_630 : vector<1x16xf32> to vector<16xf32>
      %swap3A_632 = vector.shape_cast %mul3A_628 : vector<16xf32> to vector<1x16xf32>
      tpu.vector_store %arg11[%swap3A, %swap3A_629], %swap3A_632 {strides = array<i32>} : memref<832x16xf32, #tpu.memory_space<vmem>>, vector<1x16xf32>,
      %mul3A_633 = arith.constant 16 : i32
      %mul3A_634 = arith.muli %scan3A_607, %mul3A_633 : i32
      %add3A_635 = arith.constant 256 : i32
      %add3A_636 = arith.addi %add3A_635, %mul3A_634 : i32
      %add3A_637 = arith.constant 1 : i32
      %add3A_638 = arith.addi %add3A_636, %add3A_637 : i32
      %get3A_639 = arith.index_cast %add3A_638 : i32 to index
      %get3A_640 = arith.constant 0 : index
      %get3A_641 = tpu.vector_load %arg11[%get3A_639, %get3A_640] {strides = array<i32>} : memref<832x16xf32, #tpu.memory_space<vmem>>, vector<1x16xf32>,
      %get3A_642 = vector.shape_cast %get3A_641 : vector<1x16xf32> to vector<16xf32>
      %broadcast_in_dim3A_643 = arith.constant 1 : i32
      %broadcast_in_dim3A_644 = vector.broadcast %broadcast_in_dim3A_643 : i32 to vector<16x1xi32>
      %gather3A_645 = vector.shape_cast %broadcast_in_dim3A_644 : vector<16x1xi32> to vector<16xi32>
      %gather3A_646 = tpu.dynamic_gather %get3A_614[%gather3A_645] in [0] : vector<16xf32>, vector<16xi32> -> vector<16xf32>
      %mul3A_647 = arith.mulf %get3A_642, %gather3A_646 : vector<16xf32>
      %swap3A_648 = arith.index_cast %add3A_638 : i32 to index
      %swap3A_649 = arith.constant 0 : index
      %swap3A_650 = tpu.vector_load %arg11[%swap3A_648, %swap3A_649] {strides = array<i32>} : memref<832x16xf32, #tpu.memory_space<vmem>>, vector<1x16xf32>,
      %swap3A_651 = vector.shape_cast %swap3A_650 : vector<1x16xf32> to vector<16xf32>
      %swap3A_652 = vector.shape_cast %mul3A_647 : vector<16xf32> to vector<1x16xf32>
      tpu.vector_store %arg11[%swap3A_648, %swap3A_649], %swap3A_652 {strides = array<i32>} : memref<832x16xf32, #tpu.memory_space<vmem>>, vector<1x16xf32>,
      %mul3A_653 = arith.constant 16 : i32
      %mul3A_654 = arith.muli %scan3A_607, %mul3A_653 : i32
      %add3A_655 = arith.constant 256 : i32
      %add3A_656 = arith.addi %add3A_655, %mul3A_654 : i32
      %add3A_657 = arith.constant 2 : i32
      %add3A_658 = arith.addi %add3A_656, %add3A_657 : i32
      %get3A_659 = arith.index_cast %add3A_658 : i32 to index
      %get3A_660 = arith.constant 0 : index
      %get3A_661 = tpu.vector_load %arg11[%get3A_659, %get3A_660] {strides = array<i32>} : memref<832x16xf32, #tpu.memory_space<vmem>>, vector<1x16xf32>,
      %get3A_662 = vector.shape_cast %get3A_661 : vector<1x16xf32> to vector<16xf32>
      %broadcast_in_dim3A_663 = arith.constant 2 : i32
      %broadcast_in_dim3A_664 = vector.broadcast %broadcast_in_dim3A_663 : i32 to vector<16x1xi32>
      %gather3A_665 = vector.shape_cast %broadcast_in_dim3A_664 : vector<16x1xi32> to vector<16xi32>
      %gather3A_666 = tpu.dynamic_gather %get3A_614[%gather3A_665] in [0] : vector<16xf32>, vector<16xi32> -> vector<16xf32>
      %mul3A_667 = arith.mulf %get3A_662, %gather3A_666 : vector<16xf32>
      %swap3A_668 = arith.index_cast %add3A_658 : i32 to index
      %swap3A_669 = arith.constant 0 : index
      %swap3A_670 = tpu.vector_load %arg11[%swap3A_668, %swap3A_669] {strides = array<i32>} : memref<832x16xf32, #tpu.memory_space<vmem>>, vector<1x16xf32>,
      %swap3A_671 = vector.shape_cast %swap3A_670 : vector<1x16xf32> to vector<16xf32>
      %swap3A_672 = vector.shape_cast %mul3A_667 : vector<16xf32> to vector<1x16xf32>
      tpu.vector_store %arg11[%swap3A_668, %swap3A_669], %swap3A_672 {strides = array<i32>} : memref<832x16xf32, #tpu.memory_space<vmem>>, vector<1x16xf32>,
      %mul3A_673 = arith.constant 16 : i32
      %mul3A_674 = arith.muli %scan3A_607, %mul3A_673 : i32
      %add3A_675 = arith.constant 256 : i32
      %add3A_676 = arith.addi %add3A_675, %mul3A_674 : i32
      %add3A_677 = arith.constant 3 : i32
      %add3A_678 = arith.addi %add3A_676, %add3A_677 : i32
      %get3A_679 = arith.index_cast %add3A_678 : i32 to index
      %get3A_680 = arith.constant 0 : index
      %get3A_681 = tpu.vector_load %arg11[%get3A_679, %get3A_680] {strides = array<i32>} : memref<832x16xf32, #tpu.memory_space<vmem>>, vector<1x16xf32>,
      %get3A_682 = vector.shape_cast %get3A_681 : vector<1x16xf32> to vector<16xf32>
      %broadcast_in_dim3A_683 = arith.constant 3 : i32
      %broadcast_in_dim3A_684 = vector.broadcast %broadcast_in_dim3A_683 : i32 to vector<16x1xi32>
      %gather3A_685 = vector.shape_cast %broadcast_in_dim3A_684 : vector<16x1xi32> to vector<16xi32>
      %gather3A_686 = tpu.dynamic_gather %get3A_614[%gather3A_685] in [0] : vector<16xf32>, vector<16xi32> -> vector<16xf32>
      %mul3A_687 = arith.mulf %get3A_682, %gather3A_686 : vector<16xf32>
      %swap3A_688 = arith.index_cast %add3A_678 : i32 to index
      %swap3A_689 = arith.constant 0 : index
      %swap3A_690 = tpu.vector_load %arg11[%swap3A_688, %swap3A_689] {strides = array<i32>} : memref<832x16xf32, #tpu.memory_space<vmem>>, vector<1x16xf32>,
      %swap3A_691 = vector.shape_cast %swap3A_690 : vector<1x16xf32> to vector<16xf32>
      %swap3A_692 = vector.shape_cast %mul3A_687 : vector<16xf32> to vector<1x16xf32>
      tpu.vector_store %arg11[%swap3A_688, %swap3A_689], %swap3A_692 {strides = array<i32>} : memref<832x16xf32, #tpu.memory_space<vmem>>, vector<1x16xf32>,
      %mul3A_693 = arith.constant 16 : i32
      %mul3A_694 = arith.muli %scan3A_607, %mul3A_693 : i32
      %add3A_695 = arith.constant 256 : i32
      %add3A_696 = arith.addi %add3A_695, %mul3A_694 : i32
      %add3A_697 = arith.constant 4 : i32
      %add3A_698 = arith.addi %add3A_696, %add3A_697 : i32
      %get3A_699 = arith.index_cast %add3A_698 : i32 to index
      %get3A_700 = arith.constant 0 : index
      %get3A_701 = tpu.vector_load %arg11[%get3A_699, %get3A_700] {strides = array<i32>} : memref<832x16xf32, #tpu.memory_space<vmem>>, vector<1x16xf32>,
      %get3A_702 = vector.shape_cast %get3A_701 : vector<1x16xf32> to vector<16xf32>
      %broadcast_in_dim3A_703 = arith.constant 4 : i32
      %broadcast_in_dim3A_704 = vector.broadcast %broadcast_in_dim3A_703 : i32 to vector<16x1xi32>
      %gather3A_705 = vector.shape_cast %broadcast_in_dim3A_704 : vector<16x1xi32> to vector<16xi32>
      %gather3A_706 = tpu.dynamic_gather %get3A_614[%gather3A_705] in [0] : vector<16xf32>, vector<16xi32> -> vector<16xf32>
      %mul3A_707 = arith.mulf %get3A_702, %gather3A_706 : vector<16xf32>
      %swap3A_708 = arith.index_cast %add3A_698 : i32 to index
      %swap3A_709 = arith.constant 0 : index
      %swap3A_710 = tpu.vector_load %arg11[%swap3A_708, %swap3A_709] {strides = array<i32>} : memref<832x16xf32, #tpu.memory_space<vmem>>, vector<1x16xf32>,
      %swap3A_711 = vector.shape_cast %swap3A_710 : vector<1x16xf32> to vector<16xf32>
      %swap3A_712 = vector.shape_cast %mul3A_707 : vector<16xf32> to vector<1x16xf32>
      tpu.vector_store %arg11[%swap3A_708, %swap3A_709], %swap3A_712 {strides = array<i32>} : memref<832x16xf32, #tpu.memory_space<vmem>>, vector<1x16xf32>,
      %mul3A_713 = arith.constant 16 : i32
      %mul3A_714 = arith.muli %scan3A_607, %mul3A_713 : i32
      %add3A_715 = arith.constant 256 : i32
      %add3A_716 = arith.addi %add3A_715, %mul3A_714 : i32
      %add3A_717 = arith.constant 5 : i32
      %add3A_718 = arith.addi %add3A_716, %add3A_717 : i32
      %get3A_719 = arith.index_cast %add3A_718 : i32 to index
      %get3A_720 = arith.constant 0 : index
      %get3A_721 = tpu.vector_load %arg11[%get3A_719, %get3A_720] {strides = array<i32>} : memref<832x16xf32, #tpu.memory_space<vmem>>, vector<1x16xf32>,
      %get3A_722 = vector.shape_cast %get3A_721 : vector<1x16xf32> to vector<16xf32>
      %broadcast_in_dim3A_723 = arith.constant 5 : i32
      %broadcast_in_dim3A_724 = vector.broadcast %broadcast_in_dim3A_723 : i32 to vector<16x1xi32>
      %gather3A_725 = vector.shape_cast %broadcast_in_dim3A_724 : vector<16x1xi32> to vector<16xi32>
      %gather3A_726 = tpu.dynamic_gather %get3A_614[%gather3A_725] in [0] : vector<16xf32>, vector<16xi32> -> vector<16xf32>
      %mul3A_727 = arith.mulf %get3A_722, %gather3A_726 : vector<16xf32>
      %swap3A_728 = arith.index_cast %add3A_718 : i32 to index
      %swap3A_729 = arith.constant 0 : index
      %swap3A_730 = tpu.vector_load %arg11[%swap3A_728, %swap3A_729] {strides = array<i32>} : memref<832x16xf32, #tpu.memory_space<vmem>>, vector<1x16xf32>,
      %swap3A_731 = vector.shape_cast %swap3A_730 : vector<1x16xf32> to vector<16xf32>
      %swap3A_732 = vector.shape_cast %mul3A_727 : vector<16xf32> to vector<1x16xf32>
      tpu.vector_store %arg11[%swap3A_728, %swap3A_729], %swap3A_732 {strides = array<i32>} : memref<832x16xf32, #tpu.memory_space<vmem>>, vector<1x16xf32>,
      %mul3A_733 = arith.constant 16 : i32
      %mul3A_734 = arith.muli %scan3A_607, %mul3A_733 : i32
      %add3A_735 = arith.constant 256 : i32
      %add3A_736 = arith.addi %add3A_735, %mul3A_734 : i32
      %add3A_737 = arith.constant 6 : i32
      %add3A_738 = arith.addi %add3A_736, %add3A_737 : i32
      %get3A_739 = arith.index_cast %add3A_738 : i32 to index
      %get3A_740 = arith.constant 0 : index
      %get3A_741 = tpu.vector_load %arg11[%get3A_739, %get3A_740] {strides = array<i32>} : memref<832x16xf32, #tpu.memory_space<vmem>>, vector<1x16xf32>,
      %get3A_742 = vector.shape_cast %get3A_741 : vector<1x16xf32> to vector<16xf32>
      %broadcast_in_dim3A_743 = arith.constant 6 : i32
      %broadcast_in_dim3A_744 = vector.broadcast %broadcast_in_dim3A_743 : i32 to vector<16x1xi32>
      %gather3A_745 = vector.shape_cast %broadcast_in_dim3A_744 : vector<16x1xi32> to vector<16xi32>
      %gather3A_746 = tpu.dynamic_gather %get3A_614[%gather3A_745] in [0] : vector<16xf32>, vector<16xi32> -> vector<16xf32>
      %mul3A_747 = arith.mulf %get3A_742, %gather3A_746 : vector<16xf32>
      %swap3A_748 = arith.index_cast %add3A_738 : i32 to index
      %swap3A_749 = arith.constant 0 : index
      %swap3A_750 = tpu.vector_load %arg11[%swap3A_748, %swap3A_749] {strides = array<i32>} : memref<832x16xf32, #tpu.memory_space<vmem>>, vector<1x16xf32>,
      %swap3A_751 = vector.shape_cast %swap3A_750 : vector<1x16xf32> to vector<16xf32>
      %swap3A_752 = vector.shape_cast %mul3A_747 : vector<16xf32> to vector<1x16xf32>
      tpu.vector_store %arg11[%swap3A_748, %swap3A_749], %swap3A_752 {strides = array<i32>} : memref<832x16xf32, #tpu.memory_space<vmem>>, vector<1x16xf32>,
      %mul3A_753 = arith.constant 16 : i32
      %mul3A_754 = arith.muli %scan3A_607, %mul3A_753 : i32
      %add3A_755 = arith.constant 256 : i32
      %add3A_756 = arith.addi %add3A_755, %mul3A_754 : i32
      %add3A_757 = arith.constant 7 : i32
      %add3A_758 = arith.addi %add3A_756, %add3A_757 : i32
      %get3A_759 = arith.index_cast %add3A_758 : i32 to index
      %get3A_760 = arith.constant 0 : index
      %get3A_761 = tpu.vector_load %arg11[%get3A_759, %get3A_760] {strides = array<i32>} : memref<832x16xf32, #tpu.memory_space<vmem>>, vector<1x16xf32>,
      %get3A_762 = vector.shape_cast %get3A_761 : vector<1x16xf32> to vector<16xf32>
      %broadcast_in_dim3A_763 = arith.constant 7 : i32
      %broadcast_in_dim3A_764 = vector.broadcast %broadcast_in_dim3A_763 : i32 to vector<16x1xi32>
      %gather3A_765 = vector.shape_cast %broadcast_in_dim3A_764 : vector<16x1xi32> to vector<16xi32>
      %gather3A_766 = tpu.dynamic_gather %get3A_614[%gather3A_765] in [0] : vector<16xf32>, vector<16xi32> -> vector<16xf32>
      %mul3A_767 = arith.mulf %get3A_762, %gather3A_766 : vector<16xf32>
      %swap3A_768 = arith.index_cast %add3A_758 : i32 to index
      %swap3A_769 = arith.constant 0 : index
      %swap3A_770 = tpu.vector_load %arg11[%swap3A_768, %swap3A_769] {strides = array<i32>} : memref<832x16xf32, #tpu.memory_space<vmem>>, vector<1x16xf32>,
      %swap3A_771 = vector.shape_cast %swap3A_770 : vector<1x16xf32> to vector<16xf32>
      %swap3A_772 = vector.shape_cast %mul3A_767 : vector<16xf32> to vector<1x16xf32>
      tpu.vector_store %arg11[%swap3A_768, %swap3A_769], %swap3A_772 {strides = array<i32>} : memref<832x16xf32, #tpu.memory_space<vmem>>, vector<1x16xf32>,
      %mul3A_773 = arith.constant 16 : i32
      %mul3A_774 = arith.muli %scan3A_607, %mul3A_773 : i32
      %add3A_775 = arith.constant 256 : i32
      %add3A_776 = arith.addi %add3A_775, %mul3A_774 : i32
      %add3A_777 = arith.constant 8 : i32
      %add3A_778 = arith.addi %add3A_776, %add3A_777 : i32
      %get3A_779 = arith.index_cast %add3A_778 : i32 to index
      %get3A_780 = arith.constant 0 : index
      %get3A_781 = tpu.vector_load %arg11[%get3A_779, %get3A_780] {strides = array<i32>} : memref<832x16xf32, #tpu.memory_space<vmem>>, vector<1x16xf32>,
      %get3A_782 = vector.shape_cast %get3A_781 : vector<1x16xf32> to vector<16xf32>
      %broadcast_in_dim3A_783 = arith.constant 8 : i32
      %broadcast_in_dim3A_784 = vector.broadcast %broadcast_in_dim3A_783 : i32 to vector<16x1xi32>
      %gather3A_785 = vector.shape_cast %broadcast_in_dim3A_784 : vector<16x1xi32> to vector<16xi32>
      %gather3A_786 = tpu.dynamic_gather %get3A_614[%gather3A_785] in [0] : vector<16xf32>, vector<16xi32> -> vector<16xf32>
      %mul3A_787 = arith.mulf %get3A_782, %gather3A_786 : vector<16xf32>
      %swap3A_788 = arith.index_cast %add3A_778 : i32 to index
      %swap3A_789 = arith.constant 0 : index
      %swap3A_790 = tpu.vector_load %arg11[%swap3A_788, %swap3A_789] {strides = array<i32>} : memref<832x16xf32, #tpu.memory_space<vmem>>, vector<1x16xf32>,
      %swap3A_791 = vector.shape_cast %swap3A_790 : vector<1x16xf32> to vector<16xf32>
      %swap3A_792 = vector.shape_cast %mul3A_787 : vector<16xf32> to vector<1x16xf32>
      tpu.vector_store %arg11[%swap3A_788, %swap3A_789], %swap3A_792 {strides = array<i32>} : memref<832x16xf32, #tpu.memory_space<vmem>>, vector<1x16xf32>,
      %mul3A_793 = arith.constant 16 : i32
      %mul3A_794 = arith.muli %scan3A_607, %mul3A_793 : i32
      %add3A_795 = arith.constant 256 : i32
      %add3A_796 = arith.addi %add3A_795, %mul3A_794 : i32
      %add3A_797 = arith.constant 9 : i32
      %add3A_798 = arith.addi %add3A_796, %add3A_797 : i32
      %get3A_799 = arith.index_cast %add3A_798 : i32 to index
      %get3A_800 = arith.constant 0 : index
      %get3A_801 = tpu.vector_load %arg11[%get3A_799, %get3A_800] {strides = array<i32>} : memref<832x16xf32, #tpu.memory_space<vmem>>, vector<1x16xf32>,
      %get3A_802 = vector.shape_cast %get3A_801 : vector<1x16xf32> to vector<16xf32>
      %broadcast_in_dim3A_803 = arith.constant 9 : i32
      %broadcast_in_dim3A_804 = vector.broadcast %broadcast_in_dim3A_803 : i32 to vector<16x1xi32>
      %gather3A_805 = vector.shape_cast %broadcast_in_dim3A_804 : vector<16x1xi32> to vector<16xi32>
      %gather3A_806 = tpu.dynamic_gather %get3A_614[%gather3A_805] in [0] : vector<16xf32>, vector<16xi32> -> vector<16xf32>
      %mul3A_807 = arith.mulf %get3A_802, %gather3A_806 : vector<16xf32>
      %swap3A_808 = arith.index_cast %add3A_798 : i32 to index
      %swap3A_809 = arith.constant 0 : index
      %swap3A_810 = tpu.vector_load %arg11[%swap3A_808, %swap3A_809] {strides = array<i32>} : memref<832x16xf32, #tpu.memory_space<vmem>>, vector<1x16xf32>,
      %swap3A_811 = vector.shape_cast %swap3A_810 : vector<1x16xf32> to vector<16xf32>
      %swap3A_812 = vector.shape_cast %mul3A_807 : vector<16xf32> to vector<1x16xf32>
      tpu.vector_store %arg11[%swap3A_808, %swap3A_809], %swap3A_812 {strides = array<i32>} : memref<832x16xf32, #tpu.memory_space<vmem>>, vector<1x16xf32>,
      %mul3A_813 = arith.constant 16 : i32
      %mul3A_814 = arith.muli %scan3A_607, %mul3A_813 : i32
      %add3A_815 = arith.constant 256 : i32
      %add3A_816 = arith.addi %add3A_815, %mul3A_814 : i32
      %add3A_817 = arith.constant 10 : i32
      %add3A_818 = arith.addi %add3A_816, %add3A_817 : i32
      %get3A_819 = arith.index_cast %add3A_818 : i32 to index
      %get3A_820 = arith.constant 0 : index
      %get3A_821 = tpu.vector_load %arg11[%get3A_819, %get3A_820] {strides = array<i32>} : memref<832x16xf32, #tpu.memory_space<vmem>>, vector<1x16xf32>,
      %get3A_822 = vector.shape_cast %get3A_821 : vector<1x16xf32> to vector<16xf32>
      %broadcast_in_dim3A_823 = arith.constant 10 : i32
      %broadcast_in_dim3A_824 = vector.broadcast %broadcast_in_dim3A_823 : i32 to vector<16x1xi32>
      %gather3A_825 = vector.shape_cast %broadcast_in_dim3A_824 : vector<16x1xi32> to vector<16xi32>
      %gather3A_826 = tpu.dynamic_gather %get3A_614[%gather3A_825] in [0] : vector<16xf32>, vector<16xi32> -> vector<16xf32>
      %mul3A_827 = arith.mulf %get3A_822, %gather3A_826 : vector<16xf32>
      %swap3A_828 = arith.index_cast %add3A_818 : i32 to index
      %swap3A_829 = arith.constant 0 : index
      %swap3A_830 = tpu.vector_load %arg11[%swap3A_828, %swap3A_829] {strides = array<i32>} : memref<832x16xf32, #tpu.memory_space<vmem>>, vector<1x16xf32>,
      %swap3A_831 = vector.shape_cast %swap3A_830 : vector<1x16xf32> to vector<16xf32>
      %swap3A_832 = vector.shape_cast %mul3A_827 : vector<16xf32> to vector<1x16xf32>
      tpu.vector_store %arg11[%swap3A_828, %swap3A_829], %swap3A_832 {strides = array<i32>} : memref<832x16xf32, #tpu.memory_space<vmem>>, vector<1x16xf32>,
      %mul3A_833 = arith.constant 16 : i32
      %mul3A_834 = arith.muli %scan3A_607, %mul3A_833 : i32
      %add3A_835 = arith.constant 256 : i32
      %add3A_836 = arith.addi %add3A_835, %mul3A_834 : i32
      %add3A_837 = arith.constant 11 : i32
      %add3A_838 = arith.addi %add3A_836, %add3A_837 : i32
      %get3A_839 = arith.index_cast %add3A_838 : i32 to index
      %get3A_840 = arith.constant 0 : index
      %get3A_841 = tpu.vector_load %arg11[%get3A_839, %get3A_840] {strides = array<i32>} : memref<832x16xf32, #tpu.memory_space<vmem>>, vector<1x16xf32>,
      %get3A_842 = vector.shape_cast %get3A_841 : vector<1x16xf32> to vector<16xf32>
      %broadcast_in_dim3A_843 = arith.constant 11 : i32
      %broadcast_in_dim3A_844 = vector.broadcast %broadcast_in_dim3A_843 : i32 to vector<16x1xi32>
      %gather3A_845 = vector.shape_cast %broadcast_in_dim3A_844 : vector<16x1xi32> to vector<16xi32>
      %gather3A_846 = tpu.dynamic_gather %get3A_614[%gather3A_845] in [0] : vector<16xf32>, vector<16xi32> -> vector<16xf32>
      %mul3A_847 = arith.mulf %get3A_842, %gather3A_846 : vector<16xf32>
      %swap3A_848 = arith.index_cast %add3A_838 : i32 to index
      %swap3A_849 = arith.constant 0 : index
      %swap3A_850 = tpu.vector_load %arg11[%swap3A_848, %swap3A_849] {strides = array<i32>} : memref<832x16xf32, #tpu.memory_space<vmem>>, vector<1x16xf32>,
      %swap3A_851 = vector.shape_cast %swap3A_850 : vector<1x16xf32> to vector<16xf32>
      %swap3A_852 = vector.shape_cast %mul3A_847 : vector<16xf32> to vector<1x16xf32>
      tpu.vector_store %arg11[%swap3A_848, %swap3A_849], %swap3A_852 {strides = array<i32>} : memref<832x16xf32, #tpu.memory_space<vmem>>, vector<1x16xf32>,
      %mul3A_853 = arith.constant 16 : i32
      %mul3A_854 = arith.muli %scan3A_607, %mul3A_853 : i32
      %add3A_855 = arith.constant 256 : i32
      %add3A_856 = arith.addi %add3A_855, %mul3A_854 : i32
      %add3A_857 = arith.constant 12 : i32
      %add3A_858 = arith.addi %add3A_856, %add3A_857 : i32
      %get3A_859 = arith.index_cast %add3A_858 : i32 to index
      %get3A_860 = arith.constant 0 : index
      %get3A_861 = tpu.vector_load %arg11[%get3A_859, %get3A_860] {strides = array<i32>} : memref<832x16xf32, #tpu.memory_space<vmem>>, vector<1x16xf32>,
      %get3A_862 = vector.shape_cast %get3A_861 : vector<1x16xf32> to vector<16xf32>
      %broadcast_in_dim3A_863 = arith.constant 12 : i32
      %broadcast_in_dim3A_864 = vector.broadcast %broadcast_in_dim3A_863 : i32 to vector<16x1xi32>
      %gather3A_865 = vector.shape_cast %broadcast_in_dim3A_864 : vector<16x1xi32> to vector<16xi32>
      %gather3A_866 = tpu.dynamic_gather %get3A_614[%gather3A_865] in [0] : vector<16xf32>, vector<16xi32> -> vector<16xf32>
      %mul3A_867 = arith.mulf %get3A_862, %gather3A_866 : vector<16xf32>
      %swap3A_868 = arith.index_cast %add3A_858 : i32 to index
      %swap3A_869 = arith.constant 0 : index
      %swap3A_870 = tpu.vector_load %arg11[%swap3A_868, %swap3A_869] {strides = array<i32>} : memref<832x16xf32, #tpu.memory_space<vmem>>, vector<1x16xf32>,
      %swap3A_871 = vector.shape_cast %swap3A_870 : vector<1x16xf32> to vector<16xf32>
      %swap3A_872 = vector.shape_cast %mul3A_867 : vector<16xf32> to vector<1x16xf32>
      tpu.vector_store %arg11[%swap3A_868, %swap3A_869], %swap3A_872 {strides = array<i32>} : memref<832x16xf32, #tpu.memory_space<vmem>>, vector<1x16xf32>,
      %mul3A_873 = arith.constant 16 : i32
      %mul3A_874 = arith.muli %scan3A_607, %mul3A_873 : i32
      %add3A_875 = arith.constant 256 : i32
      %add3A_876 = arith.addi %add3A_875, %mul3A_874 : i32
      %add3A_877 = arith.constant 13 : i32
      %add3A_878 = arith.addi %add3A_876, %add3A_877 : i32
      %get3A_879 = arith.index_cast %add3A_878 : i32 to index
      %get3A_880 = arith.constant 0 : index
      %get3A_881 = tpu.vector_load %arg11[%get3A_879, %get3A_880] {strides = array<i32>} : memref<832x16xf32, #tpu.memory_space<vmem>>, vector<1x16xf32>,
      %get3A_882 = vector.shape_cast %get3A_881 : vector<1x16xf32> to vector<16xf32>
      %broadcast_in_dim3A_883 = arith.constant 13 : i32
      %broadcast_in_dim3A_884 = vector.broadcast %broadcast_in_dim3A_883 : i32 to vector<16x1xi32>
      %gather3A_885 = vector.shape_cast %broadcast_in_dim3A_884 : vector<16x1xi32> to vector<16xi32>
      %gather3A_886 = tpu.dynamic_gather %get3A_614[%gather3A_885] in [0] : vector<16xf32>, vector<16xi32> -> vector<16xf32>
      %mul3A_887 = arith.mulf %get3A_882, %gather3A_886 : vector<16xf32>
      %swap3A_888 = arith.index_cast %add3A_878 : i32 to index
      %swap3A_889 = arith.constant 0 : index
      %swap3A_890 = tpu.vector_load %arg11[%swap3A_888, %swap3A_889] {strides = array<i32>} : memref<832x16xf32, #tpu.memory_space<vmem>>, vector<1x16xf32>,
      %swap3A_891 = vector.shape_cast %swap3A_890 : vector<1x16xf32> to vector<16xf32>
      %swap3A_892 = vector.shape_cast %mul3A_887 : vector<16xf32> to vector<1x16xf32>
      tpu.vector_store %arg11[%swap3A_888, %swap3A_889], %swap3A_892 {strides = array<i32>} : memref<832x16xf32, #tpu.memory_space<vmem>>, vector<1x16xf32>,
      %mul3A_893 = arith.constant 16 : i32
      %mul3A_894 = arith.muli %scan3A_607, %mul3A_893 : i32
      %add3A_895 = arith.constant 256 : i32
      %add3A_896 = arith.addi %add3A_895, %mul3A_894 : i32
      %add3A_897 = arith.constant 14 : i32
      %add3A_898 = arith.addi %add3A_896, %add3A_897 : i32
      %get3A_899 = arith.index_cast %add3A_898 : i32 to index
      %get3A_900 = arith.constant 0 : index
      %get3A_901 = tpu.vector_load %arg11[%get3A_899, %get3A_900] {strides = array<i32>} : memref<832x16xf32, #tpu.memory_space<vmem>>, vector<1x16xf32>,
      %get3A_902 = vector.shape_cast %get3A_901 : vector<1x16xf32> to vector<16xf32>
      %broadcast_in_dim3A_903 = arith.constant 14 : i32
      %broadcast_in_dim3A_904 = vector.broadcast %broadcast_in_dim3A_903 : i32 to vector<16x1xi32>
      %gather3A_905 = vector.shape_cast %broadcast_in_dim3A_904 : vector<16x1xi32> to vector<16xi32>
      %gather3A_906 = tpu.dynamic_gather %get3A_614[%gather3A_905] in [0] : vector<16xf32>, vector<16xi32> -> vector<16xf32>
      %mul3A_907 = arith.mulf %get3A_902, %gather3A_906 : vector<16xf32>
      %swap3A_908 = arith.index_cast %add3A_898 : i32 to index
      %swap3A_909 = arith.constant 0 : index
      %swap3A_910 = tpu.vector_load %arg11[%swap3A_908, %swap3A_909] {strides = array<i32>} : memref<832x16xf32, #tpu.memory_space<vmem>>, vector<1x16xf32>,
      %swap3A_911 = vector.shape_cast %swap3A_910 : vector<1x16xf32> to vector<16xf32>
      %swap3A_912 = vector.shape_cast %mul3A_907 : vector<16xf32> to vector<1x16xf32>
      tpu.vector_store %arg11[%swap3A_908, %swap3A_909], %swap3A_912 {strides = array<i32>} : memref<832x16xf32, #tpu.memory_space<vmem>>, vector<1x16xf32>,
      %mul3A_913 = arith.constant 16 : i32
      %mul3A_914 = arith.muli %scan3A_607, %mul3A_913 : i32
      %add3A_915 = arith.constant 256 : i32
      %add3A_916 = arith.addi %add3A_915, %mul3A_914 : i32
      %add3A_917 = arith.constant 15 : i32
      %add3A_918 = arith.addi %add3A_916, %add3A_917 : i32
      %get3A_919 = arith.index_cast %add3A_918 : i32 to index
      %get3A_920 = arith.constant 0 : index
      %get3A_921 = tpu.vector_load %arg11[%get3A_919, %get3A_920] {strides = array<i32>} : memref<832x16xf32, #tpu.memory_space<vmem>>, vector<1x16xf32>,
      %get3A_922 = vector.shape_cast %get3A_921 : vector<1x16xf32> to vector<16xf32>
      %broadcast_in_dim3A_923 = arith.constant 15 : i32
      %broadcast_in_dim3A_924 = vector.broadcast %broadcast_in_dim3A_923 : i32 to vector<16x1xi32>
      %gather3A_925 = vector.shape_cast %broadcast_in_dim3A_924 : vector<16x1xi32> to vector<16xi32>
      %gather3A_926 = tpu.dynamic_gather %get3A_614[%gather3A_925] in [0] : vector<16xf32>, vector<16xi32> -> vector<16xf32>
      %mul3A_927 = arith.mulf %get3A_922, %gather3A_926 : vector<16xf32>
      %swap3A_928 = arith.index_cast %add3A_918 : i32 to index
      %swap3A_929 = arith.constant 0 : index
      %swap3A_930 = tpu.vector_load %arg11[%swap3A_928, %swap3A_929] {strides = array<i32>} : memref<832x16xf32, #tpu.memory_space<vmem>>, vector<1x16xf32>,
      %swap3A_931 = vector.shape_cast %swap3A_930 : vector<1x16xf32> to vector<16xf32>
      %swap3A_932 = vector.shape_cast %mul3A_927 : vector<16xf32> to vector<1x16xf32>
      tpu.vector_store %arg11[%swap3A_928, %swap3A_929], %swap3A_932 {strides = array<i32>} : memref<832x16xf32, #tpu.memory_space<vmem>>, vector<1x16xf32>,
    }
    %scan3A_269 = arith.constant 4 : i32
    %dma_start3A_270 = arith.constant 4 : i32
    %dma_start3A_271 = arith.constant 256 : i32
    %dma_start3A_272 = arith.constant 0 : i32
    %dma_start3A_273 = tpu.memref_slice %arg11[%dma_start3A_271, %dma_start3A_272] : memref<832x16xf32, #tpu.memory_space<vmem>> -> memref<64x16xf32, #tpu.memory_space<vmem>>
    %dma_start3A_274 = arith.constant 0 : i32
    %dma_start3A_275 = tpu.memref_slice %arg10[%dma_start3A_270, %dma_start3A_274] : memref<13x64xi32, #tpu.memory_space<vmem>> -> memref<1x64xi32, #tpu.memory_space<vmem>>
    %dma_start3A_276 = tpu.memref_squeeze %dma_start3A_275 : memref<1x64xi32, #tpu.memory_space<vmem>> -> memref<64xi32, #tpu.memory_space<vmem>>
    %dma_start3A_277 = arith.constant 0 : i32
    %dma_start3A_278 = arith.constant 0 : i32
    %dma_start3A_279 = tpu.memref_slice %arg14[%dma_start3A_277, %dma_start3A_278] : memref<2816x16xf32, #tpu.memory_space<vmem_shared>> -> memref<2816x16xf32, #tpu.memory_space<vmem_shared>>
    tpu.enqueue_indirect_dma source(%dma_start3A_273 : memref<64x16xf32, #tpu.memory_space<vmem>>) target(%dma_start3A_279 : memref<2816x16xf32, #tpu.memory_space<vmem_shared>>) offsets(%dma_start3A_276 : memref<64xi32, #tpu.memory_space<vmem>>) semaphore(%arg18 : memref<!tpu.dma_semaphore, #tpu.memory_space<semaphore_mem>>) {add = true}
    %dma_wait3A_280 = arith.constant 320 : i32
    %dma_wait3A_281 = arith.constant 0 : i32
    %dma_wait3A_282 = tpu.memref_slice %arg11[%dma_wait3A_280, %dma_wait3A_281] : memref<832x16xf32, #tpu.memory_space<vmem>> -> memref<64x16xf32, #tpu.memory_space<vmem>>
    %dma_wait3A_283 = arith.constant 320 : i32
    %dma_wait3A_284 = tpu.memref_slice %arg7[%dma_wait3A_283] : memref<832xi32, #tpu.memory_space<vmem>> -> memref<64xi32, #tpu.memory_space<vmem>>
    %dma_wait3A_285 = arith.constant 0 : i32
    %dma_wait3A_286 = arith.constant 0 : i32
    %dma_wait3A_287 = tpu.memref_slice %arg15[%dma_wait3A_285, %dma_wait3A_286] : memref<2816x16xf32, #tpu.memory_space<vmem_shared>> -> memref<2816x16xf32, #tpu.memory_space<vmem_shared>>
    tpu.wait_indirect_dma semaphore(%arg17 : memref<!tpu.dma_semaphore, #tpu.memory_space<semaphore_mem>>) src(%dma_wait3A_287 : memref<2816x16xf32, #tpu.memory_space<vmem_shared>>) dst(%dma_wait3A_282 : memref<64x16xf32, #tpu.memory_space<vmem>>)
    %scan3A_288 = arith.constant 0 : i32
    %scan3A_289 = arith.constant 0 : i32
    %scan3A_290 = arith.constant 4 : i32
    %scan3A_291 = arith.addi %scan3A_289, %scan3A_290 : i32
    %scan3A_292 = arith.constant 1 : i32
    scf.for %scan3A_607 = %scan3A_289 to %scan3A_291 step %scan3A_292  : i32 {
      %mul3A_608 = arith.constant 16 : i32
      %mul3A_609 = arith.muli %scan3A_607, %mul3A_608 : i32
      %add3A_610 = arith.constant 320 : i32
      %add3A_611 = arith.addi %add3A_610, %mul3A_609 : i32
      %get3A_612 = arith.index_cast %add3A_611 : i32 to index
      %get3A_613 = tpu.vector_load %arg9[%get3A_612] {strides = array<i32>} : memref<832xf32, #tpu.memory_space<vmem>>, vector<16xf32>,
      %get3A_614 = vector.shape_cast %get3A_613 : vector<16xf32> to vector<16xf32>
      %mul3A_615 = arith.constant 16 : i32
      %mul3A_616 = arith.muli %scan3A_607, %mul3A_615 : i32
      %add3A_617 = arith.constant 320 : i32
      %add3A_618 = arith.addi %add3A_617, %mul3A_616 : i32
      %add3A_619 = arith.constant 0 : i32
      %add3A_620 = arith.addi %add3A_618, %add3A_619 : i32
      %get3A_621 = arith.index_cast %add3A_620 : i32 to index
      %get3A_622 = arith.constant 0 : index
      %get3A_623 = tpu.vector_load %arg11[%get3A_621, %get3A_622] {strides = array<i32>} : memref<832x16xf32, #tpu.memory_space<vmem>>, vector<1x16xf32>,
      %get3A_624 = vector.shape_cast %get3A_623 : vector<1x16xf32> to vector<16xf32>
      %broadcast_in_dim3A_625 = arith.constant 0 : i32
      %broadcast_in_dim3A_626 = vector.broadcast %broadcast_in_dim3A_625 : i32 to vector<16x1xi32>
      %gather3A = vector.shape_cast %broadcast_in_dim3A_626 : vector<16x1xi32> to vector<16xi32>
      %gather3A_627 = tpu.dynamic_gather %get3A_614[%gather3A] in [0] : vector<16xf32>, vector<16xi32> -> vector<16xf32>
      %mul3A_628 = arith.mulf %get3A_624, %gather3A_627 : vector<16xf32>
      %swap3A = arith.index_cast %add3A_620 : i32 to index
      %swap3A_629 = arith.constant 0 : index
      %swap3A_630 = tpu.vector_load %arg11[%swap3A, %swap3A_629] {strides = array<i32>} : memref<832x16xf32, #tpu.memory_space<vmem>>, vector<1x16xf32>,
      %swap3A_631 = vector.shape_cast %swap3A_630 : vector<1x16xf32> to vector<16xf32>
      %swap3A_632 = vector.shape_cast %mul3A_628 : vector<16xf32> to vector<1x16xf32>
      tpu.vector_store %arg11[%swap3A, %swap3A_629], %swap3A_632 {strides = array<i32>} : memref<832x16xf32, #tpu.memory_space<vmem>>, vector<1x16xf32>,
      %mul3A_633 = arith.constant 16 : i32
      %mul3A_634 = arith.muli %scan3A_607, %mul3A_633 : i32
      %add3A_635 = arith.constant 320 : i32
      %add3A_636 = arith.addi %add3A_635, %mul3A_634 : i32
      %add3A_637 = arith.constant 1 : i32
      %add3A_638 = arith.addi %add3A_636, %add3A_637 : i32
      %get3A_639 = arith.index_cast %add3A_638 : i32 to index
      %get3A_640 = arith.constant 0 : index
      %get3A_641 = tpu.vector_load %arg11[%get3A_639, %get3A_640] {strides = array<i32>} : memref<832x16xf32, #tpu.memory_space<vmem>>, vector<1x16xf32>,
      %get3A_642 = vector.shape_cast %get3A_641 : vector<1x16xf32> to vector<16xf32>
      %broadcast_in_dim3A_643 = arith.constant 1 : i32
      %broadcast_in_dim3A_644 = vector.broadcast %broadcast_in_dim3A_643 : i32 to vector<16x1xi32>
      %gather3A_645 = vector.shape_cast %broadcast_in_dim3A_644 : vector<16x1xi32> to vector<16xi32>
      %gather3A_646 = tpu.dynamic_gather %get3A_614[%gather3A_645] in [0] : vector<16xf32>, vector<16xi32> -> vector<16xf32>
      %mul3A_647 = arith.mulf %get3A_642, %gather3A_646 : vector<16xf32>
      %swap3A_648 = arith.index_cast %add3A_638 : i32 to index
      %swap3A_649 = arith.constant 0 : index
      %swap3A_650 = tpu.vector_load %arg11[%swap3A_648, %swap3A_649] {strides = array<i32>} : memref<832x16xf32, #tpu.memory_space<vmem>>, vector<1x16xf32>,
      %swap3A_651 = vector.shape_cast %swap3A_650 : vector<1x16xf32> to vector<16xf32>
      %swap3A_652 = vector.shape_cast %mul3A_647 : vector<16xf32> to vector<1x16xf32>
      tpu.vector_store %arg11[%swap3A_648, %swap3A_649], %swap3A_652 {strides = array<i32>} : memref<832x16xf32, #tpu.memory_space<vmem>>, vector<1x16xf32>,
      %mul3A_653 = arith.constant 16 : i32
      %mul3A_654 = arith.muli %scan3A_607, %mul3A_653 : i32
      %add3A_655 = arith.constant 320 : i32
      %add3A_656 = arith.addi %add3A_655, %mul3A_654 : i32
      %add3A_657 = arith.constant 2 : i32
      %add3A_658 = arith.addi %add3A_656, %add3A_657 : i32
      %get3A_659 = arith.index_cast %add3A_658 : i32 to index
      %get3A_660 = arith.constant 0 : index
      %get3A_661 = tpu.vector_load %arg11[%get3A_659, %get3A_660] {strides = array<i32>} : memref<832x16xf32, #tpu.memory_space<vmem>>, vector<1x16xf32>,
      %get3A_662 = vector.shape_cast %get3A_661 : vector<1x16xf32> to vector<16xf32>
      %broadcast_in_dim3A_663 = arith.constant 2 : i32
      %broadcast_in_dim3A_664 = vector.broadcast %broadcast_in_dim3A_663 : i32 to vector<16x1xi32>
      %gather3A_665 = vector.shape_cast %broadcast_in_dim3A_664 : vector<16x1xi32> to vector<16xi32>
      %gather3A_666 = tpu.dynamic_gather %get3A_614[%gather3A_665] in [0] : vector<16xf32>, vector<16xi32> -> vector<16xf32>
      %mul3A_667 = arith.mulf %get3A_662, %gather3A_666 : vector<16xf32>
      %swap3A_668 = arith.index_cast %add3A_658 : i32 to index
      %swap3A_669 = arith.constant 0 : index
      %swap3A_670 = tpu.vector_load %arg11[%swap3A_668, %swap3A_669] {strides = array<i32>} : memref<832x16xf32, #tpu.memory_space<vmem>>, vector<1x16xf32>,
      %swap3A_671 = vector.shape_cast %swap3A_670 : vector<1x16xf32> to vector<16xf32>
      %swap3A_672 = vector.shape_cast %mul3A_667 : vector<16xf32> to vector<1x16xf32>
      tpu.vector_store %arg11[%swap3A_668, %swap3A_669], %swap3A_672 {strides = array<i32>} : memref<832x16xf32, #tpu.memory_space<vmem>>, vector<1x16xf32>,
      %mul3A_673 = arith.constant 16 : i32
      %mul3A_674 = arith.muli %scan3A_607, %mul3A_673 : i32
      %add3A_675 = arith.constant 320 : i32
      %add3A_676 = arith.addi %add3A_675, %mul3A_674 : i32
      %add3A_677 = arith.constant 3 : i32
      %add3A_678 = arith.addi %add3A_676, %add3A_677 : i32
      %get3A_679 = arith.index_cast %add3A_678 : i32 to index
      %get3A_680 = arith.constant 0 : index
      %get3A_681 = tpu.vector_load %arg11[%get3A_679, %get3A_680] {strides = array<i32>} : memref<832x16xf32, #tpu.memory_space<vmem>>, vector<1x16xf32>,
      %get3A_682 = vector.shape_cast %get3A_681 : vector<1x16xf32> to vector<16xf32>
      %broadcast_in_dim3A_683 = arith.constant 3 : i32
      %broadcast_in_dim3A_684 = vector.broadcast %broadcast_in_dim3A_683 : i32 to vector<16x1xi32>
      %gather3A_685 = vector.shape_cast %broadcast_in_dim3A_684 : vector<16x1xi32> to vector<16xi32>
      %gather3A_686 = tpu.dynamic_gather %get3A_614[%gather3A_685] in [0] : vector<16xf32>, vector<16xi32> -> vector<16xf32>
      %mul3A_687 = arith.mulf %get3A_682, %gather3A_686 : vector<16xf32>
      %swap3A_688 = arith.index_cast %add3A_678 : i32 to index
      %swap3A_689 = arith.constant 0 : index
      %swap3A_690 = tpu.vector_load %arg11[%swap3A_688, %swap3A_689] {strides = array<i32>} : memref<832x16xf32, #tpu.memory_space<vmem>>, vector<1x16xf32>,
      %swap3A_691 = vector.shape_cast %swap3A_690 : vector<1x16xf32> to vector<16xf32>
      %swap3A_692 = vector.shape_cast %mul3A_687 : vector<16xf32> to vector<1x16xf32>
      tpu.vector_store %arg11[%swap3A_688, %swap3A_689], %swap3A_692 {strides = array<i32>} : memref<832x16xf32, #tpu.memory_space<vmem>>, vector<1x16xf32>,
      %mul3A_693 = arith.constant 16 : i32
      %mul3A_694 = arith.muli %scan3A_607, %mul3A_693 : i32
      %add3A_695 = arith.constant 320 : i32
      %add3A_696 = arith.addi %add3A_695, %mul3A_694 : i32
      %add3A_697 = arith.constant 4 : i32
      %add3A_698 = arith.addi %add3A_696, %add3A_697 : i32
      %get3A_699 = arith.index_cast %add3A_698 : i32 to index
      %get3A_700 = arith.constant 0 : index
      %get3A_701 = tpu.vector_load %arg11[%get3A_699, %get3A_700] {strides = array<i32>} : memref<832x16xf32, #tpu.memory_space<vmem>>, vector<1x16xf32>,
      %get3A_702 = vector.shape_cast %get3A_701 : vector<1x16xf32> to vector<16xf32>
      %broadcast_in_dim3A_703 = arith.constant 4 : i32
      %broadcast_in_dim3A_704 = vector.broadcast %broadcast_in_dim3A_703 : i32 to vector<16x1xi32>
      %gather3A_705 = vector.shape_cast %broadcast_in_dim3A_704 : vector<16x1xi32> to vector<16xi32>
      %gather3A_706 = tpu.dynamic_gather %get3A_614[%gather3A_705] in [0] : vector<16xf32>, vector<16xi32> -> vector<16xf32>
      %mul3A_707 = arith.mulf %get3A_702, %gather3A_706 : vector<16xf32>
      %swap3A_708 = arith.index_cast %add3A_698 : i32 to index
      %swap3A_709 = arith.constant 0 : index
      %swap3A_710 = tpu.vector_load %arg11[%swap3A_708, %swap3A_709] {strides = array<i32>} : memref<832x16xf32, #tpu.memory_space<vmem>>, vector<1x16xf32>,
      %swap3A_711 = vector.shape_cast %swap3A_710 : vector<1x16xf32> to vector<16xf32>
      %swap3A_712 = vector.shape_cast %mul3A_707 : vector<16xf32> to vector<1x16xf32>
      tpu.vector_store %arg11[%swap3A_708, %swap3A_709], %swap3A_712 {strides = array<i32>} : memref<832x16xf32, #tpu.memory_space<vmem>>, vector<1x16xf32>,
      %mul3A_713 = arith.constant 16 : i32
      %mul3A_714 = arith.muli %scan3A_607, %mul3A_713 : i32
      %add3A_715 = arith.constant 320 : i32
      %add3A_716 = arith.addi %add3A_715, %mul3A_714 : i32
      %add3A_717 = arith.constant 5 : i32
      %add3A_718 = arith.addi %add3A_716, %add3A_717 : i32
      %get3A_719 = arith.index_cast %add3A_718 : i32 to index
      %get3A_720 = arith.constant 0 : index
      %get3A_721 = tpu.vector_load %arg11[%get3A_719, %get3A_720] {strides = array<i32>} : memref<832x16xf32, #tpu.memory_space<vmem>>, vector<1x16xf32>,
      %get3A_722 = vector.shape_cast %get3A_721 : vector<1x16xf32> to vector<16xf32>
      %broadcast_in_dim3A_723 = arith.constant 5 : i32
      %broadcast_in_dim3A_724 = vector.broadcast %broadcast_in_dim3A_723 : i32 to vector<16x1xi32>
      %gather3A_725 = vector.shape_cast %broadcast_in_dim3A_724 : vector<16x1xi32> to vector<16xi32>
      %gather3A_726 = tpu.dynamic_gather %get3A_614[%gather3A_725] in [0] : vector<16xf32>, vector<16xi32> -> vector<16xf32>
      %mul3A_727 = arith.mulf %get3A_722, %gather3A_726 : vector<16xf32>
      %swap3A_728 = arith.index_cast %add3A_718 : i32 to index
      %swap3A_729 = arith.constant 0 : index
      %swap3A_730 = tpu.vector_load %arg11[%swap3A_728, %swap3A_729] {strides = array<i32>} : memref<832x16xf32, #tpu.memory_space<vmem>>, vector<1x16xf32>,
      %swap3A_731 = vector.shape_cast %swap3A_730 : vector<1x16xf32> to vector<16xf32>
      %swap3A_732 = vector.shape_cast %mul3A_727 : vector<16xf32> to vector<1x16xf32>
      tpu.vector_store %arg11[%swap3A_728, %swap3A_729], %swap3A_732 {strides = array<i32>} : memref<832x16xf32, #tpu.memory_space<vmem>>, vector<1x16xf32>,
      %mul3A_733 = arith.constant 16 : i32
      %mul3A_734 = arith.muli %scan3A_607, %mul3A_733 : i32
      %add3A_735 = arith.constant 320 : i32
      %add3A_736 = arith.addi %add3A_735, %mul3A_734 : i32
      %add3A_737 = arith.constant 6 : i32
      %add3A_738 = arith.addi %add3A_736, %add3A_737 : i32
      %get3A_739 = arith.index_cast %add3A_738 : i32 to index
      %get3A_740 = arith.constant 0 : index
      %get3A_741 = tpu.vector_load %arg11[%get3A_739, %get3A_740] {strides = array<i32>} : memref<832x16xf32, #tpu.memory_space<vmem>>, vector<1x16xf32>,
      %get3A_742 = vector.shape_cast %get3A_741 : vector<1x16xf32> to vector<16xf32>
      %broadcast_in_dim3A_743 = arith.constant 6 : i32
      %broadcast_in_dim3A_744 = vector.broadcast %broadcast_in_dim3A_743 : i32 to vector<16x1xi32>
      %gather3A_745 = vector.shape_cast %broadcast_in_dim3A_744 : vector<16x1xi32> to vector<16xi32>
      %gather3A_746 = tpu.dynamic_gather %get3A_614[%gather3A_745] in [0] : vector<16xf32>, vector<16xi32> -> vector<16xf32>
      %mul3A_747 = arith.mulf %get3A_742, %gather3A_746 : vector<16xf32>
      %swap3A_748 = arith.index_cast %add3A_738 : i32 to index
      %swap3A_749 = arith.constant 0 : index
      %swap3A_750 = tpu.vector_load %arg11[%swap3A_748, %swap3A_749] {strides = array<i32>} : memref<832x16xf32, #tpu.memory_space<vmem>>, vector<1x16xf32>,
      %swap3A_751 = vector.shape_cast %swap3A_750 : vector<1x16xf32> to vector<16xf32>
      %swap3A_752 = vector.shape_cast %mul3A_747 : vector<16xf32> to vector<1x16xf32>
      tpu.vector_store %arg11[%swap3A_748, %swap3A_749], %swap3A_752 {strides = array<i32>} : memref<832x16xf32, #tpu.memory_space<vmem>>, vector<1x16xf32>,
      %mul3A_753 = arith.constant 16 : i32
      %mul3A_754 = arith.muli %scan3A_607, %mul3A_753 : i32
      %add3A_755 = arith.constant 320 : i32
      %add3A_756 = arith.addi %add3A_755, %mul3A_754 : i32
      %add3A_757 = arith.constant 7 : i32
      %add3A_758 = arith.addi %add3A_756, %add3A_757 : i32
      %get3A_759 = arith.index_cast %add3A_758 : i32 to index
      %get3A_760 = arith.constant 0 : index
      %get3A_761 = tpu.vector_load %arg11[%get3A_759, %get3A_760] {strides = array<i32>} : memref<832x16xf32, #tpu.memory_space<vmem>>, vector<1x16xf32>,
      %get3A_762 = vector.shape_cast %get3A_761 : vector<1x16xf32> to vector<16xf32>
      %broadcast_in_dim3A_763 = arith.constant 7 : i32
      %broadcast_in_dim3A_764 = vector.broadcast %broadcast_in_dim3A_763 : i32 to vector<16x1xi32>
      %gather3A_765 = vector.shape_cast %broadcast_in_dim3A_764 : vector<16x1xi32> to vector<16xi32>
      %gather3A_766 = tpu.dynamic_gather %get3A_614[%gather3A_765] in [0] : vector<16xf32>, vector<16xi32> -> vector<16xf32>
      %mul3A_767 = arith.mulf %get3A_762, %gather3A_766 : vector<16xf32>
      %swap3A_768 = arith.index_cast %add3A_758 : i32 to index
      %swap3A_769 = arith.constant 0 : index
      %swap3A_770 = tpu.vector_load %arg11[%swap3A_768, %swap3A_769] {strides = array<i32>} : memref<832x16xf32, #tpu.memory_space<vmem>>, vector<1x16xf32>,
      %swap3A_771 = vector.shape_cast %swap3A_770 : vector<1x16xf32> to vector<16xf32>
      %swap3A_772 = vector.shape_cast %mul3A_767 : vector<16xf32> to vector<1x16xf32>
      tpu.vector_store %arg11[%swap3A_768, %swap3A_769], %swap3A_772 {strides = array<i32>} : memref<832x16xf32, #tpu.memory_space<vmem>>, vector<1x16xf32>,
      %mul3A_773 = arith.constant 16 : i32
      %mul3A_774 = arith.muli %scan3A_607, %mul3A_773 : i32
      %add3A_775 = arith.constant 320 : i32
      %add3A_776 = arith.addi %add3A_775, %mul3A_774 : i32
      %add3A_777 = arith.constant 8 : i32
      %add3A_778 = arith.addi %add3A_776, %add3A_777 : i32
      %get3A_779 = arith.index_cast %add3A_778 : i32 to index
      %get3A_780 = arith.constant 0 : index
      %get3A_781 = tpu.vector_load %arg11[%get3A_779, %get3A_780] {strides = array<i32>} : memref<832x16xf32, #tpu.memory_space<vmem>>, vector<1x16xf32>,
      %get3A_782 = vector.shape_cast %get3A_781 : vector<1x16xf32> to vector<16xf32>
      %broadcast_in_dim3A_783 = arith.constant 8 : i32
      %broadcast_in_dim3A_784 = vector.broadcast %broadcast_in_dim3A_783 : i32 to vector<16x1xi32>
      %gather3A_785 = vector.shape_cast %broadcast_in_dim3A_784 : vector<16x1xi32> to vector<16xi32>
      %gather3A_786 = tpu.dynamic_gather %get3A_614[%gather3A_785] in [0] : vector<16xf32>, vector<16xi32> -> vector<16xf32>
      %mul3A_787 = arith.mulf %get3A_782, %gather3A_786 : vector<16xf32>
      %swap3A_788 = arith.index_cast %add3A_778 : i32 to index
      %swap3A_789 = arith.constant 0 : index
      %swap3A_790 = tpu.vector_load %arg11[%swap3A_788, %swap3A_789] {strides = array<i32>} : memref<832x16xf32, #tpu.memory_space<vmem>>, vector<1x16xf32>,
      %swap3A_791 = vector.shape_cast %swap3A_790 : vector<1x16xf32> to vector<16xf32>
      %swap3A_792 = vector.shape_cast %mul3A_787 : vector<16xf32> to vector<1x16xf32>
      tpu.vector_store %arg11[%swap3A_788, %swap3A_789], %swap3A_792 {strides = array<i32>} : memref<832x16xf32, #tpu.memory_space<vmem>>, vector<1x16xf32>,
      %mul3A_793 = arith.constant 16 : i32
      %mul3A_794 = arith.muli %scan3A_607, %mul3A_793 : i32
      %add3A_795 = arith.constant 320 : i32
      %add3A_796 = arith.addi %add3A_795, %mul3A_794 : i32
      %add3A_797 = arith.constant 9 : i32
      %add3A_798 = arith.addi %add3A_796, %add3A_797 : i32
      %get3A_799 = arith.index_cast %add3A_798 : i32 to index
      %get3A_800 = arith.constant 0 : index
      %get3A_801 = tpu.vector_load %arg11[%get3A_799, %get3A_800] {strides = array<i32>} : memref<832x16xf32, #tpu.memory_space<vmem>>, vector<1x16xf32>,
      %get3A_802 = vector.shape_cast %get3A_801 : vector<1x16xf32> to vector<16xf32>
      %broadcast_in_dim3A_803 = arith.constant 9 : i32
      %broadcast_in_dim3A_804 = vector.broadcast %broadcast_in_dim3A_803 : i32 to vector<16x1xi32>
      %gather3A_805 = vector.shape_cast %broadcast_in_dim3A_804 : vector<16x1xi32> to vector<16xi32>
      %gather3A_806 = tpu.dynamic_gather %get3A_614[%gather3A_805] in [0] : vector<16xf32>, vector<16xi32> -> vector<16xf32>
      %mul3A_807 = arith.mulf %get3A_802, %gather3A_806 : vector<16xf32>
      %swap3A_808 = arith.index_cast %add3A_798 : i32 to index
      %swap3A_809 = arith.constant 0 : index
      %swap3A_810 = tpu.vector_load %arg11[%swap3A_808, %swap3A_809] {strides = array<i32>} : memref<832x16xf32, #tpu.memory_space<vmem>>, vector<1x16xf32>,
      %swap3A_811 = vector.shape_cast %swap3A_810 : vector<1x16xf32> to vector<16xf32>
      %swap3A_812 = vector.shape_cast %mul3A_807 : vector<16xf32> to vector<1x16xf32>
      tpu.vector_store %arg11[%swap3A_808, %swap3A_809], %swap3A_812 {strides = array<i32>} : memref<832x16xf32, #tpu.memory_space<vmem>>, vector<1x16xf32>,
      %mul3A_813 = arith.constant 16 : i32
      %mul3A_814 = arith.muli %scan3A_607, %mul3A_813 : i32
      %add3A_815 = arith.constant 320 : i32
      %add3A_816 = arith.addi %add3A_815, %mul3A_814 : i32
      %add3A_817 = arith.constant 10 : i32
      %add3A_818 = arith.addi %add3A_816, %add3A_817 : i32
      %get3A_819 = arith.index_cast %add3A_818 : i32 to index
      %get3A_820 = arith.constant 0 : index
      %get3A_821 = tpu.vector_load %arg11[%get3A_819, %get3A_820] {strides = array<i32>} : memref<832x16xf32, #tpu.memory_space<vmem>>, vector<1x16xf32>,
      %get3A_822 = vector.shape_cast %get3A_821 : vector<1x16xf32> to vector<16xf32>
      %broadcast_in_dim3A_823 = arith.constant 10 : i32
      %broadcast_in_dim3A_824 = vector.broadcast %broadcast_in_dim3A_823 : i32 to vector<16x1xi32>
      %gather3A_825 = vector.shape_cast %broadcast_in_dim3A_824 : vector<16x1xi32> to vector<16xi32>
      %gather3A_826 = tpu.dynamic_gather %get3A_614[%gather3A_825] in [0] : vector<16xf32>, vector<16xi32> -> vector<16xf32>
      %mul3A_827 = arith.mulf %get3A_822, %gather3A_826 : vector<16xf32>
      %swap3A_828 = arith.index_cast %add3A_818 : i32 to index
      %swap3A_829 = arith.constant 0 : index
      %swap3A_830 = tpu.vector_load %arg11[%swap3A_828, %swap3A_829] {strides = array<i32>} : memref<832x16xf32, #tpu.memory_space<vmem>>, vector<1x16xf32>,
      %swap3A_831 = vector.shape_cast %swap3A_830 : vector<1x16xf32> to vector<16xf32>
      %swap3A_832 = vector.shape_cast %mul3A_827 : vector<16xf32> to vector<1x16xf32>
      tpu.vector_store %arg11[%swap3A_828, %swap3A_829], %swap3A_832 {strides = array<i32>} : memref<832x16xf32, #tpu.memory_space<vmem>>, vector<1x16xf32>,
      %mul3A_833 = arith.constant 16 : i32
      %mul3A_834 = arith.muli %scan3A_607, %mul3A_833 : i32
      %add3A_835 = arith.constant 320 : i32
      %add3A_836 = arith.addi %add3A_835, %mul3A_834 : i32
      %add3A_837 = arith.constant 11 : i32
      %add3A_838 = arith.addi %add3A_836, %add3A_837 : i32
      %get3A_839 = arith.index_cast %add3A_838 : i32 to index
      %get3A_840 = arith.constant 0 : index
      %get3A_841 = tpu.vector_load %arg11[%get3A_839, %get3A_840] {strides = array<i32>} : memref<832x16xf32, #tpu.memory_space<vmem>>, vector<1x16xf32>,
      %get3A_842 = vector.shape_cast %get3A_841 : vector<1x16xf32> to vector<16xf32>
      %broadcast_in_dim3A_843 = arith.constant 11 : i32
      %broadcast_in_dim3A_844 = vector.broadcast %broadcast_in_dim3A_843 : i32 to vector<16x1xi32>
      %gather3A_845 = vector.shape_cast %broadcast_in_dim3A_844 : vector<16x1xi32> to vector<16xi32>
      %gather3A_846 = tpu.dynamic_gather %get3A_614[%gather3A_845] in [0] : vector<16xf32>, vector<16xi32> -> vector<16xf32>
      %mul3A_847 = arith.mulf %get3A_842, %gather3A_846 : vector<16xf32>
      %swap3A_848 = arith.index_cast %add3A_838 : i32 to index
      %swap3A_849 = arith.constant 0 : index
      %swap3A_850 = tpu.vector_load %arg11[%swap3A_848, %swap3A_849] {strides = array<i32>} : memref<832x16xf32, #tpu.memory_space<vmem>>, vector<1x16xf32>,
      %swap3A_851 = vector.shape_cast %swap3A_850 : vector<1x16xf32> to vector<16xf32>
      %swap3A_852 = vector.shape_cast %mul3A_847 : vector<16xf32> to vector<1x16xf32>
      tpu.vector_store %arg11[%swap3A_848, %swap3A_849], %swap3A_852 {strides = array<i32>} : memref<832x16xf32, #tpu.memory_space<vmem>>, vector<1x16xf32>,
      %mul3A_853 = arith.constant 16 : i32
      %mul3A_854 = arith.muli %scan3A_607, %mul3A_853 : i32
      %add3A_855 = arith.constant 320 : i32
      %add3A_856 = arith.addi %add3A_855, %mul3A_854 : i32
      %add3A_857 = arith.constant 12 : i32
      %add3A_858 = arith.addi %add3A_856, %add3A_857 : i32
      %get3A_859 = arith.index_cast %add3A_858 : i32 to index
      %get3A_860 = arith.constant 0 : index
      %get3A_861 = tpu.vector_load %arg11[%get3A_859, %get3A_860] {strides = array<i32>} : memref<832x16xf32, #tpu.memory_space<vmem>>, vector<1x16xf32>,
      %get3A_862 = vector.shape_cast %get3A_861 : vector<1x16xf32> to vector<16xf32>
      %broadcast_in_dim3A_863 = arith.constant 12 : i32
      %broadcast_in_dim3A_864 = vector.broadcast %broadcast_in_dim3A_863 : i32 to vector<16x1xi32>
      %gather3A_865 = vector.shape_cast %broadcast_in_dim3A_864 : vector<16x1xi32> to vector<16xi32>
      %gather3A_866 = tpu.dynamic_gather %get3A_614[%gather3A_865] in [0] : vector<16xf32>, vector<16xi32> -> vector<16xf32>
      %mul3A_867 = arith.mulf %get3A_862, %gather3A_866 : vector<16xf32>
      %swap3A_868 = arith.index_cast %add3A_858 : i32 to index
      %swap3A_869 = arith.constant 0 : index
      %swap3A_870 = tpu.vector_load %arg11[%swap3A_868, %swap3A_869] {strides = array<i32>} : memref<832x16xf32, #tpu.memory_space<vmem>>, vector<1x16xf32>,
      %swap3A_871 = vector.shape_cast %swap3A_870 : vector<1x16xf32> to vector<16xf32>
      %swap3A_872 = vector.shape_cast %mul3A_867 : vector<16xf32> to vector<1x16xf32>
      tpu.vector_store %arg11[%swap3A_868, %swap3A_869], %swap3A_872 {strides = array<i32>} : memref<832x16xf32, #tpu.memory_space<vmem>>, vector<1x16xf32>,
      %mul3A_873 = arith.constant 16 : i32
      %mul3A_874 = arith.muli %scan3A_607, %mul3A_873 : i32
      %add3A_875 = arith.constant 320 : i32
      %add3A_876 = arith.addi %add3A_875, %mul3A_874 : i32
      %add3A_877 = arith.constant 13 : i32
      %add3A_878 = arith.addi %add3A_876, %add3A_877 : i32
      %get3A_879 = arith.index_cast %add3A_878 : i32 to index
      %get3A_880 = arith.constant 0 : index
      %get3A_881 = tpu.vector_load %arg11[%get3A_879, %get3A_880] {strides = array<i32>} : memref<832x16xf32, #tpu.memory_space<vmem>>, vector<1x16xf32>,
      %get3A_882 = vector.shape_cast %get3A_881 : vector<1x16xf32> to vector<16xf32>
      %broadcast_in_dim3A_883 = arith.constant 13 : i32
      %broadcast_in_dim3A_884 = vector.broadcast %broadcast_in_dim3A_883 : i32 to vector<16x1xi32>
      %gather3A_885 = vector.shape_cast %broadcast_in_dim3A_884 : vector<16x1xi32> to vector<16xi32>
      %gather3A_886 = tpu.dynamic_gather %get3A_614[%gather3A_885] in [0] : vector<16xf32>, vector<16xi32> -> vector<16xf32>
      %mul3A_887 = arith.mulf %get3A_882, %gather3A_886 : vector<16xf32>
      %swap3A_888 = arith.index_cast %add3A_878 : i32 to index
      %swap3A_889 = arith.constant 0 : index
      %swap3A_890 = tpu.vector_load %arg11[%swap3A_888, %swap3A_889] {strides = array<i32>} : memref<832x16xf32, #tpu.memory_space<vmem>>, vector<1x16xf32>,
      %swap3A_891 = vector.shape_cast %swap3A_890 : vector<1x16xf32> to vector<16xf32>
      %swap3A_892 = vector.shape_cast %mul3A_887 : vector<16xf32> to vector<1x16xf32>
      tpu.vector_store %arg11[%swap3A_888, %swap3A_889], %swap3A_892 {strides = array<i32>} : memref<832x16xf32, #tpu.memory_space<vmem>>, vector<1x16xf32>,
      %mul3A_893 = arith.constant 16 : i32
      %mul3A_894 = arith.muli %scan3A_607, %mul3A_893 : i32
      %add3A_895 = arith.constant 320 : i32
      %add3A_896 = arith.addi %add3A_895, %mul3A_894 : i32
      %add3A_897 = arith.constant 14 : i32
      %add3A_898 = arith.addi %add3A_896, %add3A_897 : i32
      %get3A_899 = arith.index_cast %add3A_898 : i32 to index
      %get3A_900 = arith.constant 0 : index
      %get3A_901 = tpu.vector_load %arg11[%get3A_899, %get3A_900] {strides = array<i32>} : memref<832x16xf32, #tpu.memory_space<vmem>>, vector<1x16xf32>,
      %get3A_902 = vector.shape_cast %get3A_901 : vector<1x16xf32> to vector<16xf32>
      %broadcast_in_dim3A_903 = arith.constant 14 : i32
      %broadcast_in_dim3A_904 = vector.broadcast %broadcast_in_dim3A_903 : i32 to vector<16x1xi32>
      %gather3A_905 = vector.shape_cast %broadcast_in_dim3A_904 : vector<16x1xi32> to vector<16xi32>
      %gather3A_906 = tpu.dynamic_gather %get3A_614[%gather3A_905] in [0] : vector<16xf32>, vector<16xi32> -> vector<16xf32>
      %mul3A_907 = arith.mulf %get3A_902, %gather3A_906 : vector<16xf32>
      %swap3A_908 = arith.index_cast %add3A_898 : i32 to index
      %swap3A_909 = arith.constant 0 : index
      %swap3A_910 = tpu.vector_load %arg11[%swap3A_908, %swap3A_909] {strides = array<i32>} : memref<832x16xf32, #tpu.memory_space<vmem>>, vector<1x16xf32>,
      %swap3A_911 = vector.shape_cast %swap3A_910 : vector<1x16xf32> to vector<16xf32>
      %swap3A_912 = vector.shape_cast %mul3A_907 : vector<16xf32> to vector<1x16xf32>
      tpu.vector_store %arg11[%swap3A_908, %swap3A_909], %swap3A_912 {strides = array<i32>} : memref<832x16xf32, #tpu.memory_space<vmem>>, vector<1x16xf32>,
      %mul3A_913 = arith.constant 16 : i32
      %mul3A_914 = arith.muli %scan3A_607, %mul3A_913 : i32
      %add3A_915 = arith.constant 320 : i32
      %add3A_916 = arith.addi %add3A_915, %mul3A_914 : i32
      %add3A_917 = arith.constant 15 : i32
      %add3A_918 = arith.addi %add3A_916, %add3A_917 : i32
      %get3A_919 = arith.index_cast %add3A_918 : i32 to index
      %get3A_920 = arith.constant 0 : index
      %get3A_921 = tpu.vector_load %arg11[%get3A_919, %get3A_920] {strides = array<i32>} : memref<832x16xf32, #tpu.memory_space<vmem>>, vector<1x16xf32>,
      %get3A_922 = vector.shape_cast %get3A_921 : vector<1x16xf32> to vector<16xf32>
      %broadcast_in_dim3A_923 = arith.constant 15 : i32
      %broadcast_in_dim3A_924 = vector.broadcast %broadcast_in_dim3A_923 : i32 to vector<16x1xi32>
      %gather3A_925 = vector.shape_cast %broadcast_in_dim3A_924 : vector<16x1xi32> to vector<16xi32>
      %gather3A_926 = tpu.dynamic_gather %get3A_614[%gather3A_925] in [0] : vector<16xf32>, vector<16xi32> -> vector<16xf32>
      %mul3A_927 = arith.mulf %get3A_922, %gather3A_926 : vector<16xf32>
      %swap3A_928 = arith.index_cast %add3A_918 : i32 to index
      %swap3A_929 = arith.constant 0 : index
      %swap3A_930 = tpu.vector_load %arg11[%swap3A_928, %swap3A_929] {strides = array<i32>} : memref<832x16xf32, #tpu.memory_space<vmem>>, vector<1x16xf32>,
      %swap3A_931 = vector.shape_cast %swap3A_930 : vector<1x16xf32> to vector<16xf32>
      %swap3A_932 = vector.shape_cast %mul3A_927 : vector<16xf32> to vector<1x16xf32>
      tpu.vector_store %arg11[%swap3A_928, %swap3A_929], %swap3A_932 {strides = array<i32>} : memref<832x16xf32, #tpu.memory_space<vmem>>, vector<1x16xf32>,
    }
    %scan3A_293 = arith.constant 4 : i32
    %dma_start3A_294 = arith.constant 5 : i32
    %dma_start3A_295 = arith.constant 320 : i32
    %dma_start3A_296 = arith.constant 0 : i32
    %dma_start3A_297 = tpu.memref_slice %arg11[%dma_start3A_295, %dma_start3A_296] : memref<832x16xf32, #tpu.memory_space<vmem>> -> memref<64x16xf32, #tpu.memory_space<vmem>>
    %dma_start3A_298 = arith.constant 0 : i32
    %dma_start3A_299 = tpu.memref_slice %arg10[%dma_start3A_294, %dma_start3A_298] : memref<13x64xi32, #tpu.memory_space<vmem>> -> memref<1x64xi32, #tpu.memory_space<vmem>>
    %dma_start3A_300 = tpu.memref_squeeze %dma_start3A_299 : memref<1x64xi32, #tpu.memory_space<vmem>> -> memref<64xi32, #tpu.memory_space<vmem>>
    %dma_start3A_301 = arith.constant 0 : i32
    %dma_start3A_302 = arith.constant 0 : i32
    %dma_start3A_303 = tpu.memref_slice %arg14[%dma_start3A_301, %dma_start3A_302] : memref<2816x16xf32, #tpu.memory_space<vmem_shared>> -> memref<2816x16xf32, #tpu.memory_space<vmem_shared>>
    tpu.enqueue_indirect_dma source(%dma_start3A_297 : memref<64x16xf32, #tpu.memory_space<vmem>>) target(%dma_start3A_303 : memref<2816x16xf32, #tpu.memory_space<vmem_shared>>) offsets(%dma_start3A_300 : memref<64xi32, #tpu.memory_space<vmem>>) semaphore(%arg18 : memref<!tpu.dma_semaphore, #tpu.memory_space<semaphore_mem>>) {add = true}
    %dma_wait3A_304 = arith.constant 384 : i32
    %dma_wait3A_305 = arith.constant 0 : i32
    %dma_wait3A_306 = tpu.memref_slice %arg11[%dma_wait3A_304, %dma_wait3A_305] : memref<832x16xf32, #tpu.memory_space<vmem>> -> memref<64x16xf32, #tpu.memory_space<vmem>>
    %dma_wait3A_307 = arith.constant 384 : i32
    %dma_wait3A_308 = tpu.memref_slice %arg7[%dma_wait3A_307] : memref<832xi32, #tpu.memory_space<vmem>> -> memref<64xi32, #tpu.memory_space<vmem>>
    %dma_wait3A_309 = arith.constant 0 : i32
    %dma_wait3A_310 = arith.constant 0 : i32
    %dma_wait3A_311 = tpu.memref_slice %arg15[%dma_wait3A_309, %dma_wait3A_310] : memref<2816x16xf32, #tpu.memory_space<vmem_shared>> -> memref<2816x16xf32, #tpu.memory_space<vmem_shared>>
    tpu.wait_indirect_dma semaphore(%arg17 : memref<!tpu.dma_semaphore, #tpu.memory_space<semaphore_mem>>) src(%dma_wait3A_311 : memref<2816x16xf32, #tpu.memory_space<vmem_shared>>) dst(%dma_wait3A_306 : memref<64x16xf32, #tpu.memory_space<vmem>>)
    %scan3A_312 = arith.constant 0 : i32
    %scan3A_313 = arith.constant 0 : i32
    %scan3A_314 = arith.constant 4 : i32
    %scan3A_315 = arith.addi %scan3A_313, %scan3A_314 : i32
    %scan3A_316 = arith.constant 1 : i32
    scf.for %scan3A_607 = %scan3A_313 to %scan3A_315 step %scan3A_316  : i32 {
      %mul3A_608 = arith.constant 16 : i32
      %mul3A_609 = arith.muli %scan3A_607, %mul3A_608 : i32
      %add3A_610 = arith.constant 384 : i32
      %add3A_611 = arith.addi %add3A_610, %mul3A_609 : i32
      %get3A_612 = arith.index_cast %add3A_611 : i32 to index
      %get3A_613 = tpu.vector_load %arg9[%get3A_612] {strides = array<i32>} : memref<832xf32, #tpu.memory_space<vmem>>, vector<16xf32>,
      %get3A_614 = vector.shape_cast %get3A_613 : vector<16xf32> to vector<16xf32>
      %mul3A_615 = arith.constant 16 : i32
      %mul3A_616 = arith.muli %scan3A_607, %mul3A_615 : i32
      %add3A_617 = arith.constant 384 : i32
      %add3A_618 = arith.addi %add3A_617, %mul3A_616 : i32
      %add3A_619 = arith.constant 0 : i32
      %add3A_620 = arith.addi %add3A_618, %add3A_619 : i32
      %get3A_621 = arith.index_cast %add3A_620 : i32 to index
      %get3A_622 = arith.constant 0 : index
      %get3A_623 = tpu.vector_load %arg11[%get3A_621, %get3A_622] {strides = array<i32>} : memref<832x16xf32, #tpu.memory_space<vmem>>, vector<1x16xf32>,
      %get3A_624 = vector.shape_cast %get3A_623 : vector<1x16xf32> to vector<16xf32>
      %broadcast_in_dim3A_625 = arith.constant 0 : i32
      %broadcast_in_dim3A_626 = vector.broadcast %broadcast_in_dim3A_625 : i32 to vector<16x1xi32>
      %gather3A = vector.shape_cast %broadcast_in_dim3A_626 : vector<16x1xi32> to vector<16xi32>
      %gather3A_627 = tpu.dynamic_gather %get3A_614[%gather3A] in [0] : vector<16xf32>, vector<16xi32> -> vector<16xf32>
      %mul3A_628 = arith.mulf %get3A_624, %gather3A_627 : vector<16xf32>
      %swap3A = arith.index_cast %add3A_620 : i32 to index
      %swap3A_629 = arith.constant 0 : index
      %swap3A_630 = tpu.vector_load %arg11[%swap3A, %swap3A_629] {strides = array<i32>} : memref<832x16xf32, #tpu.memory_space<vmem>>, vector<1x16xf32>,
      %swap3A_631 = vector.shape_cast %swap3A_630 : vector<1x16xf32> to vector<16xf32>
      %swap3A_632 = vector.shape_cast %mul3A_628 : vector<16xf32> to vector<1x16xf32>
      tpu.vector_store %arg11[%swap3A, %swap3A_629], %swap3A_632 {strides = array<i32>} : memref<832x16xf32, #tpu.memory_space<vmem>>, vector<1x16xf32>,
      %mul3A_633 = arith.constant 16 : i32
      %mul3A_634 = arith.muli %scan3A_607, %mul3A_633 : i32
      %add3A_635 = arith.constant 384 : i32
      %add3A_636 = arith.addi %add3A_635, %mul3A_634 : i32
      %add3A_637 = arith.constant 1 : i32
      %add3A_638 = arith.addi %add3A_636, %add3A_637 : i32
      %get3A_639 = arith.index_cast %add3A_638 : i32 to index
      %get3A_640 = arith.constant 0 : index
      %get3A_641 = tpu.vector_load %arg11[%get3A_639, %get3A_640] {strides = array<i32>} : memref<832x16xf32, #tpu.memory_space<vmem>>, vector<1x16xf32>,
      %get3A_642 = vector.shape_cast %get3A_641 : vector<1x16xf32> to vector<16xf32>
      %broadcast_in_dim3A_643 = arith.constant 1 : i32
      %broadcast_in_dim3A_644 = vector.broadcast %broadcast_in_dim3A_643 : i32 to vector<16x1xi32>
      %gather3A_645 = vector.shape_cast %broadcast_in_dim3A_644 : vector<16x1xi32> to vector<16xi32>
      %gather3A_646 = tpu.dynamic_gather %get3A_614[%gather3A_645] in [0] : vector<16xf32>, vector<16xi32> -> vector<16xf32>
      %mul3A_647 = arith.mulf %get3A_642, %gather3A_646 : vector<16xf32>
      %swap3A_648 = arith.index_cast %add3A_638 : i32 to index
      %swap3A_649 = arith.constant 0 : index
      %swap3A_650 = tpu.vector_load %arg11[%swap3A_648, %swap3A_649] {strides = array<i32>} : memref<832x16xf32, #tpu.memory_space<vmem>>, vector<1x16xf32>,
      %swap3A_651 = vector.shape_cast %swap3A_650 : vector<1x16xf32> to vector<16xf32>
      %swap3A_652 = vector.shape_cast %mul3A_647 : vector<16xf32> to vector<1x16xf32>
      tpu.vector_store %arg11[%swap3A_648, %swap3A_649], %swap3A_652 {strides = array<i32>} : memref<832x16xf32, #tpu.memory_space<vmem>>, vector<1x16xf32>,
      %mul3A_653 = arith.constant 16 : i32
      %mul3A_654 = arith.muli %scan3A_607, %mul3A_653 : i32
      %add3A_655 = arith.constant 384 : i32
      %add3A_656 = arith.addi %add3A_655, %mul3A_654 : i32
      %add3A_657 = arith.constant 2 : i32
      %add3A_658 = arith.addi %add3A_656, %add3A_657 : i32
      %get3A_659 = arith.index_cast %add3A_658 : i32 to index
      %get3A_660 = arith.constant 0 : index
      %get3A_661 = tpu.vector_load %arg11[%get3A_659, %get3A_660] {strides = array<i32>} : memref<832x16xf32, #tpu.memory_space<vmem>>, vector<1x16xf32>,
      %get3A_662 = vector.shape_cast %get3A_661 : vector<1x16xf32> to vector<16xf32>
      %broadcast_in_dim3A_663 = arith.constant 2 : i32
      %broadcast_in_dim3A_664 = vector.broadcast %broadcast_in_dim3A_663 : i32 to vector<16x1xi32>
      %gather3A_665 = vector.shape_cast %broadcast_in_dim3A_664 : vector<16x1xi32> to vector<16xi32>
      %gather3A_666 = tpu.dynamic_gather %get3A_614[%gather3A_665] in [0] : vector<16xf32>, vector<16xi32> -> vector<16xf32>
      %mul3A_667 = arith.mulf %get3A_662, %gather3A_666 : vector<16xf32>
      %swap3A_668 = arith.index_cast %add3A_658 : i32 to index
      %swap3A_669 = arith.constant 0 : index
      %swap3A_670 = tpu.vector_load %arg11[%swap3A_668, %swap3A_669] {strides = array<i32>} : memref<832x16xf32, #tpu.memory_space<vmem>>, vector<1x16xf32>,
      %swap3A_671 = vector.shape_cast %swap3A_670 : vector<1x16xf32> to vector<16xf32>
      %swap3A_672 = vector.shape_cast %mul3A_667 : vector<16xf32> to vector<1x16xf32>
      tpu.vector_store %arg11[%swap3A_668, %swap3A_669], %swap3A_672 {strides = array<i32>} : memref<832x16xf32, #tpu.memory_space<vmem>>, vector<1x16xf32>,
      %mul3A_673 = arith.constant 16 : i32
      %mul3A_674 = arith.muli %scan3A_607, %mul3A_673 : i32
      %add3A_675 = arith.constant 384 : i32
      %add3A_676 = arith.addi %add3A_675, %mul3A_674 : i32
      %add3A_677 = arith.constant 3 : i32
      %add3A_678 = arith.addi %add3A_676, %add3A_677 : i32
      %get3A_679 = arith.index_cast %add3A_678 : i32 to index
      %get3A_680 = arith.constant 0 : index
      %get3A_681 = tpu.vector_load %arg11[%get3A_679, %get3A_680] {strides = array<i32>} : memref<832x16xf32, #tpu.memory_space<vmem>>, vector<1x16xf32>,
      %get3A_682 = vector.shape_cast %get3A_681 : vector<1x16xf32> to vector<16xf32>
      %broadcast_in_dim3A_683 = arith.constant 3 : i32
      %broadcast_in_dim3A_684 = vector.broadcast %broadcast_in_dim3A_683 : i32 to vector<16x1xi32>
      %gather3A_685 = vector.shape_cast %broadcast_in_dim3A_684 : vector<16x1xi32> to vector<16xi32>
      %gather3A_686 = tpu.dynamic_gather %get3A_614[%gather3A_685] in [0] : vector<16xf32>, vector<16xi32> -> vector<16xf32>
      %mul3A_687 = arith.mulf %get3A_682, %gather3A_686 : vector<16xf32>
      %swap3A_688 = arith.index_cast %add3A_678 : i32 to index
      %swap3A_689 = arith.constant 0 : index
      %swap3A_690 = tpu.vector_load %arg11[%swap3A_688, %swap3A_689] {strides = array<i32>} : memref<832x16xf32, #tpu.memory_space<vmem>>, vector<1x16xf32>,
      %swap3A_691 = vector.shape_cast %swap3A_690 : vector<1x16xf32> to vector<16xf32>
      %swap3A_692 = vector.shape_cast %mul3A_687 : vector<16xf32> to vector<1x16xf32>
      tpu.vector_store %arg11[%swap3A_688, %swap3A_689], %swap3A_692 {strides = array<i32>} : memref<832x16xf32, #tpu.memory_space<vmem>>, vector<1x16xf32>,
      %mul3A_693 = arith.constant 16 : i32
      %mul3A_694 = arith.muli %scan3A_607, %mul3A_693 : i32
      %add3A_695 = arith.constant 384 : i32
      %add3A_696 = arith.addi %add3A_695, %mul3A_694 : i32
      %add3A_697 = arith.constant 4 : i32
      %add3A_698 = arith.addi %add3A_696, %add3A_697 : i32
      %get3A_699 = arith.index_cast %add3A_698 : i32 to index
      %get3A_700 = arith.constant 0 : index
      %get3A_701 = tpu.vector_load %arg11[%get3A_699, %get3A_700] {strides = array<i32>} : memref<832x16xf32, #tpu.memory_space<vmem>>, vector<1x16xf32>,
      %get3A_702 = vector.shape_cast %get3A_701 : vector<1x16xf32> to vector<16xf32>
      %broadcast_in_dim3A_703 = arith.constant 4 : i32
      %broadcast_in_dim3A_704 = vector.broadcast %broadcast_in_dim3A_703 : i32 to vector<16x1xi32>
      %gather3A_705 = vector.shape_cast %broadcast_in_dim3A_704 : vector<16x1xi32> to vector<16xi32>
      %gather3A_706 = tpu.dynamic_gather %get3A_614[%gather3A_705] in [0] : vector<16xf32>, vector<16xi32> -> vector<16xf32>
      %mul3A_707 = arith.mulf %get3A_702, %gather3A_706 : vector<16xf32>
      %swap3A_708 = arith.index_cast %add3A_698 : i32 to index
      %swap3A_709 = arith.constant 0 : index
      %swap3A_710 = tpu.vector_load %arg11[%swap3A_708, %swap3A_709] {strides = array<i32>} : memref<832x16xf32, #tpu.memory_space<vmem>>, vector<1x16xf32>,
      %swap3A_711 = vector.shape_cast %swap3A_710 : vector<1x16xf32> to vector<16xf32>
      %swap3A_712 = vector.shape_cast %mul3A_707 : vector<16xf32> to vector<1x16xf32>
      tpu.vector_store %arg11[%swap3A_708, %swap3A_709], %swap3A_712 {strides = array<i32>} : memref<832x16xf32, #tpu.memory_space<vmem>>, vector<1x16xf32>,
      %mul3A_713 = arith.constant 16 : i32
      %mul3A_714 = arith.muli %scan3A_607, %mul3A_713 : i32
      %add3A_715 = arith.constant 384 : i32
      %add3A_716 = arith.addi %add3A_715, %mul3A_714 : i32
      %add3A_717 = arith.constant 5 : i32
      %add3A_718 = arith.addi %add3A_716, %add3A_717 : i32
      %get3A_719 = arith.index_cast %add3A_718 : i32 to index
      %get3A_720 = arith.constant 0 : index
      %get3A_721 = tpu.vector_load %arg11[%get3A_719, %get3A_720] {strides = array<i32>} : memref<832x16xf32, #tpu.memory_space<vmem>>, vector<1x16xf32>,
      %get3A_722 = vector.shape_cast %get3A_721 : vector<1x16xf32> to vector<16xf32>
      %broadcast_in_dim3A_723 = arith.constant 5 : i32
      %broadcast_in_dim3A_724 = vector.broadcast %broadcast_in_dim3A_723 : i32 to vector<16x1xi32>
      %gather3A_725 = vector.shape_cast %broadcast_in_dim3A_724 : vector<16x1xi32> to vector<16xi32>
      %gather3A_726 = tpu.dynamic_gather %get3A_614[%gather3A_725] in [0] : vector<16xf32>, vector<16xi32> -> vector<16xf32>
      %mul3A_727 = arith.mulf %get3A_722, %gather3A_726 : vector<16xf32>
      %swap3A_728 = arith.index_cast %add3A_718 : i32 to index
      %swap3A_729 = arith.constant 0 : index
      %swap3A_730 = tpu.vector_load %arg11[%swap3A_728, %swap3A_729] {strides = array<i32>} : memref<832x16xf32, #tpu.memory_space<vmem>>, vector<1x16xf32>,
      %swap3A_731 = vector.shape_cast %swap3A_730 : vector<1x16xf32> to vector<16xf32>
      %swap3A_732 = vector.shape_cast %mul3A_727 : vector<16xf32> to vector<1x16xf32>
      tpu.vector_store %arg11[%swap3A_728, %swap3A_729], %swap3A_732 {strides = array<i32>} : memref<832x16xf32, #tpu.memory_space<vmem>>, vector<1x16xf32>,
      %mul3A_733 = arith.constant 16 : i32
      %mul3A_734 = arith.muli %scan3A_607, %mul3A_733 : i32
      %add3A_735 = arith.constant 384 : i32
      %add3A_736 = arith.addi %add3A_735, %mul3A_734 : i32
      %add3A_737 = arith.constant 6 : i32
      %add3A_738 = arith.addi %add3A_736, %add3A_737 : i32
      %get3A_739 = arith.index_cast %add3A_738 : i32 to index
      %get3A_740 = arith.constant 0 : index
      %get3A_741 = tpu.vector_load %arg11[%get3A_739, %get3A_740] {strides = array<i32>} : memref<832x16xf32, #tpu.memory_space<vmem>>, vector<1x16xf32>,
      %get3A_742 = vector.shape_cast %get3A_741 : vector<1x16xf32> to vector<16xf32>
      %broadcast_in_dim3A_743 = arith.constant 6 : i32
      %broadcast_in_dim3A_744 = vector.broadcast %broadcast_in_dim3A_743 : i32 to vector<16x1xi32>
      %gather3A_745 = vector.shape_cast %broadcast_in_dim3A_744 : vector<16x1xi32> to vector<16xi32>
      %gather3A_746 = tpu.dynamic_gather %get3A_614[%gather3A_745] in [0] : vector<16xf32>, vector<16xi32> -> vector<16xf32>
      %mul3A_747 = arith.mulf %get3A_742, %gather3A_746 : vector<16xf32>
      %swap3A_748 = arith.index_cast %add3A_738 : i32 to index
      %swap3A_749 = arith.constant 0 : index
      %swap3A_750 = tpu.vector_load %arg11[%swap3A_748, %swap3A_749] {strides = array<i32>} : memref<832x16xf32, #tpu.memory_space<vmem>>, vector<1x16xf32>,
      %swap3A_751 = vector.shape_cast %swap3A_750 : vector<1x16xf32> to vector<16xf32>
      %swap3A_752 = vector.shape_cast %mul3A_747 : vector<16xf32> to vector<1x16xf32>
      tpu.vector_store %arg11[%swap3A_748, %swap3A_749], %swap3A_752 {strides = array<i32>} : memref<832x16xf32, #tpu.memory_space<vmem>>, vector<1x16xf32>,
      %mul3A_753 = arith.constant 16 : i32
      %mul3A_754 = arith.muli %scan3A_607, %mul3A_753 : i32
      %add3A_755 = arith.constant 384 : i32
      %add3A_756 = arith.addi %add3A_755, %mul3A_754 : i32
      %add3A_757 = arith.constant 7 : i32
      %add3A_758 = arith.addi %add3A_756, %add3A_757 : i32
      %get3A_759 = arith.index_cast %add3A_758 : i32 to index
      %get3A_760 = arith.constant 0 : index
      %get3A_761 = tpu.vector_load %arg11[%get3A_759, %get3A_760] {strides = array<i32>} : memref<832x16xf32, #tpu.memory_space<vmem>>, vector<1x16xf32>,
      %get3A_762 = vector.shape_cast %get3A_761 : vector<1x16xf32> to vector<16xf32>
      %broadcast_in_dim3A_763 = arith.constant 7 : i32
      %broadcast_in_dim3A_764 = vector.broadcast %broadcast_in_dim3A_763 : i32 to vector<16x1xi32>
      %gather3A_765 = vector.shape_cast %broadcast_in_dim3A_764 : vector<16x1xi32> to vector<16xi32>
      %gather3A_766 = tpu.dynamic_gather %get3A_614[%gather3A_765] in [0] : vector<16xf32>, vector<16xi32> -> vector<16xf32>
      %mul3A_767 = arith.mulf %get3A_762, %gather3A_766 : vector<16xf32>
      %swap3A_768 = arith.index_cast %add3A_758 : i32 to index
      %swap3A_769 = arith.constant 0 : index
      %swap3A_770 = tpu.vector_load %arg11[%swap3A_768, %swap3A_769] {strides = array<i32>} : memref<832x16xf32, #tpu.memory_space<vmem>>, vector<1x16xf32>,
      %swap3A_771 = vector.shape_cast %swap3A_770 : vector<1x16xf32> to vector<16xf32>
      %swap3A_772 = vector.shape_cast %mul3A_767 : vector<16xf32> to vector<1x16xf32>
      tpu.vector_store %arg11[%swap3A_768, %swap3A_769], %swap3A_772 {strides = array<i32>} : memref<832x16xf32, #tpu.memory_space<vmem>>, vector<1x16xf32>,
      %mul3A_773 = arith.constant 16 : i32
      %mul3A_774 = arith.muli %scan3A_607, %mul3A_773 : i32
      %add3A_775 = arith.constant 384 : i32
      %add3A_776 = arith.addi %add3A_775, %mul3A_774 : i32
      %add3A_777 = arith.constant 8 : i32
      %add3A_778 = arith.addi %add3A_776, %add3A_777 : i32
      %get3A_779 = arith.index_cast %add3A_778 : i32 to index
      %get3A_780 = arith.constant 0 : index
      %get3A_781 = tpu.vector_load %arg11[%get3A_779, %get3A_780] {strides = array<i32>} : memref<832x16xf32, #tpu.memory_space<vmem>>, vector<1x16xf32>,
      %get3A_782 = vector.shape_cast %get3A_781 : vector<1x16xf32> to vector<16xf32>
      %broadcast_in_dim3A_783 = arith.constant 8 : i32
      %broadcast_in_dim3A_784 = vector.broadcast %broadcast_in_dim3A_783 : i32 to vector<16x1xi32>
      %gather3A_785 = vector.shape_cast %broadcast_in_dim3A_784 : vector<16x1xi32> to vector<16xi32>
      %gather3A_786 = tpu.dynamic_gather %get3A_614[%gather3A_785] in [0] : vector<16xf32>, vector<16xi32> -> vector<16xf32>
      %mul3A_787 = arith.mulf %get3A_782, %gather3A_786 : vector<16xf32>
      %swap3A_788 = arith.index_cast %add3A_778 : i32 to index
      %swap3A_789 = arith.constant 0 : index
      %swap3A_790 = tpu.vector_load %arg11[%swap3A_788, %swap3A_789] {strides = array<i32>} : memref<832x16xf32, #tpu.memory_space<vmem>>, vector<1x16xf32>,
      %swap3A_791 = vector.shape_cast %swap3A_790 : vector<1x16xf32> to vector<16xf32>
      %swap3A_792 = vector.shape_cast %mul3A_787 : vector<16xf32> to vector<1x16xf32>
      tpu.vector_store %arg11[%swap3A_788, %swap3A_789], %swap3A_792 {strides = array<i32>} : memref<832x16xf32, #tpu.memory_space<vmem>>, vector<1x16xf32>,
      %mul3A_793 = arith.constant 16 : i32
      %mul3A_794 = arith.muli %scan3A_607, %mul3A_793 : i32
      %add3A_795 = arith.constant 384 : i32
      %add3A_796 = arith.addi %add3A_795, %mul3A_794 : i32
      %add3A_797 = arith.constant 9 : i32
      %add3A_798 = arith.addi %add3A_796, %add3A_797 : i32
      %get3A_799 = arith.index_cast %add3A_798 : i32 to index
      %get3A_800 = arith.constant 0 : index
      %get3A_801 = tpu.vector_load %arg11[%get3A_799, %get3A_800] {strides = array<i32>} : memref<832x16xf32, #tpu.memory_space<vmem>>, vector<1x16xf32>,
      %get3A_802 = vector.shape_cast %get3A_801 : vector<1x16xf32> to vector<16xf32>
      %broadcast_in_dim3A_803 = arith.constant 9 : i32
      %broadcast_in_dim3A_804 = vector.broadcast %broadcast_in_dim3A_803 : i32 to vector<16x1xi32>
      %gather3A_805 = vector.shape_cast %broadcast_in_dim3A_804 : vector<16x1xi32> to vector<16xi32>
      %gather3A_806 = tpu.dynamic_gather %get3A_614[%gather3A_805] in [0] : vector<16xf32>, vector<16xi32> -> vector<16xf32>
      %mul3A_807 = arith.mulf %get3A_802, %gather3A_806 : vector<16xf32>
      %swap3A_808 = arith.index_cast %add3A_798 : i32 to index
      %swap3A_809 = arith.constant 0 : index
      %swap3A_810 = tpu.vector_load %arg11[%swap3A_808, %swap3A_809] {strides = array<i32>} : memref<832x16xf32, #tpu.memory_space<vmem>>, vector<1x16xf32>,
      %swap3A_811 = vector.shape_cast %swap3A_810 : vector<1x16xf32> to vector<16xf32>
      %swap3A_812 = vector.shape_cast %mul3A_807 : vector<16xf32> to vector<1x16xf32>
      tpu.vector_store %arg11[%swap3A_808, %swap3A_809], %swap3A_812 {strides = array<i32>} : memref<832x16xf32, #tpu.memory_space<vmem>>, vector<1x16xf32>,
      %mul3A_813 = arith.constant 16 : i32
      %mul3A_814 = arith.muli %scan3A_607, %mul3A_813 : i32
      %add3A_815 = arith.constant 384 : i32
      %add3A_816 = arith.addi %add3A_815, %mul3A_814 : i32
      %add3A_817 = arith.constant 10 : i32
      %add3A_818 = arith.addi %add3A_816, %add3A_817 : i32
      %get3A_819 = arith.index_cast %add3A_818 : i32 to index
      %get3A_820 = arith.constant 0 : index
      %get3A_821 = tpu.vector_load %arg11[%get3A_819, %get3A_820] {strides = array<i32>} : memref<832x16xf32, #tpu.memory_space<vmem>>, vector<1x16xf32>,
      %get3A_822 = vector.shape_cast %get3A_821 : vector<1x16xf32> to vector<16xf32>
      %broadcast_in_dim3A_823 = arith.constant 10 : i32
      %broadcast_in_dim3A_824 = vector.broadcast %broadcast_in_dim3A_823 : i32 to vector<16x1xi32>
      %gather3A_825 = vector.shape_cast %broadcast_in_dim3A_824 : vector<16x1xi32> to vector<16xi32>
      %gather3A_826 = tpu.dynamic_gather %get3A_614[%gather3A_825] in [0] : vector<16xf32>, vector<16xi32> -> vector<16xf32>
      %mul3A_827 = arith.mulf %get3A_822, %gather3A_826 : vector<16xf32>
      %swap3A_828 = arith.index_cast %add3A_818 : i32 to index
      %swap3A_829 = arith.constant 0 : index
      %swap3A_830 = tpu.vector_load %arg11[%swap3A_828, %swap3A_829] {strides = array<i32>} : memref<832x16xf32, #tpu.memory_space<vmem>>, vector<1x16xf32>,
      %swap3A_831 = vector.shape_cast %swap3A_830 : vector<1x16xf32> to vector<16xf32>
      %swap3A_832 = vector.shape_cast %mul3A_827 : vector<16xf32> to vector<1x16xf32>
      tpu.vector_store %arg11[%swap3A_828, %swap3A_829], %swap3A_832 {strides = array<i32>} : memref<832x16xf32, #tpu.memory_space<vmem>>, vector<1x16xf32>,
      %mul3A_833 = arith.constant 16 : i32
      %mul3A_834 = arith.muli %scan3A_607, %mul3A_833 : i32
      %add3A_835 = arith.constant 384 : i32
      %add3A_836 = arith.addi %add3A_835, %mul3A_834 : i32
      %add3A_837 = arith.constant 11 : i32
      %add3A_838 = arith.addi %add3A_836, %add3A_837 : i32
      %get3A_839 = arith.index_cast %add3A_838 : i32 to index
      %get3A_840 = arith.constant 0 : index
      %get3A_841 = tpu.vector_load %arg11[%get3A_839, %get3A_840] {strides = array<i32>} : memref<832x16xf32, #tpu.memory_space<vmem>>, vector<1x16xf32>,
      %get3A_842 = vector.shape_cast %get3A_841 : vector<1x16xf32> to vector<16xf32>
      %broadcast_in_dim3A_843 = arith.constant 11 : i32
      %broadcast_in_dim3A_844 = vector.broadcast %broadcast_in_dim3A_843 : i32 to vector<16x1xi32>
      %gather3A_845 = vector.shape_cast %broadcast_in_dim3A_844 : vector<16x1xi32> to vector<16xi32>
      %gather3A_846 = tpu.dynamic_gather %get3A_614[%gather3A_845] in [0] : vector<16xf32>, vector<16xi32> -> vector<16xf32>
      %mul3A_847 = arith.mulf %get3A_842, %gather3A_846 : vector<16xf32>
      %swap3A_848 = arith.index_cast %add3A_838 : i32 to index
      %swap3A_849 = arith.constant 0 : index
      %swap3A_850 = tpu.vector_load %arg11[%swap3A_848, %swap3A_849] {strides = array<i32>} : memref<832x16xf32, #tpu.memory_space<vmem>>, vector<1x16xf32>,
      %swap3A_851 = vector.shape_cast %swap3A_850 : vector<1x16xf32> to vector<16xf32>
      %swap3A_852 = vector.shape_cast %mul3A_847 : vector<16xf32> to vector<1x16xf32>
      tpu.vector_store %arg11[%swap3A_848, %swap3A_849], %swap3A_852 {strides = array<i32>} : memref<832x16xf32, #tpu.memory_space<vmem>>, vector<1x16xf32>,
      %mul3A_853 = arith.constant 16 : i32
      %mul3A_854 = arith.muli %scan3A_607, %mul3A_853 : i32
      %add3A_855 = arith.constant 384 : i32
      %add3A_856 = arith.addi %add3A_855, %mul3A_854 : i32
      %add3A_857 = arith.constant 12 : i32
      %add3A_858 = arith.addi %add3A_856, %add3A_857 : i32
      %get3A_859 = arith.index_cast %add3A_858 : i32 to index
      %get3A_860 = arith.constant 0 : index
      %get3A_861 = tpu.vector_load %arg11[%get3A_859, %get3A_860] {strides = array<i32>} : memref<832x16xf32, #tpu.memory_space<vmem>>, vector<1x16xf32>,
      %get3A_862 = vector.shape_cast %get3A_861 : vector<1x16xf32> to vector<16xf32>
      %broadcast_in_dim3A_863 = arith.constant 12 : i32
      %broadcast_in_dim3A_864 = vector.broadcast %broadcast_in_dim3A_863 : i32 to vector<16x1xi32>
      %gather3A_865 = vector.shape_cast %broadcast_in_dim3A_864 : vector<16x1xi32> to vector<16xi32>
      %gather3A_866 = tpu.dynamic_gather %get3A_614[%gather3A_865] in [0] : vector<16xf32>, vector<16xi32> -> vector<16xf32>
      %mul3A_867 = arith.mulf %get3A_862, %gather3A_866 : vector<16xf32>
      %swap3A_868 = arith.index_cast %add3A_858 : i32 to index
      %swap3A_869 = arith.constant 0 : index
      %swap3A_870 = tpu.vector_load %arg11[%swap3A_868, %swap3A_869] {strides = array<i32>} : memref<832x16xf32, #tpu.memory_space<vmem>>, vector<1x16xf32>,
      %swap3A_871 = vector.shape_cast %swap3A_870 : vector<1x16xf32> to vector<16xf32>
      %swap3A_872 = vector.shape_cast %mul3A_867 : vector<16xf32> to vector<1x16xf32>
      tpu.vector_store %arg11[%swap3A_868, %swap3A_869], %swap3A_872 {strides = array<i32>} : memref<832x16xf32, #tpu.memory_space<vmem>>, vector<1x16xf32>,
      %mul3A_873 = arith.constant 16 : i32
      %mul3A_874 = arith.muli %scan3A_607, %mul3A_873 : i32
      %add3A_875 = arith.constant 384 : i32
      %add3A_876 = arith.addi %add3A_875, %mul3A_874 : i32
      %add3A_877 = arith.constant 13 : i32
      %add3A_878 = arith.addi %add3A_876, %add3A_877 : i32
      %get3A_879 = arith.index_cast %add3A_878 : i32 to index
      %get3A_880 = arith.constant 0 : index
      %get3A_881 = tpu.vector_load %arg11[%get3A_879, %get3A_880] {strides = array<i32>} : memref<832x16xf32, #tpu.memory_space<vmem>>, vector<1x16xf32>,
      %get3A_882 = vector.shape_cast %get3A_881 : vector<1x16xf32> to vector<16xf32>
      %broadcast_in_dim3A_883 = arith.constant 13 : i32
      %broadcast_in_dim3A_884 = vector.broadcast %broadcast_in_dim3A_883 : i32 to vector<16x1xi32>
      %gather3A_885 = vector.shape_cast %broadcast_in_dim3A_884 : vector<16x1xi32> to vector<16xi32>
      %gather3A_886 = tpu.dynamic_gather %get3A_614[%gather3A_885] in [0] : vector<16xf32>, vector<16xi32> -> vector<16xf32>
      %mul3A_887 = arith.mulf %get3A_882, %gather3A_886 : vector<16xf32>
      %swap3A_888 = arith.index_cast %add3A_878 : i32 to index
      %swap3A_889 = arith.constant 0 : index
      %swap3A_890 = tpu.vector_load %arg11[%swap3A_888, %swap3A_889] {strides = array<i32>} : memref<832x16xf32, #tpu.memory_space<vmem>>, vector<1x16xf32>,
      %swap3A_891 = vector.shape_cast %swap3A_890 : vector<1x16xf32> to vector<16xf32>
      %swap3A_892 = vector.shape_cast %mul3A_887 : vector<16xf32> to vector<1x16xf32>
      tpu.vector_store %arg11[%swap3A_888, %swap3A_889], %swap3A_892 {strides = array<i32>} : memref<832x16xf32, #tpu.memory_space<vmem>>, vector<1x16xf32>,
      %mul3A_893 = arith.constant 16 : i32
      %mul3A_894 = arith.muli %scan3A_607, %mul3A_893 : i32
      %add3A_895 = arith.constant 384 : i32
      %add3A_896 = arith.addi %add3A_895, %mul3A_894 : i32
      %add3A_897 = arith.constant 14 : i32
      %add3A_898 = arith.addi %add3A_896, %add3A_897 : i32
      %get3A_899 = arith.index_cast %add3A_898 : i32 to index
      %get3A_900 = arith.constant 0 : index
      %get3A_901 = tpu.vector_load %arg11[%get3A_899, %get3A_900] {strides = array<i32>} : memref<832x16xf32, #tpu.memory_space<vmem>>, vector<1x16xf32>,
      %get3A_902 = vector.shape_cast %get3A_901 : vector<1x16xf32> to vector<16xf32>
      %broadcast_in_dim3A_903 = arith.constant 14 : i32
      %broadcast_in_dim3A_904 = vector.broadcast %broadcast_in_dim3A_903 : i32 to vector<16x1xi32>
      %gather3A_905 = vector.shape_cast %broadcast_in_dim3A_904 : vector<16x1xi32> to vector<16xi32>
      %gather3A_906 = tpu.dynamic_gather %get3A_614[%gather3A_905] in [0] : vector<16xf32>, vector<16xi32> -> vector<16xf32>
      %mul3A_907 = arith.mulf %get3A_902, %gather3A_906 : vector<16xf32>
      %swap3A_908 = arith.index_cast %add3A_898 : i32 to index
      %swap3A_909 = arith.constant 0 : index
      %swap3A_910 = tpu.vector_load %arg11[%swap3A_908, %swap3A_909] {strides = array<i32>} : memref<832x16xf32, #tpu.memory_space<vmem>>, vector<1x16xf32>,
      %swap3A_911 = vector.shape_cast %swap3A_910 : vector<1x16xf32> to vector<16xf32>
      %swap3A_912 = vector.shape_cast %mul3A_907 : vector<16xf32> to vector<1x16xf32>
      tpu.vector_store %arg11[%swap3A_908, %swap3A_909], %swap3A_912 {strides = array<i32>} : memref<832x16xf32, #tpu.memory_space<vmem>>, vector<1x16xf32>,
      %mul3A_913 = arith.constant 16 : i32
      %mul3A_914 = arith.muli %scan3A_607, %mul3A_913 : i32
      %add3A_915 = arith.constant 384 : i32
      %add3A_916 = arith.addi %add3A_915, %mul3A_914 : i32
      %add3A_917 = arith.constant 15 : i32
      %add3A_918 = arith.addi %add3A_916, %add3A_917 : i32
      %get3A_919 = arith.index_cast %add3A_918 : i32 to index
      %get3A_920 = arith.constant 0 : index
      %get3A_921 = tpu.vector_load %arg11[%get3A_919, %get3A_920] {strides = array<i32>} : memref<832x16xf32, #tpu.memory_space<vmem>>, vector<1x16xf32>,
      %get3A_922 = vector.shape_cast %get3A_921 : vector<1x16xf32> to vector<16xf32>
      %broadcast_in_dim3A_923 = arith.constant 15 : i32
      %broadcast_in_dim3A_924 = vector.broadcast %broadcast_in_dim3A_923 : i32 to vector<16x1xi32>
      %gather3A_925 = vector.shape_cast %broadcast_in_dim3A_924 : vector<16x1xi32> to vector<16xi32>
      %gather3A_926 = tpu.dynamic_gather %get3A_614[%gather3A_925] in [0] : vector<16xf32>, vector<16xi32> -> vector<16xf32>
      %mul3A_927 = arith.mulf %get3A_922, %gather3A_926 : vector<16xf32>
      %swap3A_928 = arith.index_cast %add3A_918 : i32 to index
      %swap3A_929 = arith.constant 0 : index
      %swap3A_930 = tpu.vector_load %arg11[%swap3A_928, %swap3A_929] {strides = array<i32>} : memref<832x16xf32, #tpu.memory_space<vmem>>, vector<1x16xf32>,
      %swap3A_931 = vector.shape_cast %swap3A_930 : vector<1x16xf32> to vector<16xf32>
      %swap3A_932 = vector.shape_cast %mul3A_927 : vector<16xf32> to vector<1x16xf32>
      tpu.vector_store %arg11[%swap3A_928, %swap3A_929], %swap3A_932 {strides = array<i32>} : memref<832x16xf32, #tpu.memory_space<vmem>>, vector<1x16xf32>,
    }
    %scan3A_317 = arith.constant 4 : i32
    %dma_start3A_318 = arith.constant 6 : i32
    %dma_start3A_319 = arith.constant 384 : i32
    %dma_start3A_320 = arith.constant 0 : i32
    %dma_start3A_321 = tpu.memref_slice %arg11[%dma_start3A_319, %dma_start3A_320] : memref<832x16xf32, #tpu.memory_space<vmem>> -> memref<64x16xf32, #tpu.memory_space<vmem>>
    %dma_start3A_322 = arith.constant 0 : i32
    %dma_start3A_323 = tpu.memref_slice %arg10[%dma_start3A_318, %dma_start3A_322] : memref<13x64xi32, #tpu.memory_space<vmem>> -> memref<1x64xi32, #tpu.memory_space<vmem>>
    %dma_start3A_324 = tpu.memref_squeeze %dma_start3A_323 : memref<1x64xi32, #tpu.memory_space<vmem>> -> memref<64xi32, #tpu.memory_space<vmem>>
    %dma_start3A_325 = arith.constant 0 : i32
    %dma_start3A_326 = arith.constant 0 : i32
    %dma_start3A_327 = tpu.memref_slice %arg14[%dma_start3A_325, %dma_start3A_326] : memref<2816x16xf32, #tpu.memory_space<vmem_shared>> -> memref<2816x16xf32, #tpu.memory_space<vmem_shared>>
    tpu.enqueue_indirect_dma source(%dma_start3A_321 : memref<64x16xf32, #tpu.memory_space<vmem>>) target(%dma_start3A_327 : memref<2816x16xf32, #tpu.memory_space<vmem_shared>>) offsets(%dma_start3A_324 : memref<64xi32, #tpu.memory_space<vmem>>) semaphore(%arg18 : memref<!tpu.dma_semaphore, #tpu.memory_space<semaphore_mem>>) {add = true}
    %dma_wait3A_328 = arith.constant 448 : i32
    %dma_wait3A_329 = arith.constant 0 : i32
    %dma_wait3A_330 = tpu.memref_slice %arg11[%dma_wait3A_328, %dma_wait3A_329] : memref<832x16xf32, #tpu.memory_space<vmem>> -> memref<64x16xf32, #tpu.memory_space<vmem>>
    %dma_wait3A_331 = arith.constant 448 : i32
    %dma_wait3A_332 = tpu.memref_slice %arg7[%dma_wait3A_331] : memref<832xi32, #tpu.memory_space<vmem>> -> memref<64xi32, #tpu.memory_space<vmem>>
    %dma_wait3A_333 = arith.constant 0 : i32
    %dma_wait3A_334 = arith.constant 0 : i32
    %dma_wait3A_335 = tpu.memref_slice %arg15[%dma_wait3A_333, %dma_wait3A_334] : memref<2816x16xf32, #tpu.memory_space<vmem_shared>> -> memref<2816x16xf32, #tpu.memory_space<vmem_shared>>
    tpu.wait_indirect_dma semaphore(%arg17 : memref<!tpu.dma_semaphore, #tpu.memory_space<semaphore_mem>>) src(%dma_wait3A_335 : memref<2816x16xf32, #tpu.memory_space<vmem_shared>>) dst(%dma_wait3A_330 : memref<64x16xf32, #tpu.memory_space<vmem>>)
    %scan3A_336 = arith.constant 0 : i32
    %scan3A_337 = arith.constant 0 : i32
    %scan3A_338 = arith.constant 4 : i32
    %scan3A_339 = arith.addi %scan3A_337, %scan3A_338 : i32
    %scan3A_340 = arith.constant 1 : i32
    scf.for %scan3A_607 = %scan3A_337 to %scan3A_339 step %scan3A_340  : i32 {
      %mul3A_608 = arith.constant 16 : i32
      %mul3A_609 = arith.muli %scan3A_607, %mul3A_608 : i32
      %add3A_610 = arith.constant 448 : i32
      %add3A_611 = arith.addi %add3A_610, %mul3A_609 : i32
      %get3A_612 = arith.index_cast %add3A_611 : i32 to index
      %get3A_613 = tpu.vector_load %arg9[%get3A_612] {strides = array<i32>} : memref<832xf32, #tpu.memory_space<vmem>>, vector<16xf32>,
      %get3A_614 = vector.shape_cast %get3A_613 : vector<16xf32> to vector<16xf32>
      %mul3A_615 = arith.constant 16 : i32
      %mul3A_616 = arith.muli %scan3A_607, %mul3A_615 : i32
      %add3A_617 = arith.constant 448 : i32
      %add3A_618 = arith.addi %add3A_617, %mul3A_616 : i32
      %add3A_619 = arith.constant 0 : i32
      %add3A_620 = arith.addi %add3A_618, %add3A_619 : i32
      %get3A_621 = arith.index_cast %add3A_620 : i32 to index
      %get3A_622 = arith.constant 0 : index
      %get3A_623 = tpu.vector_load %arg11[%get3A_621, %get3A_622] {strides = array<i32>} : memref<832x16xf32, #tpu.memory_space<vmem>>, vector<1x16xf32>,
      %get3A_624 = vector.shape_cast %get3A_623 : vector<1x16xf32> to vector<16xf32>
      %broadcast_in_dim3A_625 = arith.constant 0 : i32
      %broadcast_in_dim3A_626 = vector.broadcast %broadcast_in_dim3A_625 : i32 to vector<16x1xi32>
      %gather3A = vector.shape_cast %broadcast_in_dim3A_626 : vector<16x1xi32> to vector<16xi32>
      %gather3A_627 = tpu.dynamic_gather %get3A_614[%gather3A] in [0] : vector<16xf32>, vector<16xi32> -> vector<16xf32>
      %mul3A_628 = arith.mulf %get3A_624, %gather3A_627 : vector<16xf32>
      %swap3A = arith.index_cast %add3A_620 : i32 to index
      %swap3A_629 = arith.constant 0 : index
      %swap3A_630 = tpu.vector_load %arg11[%swap3A, %swap3A_629] {strides = array<i32>} : memref<832x16xf32, #tpu.memory_space<vmem>>, vector<1x16xf32>,
      %swap3A_631 = vector.shape_cast %swap3A_630 : vector<1x16xf32> to vector<16xf32>
      %swap3A_632 = vector.shape_cast %mul3A_628 : vector<16xf32> to vector<1x16xf32>
      tpu.vector_store %arg11[%swap3A, %swap3A_629], %swap3A_632 {strides = array<i32>} : memref<832x16xf32, #tpu.memory_space<vmem>>, vector<1x16xf32>,
      %mul3A_633 = arith.constant 16 : i32
      %mul3A_634 = arith.muli %scan3A_607, %mul3A_633 : i32
      %add3A_635 = arith.constant 448 : i32
      %add3A_636 = arith.addi %add3A_635, %mul3A_634 : i32
      %add3A_637 = arith.constant 1 : i32
      %add3A_638 = arith.addi %add3A_636, %add3A_637 : i32
      %get3A_639 = arith.index_cast %add3A_638 : i32 to index
      %get3A_640 = arith.constant 0 : index
      %get3A_641 = tpu.vector_load %arg11[%get3A_639, %get3A_640] {strides = array<i32>} : memref<832x16xf32, #tpu.memory_space<vmem>>, vector<1x16xf32>,
      %get3A_642 = vector.shape_cast %get3A_641 : vector<1x16xf32> to vector<16xf32>
      %broadcast_in_dim3A_643 = arith.constant 1 : i32
      %broadcast_in_dim3A_644 = vector.broadcast %broadcast_in_dim3A_643 : i32 to vector<16x1xi32>
      %gather3A_645 = vector.shape_cast %broadcast_in_dim3A_644 : vector<16x1xi32> to vector<16xi32>
      %gather3A_646 = tpu.dynamic_gather %get3A_614[%gather3A_645] in [0] : vector<16xf32>, vector<16xi32> -> vector<16xf32>
      %mul3A_647 = arith.mulf %get3A_642, %gather3A_646 : vector<16xf32>
      %swap3A_648 = arith.index_cast %add3A_638 : i32 to index
      %swap3A_649 = arith.constant 0 : index
      %swap3A_650 = tpu.vector_load %arg11[%swap3A_648, %swap3A_649] {strides = array<i32>} : memref<832x16xf32, #tpu.memory_space<vmem>>, vector<1x16xf32>,
      %swap3A_651 = vector.shape_cast %swap3A_650 : vector<1x16xf32> to vector<16xf32>
      %swap3A_652 = vector.shape_cast %mul3A_647 : vector<16xf32> to vector<1x16xf32>
      tpu.vector_store %arg11[%swap3A_648, %swap3A_649], %swap3A_652 {strides = array<i32>} : memref<832x16xf32, #tpu.memory_space<vmem>>, vector<1x16xf32>,
      %mul3A_653 = arith.constant 16 : i32
      %mul3A_654 = arith.muli %scan3A_607, %mul3A_653 : i32
      %add3A_655 = arith.constant 448 : i32
      %add3A_656 = arith.addi %add3A_655, %mul3A_654 : i32
      %add3A_657 = arith.constant 2 : i32
      %add3A_658 = arith.addi %add3A_656, %add3A_657 : i32
      %get3A_659 = arith.index_cast %add3A_658 : i32 to index
      %get3A_660 = arith.constant 0 : index
      %get3A_661 = tpu.vector_load %arg11[%get3A_659, %get3A_660] {strides = array<i32>} : memref<832x16xf32, #tpu.memory_space<vmem>>, vector<1x16xf32>,
      %get3A_662 = vector.shape_cast %get3A_661 : vector<1x16xf32> to vector<16xf32>
      %broadcast_in_dim3A_663 = arith.constant 2 : i32
      %broadcast_in_dim3A_664 = vector.broadcast %broadcast_in_dim3A_663 : i32 to vector<16x1xi32>
      %gather3A_665 = vector.shape_cast %broadcast_in_dim3A_664 : vector<16x1xi32> to vector<16xi32>
      %gather3A_666 = tpu.dynamic_gather %get3A_614[%gather3A_665] in [0] : vector<16xf32>, vector<16xi32> -> vector<16xf32>
      %mul3A_667 = arith.mulf %get3A_662, %gather3A_666 : vector<16xf32>
      %swap3A_668 = arith.index_cast %add3A_658 : i32 to index
      %swap3A_669 = arith.constant 0 : index
      %swap3A_670 = tpu.vector_load %arg11[%swap3A_668, %swap3A_669] {strides = array<i32>} : memref<832x16xf32, #tpu.memory_space<vmem>>, vector<1x16xf32>,
      %swap3A_671 = vector.shape_cast %swap3A_670 : vector<1x16xf32> to vector<16xf32>
      %swap3A_672 = vector.shape_cast %mul3A_667 : vector<16xf32> to vector<1x16xf32>
      tpu.vector_store %arg11[%swap3A_668, %swap3A_669], %swap3A_672 {strides = array<i32>} : memref<832x16xf32, #tpu.memory_space<vmem>>, vector<1x16xf32>,
      %mul3A_673 = arith.constant 16 : i32
      %mul3A_674 = arith.muli %scan3A_607, %mul3A_673 : i32
      %add3A_675 = arith.constant 448 : i32
      %add3A_676 = arith.addi %add3A_675, %mul3A_674 : i32
      %add3A_677 = arith.constant 3 : i32
      %add3A_678 = arith.addi %add3A_676, %add3A_677 : i32
      %get3A_679 = arith.index_cast %add3A_678 : i32 to index
      %get3A_680 = arith.constant 0 : index
      %get3A_681 = tpu.vector_load %arg11[%get3A_679, %get3A_680] {strides = array<i32>} : memref<832x16xf32, #tpu.memory_space<vmem>>, vector<1x16xf32>,
      %get3A_682 = vector.shape_cast %get3A_681 : vector<1x16xf32> to vector<16xf32>
      %broadcast_in_dim3A_683 = arith.constant 3 : i32
      %broadcast_in_dim3A_684 = vector.broadcast %broadcast_in_dim3A_683 : i32 to vector<16x1xi32>
      %gather3A_685 = vector.shape_cast %broadcast_in_dim3A_684 : vector<16x1xi32> to vector<16xi32>
      %gather3A_686 = tpu.dynamic_gather %get3A_614[%gather3A_685] in [0] : vector<16xf32>, vector<16xi32> -> vector<16xf32>
      %mul3A_687 = arith.mulf %get3A_682, %gather3A_686 : vector<16xf32>
      %swap3A_688 = arith.index_cast %add3A_678 : i32 to index
      %swap3A_689 = arith.constant 0 : index
      %swap3A_690 = tpu.vector_load %arg11[%swap3A_688, %swap3A_689] {strides = array<i32>} : memref<832x16xf32, #tpu.memory_space<vmem>>, vector<1x16xf32>,
      %swap3A_691 = vector.shape_cast %swap3A_690 : vector<1x16xf32> to vector<16xf32>
      %swap3A_692 = vector.shape_cast %mul3A_687 : vector<16xf32> to vector<1x16xf32>
      tpu.vector_store %arg11[%swap3A_688, %swap3A_689], %swap3A_692 {strides = array<i32>} : memref<832x16xf32, #tpu.memory_space<vmem>>, vector<1x16xf32>,
      %mul3A_693 = arith.constant 16 : i32
      %mul3A_694 = arith.muli %scan3A_607, %mul3A_693 : i32
      %add3A_695 = arith.constant 448 : i32
      %add3A_696 = arith.addi %add3A_695, %mul3A_694 : i32
      %add3A_697 = arith.constant 4 : i32
      %add3A_698 = arith.addi %add3A_696, %add3A_697 : i32
      %get3A_699 = arith.index_cast %add3A_698 : i32 to index
      %get3A_700 = arith.constant 0 : index
      %get3A_701 = tpu.vector_load %arg11[%get3A_699, %get3A_700] {strides = array<i32>} : memref<832x16xf32, #tpu.memory_space<vmem>>, vector<1x16xf32>,
      %get3A_702 = vector.shape_cast %get3A_701 : vector<1x16xf32> to vector<16xf32>
      %broadcast_in_dim3A_703 = arith.constant 4 : i32
      %broadcast_in_dim3A_704 = vector.broadcast %broadcast_in_dim3A_703 : i32 to vector<16x1xi32>
      %gather3A_705 = vector.shape_cast %broadcast_in_dim3A_704 : vector<16x1xi32> to vector<16xi32>
      %gather3A_706 = tpu.dynamic_gather %get3A_614[%gather3A_705] in [0] : vector<16xf32>, vector<16xi32> -> vector<16xf32>
      %mul3A_707 = arith.mulf %get3A_702, %gather3A_706 : vector<16xf32>
      %swap3A_708 = arith.index_cast %add3A_698 : i32 to index
      %swap3A_709 = arith.constant 0 : index
      %swap3A_710 = tpu.vector_load %arg11[%swap3A_708, %swap3A_709] {strides = array<i32>} : memref<832x16xf32, #tpu.memory_space<vmem>>, vector<1x16xf32>,
      %swap3A_711 = vector.shape_cast %swap3A_710 : vector<1x16xf32> to vector<16xf32>
      %swap3A_712 = vector.shape_cast %mul3A_707 : vector<16xf32> to vector<1x16xf32>
      tpu.vector_store %arg11[%swap3A_708, %swap3A_709], %swap3A_712 {strides = array<i32>} : memref<832x16xf32, #tpu.memory_space<vmem>>, vector<1x16xf32>,
      %mul3A_713 = arith.constant 16 : i32
      %mul3A_714 = arith.muli %scan3A_607, %mul3A_713 : i32
      %add3A_715 = arith.constant 448 : i32
      %add3A_716 = arith.addi %add3A_715, %mul3A_714 : i32
      %add3A_717 = arith.constant 5 : i32
      %add3A_718 = arith.addi %add3A_716, %add3A_717 : i32
      %get3A_719 = arith.index_cast %add3A_718 : i32 to index
      %get3A_720 = arith.constant 0 : index
      %get3A_721 = tpu.vector_load %arg11[%get3A_719, %get3A_720] {strides = array<i32>} : memref<832x16xf32, #tpu.memory_space<vmem>>, vector<1x16xf32>,
      %get3A_722 = vector.shape_cast %get3A_721 : vector<1x16xf32> to vector<16xf32>
      %broadcast_in_dim3A_723 = arith.constant 5 : i32
      %broadcast_in_dim3A_724 = vector.broadcast %broadcast_in_dim3A_723 : i32 to vector<16x1xi32>
      %gather3A_725 = vector.shape_cast %broadcast_in_dim3A_724 : vector<16x1xi32> to vector<16xi32>
      %gather3A_726 = tpu.dynamic_gather %get3A_614[%gather3A_725] in [0] : vector<16xf32>, vector<16xi32> -> vector<16xf32>
      %mul3A_727 = arith.mulf %get3A_722, %gather3A_726 : vector<16xf32>
      %swap3A_728 = arith.index_cast %add3A_718 : i32 to index
      %swap3A_729 = arith.constant 0 : index
      %swap3A_730 = tpu.vector_load %arg11[%swap3A_728, %swap3A_729] {strides = array<i32>} : memref<832x16xf32, #tpu.memory_space<vmem>>, vector<1x16xf32>,
      %swap3A_731 = vector.shape_cast %swap3A_730 : vector<1x16xf32> to vector<16xf32>
      %swap3A_732 = vector.shape_cast %mul3A_727 : vector<16xf32> to vector<1x16xf32>
      tpu.vector_store %arg11[%swap3A_728, %swap3A_729], %swap3A_732 {strides = array<i32>} : memref<832x16xf32, #tpu.memory_space<vmem>>, vector<1x16xf32>,
      %mul3A_733 = arith.constant 16 : i32
      %mul3A_734 = arith.muli %scan3A_607, %mul3A_733 : i32
      %add3A_735 = arith.constant 448 : i32
      %add3A_736 = arith.addi %add3A_735, %mul3A_734 : i32
      %add3A_737 = arith.constant 6 : i32
      %add3A_738 = arith.addi %add3A_736, %add3A_737 : i32
      %get3A_739 = arith.index_cast %add3A_738 : i32 to index
      %get3A_740 = arith.constant 0 : index
      %get3A_741 = tpu.vector_load %arg11[%get3A_739, %get3A_740] {strides = array<i32>} : memref<832x16xf32, #tpu.memory_space<vmem>>, vector<1x16xf32>,
      %get3A_742 = vector.shape_cast %get3A_741 : vector<1x16xf32> to vector<16xf32>
      %broadcast_in_dim3A_743 = arith.constant 6 : i32
      %broadcast_in_dim3A_744 = vector.broadcast %broadcast_in_dim3A_743 : i32 to vector<16x1xi32>
      %gather3A_745 = vector.shape_cast %broadcast_in_dim3A_744 : vector<16x1xi32> to vector<16xi32>
      %gather3A_746 = tpu.dynamic_gather %get3A_614[%gather3A_745] in [0] : vector<16xf32>, vector<16xi32> -> vector<16xf32>
      %mul3A_747 = arith.mulf %get3A_742, %gather3A_746 : vector<16xf32>
      %swap3A_748 = arith.index_cast %add3A_738 : i32 to index
      %swap3A_749 = arith.constant 0 : index
      %swap3A_750 = tpu.vector_load %arg11[%swap3A_748, %swap3A_749] {strides = array<i32>} : memref<832x16xf32, #tpu.memory_space<vmem>>, vector<1x16xf32>,
      %swap3A_751 = vector.shape_cast %swap3A_750 : vector<1x16xf32> to vector<16xf32>
      %swap3A_752 = vector.shape_cast %mul3A_747 : vector<16xf32> to vector<1x16xf32>
      tpu.vector_store %arg11[%swap3A_748, %swap3A_749], %swap3A_752 {strides = array<i32>} : memref<832x16xf32, #tpu.memory_space<vmem>>, vector<1x16xf32>,
      %mul3A_753 = arith.constant 16 : i32
      %mul3A_754 = arith.muli %scan3A_607, %mul3A_753 : i32
      %add3A_755 = arith.constant 448 : i32
      %add3A_756 = arith.addi %add3A_755, %mul3A_754 : i32
      %add3A_757 = arith.constant 7 : i32
      %add3A_758 = arith.addi %add3A_756, %add3A_757 : i32
      %get3A_759 = arith.index_cast %add3A_758 : i32 to index
      %get3A_760 = arith.constant 0 : index
      %get3A_761 = tpu.vector_load %arg11[%get3A_759, %get3A_760] {strides = array<i32>} : memref<832x16xf32, #tpu.memory_space<vmem>>, vector<1x16xf32>,
      %get3A_762 = vector.shape_cast %get3A_761 : vector<1x16xf32> to vector<16xf32>
      %broadcast_in_dim3A_763 = arith.constant 7 : i32
      %broadcast_in_dim3A_764 = vector.broadcast %broadcast_in_dim3A_763 : i32 to vector<16x1xi32>
      %gather3A_765 = vector.shape_cast %broadcast_in_dim3A_764 : vector<16x1xi32> to vector<16xi32>
      %gather3A_766 = tpu.dynamic_gather %get3A_614[%gather3A_765] in [0] : vector<16xf32>, vector<16xi32> -> vector<16xf32>
      %mul3A_767 = arith.mulf %get3A_762, %gather3A_766 : vector<16xf32>
      %swap3A_768 = arith.index_cast %add3A_758 : i32 to index
      %swap3A_769 = arith.constant 0 : index
      %swap3A_770 = tpu.vector_load %arg11[%swap3A_768, %swap3A_769] {strides = array<i32>} : memref<832x16xf32, #tpu.memory_space<vmem>>, vector<1x16xf32>,
      %swap3A_771 = vector.shape_cast %swap3A_770 : vector<1x16xf32> to vector<16xf32>
      %swap3A_772 = vector.shape_cast %mul3A_767 : vector<16xf32> to vector<1x16xf32>
      tpu.vector_store %arg11[%swap3A_768, %swap3A_769], %swap3A_772 {strides = array<i32>} : memref<832x16xf32, #tpu.memory_space<vmem>>, vector<1x16xf32>,
      %mul3A_773 = arith.constant 16 : i32
      %mul3A_774 = arith.muli %scan3A_607, %mul3A_773 : i32
      %add3A_775 = arith.constant 448 : i32
      %add3A_776 = arith.addi %add3A_775, %mul3A_774 : i32
      %add3A_777 = arith.constant 8 : i32
      %add3A_778 = arith.addi %add3A_776, %add3A_777 : i32
      %get3A_779 = arith.index_cast %add3A_778 : i32 to index
      %get3A_780 = arith.constant 0 : index
      %get3A_781 = tpu.vector_load %arg11[%get3A_779, %get3A_780] {strides = array<i32>} : memref<832x16xf32, #tpu.memory_space<vmem>>, vector<1x16xf32>,
      %get3A_782 = vector.shape_cast %get3A_781 : vector<1x16xf32> to vector<16xf32>
      %broadcast_in_dim3A_783 = arith.constant 8 : i32
      %broadcast_in_dim3A_784 = vector.broadcast %broadcast_in_dim3A_783 : i32 to vector<16x1xi32>
      %gather3A_785 = vector.shape_cast %broadcast_in_dim3A_784 : vector<16x1xi32> to vector<16xi32>
      %gather3A_786 = tpu.dynamic_gather %get3A_614[%gather3A_785] in [0] : vector<16xf32>, vector<16xi32> -> vector<16xf32>
      %mul3A_787 = arith.mulf %get3A_782, %gather3A_786 : vector<16xf32>
      %swap3A_788 = arith.index_cast %add3A_778 : i32 to index
      %swap3A_789 = arith.constant 0 : index
      %swap3A_790 = tpu.vector_load %arg11[%swap3A_788, %swap3A_789] {strides = array<i32>} : memref<832x16xf32, #tpu.memory_space<vmem>>, vector<1x16xf32>,
      %swap3A_791 = vector.shape_cast %swap3A_790 : vector<1x16xf32> to vector<16xf32>
      %swap3A_792 = vector.shape_cast %mul3A_787 : vector<16xf32> to vector<1x16xf32>
      tpu.vector_store %arg11[%swap3A_788, %swap3A_789], %swap3A_792 {strides = array<i32>} : memref<832x16xf32, #tpu.memory_space<vmem>>, vector<1x16xf32>,
      %mul3A_793 = arith.constant 16 : i32
      %mul3A_794 = arith.muli %scan3A_607, %mul3A_793 : i32
      %add3A_795 = arith.constant 448 : i32
      %add3A_796 = arith.addi %add3A_795, %mul3A_794 : i32
      %add3A_797 = arith.constant 9 : i32
      %add3A_798 = arith.addi %add3A_796, %add3A_797 : i32
      %get3A_799 = arith.index_cast %add3A_798 : i32 to index
      %get3A_800 = arith.constant 0 : index
      %get3A_801 = tpu.vector_load %arg11[%get3A_799, %get3A_800] {strides = array<i32>} : memref<832x16xf32, #tpu.memory_space<vmem>>, vector<1x16xf32>,
      %get3A_802 = vector.shape_cast %get3A_801 : vector<1x16xf32> to vector<16xf32>
      %broadcast_in_dim3A_803 = arith.constant 9 : i32
      %broadcast_in_dim3A_804 = vector.broadcast %broadcast_in_dim3A_803 : i32 to vector<16x1xi32>
      %gather3A_805 = vector.shape_cast %broadcast_in_dim3A_804 : vector<16x1xi32> to vector<16xi32>
      %gather3A_806 = tpu.dynamic_gather %get3A_614[%gather3A_805] in [0] : vector<16xf32>, vector<16xi32> -> vector<16xf32>
      %mul3A_807 = arith.mulf %get3A_802, %gather3A_806 : vector<16xf32>
      %swap3A_808 = arith.index_cast %add3A_798 : i32 to index
      %swap3A_809 = arith.constant 0 : index
      %swap3A_810 = tpu.vector_load %arg11[%swap3A_808, %swap3A_809] {strides = array<i32>} : memref<832x16xf32, #tpu.memory_space<vmem>>, vector<1x16xf32>,
      %swap3A_811 = vector.shape_cast %swap3A_810 : vector<1x16xf32> to vector<16xf32>
      %swap3A_812 = vector.shape_cast %mul3A_807 : vector<16xf32> to vector<1x16xf32>
      tpu.vector_store %arg11[%swap3A_808, %swap3A_809], %swap3A_812 {strides = array<i32>} : memref<832x16xf32, #tpu.memory_space<vmem>>, vector<1x16xf32>,
      %mul3A_813 = arith.constant 16 : i32
      %mul3A_814 = arith.muli %scan3A_607, %mul3A_813 : i32
      %add3A_815 = arith.constant 448 : i32
      %add3A_816 = arith.addi %add3A_815, %mul3A_814 : i32
      %add3A_817 = arith.constant 10 : i32
      %add3A_818 = arith.addi %add3A_816, %add3A_817 : i32
      %get3A_819 = arith.index_cast %add3A_818 : i32 to index
      %get3A_820 = arith.constant 0 : index
      %get3A_821 = tpu.vector_load %arg11[%get3A_819, %get3A_820] {strides = array<i32>} : memref<832x16xf32, #tpu.memory_space<vmem>>, vector<1x16xf32>,
      %get3A_822 = vector.shape_cast %get3A_821 : vector<1x16xf32> to vector<16xf32>
      %broadcast_in_dim3A_823 = arith.constant 10 : i32
      %broadcast_in_dim3A_824 = vector.broadcast %broadcast_in_dim3A_823 : i32 to vector<16x1xi32>
      %gather3A_825 = vector.shape_cast %broadcast_in_dim3A_824 : vector<16x1xi32> to vector<16xi32>
      %gather3A_826 = tpu.dynamic_gather %get3A_614[%gather3A_825] in [0] : vector<16xf32>, vector<16xi32> -> vector<16xf32>
      %mul3A_827 = arith.mulf %get3A_822, %gather3A_826 : vector<16xf32>
      %swap3A_828 = arith.index_cast %add3A_818 : i32 to index
      %swap3A_829 = arith.constant 0 : index
      %swap3A_830 = tpu.vector_load %arg11[%swap3A_828, %swap3A_829] {strides = array<i32>} : memref<832x16xf32, #tpu.memory_space<vmem>>, vector<1x16xf32>,
      %swap3A_831 = vector.shape_cast %swap3A_830 : vector<1x16xf32> to vector<16xf32>
      %swap3A_832 = vector.shape_cast %mul3A_827 : vector<16xf32> to vector<1x16xf32>
      tpu.vector_store %arg11[%swap3A_828, %swap3A_829], %swap3A_832 {strides = array<i32>} : memref<832x16xf32, #tpu.memory_space<vmem>>, vector<1x16xf32>,
      %mul3A_833 = arith.constant 16 : i32
      %mul3A_834 = arith.muli %scan3A_607, %mul3A_833 : i32
      %add3A_835 = arith.constant 448 : i32
      %add3A_836 = arith.addi %add3A_835, %mul3A_834 : i32
      %add3A_837 = arith.constant 11 : i32
      %add3A_838 = arith.addi %add3A_836, %add3A_837 : i32
      %get3A_839 = arith.index_cast %add3A_838 : i32 to index
      %get3A_840 = arith.constant 0 : index
      %get3A_841 = tpu.vector_load %arg11[%get3A_839, %get3A_840] {strides = array<i32>} : memref<832x16xf32, #tpu.memory_space<vmem>>, vector<1x16xf32>,
      %get3A_842 = vector.shape_cast %get3A_841 : vector<1x16xf32> to vector<16xf32>
      %broadcast_in_dim3A_843 = arith.constant 11 : i32
      %broadcast_in_dim3A_844 = vector.broadcast %broadcast_in_dim3A_843 : i32 to vector<16x1xi32>
      %gather3A_845 = vector.shape_cast %broadcast_in_dim3A_844 : vector<16x1xi32> to vector<16xi32>
      %gather3A_846 = tpu.dynamic_gather %get3A_614[%gather3A_845] in [0] : vector<16xf32>, vector<16xi32> -> vector<16xf32>
      %mul3A_847 = arith.mulf %get3A_842, %gather3A_846 : vector<16xf32>
      %swap3A_848 = arith.index_cast %add3A_838 : i32 to index
      %swap3A_849 = arith.constant 0 : index
      %swap3A_850 = tpu.vector_load %arg11[%swap3A_848, %swap3A_849] {strides = array<i32>} : memref<832x16xf32, #tpu.memory_space<vmem>>, vector<1x16xf32>,
      %swap3A_851 = vector.shape_cast %swap3A_850 : vector<1x16xf32> to vector<16xf32>
      %swap3A_852 = vector.shape_cast %mul3A_847 : vector<16xf32> to vector<1x16xf32>
      tpu.vector_store %arg11[%swap3A_848, %swap3A_849], %swap3A_852 {strides = array<i32>} : memref<832x16xf32, #tpu.memory_space<vmem>>, vector<1x16xf32>,
      %mul3A_853 = arith.constant 16 : i32
      %mul3A_854 = arith.muli %scan3A_607, %mul3A_853 : i32
      %add3A_855 = arith.constant 448 : i32
      %add3A_856 = arith.addi %add3A_855, %mul3A_854 : i32
      %add3A_857 = arith.constant 12 : i32
      %add3A_858 = arith.addi %add3A_856, %add3A_857 : i32
      %get3A_859 = arith.index_cast %add3A_858 : i32 to index
      %get3A_860 = arith.constant 0 : index
      %get3A_861 = tpu.vector_load %arg11[%get3A_859, %get3A_860] {strides = array<i32>} : memref<832x16xf32, #tpu.memory_space<vmem>>, vector<1x16xf32>,
      %get3A_862 = vector.shape_cast %get3A_861 : vector<1x16xf32> to vector<16xf32>
      %broadcast_in_dim3A_863 = arith.constant 12 : i32
      %broadcast_in_dim3A_864 = vector.broadcast %broadcast_in_dim3A_863 : i32 to vector<16x1xi32>
      %gather3A_865 = vector.shape_cast %broadcast_in_dim3A_864 : vector<16x1xi32> to vector<16xi32>
      %gather3A_866 = tpu.dynamic_gather %get3A_614[%gather3A_865] in [0] : vector<16xf32>, vector<16xi32> -> vector<16xf32>
      %mul3A_867 = arith.mulf %get3A_862, %gather3A_866 : vector<16xf32>
      %swap3A_868 = arith.index_cast %add3A_858 : i32 to index
      %swap3A_869 = arith.constant 0 : index
      %swap3A_870 = tpu.vector_load %arg11[%swap3A_868, %swap3A_869] {strides = array<i32>} : memref<832x16xf32, #tpu.memory_space<vmem>>, vector<1x16xf32>,
      %swap3A_871 = vector.shape_cast %swap3A_870 : vector<1x16xf32> to vector<16xf32>
      %swap3A_872 = vector.shape_cast %mul3A_867 : vector<16xf32> to vector<1x16xf32>
      tpu.vector_store %arg11[%swap3A_868, %swap3A_869], %swap3A_872 {strides = array<i32>} : memref<832x16xf32, #tpu.memory_space<vmem>>, vector<1x16xf32>,
      %mul3A_873 = arith.constant 16 : i32
      %mul3A_874 = arith.muli %scan3A_607, %mul3A_873 : i32
      %add3A_875 = arith.constant 448 : i32
      %add3A_876 = arith.addi %add3A_875, %mul3A_874 : i32
      %add3A_877 = arith.constant 13 : i32
      %add3A_878 = arith.addi %add3A_876, %add3A_877 : i32
      %get3A_879 = arith.index_cast %add3A_878 : i32 to index
      %get3A_880 = arith.constant 0 : index
      %get3A_881 = tpu.vector_load %arg11[%get3A_879, %get3A_880] {strides = array<i32>} : memref<832x16xf32, #tpu.memory_space<vmem>>, vector<1x16xf32>,
      %get3A_882 = vector.shape_cast %get3A_881 : vector<1x16xf32> to vector<16xf32>
      %broadcast_in_dim3A_883 = arith.constant 13 : i32
      %broadcast_in_dim3A_884 = vector.broadcast %broadcast_in_dim3A_883 : i32 to vector<16x1xi32>
      %gather3A_885 = vector.shape_cast %broadcast_in_dim3A_884 : vector<16x1xi32> to vector<16xi32>
      %gather3A_886 = tpu.dynamic_gather %get3A_614[%gather3A_885] in [0] : vector<16xf32>, vector<16xi32> -> vector<16xf32>
      %mul3A_887 = arith.mulf %get3A_882, %gather3A_886 : vector<16xf32>
      %swap3A_888 = arith.index_cast %add3A_878 : i32 to index
      %swap3A_889 = arith.constant 0 : index
      %swap3A_890 = tpu.vector_load %arg11[%swap3A_888, %swap3A_889] {strides = array<i32>} : memref<832x16xf32, #tpu.memory_space<vmem>>, vector<1x16xf32>,
      %swap3A_891 = vector.shape_cast %swap3A_890 : vector<1x16xf32> to vector<16xf32>
      %swap3A_892 = vector.shape_cast %mul3A_887 : vector<16xf32> to vector<1x16xf32>
      tpu.vector_store %arg11[%swap3A_888, %swap3A_889], %swap3A_892 {strides = array<i32>} : memref<832x16xf32, #tpu.memory_space<vmem>>, vector<1x16xf32>,
      %mul3A_893 = arith.constant 16 : i32
      %mul3A_894 = arith.muli %scan3A_607, %mul3A_893 : i32
      %add3A_895 = arith.constant 448 : i32
      %add3A_896 = arith.addi %add3A_895, %mul3A_894 : i32
      %add3A_897 = arith.constant 14 : i32
      %add3A_898 = arith.addi %add3A_896, %add3A_897 : i32
      %get3A_899 = arith.index_cast %add3A_898 : i32 to index
      %get3A_900 = arith.constant 0 : index
      %get3A_901 = tpu.vector_load %arg11[%get3A_899, %get3A_900] {strides = array<i32>} : memref<832x16xf32, #tpu.memory_space<vmem>>, vector<1x16xf32>,
      %get3A_902 = vector.shape_cast %get3A_901 : vector<1x16xf32> to vector<16xf32>
      %broadcast_in_dim3A_903 = arith.constant 14 : i32
      %broadcast_in_dim3A_904 = vector.broadcast %broadcast_in_dim3A_903 : i32 to vector<16x1xi32>
      %gather3A_905 = vector.shape_cast %broadcast_in_dim3A_904 : vector<16x1xi32> to vector<16xi32>
      %gather3A_906 = tpu.dynamic_gather %get3A_614[%gather3A_905] in [0] : vector<16xf32>, vector<16xi32> -> vector<16xf32>
      %mul3A_907 = arith.mulf %get3A_902, %gather3A_906 : vector<16xf32>
      %swap3A_908 = arith.index_cast %add3A_898 : i32 to index
      %swap3A_909 = arith.constant 0 : index
      %swap3A_910 = tpu.vector_load %arg11[%swap3A_908, %swap3A_909] {strides = array<i32>} : memref<832x16xf32, #tpu.memory_space<vmem>>, vector<1x16xf32>,
      %swap3A_911 = vector.shape_cast %swap3A_910 : vector<1x16xf32> to vector<16xf32>
      %swap3A_912 = vector.shape_cast %mul3A_907 : vector<16xf32> to vector<1x16xf32>
      tpu.vector_store %arg11[%swap3A_908, %swap3A_909], %swap3A_912 {strides = array<i32>} : memref<832x16xf32, #tpu.memory_space<vmem>>, vector<1x16xf32>,
      %mul3A_913 = arith.constant 16 : i32
      %mul3A_914 = arith.muli %scan3A_607, %mul3A_913 : i32
      %add3A_915 = arith.constant 448 : i32
      %add3A_916 = arith.addi %add3A_915, %mul3A_914 : i32
      %add3A_917 = arith.constant 15 : i32
      %add3A_918 = arith.addi %add3A_916, %add3A_917 : i32
      %get3A_919 = arith.index_cast %add3A_918 : i32 to index
      %get3A_920 = arith.constant 0 : index
      %get3A_921 = tpu.vector_load %arg11[%get3A_919, %get3A_920] {strides = array<i32>} : memref<832x16xf32, #tpu.memory_space<vmem>>, vector<1x16xf32>,
      %get3A_922 = vector.shape_cast %get3A_921 : vector<1x16xf32> to vector<16xf32>
      %broadcast_in_dim3A_923 = arith.constant 15 : i32
      %broadcast_in_dim3A_924 = vector.broadcast %broadcast_in_dim3A_923 : i32 to vector<16x1xi32>
      %gather3A_925 = vector.shape_cast %broadcast_in_dim3A_924 : vector<16x1xi32> to vector<16xi32>
      %gather3A_926 = tpu.dynamic_gather %get3A_614[%gather3A_925] in [0] : vector<16xf32>, vector<16xi32> -> vector<16xf32>
      %mul3A_927 = arith.mulf %get3A_922, %gather3A_926 : vector<16xf32>
      %swap3A_928 = arith.index_cast %add3A_918 : i32 to index
      %swap3A_929 = arith.constant 0 : index
      %swap3A_930 = tpu.vector_load %arg11[%swap3A_928, %swap3A_929] {strides = array<i32>} : memref<832x16xf32, #tpu.memory_space<vmem>>, vector<1x16xf32>,
      %swap3A_931 = vector.shape_cast %swap3A_930 : vector<1x16xf32> to vector<16xf32>
      %swap3A_932 = vector.shape_cast %mul3A_927 : vector<16xf32> to vector<1x16xf32>
      tpu.vector_store %arg11[%swap3A_928, %swap3A_929], %swap3A_932 {strides = array<i32>} : memref<832x16xf32, #tpu.memory_space<vmem>>, vector<1x16xf32>,
    }
    %scan3A_341 = arith.constant 4 : i32
    %dma_start3A_342 = arith.constant 7 : i32
    %dma_start3A_343 = arith.constant 448 : i32
    %dma_start3A_344 = arith.constant 0 : i32
    %dma_start3A_345 = tpu.memref_slice %arg11[%dma_start3A_343, %dma_start3A_344] : memref<832x16xf32, #tpu.memory_space<vmem>> -> memref<64x16xf32, #tpu.memory_space<vmem>>
    %dma_start3A_346 = arith.constant 0 : i32
    %dma_start3A_347 = tpu.memref_slice %arg10[%dma_start3A_342, %dma_start3A_346] : memref<13x64xi32, #tpu.memory_space<vmem>> -> memref<1x64xi32, #tpu.memory_space<vmem>>
    %dma_start3A_348 = tpu.memref_squeeze %dma_start3A_347 : memref<1x64xi32, #tpu.memory_space<vmem>> -> memref<64xi32, #tpu.memory_space<vmem>>
    %dma_start3A_349 = arith.constant 0 : i32
    %dma_start3A_350 = arith.constant 0 : i32
    %dma_start3A_351 = tpu.memref_slice %arg14[%dma_start3A_349, %dma_start3A_350] : memref<2816x16xf32, #tpu.memory_space<vmem_shared>> -> memref<2816x16xf32, #tpu.memory_space<vmem_shared>>
    tpu.enqueue_indirect_dma source(%dma_start3A_345 : memref<64x16xf32, #tpu.memory_space<vmem>>) target(%dma_start3A_351 : memref<2816x16xf32, #tpu.memory_space<vmem_shared>>) offsets(%dma_start3A_348 : memref<64xi32, #tpu.memory_space<vmem>>) semaphore(%arg18 : memref<!tpu.dma_semaphore, #tpu.memory_space<semaphore_mem>>) {add = true}
    %dma_wait3A_352 = arith.constant 512 : i32
    %dma_wait3A_353 = arith.constant 0 : i32
    %dma_wait3A_354 = tpu.memref_slice %arg11[%dma_wait3A_352, %dma_wait3A_353] : memref<832x16xf32, #tpu.memory_space<vmem>> -> memref<64x16xf32, #tpu.memory_space<vmem>>
    %dma_wait3A_355 = arith.constant 512 : i32
    %dma_wait3A_356 = tpu.memref_slice %arg7[%dma_wait3A_355] : memref<832xi32, #tpu.memory_space<vmem>> -> memref<64xi32, #tpu.memory_space<vmem>>
    %dma_wait3A_357 = arith.constant 0 : i32
    %dma_wait3A_358 = arith.constant 0 : i32
    %dma_wait3A_359 = tpu.memref_slice %arg15[%dma_wait3A_357, %dma_wait3A_358] : memref<2816x16xf32, #tpu.memory_space<vmem_shared>> -> memref<2816x16xf32, #tpu.memory_space<vmem_shared>>
    tpu.wait_indirect_dma semaphore(%arg17 : memref<!tpu.dma_semaphore, #tpu.memory_space<semaphore_mem>>) src(%dma_wait3A_359 : memref<2816x16xf32, #tpu.memory_space<vmem_shared>>) dst(%dma_wait3A_354 : memref<64x16xf32, #tpu.memory_space<vmem>>)
    %scan3A_360 = arith.constant 0 : i32
    %scan3A_361 = arith.constant 0 : i32
    %scan3A_362 = arith.constant 4 : i32
    %scan3A_363 = arith.addi %scan3A_361, %scan3A_362 : i32
    %scan3A_364 = arith.constant 1 : i32
    scf.for %scan3A_607 = %scan3A_361 to %scan3A_363 step %scan3A_364  : i32 {
      %mul3A_608 = arith.constant 16 : i32
      %mul3A_609 = arith.muli %scan3A_607, %mul3A_608 : i32
      %add3A_610 = arith.constant 512 : i32
      %add3A_611 = arith.addi %add3A_610, %mul3A_609 : i32
      %get3A_612 = arith.index_cast %add3A_611 : i32 to index
      %get3A_613 = tpu.vector_load %arg9[%get3A_612] {strides = array<i32>} : memref<832xf32, #tpu.memory_space<vmem>>, vector<16xf32>,
      %get3A_614 = vector.shape_cast %get3A_613 : vector<16xf32> to vector<16xf32>
      %mul3A_615 = arith.constant 16 : i32
      %mul3A_616 = arith.muli %scan3A_607, %mul3A_615 : i32
      %add3A_617 = arith.constant 512 : i32
      %add3A_618 = arith.addi %add3A_617, %mul3A_616 : i32
      %add3A_619 = arith.constant 0 : i32
      %add3A_620 = arith.addi %add3A_618, %add3A_619 : i32
      %get3A_621 = arith.index_cast %add3A_620 : i32 to index
      %get3A_622 = arith.constant 0 : index
      %get3A_623 = tpu.vector_load %arg11[%get3A_621, %get3A_622] {strides = array<i32>} : memref<832x16xf32, #tpu.memory_space<vmem>>, vector<1x16xf32>,
      %get3A_624 = vector.shape_cast %get3A_623 : vector<1x16xf32> to vector<16xf32>
      %broadcast_in_dim3A_625 = arith.constant 0 : i32
      %broadcast_in_dim3A_626 = vector.broadcast %broadcast_in_dim3A_625 : i32 to vector<16x1xi32>
      %gather3A = vector.shape_cast %broadcast_in_dim3A_626 : vector<16x1xi32> to vector<16xi32>
      %gather3A_627 = tpu.dynamic_gather %get3A_614[%gather3A] in [0] : vector<16xf32>, vector<16xi32> -> vector<16xf32>
      %mul3A_628 = arith.mulf %get3A_624, %gather3A_627 : vector<16xf32>
      %swap3A = arith.index_cast %add3A_620 : i32 to index
      %swap3A_629 = arith.constant 0 : index
      %swap3A_630 = tpu.vector_load %arg11[%swap3A, %swap3A_629] {strides = array<i32>} : memref<832x16xf32, #tpu.memory_space<vmem>>, vector<1x16xf32>,
      %swap3A_631 = vector.shape_cast %swap3A_630 : vector<1x16xf32> to vector<16xf32>
      %swap3A_632 = vector.shape_cast %mul3A_628 : vector<16xf32> to vector<1x16xf32>
      tpu.vector_store %arg11[%swap3A, %swap3A_629], %swap3A_632 {strides = array<i32>} : memref<832x16xf32, #tpu.memory_space<vmem>>, vector<1x16xf32>,
      %mul3A_633 = arith.constant 16 : i32
      %mul3A_634 = arith.muli %scan3A_607, %mul3A_633 : i32
      %add3A_635 = arith.constant 512 : i32
      %add3A_636 = arith.addi %add3A_635, %mul3A_634 : i32
      %add3A_637 = arith.constant 1 : i32
      %add3A_638 = arith.addi %add3A_636, %add3A_637 : i32
      %get3A_639 = arith.index_cast %add3A_638 : i32 to index
      %get3A_640 = arith.constant 0 : index
      %get3A_641 = tpu.vector_load %arg11[%get3A_639, %get3A_640] {strides = array<i32>} : memref<832x16xf32, #tpu.memory_space<vmem>>, vector<1x16xf32>,
      %get3A_642 = vector.shape_cast %get3A_641 : vector<1x16xf32> to vector<16xf32>
      %broadcast_in_dim3A_643 = arith.constant 1 : i32
      %broadcast_in_dim3A_644 = vector.broadcast %broadcast_in_dim3A_643 : i32 to vector<16x1xi32>
      %gather3A_645 = vector.shape_cast %broadcast_in_dim3A_644 : vector<16x1xi32> to vector<16xi32>
      %gather3A_646 = tpu.dynamic_gather %get3A_614[%gather3A_645] in [0] : vector<16xf32>, vector<16xi32> -> vector<16xf32>
      %mul3A_647 = arith.mulf %get3A_642, %gather3A_646 : vector<16xf32>
      %swap3A_648 = arith.index_cast %add3A_638 : i32 to index
      %swap3A_649 = arith.constant 0 : index
      %swap3A_650 = tpu.vector_load %arg11[%swap3A_648, %swap3A_649] {strides = array<i32>} : memref<832x16xf32, #tpu.memory_space<vmem>>, vector<1x16xf32>,
      %swap3A_651 = vector.shape_cast %swap3A_650 : vector<1x16xf32> to vector<16xf32>
      %swap3A_652 = vector.shape_cast %mul3A_647 : vector<16xf32> to vector<1x16xf32>
      tpu.vector_store %arg11[%swap3A_648, %swap3A_649], %swap3A_652 {strides = array<i32>} : memref<832x16xf32, #tpu.memory_space<vmem>>, vector<1x16xf32>,
      %mul3A_653 = arith.constant 16 : i32
      %mul3A_654 = arith.muli %scan3A_607, %mul3A_653 : i32
      %add3A_655 = arith.constant 512 : i32
      %add3A_656 = arith.addi %add3A_655, %mul3A_654 : i32
      %add3A_657 = arith.constant 2 : i32
      %add3A_658 = arith.addi %add3A_656, %add3A_657 : i32
      %get3A_659 = arith.index_cast %add3A_658 : i32 to index
      %get3A_660 = arith.constant 0 : index
      %get3A_661 = tpu.vector_load %arg11[%get3A_659, %get3A_660] {strides = array<i32>} : memref<832x16xf32, #tpu.memory_space<vmem>>, vector<1x16xf32>,
      %get3A_662 = vector.shape_cast %get3A_661 : vector<1x16xf32> to vector<16xf32>
      %broadcast_in_dim3A_663 = arith.constant 2 : i32
      %broadcast_in_dim3A_664 = vector.broadcast %broadcast_in_dim3A_663 : i32 to vector<16x1xi32>
      %gather3A_665 = vector.shape_cast %broadcast_in_dim3A_664 : vector<16x1xi32> to vector<16xi32>
      %gather3A_666 = tpu.dynamic_gather %get3A_614[%gather3A_665] in [0] : vector<16xf32>, vector<16xi32> -> vector<16xf32>
      %mul3A_667 = arith.mulf %get3A_662, %gather3A_666 : vector<16xf32>
      %swap3A_668 = arith.index_cast %add3A_658 : i32 to index
      %swap3A_669 = arith.constant 0 : index
      %swap3A_670 = tpu.vector_load %arg11[%swap3A_668, %swap3A_669] {strides = array<i32>} : memref<832x16xf32, #tpu.memory_space<vmem>>, vector<1x16xf32>,
      %swap3A_671 = vector.shape_cast %swap3A_670 : vector<1x16xf32> to vector<16xf32>
      %swap3A_672 = vector.shape_cast %mul3A_667 : vector<16xf32> to vector<1x16xf32>
      tpu.vector_store %arg11[%swap3A_668, %swap3A_669], %swap3A_672 {strides = array<i32>} : memref<832x16xf32, #tpu.memory_space<vmem>>, vector<1x16xf32>,
      %mul3A_673 = arith.constant 16 : i32
      %mul3A_674 = arith.muli %scan3A_607, %mul3A_673 : i32
      %add3A_675 = arith.constant 512 : i32
      %add3A_676 = arith.addi %add3A_675, %mul3A_674 : i32
      %add3A_677 = arith.constant 3 : i32
      %add3A_678 = arith.addi %add3A_676, %add3A_677 : i32
      %get3A_679 = arith.index_cast %add3A_678 : i32 to index
      %get3A_680 = arith.constant 0 : index
      %get3A_681 = tpu.vector_load %arg11[%get3A_679, %get3A_680] {strides = array<i32>} : memref<832x16xf32, #tpu.memory_space<vmem>>, vector<1x16xf32>,
      %get3A_682 = vector.shape_cast %get3A_681 : vector<1x16xf32> to vector<16xf32>
      %broadcast_in_dim3A_683 = arith.constant 3 : i32
      %broadcast_in_dim3A_684 = vector.broadcast %broadcast_in_dim3A_683 : i32 to vector<16x1xi32>
      %gather3A_685 = vector.shape_cast %broadcast_in_dim3A_684 : vector<16x1xi32> to vector<16xi32>
      %gather3A_686 = tpu.dynamic_gather %get3A_614[%gather3A_685] in [0] : vector<16xf32>, vector<16xi32> -> vector<16xf32>
      %mul3A_687 = arith.mulf %get3A_682, %gather3A_686 : vector<16xf32>
      %swap3A_688 = arith.index_cast %add3A_678 : i32 to index
      %swap3A_689 = arith.constant 0 : index
      %swap3A_690 = tpu.vector_load %arg11[%swap3A_688, %swap3A_689] {strides = array<i32>} : memref<832x16xf32, #tpu.memory_space<vmem>>, vector<1x16xf32>,
      %swap3A_691 = vector.shape_cast %swap3A_690 : vector<1x16xf32> to vector<16xf32>
      %swap3A_692 = vector.shape_cast %mul3A_687 : vector<16xf32> to vector<1x16xf32>
      tpu.vector_store %arg11[%swap3A_688, %swap3A_689], %swap3A_692 {strides = array<i32>} : memref<832x16xf32, #tpu.memory_space<vmem>>, vector<1x16xf32>,
      %mul3A_693 = arith.constant 16 : i32
      %mul3A_694 = arith.muli %scan3A_607, %mul3A_693 : i32
      %add3A_695 = arith.constant 512 : i32
      %add3A_696 = arith.addi %add3A_695, %mul3A_694 : i32
      %add3A_697 = arith.constant 4 : i32
      %add3A_698 = arith.addi %add3A_696, %add3A_697 : i32
      %get3A_699 = arith.index_cast %add3A_698 : i32 to index
      %get3A_700 = arith.constant 0 : index
      %get3A_701 = tpu.vector_load %arg11[%get3A_699, %get3A_700] {strides = array<i32>} : memref<832x16xf32, #tpu.memory_space<vmem>>, vector<1x16xf32>,
      %get3A_702 = vector.shape_cast %get3A_701 : vector<1x16xf32> to vector<16xf32>
      %broadcast_in_dim3A_703 = arith.constant 4 : i32
      %broadcast_in_dim3A_704 = vector.broadcast %broadcast_in_dim3A_703 : i32 to vector<16x1xi32>
      %gather3A_705 = vector.shape_cast %broadcast_in_dim3A_704 : vector<16x1xi32> to vector<16xi32>
      %gather3A_706 = tpu.dynamic_gather %get3A_614[%gather3A_705] in [0] : vector<16xf32>, vector<16xi32> -> vector<16xf32>
      %mul3A_707 = arith.mulf %get3A_702, %gather3A_706 : vector<16xf32>
      %swap3A_708 = arith.index_cast %add3A_698 : i32 to index
      %swap3A_709 = arith.constant 0 : index
      %swap3A_710 = tpu.vector_load %arg11[%swap3A_708, %swap3A_709] {strides = array<i32>} : memref<832x16xf32, #tpu.memory_space<vmem>>, vector<1x16xf32>,
      %swap3A_711 = vector.shape_cast %swap3A_710 : vector<1x16xf32> to vector<16xf32>
      %swap3A_712 = vector.shape_cast %mul3A_707 : vector<16xf32> to vector<1x16xf32>
      tpu.vector_store %arg11[%swap3A_708, %swap3A_709], %swap3A_712 {strides = array<i32>} : memref<832x16xf32, #tpu.memory_space<vmem>>, vector<1x16xf32>,
      %mul3A_713 = arith.constant 16 : i32
      %mul3A_714 = arith.muli %scan3A_607, %mul3A_713 : i32
      %add3A_715 = arith.constant 512 : i32
      %add3A_716 = arith.addi %add3A_715, %mul3A_714 : i32
      %add3A_717 = arith.constant 5 : i32
      %add3A_718 = arith.addi %add3A_716, %add3A_717 : i32
      %get3A_719 = arith.index_cast %add3A_718 : i32 to index
      %get3A_720 = arith.constant 0 : index
      %get3A_721 = tpu.vector_load %arg11[%get3A_719, %get3A_720] {strides = array<i32>} : memref<832x16xf32, #tpu.memory_space<vmem>>, vector<1x16xf32>,
      %get3A_722 = vector.shape_cast %get3A_721 : vector<1x16xf32> to vector<16xf32>
      %broadcast_in_dim3A_723 = arith.constant 5 : i32
      %broadcast_in_dim3A_724 = vector.broadcast %broadcast_in_dim3A_723 : i32 to vector<16x1xi32>
      %gather3A_725 = vector.shape_cast %broadcast_in_dim3A_724 : vector<16x1xi32> to vector<16xi32>
      %gather3A_726 = tpu.dynamic_gather %get3A_614[%gather3A_725] in [0] : vector<16xf32>, vector<16xi32> -> vector<16xf32>
      %mul3A_727 = arith.mulf %get3A_722, %gather3A_726 : vector<16xf32>
      %swap3A_728 = arith.index_cast %add3A_718 : i32 to index
      %swap3A_729 = arith.constant 0 : index
      %swap3A_730 = tpu.vector_load %arg11[%swap3A_728, %swap3A_729] {strides = array<i32>} : memref<832x16xf32, #tpu.memory_space<vmem>>, vector<1x16xf32>,
      %swap3A_731 = vector.shape_cast %swap3A_730 : vector<1x16xf32> to vector<16xf32>
      %swap3A_732 = vector.shape_cast %mul3A_727 : vector<16xf32> to vector<1x16xf32>
      tpu.vector_store %arg11[%swap3A_728, %swap3A_729], %swap3A_732 {strides = array<i32>} : memref<832x16xf32, #tpu.memory_space<vmem>>, vector<1x16xf32>,
      %mul3A_733 = arith.constant 16 : i32
      %mul3A_734 = arith.muli %scan3A_607, %mul3A_733 : i32
      %add3A_735 = arith.constant 512 : i32
      %add3A_736 = arith.addi %add3A_735, %mul3A_734 : i32
      %add3A_737 = arith.constant 6 : i32
      %add3A_738 = arith.addi %add3A_736, %add3A_737 : i32
      %get3A_739 = arith.index_cast %add3A_738 : i32 to index
      %get3A_740 = arith.constant 0 : index
      %get3A_741 = tpu.vector_load %arg11[%get3A_739, %get3A_740] {strides = array<i32>} : memref<832x16xf32, #tpu.memory_space<vmem>>, vector<1x16xf32>,
      %get3A_742 = vector.shape_cast %get3A_741 : vector<1x16xf32> to vector<16xf32>
      %broadcast_in_dim3A_743 = arith.constant 6 : i32
      %broadcast_in_dim3A_744 = vector.broadcast %broadcast_in_dim3A_743 : i32 to vector<16x1xi32>
      %gather3A_745 = vector.shape_cast %broadcast_in_dim3A_744 : vector<16x1xi32> to vector<16xi32>
      %gather3A_746 = tpu.dynamic_gather %get3A_614[%gather3A_745] in [0] : vector<16xf32>, vector<16xi32> -> vector<16xf32>
      %mul3A_747 = arith.mulf %get3A_742, %gather3A_746 : vector<16xf32>
      %swap3A_748 = arith.index_cast %add3A_738 : i32 to index
      %swap3A_749 = arith.constant 0 : index
      %swap3A_750 = tpu.vector_load %arg11[%swap3A_748, %swap3A_749] {strides = array<i32>} : memref<832x16xf32, #tpu.memory_space<vmem>>, vector<1x16xf32>,
      %swap3A_751 = vector.shape_cast %swap3A_750 : vector<1x16xf32> to vector<16xf32>
      %swap3A_752 = vector.shape_cast %mul3A_747 : vector<16xf32> to vector<1x16xf32>
      tpu.vector_store %arg11[%swap3A_748, %swap3A_749], %swap3A_752 {strides = array<i32>} : memref<832x16xf32, #tpu.memory_space<vmem>>, vector<1x16xf32>,
      %mul3A_753 = arith.constant 16 : i32
      %mul3A_754 = arith.muli %scan3A_607, %mul3A_753 : i32
      %add3A_755 = arith.constant 512 : i32
      %add3A_756 = arith.addi %add3A_755, %mul3A_754 : i32
      %add3A_757 = arith.constant 7 : i32
      %add3A_758 = arith.addi %add3A_756, %add3A_757 : i32
      %get3A_759 = arith.index_cast %add3A_758 : i32 to index
      %get3A_760 = arith.constant 0 : index
      %get3A_761 = tpu.vector_load %arg11[%get3A_759, %get3A_760] {strides = array<i32>} : memref<832x16xf32, #tpu.memory_space<vmem>>, vector<1x16xf32>,
      %get3A_762 = vector.shape_cast %get3A_761 : vector<1x16xf32> to vector<16xf32>
      %broadcast_in_dim3A_763 = arith.constant 7 : i32
      %broadcast_in_dim3A_764 = vector.broadcast %broadcast_in_dim3A_763 : i32 to vector<16x1xi32>
      %gather3A_765 = vector.shape_cast %broadcast_in_dim3A_764 : vector<16x1xi32> to vector<16xi32>
      %gather3A_766 = tpu.dynamic_gather %get3A_614[%gather3A_765] in [0] : vector<16xf32>, vector<16xi32> -> vector<16xf32>
      %mul3A_767 = arith.mulf %get3A_762, %gather3A_766 : vector<16xf32>
      %swap3A_768 = arith.index_cast %add3A_758 : i32 to index
      %swap3A_769 = arith.constant 0 : index
      %swap3A_770 = tpu.vector_load %arg11[%swap3A_768, %swap3A_769] {strides = array<i32>} : memref<832x16xf32, #tpu.memory_space<vmem>>, vector<1x16xf32>,
      %swap3A_771 = vector.shape_cast %swap3A_770 : vector<1x16xf32> to vector<16xf32>
      %swap3A_772 = vector.shape_cast %mul3A_767 : vector<16xf32> to vector<1x16xf32>
      tpu.vector_store %arg11[%swap3A_768, %swap3A_769], %swap3A_772 {strides = array<i32>} : memref<832x16xf32, #tpu.memory_space<vmem>>, vector<1x16xf32>,
      %mul3A_773 = arith.constant 16 : i32
      %mul3A_774 = arith.muli %scan3A_607, %mul3A_773 : i32
      %add3A_775 = arith.constant 512 : i32
      %add3A_776 = arith.addi %add3A_775, %mul3A_774 : i32
      %add3A_777 = arith.constant 8 : i32
      %add3A_778 = arith.addi %add3A_776, %add3A_777 : i32
      %get3A_779 = arith.index_cast %add3A_778 : i32 to index
      %get3A_780 = arith.constant 0 : index
      %get3A_781 = tpu.vector_load %arg11[%get3A_779, %get3A_780] {strides = array<i32>} : memref<832x16xf32, #tpu.memory_space<vmem>>, vector<1x16xf32>,
      %get3A_782 = vector.shape_cast %get3A_781 : vector<1x16xf32> to vector<16xf32>
      %broadcast_in_dim3A_783 = arith.constant 8 : i32
      %broadcast_in_dim3A_784 = vector.broadcast %broadcast_in_dim3A_783 : i32 to vector<16x1xi32>
      %gather3A_785 = vector.shape_cast %broadcast_in_dim3A_784 : vector<16x1xi32> to vector<16xi32>
      %gather3A_786 = tpu.dynamic_gather %get3A_614[%gather3A_785] in [0] : vector<16xf32>, vector<16xi32> -> vector<16xf32>
      %mul3A_787 = arith.mulf %get3A_782, %gather3A_786 : vector<16xf32>
      %swap3A_788 = arith.index_cast %add3A_778 : i32 to index
      %swap3A_789 = arith.constant 0 : index
      %swap3A_790 = tpu.vector_load %arg11[%swap3A_788, %swap3A_789] {strides = array<i32>} : memref<832x16xf32, #tpu.memory_space<vmem>>, vector<1x16xf32>,
      %swap3A_791 = vector.shape_cast %swap3A_790 : vector<1x16xf32> to vector<16xf32>
      %swap3A_792 = vector.shape_cast %mul3A_787 : vector<16xf32> to vector<1x16xf32>
      tpu.vector_store %arg11[%swap3A_788, %swap3A_789], %swap3A_792 {strides = array<i32>} : memref<832x16xf32, #tpu.memory_space<vmem>>, vector<1x16xf32>,
      %mul3A_793 = arith.constant 16 : i32
      %mul3A_794 = arith.muli %scan3A_607, %mul3A_793 : i32
      %add3A_795 = arith.constant 512 : i32
      %add3A_796 = arith.addi %add3A_795, %mul3A_794 : i32
      %add3A_797 = arith.constant 9 : i32
      %add3A_798 = arith.addi %add3A_796, %add3A_797 : i32
      %get3A_799 = arith.index_cast %add3A_798 : i32 to index
      %get3A_800 = arith.constant 0 : index
      %get3A_801 = tpu.vector_load %arg11[%get3A_799, %get3A_800] {strides = array<i32>} : memref<832x16xf32, #tpu.memory_space<vmem>>, vector<1x16xf32>,
      %get3A_802 = vector.shape_cast %get3A_801 : vector<1x16xf32> to vector<16xf32>
      %broadcast_in_dim3A_803 = arith.constant 9 : i32
      %broadcast_in_dim3A_804 = vector.broadcast %broadcast_in_dim3A_803 : i32 to vector<16x1xi32>
      %gather3A_805 = vector.shape_cast %broadcast_in_dim3A_804 : vector<16x1xi32> to vector<16xi32>
      %gather3A_806 = tpu.dynamic_gather %get3A_614[%gather3A_805] in [0] : vector<16xf32>, vector<16xi32> -> vector<16xf32>
      %mul3A_807 = arith.mulf %get3A_802, %gather3A_806 : vector<16xf32>
      %swap3A_808 = arith.index_cast %add3A_798 : i32 to index
      %swap3A_809 = arith.constant 0 : index
      %swap3A_810 = tpu.vector_load %arg11[%swap3A_808, %swap3A_809] {strides = array<i32>} : memref<832x16xf32, #tpu.memory_space<vmem>>, vector<1x16xf32>,
      %swap3A_811 = vector.shape_cast %swap3A_810 : vector<1x16xf32> to vector<16xf32>
      %swap3A_812 = vector.shape_cast %mul3A_807 : vector<16xf32> to vector<1x16xf32>
      tpu.vector_store %arg11[%swap3A_808, %swap3A_809], %swap3A_812 {strides = array<i32>} : memref<832x16xf32, #tpu.memory_space<vmem>>, vector<1x16xf32>,
      %mul3A_813 = arith.constant 16 : i32
      %mul3A_814 = arith.muli %scan3A_607, %mul3A_813 : i32
      %add3A_815 = arith.constant 512 : i32
      %add3A_816 = arith.addi %add3A_815, %mul3A_814 : i32
      %add3A_817 = arith.constant 10 : i32
      %add3A_818 = arith.addi %add3A_816, %add3A_817 : i32
      %get3A_819 = arith.index_cast %add3A_818 : i32 to index
      %get3A_820 = arith.constant 0 : index
      %get3A_821 = tpu.vector_load %arg11[%get3A_819, %get3A_820] {strides = array<i32>} : memref<832x16xf32, #tpu.memory_space<vmem>>, vector<1x16xf32>,
      %get3A_822 = vector.shape_cast %get3A_821 : vector<1x16xf32> to vector<16xf32>
      %broadcast_in_dim3A_823 = arith.constant 10 : i32
      %broadcast_in_dim3A_824 = vector.broadcast %broadcast_in_dim3A_823 : i32 to vector<16x1xi32>
      %gather3A_825 = vector.shape_cast %broadcast_in_dim3A_824 : vector<16x1xi32> to vector<16xi32>
      %gather3A_826 = tpu.dynamic_gather %get3A_614[%gather3A_825] in [0] : vector<16xf32>, vector<16xi32> -> vector<16xf32>
      %mul3A_827 = arith.mulf %get3A_822, %gather3A_826 : vector<16xf32>
      %swap3A_828 = arith.index_cast %add3A_818 : i32 to index
      %swap3A_829 = arith.constant 0 : index
      %swap3A_830 = tpu.vector_load %arg11[%swap3A_828, %swap3A_829] {strides = array<i32>} : memref<832x16xf32, #tpu.memory_space<vmem>>, vector<1x16xf32>,
      %swap3A_831 = vector.shape_cast %swap3A_830 : vector<1x16xf32> to vector<16xf32>
      %swap3A_832 = vector.shape_cast %mul3A_827 : vector<16xf32> to vector<1x16xf32>
      tpu.vector_store %arg11[%swap3A_828, %swap3A_829], %swap3A_832 {strides = array<i32>} : memref<832x16xf32, #tpu.memory_space<vmem>>, vector<1x16xf32>,
      %mul3A_833 = arith.constant 16 : i32
      %mul3A_834 = arith.muli %scan3A_607, %mul3A_833 : i32
      %add3A_835 = arith.constant 512 : i32
      %add3A_836 = arith.addi %add3A_835, %mul3A_834 : i32
      %add3A_837 = arith.constant 11 : i32
      %add3A_838 = arith.addi %add3A_836, %add3A_837 : i32
      %get3A_839 = arith.index_cast %add3A_838 : i32 to index
      %get3A_840 = arith.constant 0 : index
      %get3A_841 = tpu.vector_load %arg11[%get3A_839, %get3A_840] {strides = array<i32>} : memref<832x16xf32, #tpu.memory_space<vmem>>, vector<1x16xf32>,
      %get3A_842 = vector.shape_cast %get3A_841 : vector<1x16xf32> to vector<16xf32>
      %broadcast_in_dim3A_843 = arith.constant 11 : i32
      %broadcast_in_dim3A_844 = vector.broadcast %broadcast_in_dim3A_843 : i32 to vector<16x1xi32>
      %gather3A_845 = vector.shape_cast %broadcast_in_dim3A_844 : vector<16x1xi32> to vector<16xi32>
      %gather3A_846 = tpu.dynamic_gather %get3A_614[%gather3A_845] in [0] : vector<16xf32>, vector<16xi32> -> vector<16xf32>
      %mul3A_847 = arith.mulf %get3A_842, %gather3A_846 : vector<16xf32>
      %swap3A_848 = arith.index_cast %add3A_838 : i32 to index
      %swap3A_849 = arith.constant 0 : index
      %swap3A_850 = tpu.vector_load %arg11[%swap3A_848, %swap3A_849] {strides = array<i32>} : memref<832x16xf32, #tpu.memory_space<vmem>>, vector<1x16xf32>,
      %swap3A_851 = vector.shape_cast %swap3A_850 : vector<1x16xf32> to vector<16xf32>
      %swap3A_852 = vector.shape_cast %mul3A_847 : vector<16xf32> to vector<1x16xf32>
      tpu.vector_store %arg11[%swap3A_848, %swap3A_849], %swap3A_852 {strides = array<i32>} : memref<832x16xf32, #tpu.memory_space<vmem>>, vector<1x16xf32>,
      %mul3A_853 = arith.constant 16 : i32
      %mul3A_854 = arith.muli %scan3A_607, %mul3A_853 : i32
      %add3A_855 = arith.constant 512 : i32
      %add3A_856 = arith.addi %add3A_855, %mul3A_854 : i32
      %add3A_857 = arith.constant 12 : i32
      %add3A_858 = arith.addi %add3A_856, %add3A_857 : i32
      %get3A_859 = arith.index_cast %add3A_858 : i32 to index
      %get3A_860 = arith.constant 0 : index
      %get3A_861 = tpu.vector_load %arg11[%get3A_859, %get3A_860] {strides = array<i32>} : memref<832x16xf32, #tpu.memory_space<vmem>>, vector<1x16xf32>,
      %get3A_862 = vector.shape_cast %get3A_861 : vector<1x16xf32> to vector<16xf32>
      %broadcast_in_dim3A_863 = arith.constant 12 : i32
      %broadcast_in_dim3A_864 = vector.broadcast %broadcast_in_dim3A_863 : i32 to vector<16x1xi32>
      %gather3A_865 = vector.shape_cast %broadcast_in_dim3A_864 : vector<16x1xi32> to vector<16xi32>
      %gather3A_866 = tpu.dynamic_gather %get3A_614[%gather3A_865] in [0] : vector<16xf32>, vector<16xi32> -> vector<16xf32>
      %mul3A_867 = arith.mulf %get3A_862, %gather3A_866 : vector<16xf32>
      %swap3A_868 = arith.index_cast %add3A_858 : i32 to index
      %swap3A_869 = arith.constant 0 : index
      %swap3A_870 = tpu.vector_load %arg11[%swap3A_868, %swap3A_869] {strides = array<i32>} : memref<832x16xf32, #tpu.memory_space<vmem>>, vector<1x16xf32>,
      %swap3A_871 = vector.shape_cast %swap3A_870 : vector<1x16xf32> to vector<16xf32>
      %swap3A_872 = vector.shape_cast %mul3A_867 : vector<16xf32> to vector<1x16xf32>
      tpu.vector_store %arg11[%swap3A_868, %swap3A_869], %swap3A_872 {strides = array<i32>} : memref<832x16xf32, #tpu.memory_space<vmem>>, vector<1x16xf32>,
      %mul3A_873 = arith.constant 16 : i32
      %mul3A_874 = arith.muli %scan3A_607, %mul3A_873 : i32
      %add3A_875 = arith.constant 512 : i32
      %add3A_876 = arith.addi %add3A_875, %mul3A_874 : i32
      %add3A_877 = arith.constant 13 : i32
      %add3A_878 = arith.addi %add3A_876, %add3A_877 : i32
      %get3A_879 = arith.index_cast %add3A_878 : i32 to index
      %get3A_880 = arith.constant 0 : index
      %get3A_881 = tpu.vector_load %arg11[%get3A_879, %get3A_880] {strides = array<i32>} : memref<832x16xf32, #tpu.memory_space<vmem>>, vector<1x16xf32>,
      %get3A_882 = vector.shape_cast %get3A_881 : vector<1x16xf32> to vector<16xf32>
      %broadcast_in_dim3A_883 = arith.constant 13 : i32
      %broadcast_in_dim3A_884 = vector.broadcast %broadcast_in_dim3A_883 : i32 to vector<16x1xi32>
      %gather3A_885 = vector.shape_cast %broadcast_in_dim3A_884 : vector<16x1xi32> to vector<16xi32>
      %gather3A_886 = tpu.dynamic_gather %get3A_614[%gather3A_885] in [0] : vector<16xf32>, vector<16xi32> -> vector<16xf32>
      %mul3A_887 = arith.mulf %get3A_882, %gather3A_886 : vector<16xf32>
      %swap3A_888 = arith.index_cast %add3A_878 : i32 to index
      %swap3A_889 = arith.constant 0 : index
      %swap3A_890 = tpu.vector_load %arg11[%swap3A_888, %swap3A_889] {strides = array<i32>} : memref<832x16xf32, #tpu.memory_space<vmem>>, vector<1x16xf32>,
      %swap3A_891 = vector.shape_cast %swap3A_890 : vector<1x16xf32> to vector<16xf32>
      %swap3A_892 = vector.shape_cast %mul3A_887 : vector<16xf32> to vector<1x16xf32>
      tpu.vector_store %arg11[%swap3A_888, %swap3A_889], %swap3A_892 {strides = array<i32>} : memref<832x16xf32, #tpu.memory_space<vmem>>, vector<1x16xf32>,
      %mul3A_893 = arith.constant 16 : i32
      %mul3A_894 = arith.muli %scan3A_607, %mul3A_893 : i32
      %add3A_895 = arith.constant 512 : i32
      %add3A_896 = arith.addi %add3A_895, %mul3A_894 : i32
      %add3A_897 = arith.constant 14 : i32
      %add3A_898 = arith.addi %add3A_896, %add3A_897 : i32
      %get3A_899 = arith.index_cast %add3A_898 : i32 to index
      %get3A_900 = arith.constant 0 : index
      %get3A_901 = tpu.vector_load %arg11[%get3A_899, %get3A_900] {strides = array<i32>} : memref<832x16xf32, #tpu.memory_space<vmem>>, vector<1x16xf32>,
      %get3A_902 = vector.shape_cast %get3A_901 : vector<1x16xf32> to vector<16xf32>
      %broadcast_in_dim3A_903 = arith.constant 14 : i32
      %broadcast_in_dim3A_904 = vector.broadcast %broadcast_in_dim3A_903 : i32 to vector<16x1xi32>
      %gather3A_905 = vector.shape_cast %broadcast_in_dim3A_904 : vector<16x1xi32> to vector<16xi32>
      %gather3A_906 = tpu.dynamic_gather %get3A_614[%gather3A_905] in [0] : vector<16xf32>, vector<16xi32> -> vector<16xf32>
      %mul3A_907 = arith.mulf %get3A_902, %gather3A_906 : vector<16xf32>
      %swap3A_908 = arith.index_cast %add3A_898 : i32 to index
      %swap3A_909 = arith.constant 0 : index
      %swap3A_910 = tpu.vector_load %arg11[%swap3A_908, %swap3A_909] {strides = array<i32>} : memref<832x16xf32, #tpu.memory_space<vmem>>, vector<1x16xf32>,
      %swap3A_911 = vector.shape_cast %swap3A_910 : vector<1x16xf32> to vector<16xf32>
      %swap3A_912 = vector.shape_cast %mul3A_907 : vector<16xf32> to vector<1x16xf32>
      tpu.vector_store %arg11[%swap3A_908, %swap3A_909], %swap3A_912 {strides = array<i32>} : memref<832x16xf32, #tpu.memory_space<vmem>>, vector<1x16xf32>,
      %mul3A_913 = arith.constant 16 : i32
      %mul3A_914 = arith.muli %scan3A_607, %mul3A_913 : i32
      %add3A_915 = arith.constant 512 : i32
      %add3A_916 = arith.addi %add3A_915, %mul3A_914 : i32
      %add3A_917 = arith.constant 15 : i32
      %add3A_918 = arith.addi %add3A_916, %add3A_917 : i32
      %get3A_919 = arith.index_cast %add3A_918 : i32 to index
      %get3A_920 = arith.constant 0 : index
      %get3A_921 = tpu.vector_load %arg11[%get3A_919, %get3A_920] {strides = array<i32>} : memref<832x16xf32, #tpu.memory_space<vmem>>, vector<1x16xf32>,
      %get3A_922 = vector.shape_cast %get3A_921 : vector<1x16xf32> to vector<16xf32>
      %broadcast_in_dim3A_923 = arith.constant 15 : i32
      %broadcast_in_dim3A_924 = vector.broadcast %broadcast_in_dim3A_923 : i32 to vector<16x1xi32>
      %gather3A_925 = vector.shape_cast %broadcast_in_dim3A_924 : vector<16x1xi32> to vector<16xi32>
      %gather3A_926 = tpu.dynamic_gather %get3A_614[%gather3A_925] in [0] : vector<16xf32>, vector<16xi32> -> vector<16xf32>
      %mul3A_927 = arith.mulf %get3A_922, %gather3A_926 : vector<16xf32>
      %swap3A_928 = arith.index_cast %add3A_918 : i32 to index
      %swap3A_929 = arith.constant 0 : index
      %swap3A_930 = tpu.vector_load %arg11[%swap3A_928, %swap3A_929] {strides = array<i32>} : memref<832x16xf32, #tpu.memory_space<vmem>>, vector<1x16xf32>,
      %swap3A_931 = vector.shape_cast %swap3A_930 : vector<1x16xf32> to vector<16xf32>
      %swap3A_932 = vector.shape_cast %mul3A_927 : vector<16xf32> to vector<1x16xf32>
      tpu.vector_store %arg11[%swap3A_928, %swap3A_929], %swap3A_932 {strides = array<i32>} : memref<832x16xf32, #tpu.memory_space<vmem>>, vector<1x16xf32>,
    }
    %scan3A_365 = arith.constant 4 : i32
    %dma_start3A_366 = arith.constant 8 : i32
    %dma_start3A_367 = arith.constant 512 : i32
    %dma_start3A_368 = arith.constant 0 : i32
    %dma_start3A_369 = tpu.memref_slice %arg11[%dma_start3A_367, %dma_start3A_368] : memref<832x16xf32, #tpu.memory_space<vmem>> -> memref<64x16xf32, #tpu.memory_space<vmem>>
    %dma_start3A_370 = arith.constant 0 : i32
    %dma_start3A_371 = tpu.memref_slice %arg10[%dma_start3A_366, %dma_start3A_370] : memref<13x64xi32, #tpu.memory_space<vmem>> -> memref<1x64xi32, #tpu.memory_space<vmem>>
    %dma_start3A_372 = tpu.memref_squeeze %dma_start3A_371 : memref<1x64xi32, #tpu.memory_space<vmem>> -> memref<64xi32, #tpu.memory_space<vmem>>
    %dma_start3A_373 = arith.constant 0 : i32
    %dma_start3A_374 = arith.constant 0 : i32
    %dma_start3A_375 = tpu.memref_slice %arg14[%dma_start3A_373, %dma_start3A_374] : memref<2816x16xf32, #tpu.memory_space<vmem_shared>> -> memref<2816x16xf32, #tpu.memory_space<vmem_shared>>
    tpu.enqueue_indirect_dma source(%dma_start3A_369 : memref<64x16xf32, #tpu.memory_space<vmem>>) target(%dma_start3A_375 : memref<2816x16xf32, #tpu.memory_space<vmem_shared>>) offsets(%dma_start3A_372 : memref<64xi32, #tpu.memory_space<vmem>>) semaphore(%arg18 : memref<!tpu.dma_semaphore, #tpu.memory_space<semaphore_mem>>) {add = true}
    %dma_wait3A_376 = arith.constant 576 : i32
    %dma_wait3A_377 = arith.constant 0 : i32
    %dma_wait3A_378 = tpu.memref_slice %arg11[%dma_wait3A_376, %dma_wait3A_377] : memref<832x16xf32, #tpu.memory_space<vmem>> -> memref<64x16xf32, #tpu.memory_space<vmem>>
    %dma_wait3A_379 = arith.constant 576 : i32
    %dma_wait3A_380 = tpu.memref_slice %arg7[%dma_wait3A_379] : memref<832xi32, #tpu.memory_space<vmem>> -> memref<64xi32, #tpu.memory_space<vmem>>
    %dma_wait3A_381 = arith.constant 0 : i32
    %dma_wait3A_382 = arith.constant 0 : i32
    %dma_wait3A_383 = tpu.memref_slice %arg15[%dma_wait3A_381, %dma_wait3A_382] : memref<2816x16xf32, #tpu.memory_space<vmem_shared>> -> memref<2816x16xf32, #tpu.memory_space<vmem_shared>>
    tpu.wait_indirect_dma semaphore(%arg17 : memref<!tpu.dma_semaphore, #tpu.memory_space<semaphore_mem>>) src(%dma_wait3A_383 : memref<2816x16xf32, #tpu.memory_space<vmem_shared>>) dst(%dma_wait3A_378 : memref<64x16xf32, #tpu.memory_space<vmem>>)
    %scan3A_384 = arith.constant 0 : i32
    %scan3A_385 = arith.constant 0 : i32
    %scan3A_386 = arith.constant 4 : i32
    %scan3A_387 = arith.addi %scan3A_385, %scan3A_386 : i32
    %scan3A_388 = arith.constant 1 : i32
    scf.for %scan3A_607 = %scan3A_385 to %scan3A_387 step %scan3A_388  : i32 {
      %mul3A_608 = arith.constant 16 : i32
      %mul3A_609 = arith.muli %scan3A_607, %mul3A_608 : i32
      %add3A_610 = arith.constant 576 : i32
      %add3A_611 = arith.addi %add3A_610, %mul3A_609 : i32
      %get3A_612 = arith.index_cast %add3A_611 : i32 to index
      %get3A_613 = tpu.vector_load %arg9[%get3A_612] {strides = array<i32>} : memref<832xf32, #tpu.memory_space<vmem>>, vector<16xf32>,
      %get3A_614 = vector.shape_cast %get3A_613 : vector<16xf32> to vector<16xf32>
      %mul3A_615 = arith.constant 16 : i32
      %mul3A_616 = arith.muli %scan3A_607, %mul3A_615 : i32
      %add3A_617 = arith.constant 576 : i32
      %add3A_618 = arith.addi %add3A_617, %mul3A_616 : i32
      %add3A_619 = arith.constant 0 : i32
      %add3A_620 = arith.addi %add3A_618, %add3A_619 : i32
      %get3A_621 = arith.index_cast %add3A_620 : i32 to index
      %get3A_622 = arith.constant 0 : index
      %get3A_623 = tpu.vector_load %arg11[%get3A_621, %get3A_622] {strides = array<i32>} : memref<832x16xf32, #tpu.memory_space<vmem>>, vector<1x16xf32>,
      %get3A_624 = vector.shape_cast %get3A_623 : vector<1x16xf32> to vector<16xf32>
      %broadcast_in_dim3A_625 = arith.constant 0 : i32
      %broadcast_in_dim3A_626 = vector.broadcast %broadcast_in_dim3A_625 : i32 to vector<16x1xi32>
      %gather3A = vector.shape_cast %broadcast_in_dim3A_626 : vector<16x1xi32> to vector<16xi32>
      %gather3A_627 = tpu.dynamic_gather %get3A_614[%gather3A] in [0] : vector<16xf32>, vector<16xi32> -> vector<16xf32>
      %mul3A_628 = arith.mulf %get3A_624, %gather3A_627 : vector<16xf32>
      %swap3A = arith.index_cast %add3A_620 : i32 to index
      %swap3A_629 = arith.constant 0 : index
      %swap3A_630 = tpu.vector_load %arg11[%swap3A, %swap3A_629] {strides = array<i32>} : memref<832x16xf32, #tpu.memory_space<vmem>>, vector<1x16xf32>,
      %swap3A_631 = vector.shape_cast %swap3A_630 : vector<1x16xf32> to vector<16xf32>
      %swap3A_632 = vector.shape_cast %mul3A_628 : vector<16xf32> to vector<1x16xf32>
      tpu.vector_store %arg11[%swap3A, %swap3A_629], %swap3A_632 {strides = array<i32>} : memref<832x16xf32, #tpu.memory_space<vmem>>, vector<1x16xf32>,
      %mul3A_633 = arith.constant 16 : i32
      %mul3A_634 = arith.muli %scan3A_607, %mul3A_633 : i32
      %add3A_635 = arith.constant 576 : i32
      %add3A_636 = arith.addi %add3A_635, %mul3A_634 : i32
      %add3A_637 = arith.constant 1 : i32
      %add3A_638 = arith.addi %add3A_636, %add3A_637 : i32
      %get3A_639 = arith.index_cast %add3A_638 : i32 to index
      %get3A_640 = arith.constant 0 : index
      %get3A_641 = tpu.vector_load %arg11[%get3A_639, %get3A_640] {strides = array<i32>} : memref<832x16xf32, #tpu.memory_space<vmem>>, vector<1x16xf32>,
      %get3A_642 = vector.shape_cast %get3A_641 : vector<1x16xf32> to vector<16xf32>
      %broadcast_in_dim3A_643 = arith.constant 1 : i32
      %broadcast_in_dim3A_644 = vector.broadcast %broadcast_in_dim3A_643 : i32 to vector<16x1xi32>
      %gather3A_645 = vector.shape_cast %broadcast_in_dim3A_644 : vector<16x1xi32> to vector<16xi32>
      %gather3A_646 = tpu.dynamic_gather %get3A_614[%gather3A_645] in [0] : vector<16xf32>, vector<16xi32> -> vector<16xf32>
      %mul3A_647 = arith.mulf %get3A_642, %gather3A_646 : vector<16xf32>
      %swap3A_648 = arith.index_cast %add3A_638 : i32 to index
      %swap3A_649 = arith.constant 0 : index
      %swap3A_650 = tpu.vector_load %arg11[%swap3A_648, %swap3A_649] {strides = array<i32>} : memref<832x16xf32, #tpu.memory_space<vmem>>, vector<1x16xf32>,
      %swap3A_651 = vector.shape_cast %swap3A_650 : vector<1x16xf32> to vector<16xf32>
      %swap3A_652 = vector.shape_cast %mul3A_647 : vector<16xf32> to vector<1x16xf32>
      tpu.vector_store %arg11[%swap3A_648, %swap3A_649], %swap3A_652 {strides = array<i32>} : memref<832x16xf32, #tpu.memory_space<vmem>>, vector<1x16xf32>,
      %mul3A_653 = arith.constant 16 : i32
      %mul3A_654 = arith.muli %scan3A_607, %mul3A_653 : i32
      %add3A_655 = arith.constant 576 : i32
      %add3A_656 = arith.addi %add3A_655, %mul3A_654 : i32
      %add3A_657 = arith.constant 2 : i32
      %add3A_658 = arith.addi %add3A_656, %add3A_657 : i32
      %get3A_659 = arith.index_cast %add3A_658 : i32 to index
      %get3A_660 = arith.constant 0 : index
      %get3A_661 = tpu.vector_load %arg11[%get3A_659, %get3A_660] {strides = array<i32>} : memref<832x16xf32, #tpu.memory_space<vmem>>, vector<1x16xf32>,
      %get3A_662 = vector.shape_cast %get3A_661 : vector<1x16xf32> to vector<16xf32>
      %broadcast_in_dim3A_663 = arith.constant 2 : i32
      %broadcast_in_dim3A_664 = vector.broadcast %broadcast_in_dim3A_663 : i32 to vector<16x1xi32>
      %gather3A_665 = vector.shape_cast %broadcast_in_dim3A_664 : vector<16x1xi32> to vector<16xi32>
      %gather3A_666 = tpu.dynamic_gather %get3A_614[%gather3A_665] in [0] : vector<16xf32>, vector<16xi32> -> vector<16xf32>
      %mul3A_667 = arith.mulf %get3A_662, %gather3A_666 : vector<16xf32>
      %swap3A_668 = arith.index_cast %add3A_658 : i32 to index
      %swap3A_669 = arith.constant 0 : index
      %swap3A_670 = tpu.vector_load %arg11[%swap3A_668, %swap3A_669] {strides = array<i32>} : memref<832x16xf32, #tpu.memory_space<vmem>>, vector<1x16xf32>,
      %swap3A_671 = vector.shape_cast %swap3A_670 : vector<1x16xf32> to vector<16xf32>
      %swap3A_672 = vector.shape_cast %mul3A_667 : vector<16xf32> to vector<1x16xf32>
      tpu.vector_store %arg11[%swap3A_668, %swap3A_669], %swap3A_672 {strides = array<i32>} : memref<832x16xf32, #tpu.memory_space<vmem>>, vector<1x16xf32>,
      %mul3A_673 = arith.constant 16 : i32
      %mul3A_674 = arith.muli %scan3A_607, %mul3A_673 : i32
      %add3A_675 = arith.constant 576 : i32
      %add3A_676 = arith.addi %add3A_675, %mul3A_674 : i32
      %add3A_677 = arith.constant 3 : i32
      %add3A_678 = arith.addi %add3A_676, %add3A_677 : i32
      %get3A_679 = arith.index_cast %add3A_678 : i32 to index
      %get3A_680 = arith.constant 0 : index
      %get3A_681 = tpu.vector_load %arg11[%get3A_679, %get3A_680] {strides = array<i32>} : memref<832x16xf32, #tpu.memory_space<vmem>>, vector<1x16xf32>,
      %get3A_682 = vector.shape_cast %get3A_681 : vector<1x16xf32> to vector<16xf32>
      %broadcast_in_dim3A_683 = arith.constant 3 : i32
      %broadcast_in_dim3A_684 = vector.broadcast %broadcast_in_dim3A_683 : i32 to vector<16x1xi32>
      %gather3A_685 = vector.shape_cast %broadcast_in_dim3A_684 : vector<16x1xi32> to vector<16xi32>
      %gather3A_686 = tpu.dynamic_gather %get3A_614[%gather3A_685] in [0] : vector<16xf32>, vector<16xi32> -> vector<16xf32>
      %mul3A_687 = arith.mulf %get3A_682, %gather3A_686 : vector<16xf32>
      %swap3A_688 = arith.index_cast %add3A_678 : i32 to index
      %swap3A_689 = arith.constant 0 : index
      %swap3A_690 = tpu.vector_load %arg11[%swap3A_688, %swap3A_689] {strides = array<i32>} : memref<832x16xf32, #tpu.memory_space<vmem>>, vector<1x16xf32>,
      %swap3A_691 = vector.shape_cast %swap3A_690 : vector<1x16xf32> to vector<16xf32>
      %swap3A_692 = vector.shape_cast %mul3A_687 : vector<16xf32> to vector<1x16xf32>
      tpu.vector_store %arg11[%swap3A_688, %swap3A_689], %swap3A_692 {strides = array<i32>} : memref<832x16xf32, #tpu.memory_space<vmem>>, vector<1x16xf32>,
      %mul3A_693 = arith.constant 16 : i32
      %mul3A_694 = arith.muli %scan3A_607, %mul3A_693 : i32
      %add3A_695 = arith.constant 576 : i32
      %add3A_696 = arith.addi %add3A_695, %mul3A_694 : i32
      %add3A_697 = arith.constant 4 : i32
      %add3A_698 = arith.addi %add3A_696, %add3A_697 : i32
      %get3A_699 = arith.index_cast %add3A_698 : i32 to index
      %get3A_700 = arith.constant 0 : index
      %get3A_701 = tpu.vector_load %arg11[%get3A_699, %get3A_700] {strides = array<i32>} : memref<832x16xf32, #tpu.memory_space<vmem>>, vector<1x16xf32>,
      %get3A_702 = vector.shape_cast %get3A_701 : vector<1x16xf32> to vector<16xf32>
      %broadcast_in_dim3A_703 = arith.constant 4 : i32
      %broadcast_in_dim3A_704 = vector.broadcast %broadcast_in_dim3A_703 : i32 to vector<16x1xi32>
      %gather3A_705 = vector.shape_cast %broadcast_in_dim3A_704 : vector<16x1xi32> to vector<16xi32>
      %gather3A_706 = tpu.dynamic_gather %get3A_614[%gather3A_705] in [0] : vector<16xf32>, vector<16xi32> -> vector<16xf32>
      %mul3A_707 = arith.mulf %get3A_702, %gather3A_706 : vector<16xf32>
      %swap3A_708 = arith.index_cast %add3A_698 : i32 to index
      %swap3A_709 = arith.constant 0 : index
      %swap3A_710 = tpu.vector_load %arg11[%swap3A_708, %swap3A_709] {strides = array<i32>} : memref<832x16xf32, #tpu.memory_space<vmem>>, vector<1x16xf32>,
      %swap3A_711 = vector.shape_cast %swap3A_710 : vector<1x16xf32> to vector<16xf32>
      %swap3A_712 = vector.shape_cast %mul3A_707 : vector<16xf32> to vector<1x16xf32>
      tpu.vector_store %arg11[%swap3A_708, %swap3A_709], %swap3A_712 {strides = array<i32>} : memref<832x16xf32, #tpu.memory_space<vmem>>, vector<1x16xf32>,
      %mul3A_713 = arith.constant 16 : i32
      %mul3A_714 = arith.muli %scan3A_607, %mul3A_713 : i32
      %add3A_715 = arith.constant 576 : i32
      %add3A_716 = arith.addi %add3A_715, %mul3A_714 : i32
      %add3A_717 = arith.constant 5 : i32
      %add3A_718 = arith.addi %add3A_716, %add3A_717 : i32
      %get3A_719 = arith.index_cast %add3A_718 : i32 to index
      %get3A_720 = arith.constant 0 : index
      %get3A_721 = tpu.vector_load %arg11[%get3A_719, %get3A_720] {strides = array<i32>} : memref<832x16xf32, #tpu.memory_space<vmem>>, vector<1x16xf32>,
      %get3A_722 = vector.shape_cast %get3A_721 : vector<1x16xf32> to vector<16xf32>
      %broadcast_in_dim3A_723 = arith.constant 5 : i32
      %broadcast_in_dim3A_724 = vector.broadcast %broadcast_in_dim3A_723 : i32 to vector<16x1xi32>
      %gather3A_725 = vector.shape_cast %broadcast_in_dim3A_724 : vector<16x1xi32> to vector<16xi32>
      %gather3A_726 = tpu.dynamic_gather %get3A_614[%gather3A_725] in [0] : vector<16xf32>, vector<16xi32> -> vector<16xf32>
      %mul3A_727 = arith.mulf %get3A_722, %gather3A_726 : vector<16xf32>
      %swap3A_728 = arith.index_cast %add3A_718 : i32 to index
      %swap3A_729 = arith.constant 0 : index
      %swap3A_730 = tpu.vector_load %arg11[%swap3A_728, %swap3A_729] {strides = array<i32>} : memref<832x16xf32, #tpu.memory_space<vmem>>, vector<1x16xf32>,
      %swap3A_731 = vector.shape_cast %swap3A_730 : vector<1x16xf32> to vector<16xf32>
      %swap3A_732 = vector.shape_cast %mul3A_727 : vector<16xf32> to vector<1x16xf32>
      tpu.vector_store %arg11[%swap3A_728, %swap3A_729], %swap3A_732 {strides = array<i32>} : memref<832x16xf32, #tpu.memory_space<vmem>>, vector<1x16xf32>,
      %mul3A_733 = arith.constant 16 : i32
      %mul3A_734 = arith.muli %scan3A_607, %mul3A_733 : i32
      %add3A_735 = arith.constant 576 : i32
      %add3A_736 = arith.addi %add3A_735, %mul3A_734 : i32
      %add3A_737 = arith.constant 6 : i32
      %add3A_738 = arith.addi %add3A_736, %add3A_737 : i32
      %get3A_739 = arith.index_cast %add3A_738 : i32 to index
      %get3A_740 = arith.constant 0 : index
      %get3A_741 = tpu.vector_load %arg11[%get3A_739, %get3A_740] {strides = array<i32>} : memref<832x16xf32, #tpu.memory_space<vmem>>, vector<1x16xf32>,
      %get3A_742 = vector.shape_cast %get3A_741 : vector<1x16xf32> to vector<16xf32>
      %broadcast_in_dim3A_743 = arith.constant 6 : i32
      %broadcast_in_dim3A_744 = vector.broadcast %broadcast_in_dim3A_743 : i32 to vector<16x1xi32>
      %gather3A_745 = vector.shape_cast %broadcast_in_dim3A_744 : vector<16x1xi32> to vector<16xi32>
      %gather3A_746 = tpu.dynamic_gather %get3A_614[%gather3A_745] in [0] : vector<16xf32>, vector<16xi32> -> vector<16xf32>
      %mul3A_747 = arith.mulf %get3A_742, %gather3A_746 : vector<16xf32>
      %swap3A_748 = arith.index_cast %add3A_738 : i32 to index
      %swap3A_749 = arith.constant 0 : index
      %swap3A_750 = tpu.vector_load %arg11[%swap3A_748, %swap3A_749] {strides = array<i32>} : memref<832x16xf32, #tpu.memory_space<vmem>>, vector<1x16xf32>,
      %swap3A_751 = vector.shape_cast %swap3A_750 : vector<1x16xf32> to vector<16xf32>
      %swap3A_752 = vector.shape_cast %mul3A_747 : vector<16xf32> to vector<1x16xf32>
      tpu.vector_store %arg11[%swap3A_748, %swap3A_749], %swap3A_752 {strides = array<i32>} : memref<832x16xf32, #tpu.memory_space<vmem>>, vector<1x16xf32>,
      %mul3A_753 = arith.constant 16 : i32
      %mul3A_754 = arith.muli %scan3A_607, %mul3A_753 : i32
      %add3A_755 = arith.constant 576 : i32
      %add3A_756 = arith.addi %add3A_755, %mul3A_754 : i32
      %add3A_757 = arith.constant 7 : i32
      %add3A_758 = arith.addi %add3A_756, %add3A_757 : i32
      %get3A_759 = arith.index_cast %add3A_758 : i32 to index
      %get3A_760 = arith.constant 0 : index
      %get3A_761 = tpu.vector_load %arg11[%get3A_759, %get3A_760] {strides = array<i32>} : memref<832x16xf32, #tpu.memory_space<vmem>>, vector<1x16xf32>,
      %get3A_762 = vector.shape_cast %get3A_761 : vector<1x16xf32> to vector<16xf32>
      %broadcast_in_dim3A_763 = arith.constant 7 : i32
      %broadcast_in_dim3A_764 = vector.broadcast %broadcast_in_dim3A_763 : i32 to vector<16x1xi32>
      %gather3A_765 = vector.shape_cast %broadcast_in_dim3A_764 : vector<16x1xi32> to vector<16xi32>
      %gather3A_766 = tpu.dynamic_gather %get3A_614[%gather3A_765] in [0] : vector<16xf32>, vector<16xi32> -> vector<16xf32>
      %mul3A_767 = arith.mulf %get3A_762, %gather3A_766 : vector<16xf32>
      %swap3A_768 = arith.index_cast %add3A_758 : i32 to index
      %swap3A_769 = arith.constant 0 : index
      %swap3A_770 = tpu.vector_load %arg11[%swap3A_768, %swap3A_769] {strides = array<i32>} : memref<832x16xf32, #tpu.memory_space<vmem>>, vector<1x16xf32>,
      %swap3A_771 = vector.shape_cast %swap3A_770 : vector<1x16xf32> to vector<16xf32>
      %swap3A_772 = vector.shape_cast %mul3A_767 : vector<16xf32> to vector<1x16xf32>
      tpu.vector_store %arg11[%swap3A_768, %swap3A_769], %swap3A_772 {strides = array<i32>} : memref<832x16xf32, #tpu.memory_space<vmem>>, vector<1x16xf32>,
      %mul3A_773 = arith.constant 16 : i32
      %mul3A_774 = arith.muli %scan3A_607, %mul3A_773 : i32
      %add3A_775 = arith.constant 576 : i32
      %add3A_776 = arith.addi %add3A_775, %mul3A_774 : i32
      %add3A_777 = arith.constant 8 : i32
      %add3A_778 = arith.addi %add3A_776, %add3A_777 : i32
      %get3A_779 = arith.index_cast %add3A_778 : i32 to index
      %get3A_780 = arith.constant 0 : index
      %get3A_781 = tpu.vector_load %arg11[%get3A_779, %get3A_780] {strides = array<i32>} : memref<832x16xf32, #tpu.memory_space<vmem>>, vector<1x16xf32>,
      %get3A_782 = vector.shape_cast %get3A_781 : vector<1x16xf32> to vector<16xf32>
      %broadcast_in_dim3A_783 = arith.constant 8 : i32
      %broadcast_in_dim3A_784 = vector.broadcast %broadcast_in_dim3A_783 : i32 to vector<16x1xi32>
      %gather3A_785 = vector.shape_cast %broadcast_in_dim3A_784 : vector<16x1xi32> to vector<16xi32>
      %gather3A_786 = tpu.dynamic_gather %get3A_614[%gather3A_785] in [0] : vector<16xf32>, vector<16xi32> -> vector<16xf32>
      %mul3A_787 = arith.mulf %get3A_782, %gather3A_786 : vector<16xf32>
      %swap3A_788 = arith.index_cast %add3A_778 : i32 to index
      %swap3A_789 = arith.constant 0 : index
      %swap3A_790 = tpu.vector_load %arg11[%swap3A_788, %swap3A_789] {strides = array<i32>} : memref<832x16xf32, #tpu.memory_space<vmem>>, vector<1x16xf32>,
      %swap3A_791 = vector.shape_cast %swap3A_790 : vector<1x16xf32> to vector<16xf32>
      %swap3A_792 = vector.shape_cast %mul3A_787 : vector<16xf32> to vector<1x16xf32>
      tpu.vector_store %arg11[%swap3A_788, %swap3A_789], %swap3A_792 {strides = array<i32>} : memref<832x16xf32, #tpu.memory_space<vmem>>, vector<1x16xf32>,
      %mul3A_793 = arith.constant 16 : i32
      %mul3A_794 = arith.muli %scan3A_607, %mul3A_793 : i32
      %add3A_795 = arith.constant 576 : i32
      %add3A_796 = arith.addi %add3A_795, %mul3A_794 : i32
      %add3A_797 = arith.constant 9 : i32
      %add3A_798 = arith.addi %add3A_796, %add3A_797 : i32
      %get3A_799 = arith.index_cast %add3A_798 : i32 to index
      %get3A_800 = arith.constant 0 : index
      %get3A_801 = tpu.vector_load %arg11[%get3A_799, %get3A_800] {strides = array<i32>} : memref<832x16xf32, #tpu.memory_space<vmem>>, vector<1x16xf32>,
      %get3A_802 = vector.shape_cast %get3A_801 : vector<1x16xf32> to vector<16xf32>
      %broadcast_in_dim3A_803 = arith.constant 9 : i32
      %broadcast_in_dim3A_804 = vector.broadcast %broadcast_in_dim3A_803 : i32 to vector<16x1xi32>
      %gather3A_805 = vector.shape_cast %broadcast_in_dim3A_804 : vector<16x1xi32> to vector<16xi32>
      %gather3A_806 = tpu.dynamic_gather %get3A_614[%gather3A_805] in [0] : vector<16xf32>, vector<16xi32> -> vector<16xf32>
      %mul3A_807 = arith.mulf %get3A_802, %gather3A_806 : vector<16xf32>
      %swap3A_808 = arith.index_cast %add3A_798 : i32 to index
      %swap3A_809 = arith.constant 0 : index
      %swap3A_810 = tpu.vector_load %arg11[%swap3A_808, %swap3A_809] {strides = array<i32>} : memref<832x16xf32, #tpu.memory_space<vmem>>, vector<1x16xf32>,
      %swap3A_811 = vector.shape_cast %swap3A_810 : vector<1x16xf32> to vector<16xf32>
      %swap3A_812 = vector.shape_cast %mul3A_807 : vector<16xf32> to vector<1x16xf32>
      tpu.vector_store %arg11[%swap3A_808, %swap3A_809], %swap3A_812 {strides = array<i32>} : memref<832x16xf32, #tpu.memory_space<vmem>>, vector<1x16xf32>,
      %mul3A_813 = arith.constant 16 : i32
      %mul3A_814 = arith.muli %scan3A_607, %mul3A_813 : i32
      %add3A_815 = arith.constant 576 : i32
      %add3A_816 = arith.addi %add3A_815, %mul3A_814 : i32
      %add3A_817 = arith.constant 10 : i32
      %add3A_818 = arith.addi %add3A_816, %add3A_817 : i32
      %get3A_819 = arith.index_cast %add3A_818 : i32 to index
      %get3A_820 = arith.constant 0 : index
      %get3A_821 = tpu.vector_load %arg11[%get3A_819, %get3A_820] {strides = array<i32>} : memref<832x16xf32, #tpu.memory_space<vmem>>, vector<1x16xf32>,
      %get3A_822 = vector.shape_cast %get3A_821 : vector<1x16xf32> to vector<16xf32>
      %broadcast_in_dim3A_823 = arith.constant 10 : i32
      %broadcast_in_dim3A_824 = vector.broadcast %broadcast_in_dim3A_823 : i32 to vector<16x1xi32>
      %gather3A_825 = vector.shape_cast %broadcast_in_dim3A_824 : vector<16x1xi32> to vector<16xi32>
      %gather3A_826 = tpu.dynamic_gather %get3A_614[%gather3A_825] in [0] : vector<16xf32>, vector<16xi32> -> vector<16xf32>
      %mul3A_827 = arith.mulf %get3A_822, %gather3A_826 : vector<16xf32>
      %swap3A_828 = arith.index_cast %add3A_818 : i32 to index
      %swap3A_829 = arith.constant 0 : index
      %swap3A_830 = tpu.vector_load %arg11[%swap3A_828, %swap3A_829] {strides = array<i32>} : memref<832x16xf32, #tpu.memory_space<vmem>>, vector<1x16xf32>,
      %swap3A_831 = vector.shape_cast %swap3A_830 : vector<1x16xf32> to vector<16xf32>
      %swap3A_832 = vector.shape_cast %mul3A_827 : vector<16xf32> to vector<1x16xf32>
      tpu.vector_store %arg11[%swap3A_828, %swap3A_829], %swap3A_832 {strides = array<i32>} : memref<832x16xf32, #tpu.memory_space<vmem>>, vector<1x16xf32>,
      %mul3A_833 = arith.constant 16 : i32
      %mul3A_834 = arith.muli %scan3A_607, %mul3A_833 : i32
      %add3A_835 = arith.constant 576 : i32
      %add3A_836 = arith.addi %add3A_835, %mul3A_834 : i32
      %add3A_837 = arith.constant 11 : i32
      %add3A_838 = arith.addi %add3A_836, %add3A_837 : i32
      %get3A_839 = arith.index_cast %add3A_838 : i32 to index
      %get3A_840 = arith.constant 0 : index
      %get3A_841 = tpu.vector_load %arg11[%get3A_839, %get3A_840] {strides = array<i32>} : memref<832x16xf32, #tpu.memory_space<vmem>>, vector<1x16xf32>,
      %get3A_842 = vector.shape_cast %get3A_841 : vector<1x16xf32> to vector<16xf32>
      %broadcast_in_dim3A_843 = arith.constant 11 : i32
      %broadcast_in_dim3A_844 = vector.broadcast %broadcast_in_dim3A_843 : i32 to vector<16x1xi32>
      %gather3A_845 = vector.shape_cast %broadcast_in_dim3A_844 : vector<16x1xi32> to vector<16xi32>
      %gather3A_846 = tpu.dynamic_gather %get3A_614[%gather3A_845] in [0] : vector<16xf32>, vector<16xi32> -> vector<16xf32>
      %mul3A_847 = arith.mulf %get3A_842, %gather3A_846 : vector<16xf32>
      %swap3A_848 = arith.index_cast %add3A_838 : i32 to index
      %swap3A_849 = arith.constant 0 : index
      %swap3A_850 = tpu.vector_load %arg11[%swap3A_848, %swap3A_849] {strides = array<i32>} : memref<832x16xf32, #tpu.memory_space<vmem>>, vector<1x16xf32>,
      %swap3A_851 = vector.shape_cast %swap3A_850 : vector<1x16xf32> to vector<16xf32>
      %swap3A_852 = vector.shape_cast %mul3A_847 : vector<16xf32> to vector<1x16xf32>
      tpu.vector_store %arg11[%swap3A_848, %swap3A_849], %swap3A_852 {strides = array<i32>} : memref<832x16xf32, #tpu.memory_space<vmem>>, vector<1x16xf32>,
      %mul3A_853 = arith.constant 16 : i32
      %mul3A_854 = arith.muli %scan3A_607, %mul3A_853 : i32
      %add3A_855 = arith.constant 576 : i32
      %add3A_856 = arith.addi %add3A_855, %mul3A_854 : i32
      %add3A_857 = arith.constant 12 : i32
      %add3A_858 = arith.addi %add3A_856, %add3A_857 : i32
      %get3A_859 = arith.index_cast %add3A_858 : i32 to index
      %get3A_860 = arith.constant 0 : index
      %get3A_861 = tpu.vector_load %arg11[%get3A_859, %get3A_860] {strides = array<i32>} : memref<832x16xf32, #tpu.memory_space<vmem>>, vector<1x16xf32>,
      %get3A_862 = vector.shape_cast %get3A_861 : vector<1x16xf32> to vector<16xf32>
      %broadcast_in_dim3A_863 = arith.constant 12 : i32
      %broadcast_in_dim3A_864 = vector.broadcast %broadcast_in_dim3A_863 : i32 to vector<16x1xi32>
      %gather3A_865 = vector.shape_cast %broadcast_in_dim3A_864 : vector<16x1xi32> to vector<16xi32>
      %gather3A_866 = tpu.dynamic_gather %get3A_614[%gather3A_865] in [0] : vector<16xf32>, vector<16xi32> -> vector<16xf32>
      %mul3A_867 = arith.mulf %get3A_862, %gather3A_866 : vector<16xf32>
      %swap3A_868 = arith.index_cast %add3A_858 : i32 to index
      %swap3A_869 = arith.constant 0 : index
      %swap3A_870 = tpu.vector_load %arg11[%swap3A_868, %swap3A_869] {strides = array<i32>} : memref<832x16xf32, #tpu.memory_space<vmem>>, vector<1x16xf32>,
      %swap3A_871 = vector.shape_cast %swap3A_870 : vector<1x16xf32> to vector<16xf32>
      %swap3A_872 = vector.shape_cast %mul3A_867 : vector<16xf32> to vector<1x16xf32>
      tpu.vector_store %arg11[%swap3A_868, %swap3A_869], %swap3A_872 {strides = array<i32>} : memref<832x16xf32, #tpu.memory_space<vmem>>, vector<1x16xf32>,
      %mul3A_873 = arith.constant 16 : i32
      %mul3A_874 = arith.muli %scan3A_607, %mul3A_873 : i32
      %add3A_875 = arith.constant 576 : i32
      %add3A_876 = arith.addi %add3A_875, %mul3A_874 : i32
      %add3A_877 = arith.constant 13 : i32
      %add3A_878 = arith.addi %add3A_876, %add3A_877 : i32
      %get3A_879 = arith.index_cast %add3A_878 : i32 to index
      %get3A_880 = arith.constant 0 : index
      %get3A_881 = tpu.vector_load %arg11[%get3A_879, %get3A_880] {strides = array<i32>} : memref<832x16xf32, #tpu.memory_space<vmem>>, vector<1x16xf32>,
      %get3A_882 = vector.shape_cast %get3A_881 : vector<1x16xf32> to vector<16xf32>
      %broadcast_in_dim3A_883 = arith.constant 13 : i32
      %broadcast_in_dim3A_884 = vector.broadcast %broadcast_in_dim3A_883 : i32 to vector<16x1xi32>
      %gather3A_885 = vector.shape_cast %broadcast_in_dim3A_884 : vector<16x1xi32> to vector<16xi32>
      %gather3A_886 = tpu.dynamic_gather %get3A_614[%gather3A_885] in [0] : vector<16xf32>, vector<16xi32> -> vector<16xf32>
      %mul3A_887 = arith.mulf %get3A_882, %gather3A_886 : vector<16xf32>
      %swap3A_888 = arith.index_cast %add3A_878 : i32 to index
      %swap3A_889 = arith.constant 0 : index
      %swap3A_890 = tpu.vector_load %arg11[%swap3A_888, %swap3A_889] {strides = array<i32>} : memref<832x16xf32, #tpu.memory_space<vmem>>, vector<1x16xf32>,
      %swap3A_891 = vector.shape_cast %swap3A_890 : vector<1x16xf32> to vector<16xf32>
      %swap3A_892 = vector.shape_cast %mul3A_887 : vector<16xf32> to vector<1x16xf32>
      tpu.vector_store %arg11[%swap3A_888, %swap3A_889], %swap3A_892 {strides = array<i32>} : memref<832x16xf32, #tpu.memory_space<vmem>>, vector<1x16xf32>,
      %mul3A_893 = arith.constant 16 : i32
      %mul3A_894 = arith.muli %scan3A_607, %mul3A_893 : i32
      %add3A_895 = arith.constant 576 : i32
      %add3A_896 = arith.addi %add3A_895, %mul3A_894 : i32
      %add3A_897 = arith.constant 14 : i32
      %add3A_898 = arith.addi %add3A_896, %add3A_897 : i32
      %get3A_899 = arith.index_cast %add3A_898 : i32 to index
      %get3A_900 = arith.constant 0 : index
      %get3A_901 = tpu.vector_load %arg11[%get3A_899, %get3A_900] {strides = array<i32>} : memref<832x16xf32, #tpu.memory_space<vmem>>, vector<1x16xf32>,
      %get3A_902 = vector.shape_cast %get3A_901 : vector<1x16xf32> to vector<16xf32>
      %broadcast_in_dim3A_903 = arith.constant 14 : i32
      %broadcast_in_dim3A_904 = vector.broadcast %broadcast_in_dim3A_903 : i32 to vector<16x1xi32>
      %gather3A_905 = vector.shape_cast %broadcast_in_dim3A_904 : vector<16x1xi32> to vector<16xi32>
      %gather3A_906 = tpu.dynamic_gather %get3A_614[%gather3A_905] in [0] : vector<16xf32>, vector<16xi32> -> vector<16xf32>
      %mul3A_907 = arith.mulf %get3A_902, %gather3A_906 : vector<16xf32>
      %swap3A_908 = arith.index_cast %add3A_898 : i32 to index
      %swap3A_909 = arith.constant 0 : index
      %swap3A_910 = tpu.vector_load %arg11[%swap3A_908, %swap3A_909] {strides = array<i32>} : memref<832x16xf32, #tpu.memory_space<vmem>>, vector<1x16xf32>,
      %swap3A_911 = vector.shape_cast %swap3A_910 : vector<1x16xf32> to vector<16xf32>
      %swap3A_912 = vector.shape_cast %mul3A_907 : vector<16xf32> to vector<1x16xf32>
      tpu.vector_store %arg11[%swap3A_908, %swap3A_909], %swap3A_912 {strides = array<i32>} : memref<832x16xf32, #tpu.memory_space<vmem>>, vector<1x16xf32>,
      %mul3A_913 = arith.constant 16 : i32
      %mul3A_914 = arith.muli %scan3A_607, %mul3A_913 : i32
      %add3A_915 = arith.constant 576 : i32
      %add3A_916 = arith.addi %add3A_915, %mul3A_914 : i32
      %add3A_917 = arith.constant 15 : i32
      %add3A_918 = arith.addi %add3A_916, %add3A_917 : i32
      %get3A_919 = arith.index_cast %add3A_918 : i32 to index
      %get3A_920 = arith.constant 0 : index
      %get3A_921 = tpu.vector_load %arg11[%get3A_919, %get3A_920] {strides = array<i32>} : memref<832x16xf32, #tpu.memory_space<vmem>>, vector<1x16xf32>,
      %get3A_922 = vector.shape_cast %get3A_921 : vector<1x16xf32> to vector<16xf32>
      %broadcast_in_dim3A_923 = arith.constant 15 : i32
      %broadcast_in_dim3A_924 = vector.broadcast %broadcast_in_dim3A_923 : i32 to vector<16x1xi32>
      %gather3A_925 = vector.shape_cast %broadcast_in_dim3A_924 : vector<16x1xi32> to vector<16xi32>
      %gather3A_926 = tpu.dynamic_gather %get3A_614[%gather3A_925] in [0] : vector<16xf32>, vector<16xi32> -> vector<16xf32>
      %mul3A_927 = arith.mulf %get3A_922, %gather3A_926 : vector<16xf32>
      %swap3A_928 = arith.index_cast %add3A_918 : i32 to index
      %swap3A_929 = arith.constant 0 : index
      %swap3A_930 = tpu.vector_load %arg11[%swap3A_928, %swap3A_929] {strides = array<i32>} : memref<832x16xf32, #tpu.memory_space<vmem>>, vector<1x16xf32>,
      %swap3A_931 = vector.shape_cast %swap3A_930 : vector<1x16xf32> to vector<16xf32>
      %swap3A_932 = vector.shape_cast %mul3A_927 : vector<16xf32> to vector<1x16xf32>
      tpu.vector_store %arg11[%swap3A_928, %swap3A_929], %swap3A_932 {strides = array<i32>} : memref<832x16xf32, #tpu.memory_space<vmem>>, vector<1x16xf32>,
    }
    %scan3A_389 = arith.constant 4 : i32
    %dma_start3A_390 = arith.constant 9 : i32
    %dma_start3A_391 = arith.constant 576 : i32
    %dma_start3A_392 = arith.constant 0 : i32
    %dma_start3A_393 = tpu.memref_slice %arg11[%dma_start3A_391, %dma_start3A_392] : memref<832x16xf32, #tpu.memory_space<vmem>> -> memref<64x16xf32, #tpu.memory_space<vmem>>
    %dma_start3A_394 = arith.constant 0 : i32
    %dma_start3A_395 = tpu.memref_slice %arg10[%dma_start3A_390, %dma_start3A_394] : memref<13x64xi32, #tpu.memory_space<vmem>> -> memref<1x64xi32, #tpu.memory_space<vmem>>
    %dma_start3A_396 = tpu.memref_squeeze %dma_start3A_395 : memref<1x64xi32, #tpu.memory_space<vmem>> -> memref<64xi32, #tpu.memory_space<vmem>>
    %dma_start3A_397 = arith.constant 0 : i32
    %dma_start3A_398 = arith.constant 0 : i32
    %dma_start3A_399 = tpu.memref_slice %arg14[%dma_start3A_397, %dma_start3A_398] : memref<2816x16xf32, #tpu.memory_space<vmem_shared>> -> memref<2816x16xf32, #tpu.memory_space<vmem_shared>>
    tpu.enqueue_indirect_dma source(%dma_start3A_393 : memref<64x16xf32, #tpu.memory_space<vmem>>) target(%dma_start3A_399 : memref<2816x16xf32, #tpu.memory_space<vmem_shared>>) offsets(%dma_start3A_396 : memref<64xi32, #tpu.memory_space<vmem>>) semaphore(%arg18 : memref<!tpu.dma_semaphore, #tpu.memory_space<semaphore_mem>>) {add = true}
    %dma_wait3A_400 = arith.constant 640 : i32
    %dma_wait3A_401 = arith.constant 0 : i32
    %dma_wait3A_402 = tpu.memref_slice %arg11[%dma_wait3A_400, %dma_wait3A_401] : memref<832x16xf32, #tpu.memory_space<vmem>> -> memref<64x16xf32, #tpu.memory_space<vmem>>
    %dma_wait3A_403 = arith.constant 640 : i32
    %dma_wait3A_404 = tpu.memref_slice %arg7[%dma_wait3A_403] : memref<832xi32, #tpu.memory_space<vmem>> -> memref<64xi32, #tpu.memory_space<vmem>>
    %dma_wait3A_405 = arith.constant 0 : i32
    %dma_wait3A_406 = arith.constant 0 : i32
    %dma_wait3A_407 = tpu.memref_slice %arg15[%dma_wait3A_405, %dma_wait3A_406] : memref<2816x16xf32, #tpu.memory_space<vmem_shared>> -> memref<2816x16xf32, #tpu.memory_space<vmem_shared>>
    tpu.wait_indirect_dma semaphore(%arg17 : memref<!tpu.dma_semaphore, #tpu.memory_space<semaphore_mem>>) src(%dma_wait3A_407 : memref<2816x16xf32, #tpu.memory_space<vmem_shared>>) dst(%dma_wait3A_402 : memref<64x16xf32, #tpu.memory_space<vmem>>)
    %scan3A_408 = arith.constant 0 : i32
    %scan3A_409 = arith.constant 0 : i32
    %scan3A_410 = arith.constant 4 : i32
    %scan3A_411 = arith.addi %scan3A_409, %scan3A_410 : i32
    %scan3A_412 = arith.constant 1 : i32
    scf.for %scan3A_607 = %scan3A_409 to %scan3A_411 step %scan3A_412  : i32 {
      %mul3A_608 = arith.constant 16 : i32
      %mul3A_609 = arith.muli %scan3A_607, %mul3A_608 : i32
      %add3A_610 = arith.constant 640 : i32
      %add3A_611 = arith.addi %add3A_610, %mul3A_609 : i32
      %get3A_612 = arith.index_cast %add3A_611 : i32 to index
      %get3A_613 = tpu.vector_load %arg9[%get3A_612] {strides = array<i32>} : memref<832xf32, #tpu.memory_space<vmem>>, vector<16xf32>,
      %get3A_614 = vector.shape_cast %get3A_613 : vector<16xf32> to vector<16xf32>
      %mul3A_615 = arith.constant 16 : i32
      %mul3A_616 = arith.muli %scan3A_607, %mul3A_615 : i32
      %add3A_617 = arith.constant 640 : i32
      %add3A_618 = arith.addi %add3A_617, %mul3A_616 : i32
      %add3A_619 = arith.constant 0 : i32
      %add3A_620 = arith.addi %add3A_618, %add3A_619 : i32
      %get3A_621 = arith.index_cast %add3A_620 : i32 to index
      %get3A_622 = arith.constant 0 : index
      %get3A_623 = tpu.vector_load %arg11[%get3A_621, %get3A_622] {strides = array<i32>} : memref<832x16xf32, #tpu.memory_space<vmem>>, vector<1x16xf32>,
      %get3A_624 = vector.shape_cast %get3A_623 : vector<1x16xf32> to vector<16xf32>
      %broadcast_in_dim3A_625 = arith.constant 0 : i32
      %broadcast_in_dim3A_626 = vector.broadcast %broadcast_in_dim3A_625 : i32 to vector<16x1xi32>
      %gather3A = vector.shape_cast %broadcast_in_dim3A_626 : vector<16x1xi32> to vector<16xi32>
      %gather3A_627 = tpu.dynamic_gather %get3A_614[%gather3A] in [0] : vector<16xf32>, vector<16xi32> -> vector<16xf32>
      %mul3A_628 = arith.mulf %get3A_624, %gather3A_627 : vector<16xf32>
      %swap3A = arith.index_cast %add3A_620 : i32 to index
      %swap3A_629 = arith.constant 0 : index
      %swap3A_630 = tpu.vector_load %arg11[%swap3A, %swap3A_629] {strides = array<i32>} : memref<832x16xf32, #tpu.memory_space<vmem>>, vector<1x16xf32>,
      %swap3A_631 = vector.shape_cast %swap3A_630 : vector<1x16xf32> to vector<16xf32>
      %swap3A_632 = vector.shape_cast %mul3A_628 : vector<16xf32> to vector<1x16xf32>
      tpu.vector_store %arg11[%swap3A, %swap3A_629], %swap3A_632 {strides = array<i32>} : memref<832x16xf32, #tpu.memory_space<vmem>>, vector<1x16xf32>,
      %mul3A_633 = arith.constant 16 : i32
      %mul3A_634 = arith.muli %scan3A_607, %mul3A_633 : i32
      %add3A_635 = arith.constant 640 : i32
      %add3A_636 = arith.addi %add3A_635, %mul3A_634 : i32
      %add3A_637 = arith.constant 1 : i32
      %add3A_638 = arith.addi %add3A_636, %add3A_637 : i32
      %get3A_639 = arith.index_cast %add3A_638 : i32 to index
      %get3A_640 = arith.constant 0 : index
      %get3A_641 = tpu.vector_load %arg11[%get3A_639, %get3A_640] {strides = array<i32>} : memref<832x16xf32, #tpu.memory_space<vmem>>, vector<1x16xf32>,
      %get3A_642 = vector.shape_cast %get3A_641 : vector<1x16xf32> to vector<16xf32>
      %broadcast_in_dim3A_643 = arith.constant 1 : i32
      %broadcast_in_dim3A_644 = vector.broadcast %broadcast_in_dim3A_643 : i32 to vector<16x1xi32>
      %gather3A_645 = vector.shape_cast %broadcast_in_dim3A_644 : vector<16x1xi32> to vector<16xi32>
      %gather3A_646 = tpu.dynamic_gather %get3A_614[%gather3A_645] in [0] : vector<16xf32>, vector<16xi32> -> vector<16xf32>
      %mul3A_647 = arith.mulf %get3A_642, %gather3A_646 : vector<16xf32>
      %swap3A_648 = arith.index_cast %add3A_638 : i32 to index
      %swap3A_649 = arith.constant 0 : index
      %swap3A_650 = tpu.vector_load %arg11[%swap3A_648, %swap3A_649] {strides = array<i32>} : memref<832x16xf32, #tpu.memory_space<vmem>>, vector<1x16xf32>,
      %swap3A_651 = vector.shape_cast %swap3A_650 : vector<1x16xf32> to vector<16xf32>
      %swap3A_652 = vector.shape_cast %mul3A_647 : vector<16xf32> to vector<1x16xf32>
      tpu.vector_store %arg11[%swap3A_648, %swap3A_649], %swap3A_652 {strides = array<i32>} : memref<832x16xf32, #tpu.memory_space<vmem>>, vector<1x16xf32>,
      %mul3A_653 = arith.constant 16 : i32
      %mul3A_654 = arith.muli %scan3A_607, %mul3A_653 : i32
      %add3A_655 = arith.constant 640 : i32
      %add3A_656 = arith.addi %add3A_655, %mul3A_654 : i32
      %add3A_657 = arith.constant 2 : i32
      %add3A_658 = arith.addi %add3A_656, %add3A_657 : i32
      %get3A_659 = arith.index_cast %add3A_658 : i32 to index
      %get3A_660 = arith.constant 0 : index
      %get3A_661 = tpu.vector_load %arg11[%get3A_659, %get3A_660] {strides = array<i32>} : memref<832x16xf32, #tpu.memory_space<vmem>>, vector<1x16xf32>,
      %get3A_662 = vector.shape_cast %get3A_661 : vector<1x16xf32> to vector<16xf32>
      %broadcast_in_dim3A_663 = arith.constant 2 : i32
      %broadcast_in_dim3A_664 = vector.broadcast %broadcast_in_dim3A_663 : i32 to vector<16x1xi32>
      %gather3A_665 = vector.shape_cast %broadcast_in_dim3A_664 : vector<16x1xi32> to vector<16xi32>
      %gather3A_666 = tpu.dynamic_gather %get3A_614[%gather3A_665] in [0] : vector<16xf32>, vector<16xi32> -> vector<16xf32>
      %mul3A_667 = arith.mulf %get3A_662, %gather3A_666 : vector<16xf32>
      %swap3A_668 = arith.index_cast %add3A_658 : i32 to index
      %swap3A_669 = arith.constant 0 : index
      %swap3A_670 = tpu.vector_load %arg11[%swap3A_668, %swap3A_669] {strides = array<i32>} : memref<832x16xf32, #tpu.memory_space<vmem>>, vector<1x16xf32>,
      %swap3A_671 = vector.shape_cast %swap3A_670 : vector<1x16xf32> to vector<16xf32>
      %swap3A_672 = vector.shape_cast %mul3A_667 : vector<16xf32> to vector<1x16xf32>
      tpu.vector_store %arg11[%swap3A_668, %swap3A_669], %swap3A_672 {strides = array<i32>} : memref<832x16xf32, #tpu.memory_space<vmem>>, vector<1x16xf32>,
      %mul3A_673 = arith.constant 16 : i32
      %mul3A_674 = arith.muli %scan3A_607, %mul3A_673 : i32
      %add3A_675 = arith.constant 640 : i32
      %add3A_676 = arith.addi %add3A_675, %mul3A_674 : i32
      %add3A_677 = arith.constant 3 : i32
      %add3A_678 = arith.addi %add3A_676, %add3A_677 : i32
      %get3A_679 = arith.index_cast %add3A_678 : i32 to index
      %get3A_680 = arith.constant 0 : index
      %get3A_681 = tpu.vector_load %arg11[%get3A_679, %get3A_680] {strides = array<i32>} : memref<832x16xf32, #tpu.memory_space<vmem>>, vector<1x16xf32>,
      %get3A_682 = vector.shape_cast %get3A_681 : vector<1x16xf32> to vector<16xf32>
      %broadcast_in_dim3A_683 = arith.constant 3 : i32
      %broadcast_in_dim3A_684 = vector.broadcast %broadcast_in_dim3A_683 : i32 to vector<16x1xi32>
      %gather3A_685 = vector.shape_cast %broadcast_in_dim3A_684 : vector<16x1xi32> to vector<16xi32>
      %gather3A_686 = tpu.dynamic_gather %get3A_614[%gather3A_685] in [0] : vector<16xf32>, vector<16xi32> -> vector<16xf32>
      %mul3A_687 = arith.mulf %get3A_682, %gather3A_686 : vector<16xf32>
      %swap3A_688 = arith.index_cast %add3A_678 : i32 to index
      %swap3A_689 = arith.constant 0 : index
      %swap3A_690 = tpu.vector_load %arg11[%swap3A_688, %swap3A_689] {strides = array<i32>} : memref<832x16xf32, #tpu.memory_space<vmem>>, vector<1x16xf32>,
      %swap3A_691 = vector.shape_cast %swap3A_690 : vector<1x16xf32> to vector<16xf32>
      %swap3A_692 = vector.shape_cast %mul3A_687 : vector<16xf32> to vector<1x16xf32>
      tpu.vector_store %arg11[%swap3A_688, %swap3A_689], %swap3A_692 {strides = array<i32>} : memref<832x16xf32, #tpu.memory_space<vmem>>, vector<1x16xf32>,
      %mul3A_693 = arith.constant 16 : i32
      %mul3A_694 = arith.muli %scan3A_607, %mul3A_693 : i32
      %add3A_695 = arith.constant 640 : i32
      %add3A_696 = arith.addi %add3A_695, %mul3A_694 : i32
      %add3A_697 = arith.constant 4 : i32
      %add3A_698 = arith.addi %add3A_696, %add3A_697 : i32
      %get3A_699 = arith.index_cast %add3A_698 : i32 to index
      %get3A_700 = arith.constant 0 : index
      %get3A_701 = tpu.vector_load %arg11[%get3A_699, %get3A_700] {strides = array<i32>} : memref<832x16xf32, #tpu.memory_space<vmem>>, vector<1x16xf32>,
      %get3A_702 = vector.shape_cast %get3A_701 : vector<1x16xf32> to vector<16xf32>
      %broadcast_in_dim3A_703 = arith.constant 4 : i32
      %broadcast_in_dim3A_704 = vector.broadcast %broadcast_in_dim3A_703 : i32 to vector<16x1xi32>
      %gather3A_705 = vector.shape_cast %broadcast_in_dim3A_704 : vector<16x1xi32> to vector<16xi32>
      %gather3A_706 = tpu.dynamic_gather %get3A_614[%gather3A_705] in [0] : vector<16xf32>, vector<16xi32> -> vector<16xf32>
      %mul3A_707 = arith.mulf %get3A_702, %gather3A_706 : vector<16xf32>
      %swap3A_708 = arith.index_cast %add3A_698 : i32 to index
      %swap3A_709 = arith.constant 0 : index
      %swap3A_710 = tpu.vector_load %arg11[%swap3A_708, %swap3A_709] {strides = array<i32>} : memref<832x16xf32, #tpu.memory_space<vmem>>, vector<1x16xf32>,
      %swap3A_711 = vector.shape_cast %swap3A_710 : vector<1x16xf32> to vector<16xf32>
      %swap3A_712 = vector.shape_cast %mul3A_707 : vector<16xf32> to vector<1x16xf32>
      tpu.vector_store %arg11[%swap3A_708, %swap3A_709], %swap3A_712 {strides = array<i32>} : memref<832x16xf32, #tpu.memory_space<vmem>>, vector<1x16xf32>,
      %mul3A_713 = arith.constant 16 : i32
      %mul3A_714 = arith.muli %scan3A_607, %mul3A_713 : i32
      %add3A_715 = arith.constant 640 : i32
      %add3A_716 = arith.addi %add3A_715, %mul3A_714 : i32
      %add3A_717 = arith.constant 5 : i32
      %add3A_718 = arith.addi %add3A_716, %add3A_717 : i32
      %get3A_719 = arith.index_cast %add3A_718 : i32 to index
      %get3A_720 = arith.constant 0 : index
      %get3A_721 = tpu.vector_load %arg11[%get3A_719, %get3A_720] {strides = array<i32>} : memref<832x16xf32, #tpu.memory_space<vmem>>, vector<1x16xf32>,
      %get3A_722 = vector.shape_cast %get3A_721 : vector<1x16xf32> to vector<16xf32>
      %broadcast_in_dim3A_723 = arith.constant 5 : i32
      %broadcast_in_dim3A_724 = vector.broadcast %broadcast_in_dim3A_723 : i32 to vector<16x1xi32>
      %gather3A_725 = vector.shape_cast %broadcast_in_dim3A_724 : vector<16x1xi32> to vector<16xi32>
      %gather3A_726 = tpu.dynamic_gather %get3A_614[%gather3A_725] in [0] : vector<16xf32>, vector<16xi32> -> vector<16xf32>
      %mul3A_727 = arith.mulf %get3A_722, %gather3A_726 : vector<16xf32>
      %swap3A_728 = arith.index_cast %add3A_718 : i32 to index
      %swap3A_729 = arith.constant 0 : index
      %swap3A_730 = tpu.vector_load %arg11[%swap3A_728, %swap3A_729] {strides = array<i32>} : memref<832x16xf32, #tpu.memory_space<vmem>>, vector<1x16xf32>,
      %swap3A_731 = vector.shape_cast %swap3A_730 : vector<1x16xf32> to vector<16xf32>
      %swap3A_732 = vector.shape_cast %mul3A_727 : vector<16xf32> to vector<1x16xf32>
      tpu.vector_store %arg11[%swap3A_728, %swap3A_729], %swap3A_732 {strides = array<i32>} : memref<832x16xf32, #tpu.memory_space<vmem>>, vector<1x16xf32>,
      %mul3A_733 = arith.constant 16 : i32
      %mul3A_734 = arith.muli %scan3A_607, %mul3A_733 : i32
      %add3A_735 = arith.constant 640 : i32
      %add3A_736 = arith.addi %add3A_735, %mul3A_734 : i32
      %add3A_737 = arith.constant 6 : i32
      %add3A_738 = arith.addi %add3A_736, %add3A_737 : i32
      %get3A_739 = arith.index_cast %add3A_738 : i32 to index
      %get3A_740 = arith.constant 0 : index
      %get3A_741 = tpu.vector_load %arg11[%get3A_739, %get3A_740] {strides = array<i32>} : memref<832x16xf32, #tpu.memory_space<vmem>>, vector<1x16xf32>,
      %get3A_742 = vector.shape_cast %get3A_741 : vector<1x16xf32> to vector<16xf32>
      %broadcast_in_dim3A_743 = arith.constant 6 : i32
      %broadcast_in_dim3A_744 = vector.broadcast %broadcast_in_dim3A_743 : i32 to vector<16x1xi32>
      %gather3A_745 = vector.shape_cast %broadcast_in_dim3A_744 : vector<16x1xi32> to vector<16xi32>
      %gather3A_746 = tpu.dynamic_gather %get3A_614[%gather3A_745] in [0] : vector<16xf32>, vector<16xi32> -> vector<16xf32>
      %mul3A_747 = arith.mulf %get3A_742, %gather3A_746 : vector<16xf32>
      %swap3A_748 = arith.index_cast %add3A_738 : i32 to index
      %swap3A_749 = arith.constant 0 : index
      %swap3A_750 = tpu.vector_load %arg11[%swap3A_748, %swap3A_749] {strides = array<i32>} : memref<832x16xf32, #tpu.memory_space<vmem>>, vector<1x16xf32>,
      %swap3A_751 = vector.shape_cast %swap3A_750 : vector<1x16xf32> to vector<16xf32>
      %swap3A_752 = vector.shape_cast %mul3A_747 : vector<16xf32> to vector<1x16xf32>
      tpu.vector_store %arg11[%swap3A_748, %swap3A_749], %swap3A_752 {strides = array<i32>} : memref<832x16xf32, #tpu.memory_space<vmem>>, vector<1x16xf32>,
      %mul3A_753 = arith.constant 16 : i32
      %mul3A_754 = arith.muli %scan3A_607, %mul3A_753 : i32
      %add3A_755 = arith.constant 640 : i32
      %add3A_756 = arith.addi %add3A_755, %mul3A_754 : i32
      %add3A_757 = arith.constant 7 : i32
      %add3A_758 = arith.addi %add3A_756, %add3A_757 : i32
      %get3A_759 = arith.index_cast %add3A_758 : i32 to index
      %get3A_760 = arith.constant 0 : index
      %get3A_761 = tpu.vector_load %arg11[%get3A_759, %get3A_760] {strides = array<i32>} : memref<832x16xf32, #tpu.memory_space<vmem>>, vector<1x16xf32>,
      %get3A_762 = vector.shape_cast %get3A_761 : vector<1x16xf32> to vector<16xf32>
      %broadcast_in_dim3A_763 = arith.constant 7 : i32
      %broadcast_in_dim3A_764 = vector.broadcast %broadcast_in_dim3A_763 : i32 to vector<16x1xi32>
      %gather3A_765 = vector.shape_cast %broadcast_in_dim3A_764 : vector<16x1xi32> to vector<16xi32>
      %gather3A_766 = tpu.dynamic_gather %get3A_614[%gather3A_765] in [0] : vector<16xf32>, vector<16xi32> -> vector<16xf32>
      %mul3A_767 = arith.mulf %get3A_762, %gather3A_766 : vector<16xf32>
      %swap3A_768 = arith.index_cast %add3A_758 : i32 to index
      %swap3A_769 = arith.constant 0 : index
      %swap3A_770 = tpu.vector_load %arg11[%swap3A_768, %swap3A_769] {strides = array<i32>} : memref<832x16xf32, #tpu.memory_space<vmem>>, vector<1x16xf32>,
      %swap3A_771 = vector.shape_cast %swap3A_770 : vector<1x16xf32> to vector<16xf32>
      %swap3A_772 = vector.shape_cast %mul3A_767 : vector<16xf32> to vector<1x16xf32>
      tpu.vector_store %arg11[%swap3A_768, %swap3A_769], %swap3A_772 {strides = array<i32>} : memref<832x16xf32, #tpu.memory_space<vmem>>, vector<1x16xf32>,
      %mul3A_773 = arith.constant 16 : i32
      %mul3A_774 = arith.muli %scan3A_607, %mul3A_773 : i32
      %add3A_775 = arith.constant 640 : i32
      %add3A_776 = arith.addi %add3A_775, %mul3A_774 : i32
      %add3A_777 = arith.constant 8 : i32
      %add3A_778 = arith.addi %add3A_776, %add3A_777 : i32
      %get3A_779 = arith.index_cast %add3A_778 : i32 to index
      %get3A_780 = arith.constant 0 : index
      %get3A_781 = tpu.vector_load %arg11[%get3A_779, %get3A_780] {strides = array<i32>} : memref<832x16xf32, #tpu.memory_space<vmem>>, vector<1x16xf32>,
      %get3A_782 = vector.shape_cast %get3A_781 : vector<1x16xf32> to vector<16xf32>
      %broadcast_in_dim3A_783 = arith.constant 8 : i32
      %broadcast_in_dim3A_784 = vector.broadcast %broadcast_in_dim3A_783 : i32 to vector<16x1xi32>
      %gather3A_785 = vector.shape_cast %broadcast_in_dim3A_784 : vector<16x1xi32> to vector<16xi32>
      %gather3A_786 = tpu.dynamic_gather %get3A_614[%gather3A_785] in [0] : vector<16xf32>, vector<16xi32> -> vector<16xf32>
      %mul3A_787 = arith.mulf %get3A_782, %gather3A_786 : vector<16xf32>
      %swap3A_788 = arith.index_cast %add3A_778 : i32 to index
      %swap3A_789 = arith.constant 0 : index
      %swap3A_790 = tpu.vector_load %arg11[%swap3A_788, %swap3A_789] {strides = array<i32>} : memref<832x16xf32, #tpu.memory_space<vmem>>, vector<1x16xf32>,
      %swap3A_791 = vector.shape_cast %swap3A_790 : vector<1x16xf32> to vector<16xf32>
      %swap3A_792 = vector.shape_cast %mul3A_787 : vector<16xf32> to vector<1x16xf32>
      tpu.vector_store %arg11[%swap3A_788, %swap3A_789], %swap3A_792 {strides = array<i32>} : memref<832x16xf32, #tpu.memory_space<vmem>>, vector<1x16xf32>,
      %mul3A_793 = arith.constant 16 : i32
      %mul3A_794 = arith.muli %scan3A_607, %mul3A_793 : i32
      %add3A_795 = arith.constant 640 : i32
      %add3A_796 = arith.addi %add3A_795, %mul3A_794 : i32
      %add3A_797 = arith.constant 9 : i32
      %add3A_798 = arith.addi %add3A_796, %add3A_797 : i32
      %get3A_799 = arith.index_cast %add3A_798 : i32 to index
      %get3A_800 = arith.constant 0 : index
      %get3A_801 = tpu.vector_load %arg11[%get3A_799, %get3A_800] {strides = array<i32>} : memref<832x16xf32, #tpu.memory_space<vmem>>, vector<1x16xf32>,
      %get3A_802 = vector.shape_cast %get3A_801 : vector<1x16xf32> to vector<16xf32>
      %broadcast_in_dim3A_803 = arith.constant 9 : i32
      %broadcast_in_dim3A_804 = vector.broadcast %broadcast_in_dim3A_803 : i32 to vector<16x1xi32>
      %gather3A_805 = vector.shape_cast %broadcast_in_dim3A_804 : vector<16x1xi32> to vector<16xi32>
      %gather3A_806 = tpu.dynamic_gather %get3A_614[%gather3A_805] in [0] : vector<16xf32>, vector<16xi32> -> vector<16xf32>
      %mul3A_807 = arith.mulf %get3A_802, %gather3A_806 : vector<16xf32>
      %swap3A_808 = arith.index_cast %add3A_798 : i32 to index
      %swap3A_809 = arith.constant 0 : index
      %swap3A_810 = tpu.vector_load %arg11[%swap3A_808, %swap3A_809] {strides = array<i32>} : memref<832x16xf32, #tpu.memory_space<vmem>>, vector<1x16xf32>,
      %swap3A_811 = vector.shape_cast %swap3A_810 : vector<1x16xf32> to vector<16xf32>
      %swap3A_812 = vector.shape_cast %mul3A_807 : vector<16xf32> to vector<1x16xf32>
      tpu.vector_store %arg11[%swap3A_808, %swap3A_809], %swap3A_812 {strides = array<i32>} : memref<832x16xf32, #tpu.memory_space<vmem>>, vector<1x16xf32>,
      %mul3A_813 = arith.constant 16 : i32
      %mul3A_814 = arith.muli %scan3A_607, %mul3A_813 : i32
      %add3A_815 = arith.constant 640 : i32
      %add3A_816 = arith.addi %add3A_815, %mul3A_814 : i32
      %add3A_817 = arith.constant 10 : i32
      %add3A_818 = arith.addi %add3A_816, %add3A_817 : i32
      %get3A_819 = arith.index_cast %add3A_818 : i32 to index
      %get3A_820 = arith.constant 0 : index
      %get3A_821 = tpu.vector_load %arg11[%get3A_819, %get3A_820] {strides = array<i32>} : memref<832x16xf32, #tpu.memory_space<vmem>>, vector<1x16xf32>,
      %get3A_822 = vector.shape_cast %get3A_821 : vector<1x16xf32> to vector<16xf32>
      %broadcast_in_dim3A_823 = arith.constant 10 : i32
      %broadcast_in_dim3A_824 = vector.broadcast %broadcast_in_dim3A_823 : i32 to vector<16x1xi32>
      %gather3A_825 = vector.shape_cast %broadcast_in_dim3A_824 : vector<16x1xi32> to vector<16xi32>
      %gather3A_826 = tpu.dynamic_gather %get3A_614[%gather3A_825] in [0] : vector<16xf32>, vector<16xi32> -> vector<16xf32>
      %mul3A_827 = arith.mulf %get3A_822, %gather3A_826 : vector<16xf32>
      %swap3A_828 = arith.index_cast %add3A_818 : i32 to index
      %swap3A_829 = arith.constant 0 : index
      %swap3A_830 = tpu.vector_load %arg11[%swap3A_828, %swap3A_829] {strides = array<i32>} : memref<832x16xf32, #tpu.memory_space<vmem>>, vector<1x16xf32>,
      %swap3A_831 = vector.shape_cast %swap3A_830 : vector<1x16xf32> to vector<16xf32>
      %swap3A_832 = vector.shape_cast %mul3A_827 : vector<16xf32> to vector<1x16xf32>
      tpu.vector_store %arg11[%swap3A_828, %swap3A_829], %swap3A_832 {strides = array<i32>} : memref<832x16xf32, #tpu.memory_space<vmem>>, vector<1x16xf32>,
      %mul3A_833 = arith.constant 16 : i32
      %mul3A_834 = arith.muli %scan3A_607, %mul3A_833 : i32
      %add3A_835 = arith.constant 640 : i32
      %add3A_836 = arith.addi %add3A_835, %mul3A_834 : i32
      %add3A_837 = arith.constant 11 : i32
      %add3A_838 = arith.addi %add3A_836, %add3A_837 : i32
      %get3A_839 = arith.index_cast %add3A_838 : i32 to index
      %get3A_840 = arith.constant 0 : index
      %get3A_841 = tpu.vector_load %arg11[%get3A_839, %get3A_840] {strides = array<i32>} : memref<832x16xf32, #tpu.memory_space<vmem>>, vector<1x16xf32>,
      %get3A_842 = vector.shape_cast %get3A_841 : vector<1x16xf32> to vector<16xf32>
      %broadcast_in_dim3A_843 = arith.constant 11 : i32
      %broadcast_in_dim3A_844 = vector.broadcast %broadcast_in_dim3A_843 : i32 to vector<16x1xi32>
      %gather3A_845 = vector.shape_cast %broadcast_in_dim3A_844 : vector<16x1xi32> to vector<16xi32>
      %gather3A_846 = tpu.dynamic_gather %get3A_614[%gather3A_845] in [0] : vector<16xf32>, vector<16xi32> -> vector<16xf32>
      %mul3A_847 = arith.mulf %get3A_842, %gather3A_846 : vector<16xf32>
      %swap3A_848 = arith.index_cast %add3A_838 : i32 to index
      %swap3A_849 = arith.constant 0 : index
      %swap3A_850 = tpu.vector_load %arg11[%swap3A_848, %swap3A_849] {strides = array<i32>} : memref<832x16xf32, #tpu.memory_space<vmem>>, vector<1x16xf32>,
      %swap3A_851 = vector.shape_cast %swap3A_850 : vector<1x16xf32> to vector<16xf32>
      %swap3A_852 = vector.shape_cast %mul3A_847 : vector<16xf32> to vector<1x16xf32>
      tpu.vector_store %arg11[%swap3A_848, %swap3A_849], %swap3A_852 {strides = array<i32>} : memref<832x16xf32, #tpu.memory_space<vmem>>, vector<1x16xf32>,
      %mul3A_853 = arith.constant 16 : i32
      %mul3A_854 = arith.muli %scan3A_607, %mul3A_853 : i32
      %add3A_855 = arith.constant 640 : i32
      %add3A_856 = arith.addi %add3A_855, %mul3A_854 : i32
      %add3A_857 = arith.constant 12 : i32
      %add3A_858 = arith.addi %add3A_856, %add3A_857 : i32
      %get3A_859 = arith.index_cast %add3A_858 : i32 to index
      %get3A_860 = arith.constant 0 : index
      %get3A_861 = tpu.vector_load %arg11[%get3A_859, %get3A_860] {strides = array<i32>} : memref<832x16xf32, #tpu.memory_space<vmem>>, vector<1x16xf32>,
      %get3A_862 = vector.shape_cast %get3A_861 : vector<1x16xf32> to vector<16xf32>
      %broadcast_in_dim3A_863 = arith.constant 12 : i32
      %broadcast_in_dim3A_864 = vector.broadcast %broadcast_in_dim3A_863 : i32 to vector<16x1xi32>
      %gather3A_865 = vector.shape_cast %broadcast_in_dim3A_864 : vector<16x1xi32> to vector<16xi32>
      %gather3A_866 = tpu.dynamic_gather %get3A_614[%gather3A_865] in [0] : vector<16xf32>, vector<16xi32> -> vector<16xf32>
      %mul3A_867 = arith.mulf %get3A_862, %gather3A_866 : vector<16xf32>
      %swap3A_868 = arith.index_cast %add3A_858 : i32 to index
      %swap3A_869 = arith.constant 0 : index
      %swap3A_870 = tpu.vector_load %arg11[%swap3A_868, %swap3A_869] {strides = array<i32>} : memref<832x16xf32, #tpu.memory_space<vmem>>, vector<1x16xf32>,
      %swap3A_871 = vector.shape_cast %swap3A_870 : vector<1x16xf32> to vector<16xf32>
      %swap3A_872 = vector.shape_cast %mul3A_867 : vector<16xf32> to vector<1x16xf32>
      tpu.vector_store %arg11[%swap3A_868, %swap3A_869], %swap3A_872 {strides = array<i32>} : memref<832x16xf32, #tpu.memory_space<vmem>>, vector<1x16xf32>,
      %mul3A_873 = arith.constant 16 : i32
      %mul3A_874 = arith.muli %scan3A_607, %mul3A_873 : i32
      %add3A_875 = arith.constant 640 : i32
      %add3A_876 = arith.addi %add3A_875, %mul3A_874 : i32
      %add3A_877 = arith.constant 13 : i32
      %add3A_878 = arith.addi %add3A_876, %add3A_877 : i32
      %get3A_879 = arith.index_cast %add3A_878 : i32 to index
      %get3A_880 = arith.constant 0 : index
      %get3A_881 = tpu.vector_load %arg11[%get3A_879, %get3A_880] {strides = array<i32>} : memref<832x16xf32, #tpu.memory_space<vmem>>, vector<1x16xf32>,
      %get3A_882 = vector.shape_cast %get3A_881 : vector<1x16xf32> to vector<16xf32>
      %broadcast_in_dim3A_883 = arith.constant 13 : i32
      %broadcast_in_dim3A_884 = vector.broadcast %broadcast_in_dim3A_883 : i32 to vector<16x1xi32>
      %gather3A_885 = vector.shape_cast %broadcast_in_dim3A_884 : vector<16x1xi32> to vector<16xi32>
      %gather3A_886 = tpu.dynamic_gather %get3A_614[%gather3A_885] in [0] : vector<16xf32>, vector<16xi32> -> vector<16xf32>
      %mul3A_887 = arith.mulf %get3A_882, %gather3A_886 : vector<16xf32>
      %swap3A_888 = arith.index_cast %add3A_878 : i32 to index
      %swap3A_889 = arith.constant 0 : index
      %swap3A_890 = tpu.vector_load %arg11[%swap3A_888, %swap3A_889] {strides = array<i32>} : memref<832x16xf32, #tpu.memory_space<vmem>>, vector<1x16xf32>,
      %swap3A_891 = vector.shape_cast %swap3A_890 : vector<1x16xf32> to vector<16xf32>
      %swap3A_892 = vector.shape_cast %mul3A_887 : vector<16xf32> to vector<1x16xf32>
      tpu.vector_store %arg11[%swap3A_888, %swap3A_889], %swap3A_892 {strides = array<i32>} : memref<832x16xf32, #tpu.memory_space<vmem>>, vector<1x16xf32>,
      %mul3A_893 = arith.constant 16 : i32
      %mul3A_894 = arith.muli %scan3A_607, %mul3A_893 : i32
      %add3A_895 = arith.constant 640 : i32
      %add3A_896 = arith.addi %add3A_895, %mul3A_894 : i32
      %add3A_897 = arith.constant 14 : i32
      %add3A_898 = arith.addi %add3A_896, %add3A_897 : i32
      %get3A_899 = arith.index_cast %add3A_898 : i32 to index
      %get3A_900 = arith.constant 0 : index
      %get3A_901 = tpu.vector_load %arg11[%get3A_899, %get3A_900] {strides = array<i32>} : memref<832x16xf32, #tpu.memory_space<vmem>>, vector<1x16xf32>,
      %get3A_902 = vector.shape_cast %get3A_901 : vector<1x16xf32> to vector<16xf32>
      %broadcast_in_dim3A_903 = arith.constant 14 : i32
      %broadcast_in_dim3A_904 = vector.broadcast %broadcast_in_dim3A_903 : i32 to vector<16x1xi32>
      %gather3A_905 = vector.shape_cast %broadcast_in_dim3A_904 : vector<16x1xi32> to vector<16xi32>
      %gather3A_906 = tpu.dynamic_gather %get3A_614[%gather3A_905] in [0] : vector<16xf32>, vector<16xi32> -> vector<16xf32>
      %mul3A_907 = arith.mulf %get3A_902, %gather3A_906 : vector<16xf32>
      %swap3A_908 = arith.index_cast %add3A_898 : i32 to index
      %swap3A_909 = arith.constant 0 : index
      %swap3A_910 = tpu.vector_load %arg11[%swap3A_908, %swap3A_909] {strides = array<i32>} : memref<832x16xf32, #tpu.memory_space<vmem>>, vector<1x16xf32>,
      %swap3A_911 = vector.shape_cast %swap3A_910 : vector<1x16xf32> to vector<16xf32>
      %swap3A_912 = vector.shape_cast %mul3A_907 : vector<16xf32> to vector<1x16xf32>
      tpu.vector_store %arg11[%swap3A_908, %swap3A_909], %swap3A_912 {strides = array<i32>} : memref<832x16xf32, #tpu.memory_space<vmem>>, vector<1x16xf32>,
      %mul3A_913 = arith.constant 16 : i32
      %mul3A_914 = arith.muli %scan3A_607, %mul3A_913 : i32
      %add3A_915 = arith.constant 640 : i32
      %add3A_916 = arith.addi %add3A_915, %mul3A_914 : i32
      %add3A_917 = arith.constant 15 : i32
      %add3A_918 = arith.addi %add3A_916, %add3A_917 : i32
      %get3A_919 = arith.index_cast %add3A_918 : i32 to index
      %get3A_920 = arith.constant 0 : index
      %get3A_921 = tpu.vector_load %arg11[%get3A_919, %get3A_920] {strides = array<i32>} : memref<832x16xf32, #tpu.memory_space<vmem>>, vector<1x16xf32>,
      %get3A_922 = vector.shape_cast %get3A_921 : vector<1x16xf32> to vector<16xf32>
      %broadcast_in_dim3A_923 = arith.constant 15 : i32
      %broadcast_in_dim3A_924 = vector.broadcast %broadcast_in_dim3A_923 : i32 to vector<16x1xi32>
      %gather3A_925 = vector.shape_cast %broadcast_in_dim3A_924 : vector<16x1xi32> to vector<16xi32>
      %gather3A_926 = tpu.dynamic_gather %get3A_614[%gather3A_925] in [0] : vector<16xf32>, vector<16xi32> -> vector<16xf32>
      %mul3A_927 = arith.mulf %get3A_922, %gather3A_926 : vector<16xf32>
      %swap3A_928 = arith.index_cast %add3A_918 : i32 to index
      %swap3A_929 = arith.constant 0 : index
      %swap3A_930 = tpu.vector_load %arg11[%swap3A_928, %swap3A_929] {strides = array<i32>} : memref<832x16xf32, #tpu.memory_space<vmem>>, vector<1x16xf32>,
      %swap3A_931 = vector.shape_cast %swap3A_930 : vector<1x16xf32> to vector<16xf32>
      %swap3A_932 = vector.shape_cast %mul3A_927 : vector<16xf32> to vector<1x16xf32>
      tpu.vector_store %arg11[%swap3A_928, %swap3A_929], %swap3A_932 {strides = array<i32>} : memref<832x16xf32, #tpu.memory_space<vmem>>, vector<1x16xf32>,
    }
    %scan3A_413 = arith.constant 4 : i32
    %dma_start3A_414 = arith.constant 10 : i32
    %dma_start3A_415 = arith.constant 640 : i32
    %dma_start3A_416 = arith.constant 0 : i32
    %dma_start3A_417 = tpu.memref_slice %arg11[%dma_start3A_415, %dma_start3A_416] : memref<832x16xf32, #tpu.memory_space<vmem>> -> memref<64x16xf32, #tpu.memory_space<vmem>>
    %dma_start3A_418 = arith.constant 0 : i32
    %dma_start3A_419 = tpu.memref_slice %arg10[%dma_start3A_414, %dma_start3A_418] : memref<13x64xi32, #tpu.memory_space<vmem>> -> memref<1x64xi32, #tpu.memory_space<vmem>>
    %dma_start3A_420 = tpu.memref_squeeze %dma_start3A_419 : memref<1x64xi32, #tpu.memory_space<vmem>> -> memref<64xi32, #tpu.memory_space<vmem>>
    %dma_start3A_421 = arith.constant 0 : i32
    %dma_start3A_422 = arith.constant 0 : i32
    %dma_start3A_423 = tpu.memref_slice %arg14[%dma_start3A_421, %dma_start3A_422] : memref<2816x16xf32, #tpu.memory_space<vmem_shared>> -> memref<2816x16xf32, #tpu.memory_space<vmem_shared>>
    tpu.enqueue_indirect_dma source(%dma_start3A_417 : memref<64x16xf32, #tpu.memory_space<vmem>>) target(%dma_start3A_423 : memref<2816x16xf32, #tpu.memory_space<vmem_shared>>) offsets(%dma_start3A_420 : memref<64xi32, #tpu.memory_space<vmem>>) semaphore(%arg18 : memref<!tpu.dma_semaphore, #tpu.memory_space<semaphore_mem>>) {add = true}
    %dma_wait3A_424 = arith.constant 704 : i32
    %dma_wait3A_425 = arith.constant 0 : i32
    %dma_wait3A_426 = tpu.memref_slice %arg11[%dma_wait3A_424, %dma_wait3A_425] : memref<832x16xf32, #tpu.memory_space<vmem>> -> memref<64x16xf32, #tpu.memory_space<vmem>>
    %dma_wait3A_427 = arith.constant 704 : i32
    %dma_wait3A_428 = tpu.memref_slice %arg7[%dma_wait3A_427] : memref<832xi32, #tpu.memory_space<vmem>> -> memref<64xi32, #tpu.memory_space<vmem>>
    %dma_wait3A_429 = arith.constant 0 : i32
    %dma_wait3A_430 = arith.constant 0 : i32
    %dma_wait3A_431 = tpu.memref_slice %arg15[%dma_wait3A_429, %dma_wait3A_430] : memref<2816x16xf32, #tpu.memory_space<vmem_shared>> -> memref<2816x16xf32, #tpu.memory_space<vmem_shared>>
    tpu.wait_indirect_dma semaphore(%arg17 : memref<!tpu.dma_semaphore, #tpu.memory_space<semaphore_mem>>) src(%dma_wait3A_431 : memref<2816x16xf32, #tpu.memory_space<vmem_shared>>) dst(%dma_wait3A_426 : memref<64x16xf32, #tpu.memory_space<vmem>>)
    %scan3A_432 = arith.constant 0 : i32
    %scan3A_433 = arith.constant 0 : i32
    %scan3A_434 = arith.constant 4 : i32
    %scan3A_435 = arith.addi %scan3A_433, %scan3A_434 : i32
    %scan3A_436 = arith.constant 1 : i32
    scf.for %scan3A_607 = %scan3A_433 to %scan3A_435 step %scan3A_436  : i32 {
      %mul3A_608 = arith.constant 16 : i32
      %mul3A_609 = arith.muli %scan3A_607, %mul3A_608 : i32
      %add3A_610 = arith.constant 704 : i32
      %add3A_611 = arith.addi %add3A_610, %mul3A_609 : i32
      %get3A_612 = arith.index_cast %add3A_611 : i32 to index
      %get3A_613 = tpu.vector_load %arg9[%get3A_612] {strides = array<i32>} : memref<832xf32, #tpu.memory_space<vmem>>, vector<16xf32>,
      %get3A_614 = vector.shape_cast %get3A_613 : vector<16xf32> to vector<16xf32>
      %mul3A_615 = arith.constant 16 : i32
      %mul3A_616 = arith.muli %scan3A_607, %mul3A_615 : i32
      %add3A_617 = arith.constant 704 : i32
      %add3A_618 = arith.addi %add3A_617, %mul3A_616 : i32
      %add3A_619 = arith.constant 0 : i32
      %add3A_620 = arith.addi %add3A_618, %add3A_619 : i32
      %get3A_621 = arith.index_cast %add3A_620 : i32 to index
      %get3A_622 = arith.constant 0 : index
      %get3A_623 = tpu.vector_load %arg11[%get3A_621, %get3A_622] {strides = array<i32>} : memref<832x16xf32, #tpu.memory_space<vmem>>, vector<1x16xf32>,
      %get3A_624 = vector.shape_cast %get3A_623 : vector<1x16xf32> to vector<16xf32>
      %broadcast_in_dim3A_625 = arith.constant 0 : i32
      %broadcast_in_dim3A_626 = vector.broadcast %broadcast_in_dim3A_625 : i32 to vector<16x1xi32>
      %gather3A = vector.shape_cast %broadcast_in_dim3A_626 : vector<16x1xi32> to vector<16xi32>
      %gather3A_627 = tpu.dynamic_gather %get3A_614[%gather3A] in [0] : vector<16xf32>, vector<16xi32> -> vector<16xf32>
      %mul3A_628 = arith.mulf %get3A_624, %gather3A_627 : vector<16xf32>
      %swap3A = arith.index_cast %add3A_620 : i32 to index
      %swap3A_629 = arith.constant 0 : index
      %swap3A_630 = tpu.vector_load %arg11[%swap3A, %swap3A_629] {strides = array<i32>} : memref<832x16xf32, #tpu.memory_space<vmem>>, vector<1x16xf32>,
      %swap3A_631 = vector.shape_cast %swap3A_630 : vector<1x16xf32> to vector<16xf32>
      %swap3A_632 = vector.shape_cast %mul3A_628 : vector<16xf32> to vector<1x16xf32>
      tpu.vector_store %arg11[%swap3A, %swap3A_629], %swap3A_632 {strides = array<i32>} : memref<832x16xf32, #tpu.memory_space<vmem>>, vector<1x16xf32>,
      %mul3A_633 = arith.constant 16 : i32
      %mul3A_634 = arith.muli %scan3A_607, %mul3A_633 : i32
      %add3A_635 = arith.constant 704 : i32
      %add3A_636 = arith.addi %add3A_635, %mul3A_634 : i32
      %add3A_637 = arith.constant 1 : i32
      %add3A_638 = arith.addi %add3A_636, %add3A_637 : i32
      %get3A_639 = arith.index_cast %add3A_638 : i32 to index
      %get3A_640 = arith.constant 0 : index
      %get3A_641 = tpu.vector_load %arg11[%get3A_639, %get3A_640] {strides = array<i32>} : memref<832x16xf32, #tpu.memory_space<vmem>>, vector<1x16xf32>,
      %get3A_642 = vector.shape_cast %get3A_641 : vector<1x16xf32> to vector<16xf32>
      %broadcast_in_dim3A_643 = arith.constant 1 : i32
      %broadcast_in_dim3A_644 = vector.broadcast %broadcast_in_dim3A_643 : i32 to vector<16x1xi32>
      %gather3A_645 = vector.shape_cast %broadcast_in_dim3A_644 : vector<16x1xi32> to vector<16xi32>
      %gather3A_646 = tpu.dynamic_gather %get3A_614[%gather3A_645] in [0] : vector<16xf32>, vector<16xi32> -> vector<16xf32>
      %mul3A_647 = arith.mulf %get3A_642, %gather3A_646 : vector<16xf32>
      %swap3A_648 = arith.index_cast %add3A_638 : i32 to index
      %swap3A_649 = arith.constant 0 : index
      %swap3A_650 = tpu.vector_load %arg11[%swap3A_648, %swap3A_649] {strides = array<i32>} : memref<832x16xf32, #tpu.memory_space<vmem>>, vector<1x16xf32>,
      %swap3A_651 = vector.shape_cast %swap3A_650 : vector<1x16xf32> to vector<16xf32>
      %swap3A_652 = vector.shape_cast %mul3A_647 : vector<16xf32> to vector<1x16xf32>
      tpu.vector_store %arg11[%swap3A_648, %swap3A_649], %swap3A_652 {strides = array<i32>} : memref<832x16xf32, #tpu.memory_space<vmem>>, vector<1x16xf32>,
      %mul3A_653 = arith.constant 16 : i32
      %mul3A_654 = arith.muli %scan3A_607, %mul3A_653 : i32
      %add3A_655 = arith.constant 704 : i32
      %add3A_656 = arith.addi %add3A_655, %mul3A_654 : i32
      %add3A_657 = arith.constant 2 : i32
      %add3A_658 = arith.addi %add3A_656, %add3A_657 : i32
      %get3A_659 = arith.index_cast %add3A_658 : i32 to index
      %get3A_660 = arith.constant 0 : index
      %get3A_661 = tpu.vector_load %arg11[%get3A_659, %get3A_660] {strides = array<i32>} : memref<832x16xf32, #tpu.memory_space<vmem>>, vector<1x16xf32>,
      %get3A_662 = vector.shape_cast %get3A_661 : vector<1x16xf32> to vector<16xf32>
      %broadcast_in_dim3A_663 = arith.constant 2 : i32
      %broadcast_in_dim3A_664 = vector.broadcast %broadcast_in_dim3A_663 : i32 to vector<16x1xi32>
      %gather3A_665 = vector.shape_cast %broadcast_in_dim3A_664 : vector<16x1xi32> to vector<16xi32>
      %gather3A_666 = tpu.dynamic_gather %get3A_614[%gather3A_665] in [0] : vector<16xf32>, vector<16xi32> -> vector<16xf32>
      %mul3A_667 = arith.mulf %get3A_662, %gather3A_666 : vector<16xf32>
      %swap3A_668 = arith.index_cast %add3A_658 : i32 to index
      %swap3A_669 = arith.constant 0 : index
      %swap3A_670 = tpu.vector_load %arg11[%swap3A_668, %swap3A_669] {strides = array<i32>} : memref<832x16xf32, #tpu.memory_space<vmem>>, vector<1x16xf32>,
      %swap3A_671 = vector.shape_cast %swap3A_670 : vector<1x16xf32> to vector<16xf32>
      %swap3A_672 = vector.shape_cast %mul3A_667 : vector<16xf32> to vector<1x16xf32>
      tpu.vector_store %arg11[%swap3A_668, %swap3A_669], %swap3A_672 {strides = array<i32>} : memref<832x16xf32, #tpu.memory_space<vmem>>, vector<1x16xf32>,
      %mul3A_673 = arith.constant 16 : i32
      %mul3A_674 = arith.muli %scan3A_607, %mul3A_673 : i32
      %add3A_675 = arith.constant 704 : i32
      %add3A_676 = arith.addi %add3A_675, %mul3A_674 : i32
      %add3A_677 = arith.constant 3 : i32
      %add3A_678 = arith.addi %add3A_676, %add3A_677 : i32
      %get3A_679 = arith.index_cast %add3A_678 : i32 to index
      %get3A_680 = arith.constant 0 : index
      %get3A_681 = tpu.vector_load %arg11[%get3A_679, %get3A_680] {strides = array<i32>} : memref<832x16xf32, #tpu.memory_space<vmem>>, vector<1x16xf32>,
      %get3A_682 = vector.shape_cast %get3A_681 : vector<1x16xf32> to vector<16xf32>
      %broadcast_in_dim3A_683 = arith.constant 3 : i32
      %broadcast_in_dim3A_684 = vector.broadcast %broadcast_in_dim3A_683 : i32 to vector<16x1xi32>
      %gather3A_685 = vector.shape_cast %broadcast_in_dim3A_684 : vector<16x1xi32> to vector<16xi32>
      %gather3A_686 = tpu.dynamic_gather %get3A_614[%gather3A_685] in [0] : vector<16xf32>, vector<16xi32> -> vector<16xf32>
      %mul3A_687 = arith.mulf %get3A_682, %gather3A_686 : vector<16xf32>
      %swap3A_688 = arith.index_cast %add3A_678 : i32 to index
      %swap3A_689 = arith.constant 0 : index
      %swap3A_690 = tpu.vector_load %arg11[%swap3A_688, %swap3A_689] {strides = array<i32>} : memref<832x16xf32, #tpu.memory_space<vmem>>, vector<1x16xf32>,
      %swap3A_691 = vector.shape_cast %swap3A_690 : vector<1x16xf32> to vector<16xf32>
      %swap3A_692 = vector.shape_cast %mul3A_687 : vector<16xf32> to vector<1x16xf32>
      tpu.vector_store %arg11[%swap3A_688, %swap3A_689], %swap3A_692 {strides = array<i32>} : memref<832x16xf32, #tpu.memory_space<vmem>>, vector<1x16xf32>,
      %mul3A_693 = arith.constant 16 : i32
      %mul3A_694 = arith.muli %scan3A_607, %mul3A_693 : i32
      %add3A_695 = arith.constant 704 : i32
      %add3A_696 = arith.addi %add3A_695, %mul3A_694 : i32
      %add3A_697 = arith.constant 4 : i32
      %add3A_698 = arith.addi %add3A_696, %add3A_697 : i32
      %get3A_699 = arith.index_cast %add3A_698 : i32 to index
      %get3A_700 = arith.constant 0 : index
      %get3A_701 = tpu.vector_load %arg11[%get3A_699, %get3A_700] {strides = array<i32>} : memref<832x16xf32, #tpu.memory_space<vmem>>, vector<1x16xf32>,
      %get3A_702 = vector.shape_cast %get3A_701 : vector<1x16xf32> to vector<16xf32>
      %broadcast_in_dim3A_703 = arith.constant 4 : i32
      %broadcast_in_dim3A_704 = vector.broadcast %broadcast_in_dim3A_703 : i32 to vector<16x1xi32>
      %gather3A_705 = vector.shape_cast %broadcast_in_dim3A_704 : vector<16x1xi32> to vector<16xi32>
      %gather3A_706 = tpu.dynamic_gather %get3A_614[%gather3A_705] in [0] : vector<16xf32>, vector<16xi32> -> vector<16xf32>
      %mul3A_707 = arith.mulf %get3A_702, %gather3A_706 : vector<16xf32>
      %swap3A_708 = arith.index_cast %add3A_698 : i32 to index
      %swap3A_709 = arith.constant 0 : index
      %swap3A_710 = tpu.vector_load %arg11[%swap3A_708, %swap3A_709] {strides = array<i32>} : memref<832x16xf32, #tpu.memory_space<vmem>>, vector<1x16xf32>,
      %swap3A_711 = vector.shape_cast %swap3A_710 : vector<1x16xf32> to vector<16xf32>
      %swap3A_712 = vector.shape_cast %mul3A_707 : vector<16xf32> to vector<1x16xf32>
      tpu.vector_store %arg11[%swap3A_708, %swap3A_709], %swap3A_712 {strides = array<i32>} : memref<832x16xf32, #tpu.memory_space<vmem>>, vector<1x16xf32>,
      %mul3A_713 = arith.constant 16 : i32
      %mul3A_714 = arith.muli %scan3A_607, %mul3A_713 : i32
      %add3A_715 = arith.constant 704 : i32
      %add3A_716 = arith.addi %add3A_715, %mul3A_714 : i32
      %add3A_717 = arith.constant 5 : i32
      %add3A_718 = arith.addi %add3A_716, %add3A_717 : i32
      %get3A_719 = arith.index_cast %add3A_718 : i32 to index
      %get3A_720 = arith.constant 0 : index
      %get3A_721 = tpu.vector_load %arg11[%get3A_719, %get3A_720] {strides = array<i32>} : memref<832x16xf32, #tpu.memory_space<vmem>>, vector<1x16xf32>,
      %get3A_722 = vector.shape_cast %get3A_721 : vector<1x16xf32> to vector<16xf32>
      %broadcast_in_dim3A_723 = arith.constant 5 : i32
      %broadcast_in_dim3A_724 = vector.broadcast %broadcast_in_dim3A_723 : i32 to vector<16x1xi32>
      %gather3A_725 = vector.shape_cast %broadcast_in_dim3A_724 : vector<16x1xi32> to vector<16xi32>
      %gather3A_726 = tpu.dynamic_gather %get3A_614[%gather3A_725] in [0] : vector<16xf32>, vector<16xi32> -> vector<16xf32>
      %mul3A_727 = arith.mulf %get3A_722, %gather3A_726 : vector<16xf32>
      %swap3A_728 = arith.index_cast %add3A_718 : i32 to index
      %swap3A_729 = arith.constant 0 : index
      %swap3A_730 = tpu.vector_load %arg11[%swap3A_728, %swap3A_729] {strides = array<i32>} : memref<832x16xf32, #tpu.memory_space<vmem>>, vector<1x16xf32>,
      %swap3A_731 = vector.shape_cast %swap3A_730 : vector<1x16xf32> to vector<16xf32>
      %swap3A_732 = vector.shape_cast %mul3A_727 : vector<16xf32> to vector<1x16xf32>
      tpu.vector_store %arg11[%swap3A_728, %swap3A_729], %swap3A_732 {strides = array<i32>} : memref<832x16xf32, #tpu.memory_space<vmem>>, vector<1x16xf32>,
      %mul3A_733 = arith.constant 16 : i32
      %mul3A_734 = arith.muli %scan3A_607, %mul3A_733 : i32
      %add3A_735 = arith.constant 704 : i32
      %add3A_736 = arith.addi %add3A_735, %mul3A_734 : i32
      %add3A_737 = arith.constant 6 : i32
      %add3A_738 = arith.addi %add3A_736, %add3A_737 : i32
      %get3A_739 = arith.index_cast %add3A_738 : i32 to index
      %get3A_740 = arith.constant 0 : index
      %get3A_741 = tpu.vector_load %arg11[%get3A_739, %get3A_740] {strides = array<i32>} : memref<832x16xf32, #tpu.memory_space<vmem>>, vector<1x16xf32>,
      %get3A_742 = vector.shape_cast %get3A_741 : vector<1x16xf32> to vector<16xf32>
      %broadcast_in_dim3A_743 = arith.constant 6 : i32
      %broadcast_in_dim3A_744 = vector.broadcast %broadcast_in_dim3A_743 : i32 to vector<16x1xi32>
      %gather3A_745 = vector.shape_cast %broadcast_in_dim3A_744 : vector<16x1xi32> to vector<16xi32>
      %gather3A_746 = tpu.dynamic_gather %get3A_614[%gather3A_745] in [0] : vector<16xf32>, vector<16xi32> -> vector<16xf32>
      %mul3A_747 = arith.mulf %get3A_742, %gather3A_746 : vector<16xf32>
      %swap3A_748 = arith.index_cast %add3A_738 : i32 to index
      %swap3A_749 = arith.constant 0 : index
      %swap3A_750 = tpu.vector_load %arg11[%swap3A_748, %swap3A_749] {strides = array<i32>} : memref<832x16xf32, #tpu.memory_space<vmem>>, vector<1x16xf32>,
      %swap3A_751 = vector.shape_cast %swap3A_750 : vector<1x16xf32> to vector<16xf32>
      %swap3A_752 = vector.shape_cast %mul3A_747 : vector<16xf32> to vector<1x16xf32>
      tpu.vector_store %arg11[%swap3A_748, %swap3A_749], %swap3A_752 {strides = array<i32>} : memref<832x16xf32, #tpu.memory_space<vmem>>, vector<1x16xf32>,
      %mul3A_753 = arith.constant 16 : i32
      %mul3A_754 = arith.muli %scan3A_607, %mul3A_753 : i32
      %add3A_755 = arith.constant 704 : i32
      %add3A_756 = arith.addi %add3A_755, %mul3A_754 : i32
      %add3A_757 = arith.constant 7 : i32
      %add3A_758 = arith.addi %add3A_756, %add3A_757 : i32
      %get3A_759 = arith.index_cast %add3A_758 : i32 to index
      %get3A_760 = arith.constant 0 : index
      %get3A_761 = tpu.vector_load %arg11[%get3A_759, %get3A_760] {strides = array<i32>} : memref<832x16xf32, #tpu.memory_space<vmem>>, vector<1x16xf32>,
      %get3A_762 = vector.shape_cast %get3A_761 : vector<1x16xf32> to vector<16xf32>
      %broadcast_in_dim3A_763 = arith.constant 7 : i32
      %broadcast_in_dim3A_764 = vector.broadcast %broadcast_in_dim3A_763 : i32 to vector<16x1xi32>
      %gather3A_765 = vector.shape_cast %broadcast_in_dim3A_764 : vector<16x1xi32> to vector<16xi32>
      %gather3A_766 = tpu.dynamic_gather %get3A_614[%gather3A_765] in [0] : vector<16xf32>, vector<16xi32> -> vector<16xf32>
      %mul3A_767 = arith.mulf %get3A_762, %gather3A_766 : vector<16xf32>
      %swap3A_768 = arith.index_cast %add3A_758 : i32 to index
      %swap3A_769 = arith.constant 0 : index
      %swap3A_770 = tpu.vector_load %arg11[%swap3A_768, %swap3A_769] {strides = array<i32>} : memref<832x16xf32, #tpu.memory_space<vmem>>, vector<1x16xf32>,
      %swap3A_771 = vector.shape_cast %swap3A_770 : vector<1x16xf32> to vector<16xf32>
      %swap3A_772 = vector.shape_cast %mul3A_767 : vector<16xf32> to vector<1x16xf32>
      tpu.vector_store %arg11[%swap3A_768, %swap3A_769], %swap3A_772 {strides = array<i32>} : memref<832x16xf32, #tpu.memory_space<vmem>>, vector<1x16xf32>,
      %mul3A_773 = arith.constant 16 : i32
      %mul3A_774 = arith.muli %scan3A_607, %mul3A_773 : i32
      %add3A_775 = arith.constant 704 : i32
      %add3A_776 = arith.addi %add3A_775, %mul3A_774 : i32
      %add3A_777 = arith.constant 8 : i32
      %add3A_778 = arith.addi %add3A_776, %add3A_777 : i32
      %get3A_779 = arith.index_cast %add3A_778 : i32 to index
      %get3A_780 = arith.constant 0 : index
      %get3A_781 = tpu.vector_load %arg11[%get3A_779, %get3A_780] {strides = array<i32>} : memref<832x16xf32, #tpu.memory_space<vmem>>, vector<1x16xf32>,
      %get3A_782 = vector.shape_cast %get3A_781 : vector<1x16xf32> to vector<16xf32>
      %broadcast_in_dim3A_783 = arith.constant 8 : i32
      %broadcast_in_dim3A_784 = vector.broadcast %broadcast_in_dim3A_783 : i32 to vector<16x1xi32>
      %gather3A_785 = vector.shape_cast %broadcast_in_dim3A_784 : vector<16x1xi32> to vector<16xi32>
      %gather3A_786 = tpu.dynamic_gather %get3A_614[%gather3A_785] in [0] : vector<16xf32>, vector<16xi32> -> vector<16xf32>
      %mul3A_787 = arith.mulf %get3A_782, %gather3A_786 : vector<16xf32>
      %swap3A_788 = arith.index_cast %add3A_778 : i32 to index
      %swap3A_789 = arith.constant 0 : index
      %swap3A_790 = tpu.vector_load %arg11[%swap3A_788, %swap3A_789] {strides = array<i32>} : memref<832x16xf32, #tpu.memory_space<vmem>>, vector<1x16xf32>,
      %swap3A_791 = vector.shape_cast %swap3A_790 : vector<1x16xf32> to vector<16xf32>
      %swap3A_792 = vector.shape_cast %mul3A_787 : vector<16xf32> to vector<1x16xf32>
      tpu.vector_store %arg11[%swap3A_788, %swap3A_789], %swap3A_792 {strides = array<i32>} : memref<832x16xf32, #tpu.memory_space<vmem>>, vector<1x16xf32>,
      %mul3A_793 = arith.constant 16 : i32
      %mul3A_794 = arith.muli %scan3A_607, %mul3A_793 : i32
      %add3A_795 = arith.constant 704 : i32
      %add3A_796 = arith.addi %add3A_795, %mul3A_794 : i32
      %add3A_797 = arith.constant 9 : i32
      %add3A_798 = arith.addi %add3A_796, %add3A_797 : i32
      %get3A_799 = arith.index_cast %add3A_798 : i32 to index
      %get3A_800 = arith.constant 0 : index
      %get3A_801 = tpu.vector_load %arg11[%get3A_799, %get3A_800] {strides = array<i32>} : memref<832x16xf32, #tpu.memory_space<vmem>>, vector<1x16xf32>,
      %get3A_802 = vector.shape_cast %get3A_801 : vector<1x16xf32> to vector<16xf32>
      %broadcast_in_dim3A_803 = arith.constant 9 : i32
      %broadcast_in_dim3A_804 = vector.broadcast %broadcast_in_dim3A_803 : i32 to vector<16x1xi32>
      %gather3A_805 = vector.shape_cast %broadcast_in_dim3A_804 : vector<16x1xi32> to vector<16xi32>
      %gather3A_806 = tpu.dynamic_gather %get3A_614[%gather3A_805] in [0] : vector<16xf32>, vector<16xi32> -> vector<16xf32>
      %mul3A_807 = arith.mulf %get3A_802, %gather3A_806 : vector<16xf32>
      %swap3A_808 = arith.index_cast %add3A_798 : i32 to index
      %swap3A_809 = arith.constant 0 : index
      %swap3A_810 = tpu.vector_load %arg11[%swap3A_808, %swap3A_809] {strides = array<i32>} : memref<832x16xf32, #tpu.memory_space<vmem>>, vector<1x16xf32>,
      %swap3A_811 = vector.shape_cast %swap3A_810 : vector<1x16xf32> to vector<16xf32>
      %swap3A_812 = vector.shape_cast %mul3A_807 : vector<16xf32> to vector<1x16xf32>
      tpu.vector_store %arg11[%swap3A_808, %swap3A_809], %swap3A_812 {strides = array<i32>} : memref<832x16xf32, #tpu.memory_space<vmem>>, vector<1x16xf32>,
      %mul3A_813 = arith.constant 16 : i32
      %mul3A_814 = arith.muli %scan3A_607, %mul3A_813 : i32
      %add3A_815 = arith.constant 704 : i32
      %add3A_816 = arith.addi %add3A_815, %mul3A_814 : i32
      %add3A_817 = arith.constant 10 : i32
      %add3A_818 = arith.addi %add3A_816, %add3A_817 : i32
      %get3A_819 = arith.index_cast %add3A_818 : i32 to index
      %get3A_820 = arith.constant 0 : index
      %get3A_821 = tpu.vector_load %arg11[%get3A_819, %get3A_820] {strides = array<i32>} : memref<832x16xf32, #tpu.memory_space<vmem>>, vector<1x16xf32>,
      %get3A_822 = vector.shape_cast %get3A_821 : vector<1x16xf32> to vector<16xf32>
      %broadcast_in_dim3A_823 = arith.constant 10 : i32
      %broadcast_in_dim3A_824 = vector.broadcast %broadcast_in_dim3A_823 : i32 to vector<16x1xi32>
      %gather3A_825 = vector.shape_cast %broadcast_in_dim3A_824 : vector<16x1xi32> to vector<16xi32>
      %gather3A_826 = tpu.dynamic_gather %get3A_614[%gather3A_825] in [0] : vector<16xf32>, vector<16xi32> -> vector<16xf32>
      %mul3A_827 = arith.mulf %get3A_822, %gather3A_826 : vector<16xf32>
      %swap3A_828 = arith.index_cast %add3A_818 : i32 to index
      %swap3A_829 = arith.constant 0 : index
      %swap3A_830 = tpu.vector_load %arg11[%swap3A_828, %swap3A_829] {strides = array<i32>} : memref<832x16xf32, #tpu.memory_space<vmem>>, vector<1x16xf32>,
      %swap3A_831 = vector.shape_cast %swap3A_830 : vector<1x16xf32> to vector<16xf32>
      %swap3A_832 = vector.shape_cast %mul3A_827 : vector<16xf32> to vector<1x16xf32>
      tpu.vector_store %arg11[%swap3A_828, %swap3A_829], %swap3A_832 {strides = array<i32>} : memref<832x16xf32, #tpu.memory_space<vmem>>, vector<1x16xf32>,
      %mul3A_833 = arith.constant 16 : i32
      %mul3A_834 = arith.muli %scan3A_607, %mul3A_833 : i32
      %add3A_835 = arith.constant 704 : i32
      %add3A_836 = arith.addi %add3A_835, %mul3A_834 : i32
      %add3A_837 = arith.constant 11 : i32
      %add3A_838 = arith.addi %add3A_836, %add3A_837 : i32
      %get3A_839 = arith.index_cast %add3A_838 : i32 to index
      %get3A_840 = arith.constant 0 : index
      %get3A_841 = tpu.vector_load %arg11[%get3A_839, %get3A_840] {strides = array<i32>} : memref<832x16xf32, #tpu.memory_space<vmem>>, vector<1x16xf32>,
      %get3A_842 = vector.shape_cast %get3A_841 : vector<1x16xf32> to vector<16xf32>
      %broadcast_in_dim3A_843 = arith.constant 11 : i32
      %broadcast_in_dim3A_844 = vector.broadcast %broadcast_in_dim3A_843 : i32 to vector<16x1xi32>
      %gather3A_845 = vector.shape_cast %broadcast_in_dim3A_844 : vector<16x1xi32> to vector<16xi32>
      %gather3A_846 = tpu.dynamic_gather %get3A_614[%gather3A_845] in [0] : vector<16xf32>, vector<16xi32> -> vector<16xf32>
      %mul3A_847 = arith.mulf %get3A_842, %gather3A_846 : vector<16xf32>
      %swap3A_848 = arith.index_cast %add3A_838 : i32 to index
      %swap3A_849 = arith.constant 0 : index
      %swap3A_850 = tpu.vector_load %arg11[%swap3A_848, %swap3A_849] {strides = array<i32>} : memref<832x16xf32, #tpu.memory_space<vmem>>, vector<1x16xf32>,
      %swap3A_851 = vector.shape_cast %swap3A_850 : vector<1x16xf32> to vector<16xf32>
      %swap3A_852 = vector.shape_cast %mul3A_847 : vector<16xf32> to vector<1x16xf32>
      tpu.vector_store %arg11[%swap3A_848, %swap3A_849], %swap3A_852 {strides = array<i32>} : memref<832x16xf32, #tpu.memory_space<vmem>>, vector<1x16xf32>,
      %mul3A_853 = arith.constant 16 : i32
      %mul3A_854 = arith.muli %scan3A_607, %mul3A_853 : i32
      %add3A_855 = arith.constant 704 : i32
      %add3A_856 = arith.addi %add3A_855, %mul3A_854 : i32
      %add3A_857 = arith.constant 12 : i32
      %add3A_858 = arith.addi %add3A_856, %add3A_857 : i32
      %get3A_859 = arith.index_cast %add3A_858 : i32 to index
      %get3A_860 = arith.constant 0 : index
      %get3A_861 = tpu.vector_load %arg11[%get3A_859, %get3A_860] {strides = array<i32>} : memref<832x16xf32, #tpu.memory_space<vmem>>, vector<1x16xf32>,
      %get3A_862 = vector.shape_cast %get3A_861 : vector<1x16xf32> to vector<16xf32>
      %broadcast_in_dim3A_863 = arith.constant 12 : i32
      %broadcast_in_dim3A_864 = vector.broadcast %broadcast_in_dim3A_863 : i32 to vector<16x1xi32>
      %gather3A_865 = vector.shape_cast %broadcast_in_dim3A_864 : vector<16x1xi32> to vector<16xi32>
      %gather3A_866 = tpu.dynamic_gather %get3A_614[%gather3A_865] in [0] : vector<16xf32>, vector<16xi32> -> vector<16xf32>
      %mul3A_867 = arith.mulf %get3A_862, %gather3A_866 : vector<16xf32>
      %swap3A_868 = arith.index_cast %add3A_858 : i32 to index
      %swap3A_869 = arith.constant 0 : index
      %swap3A_870 = tpu.vector_load %arg11[%swap3A_868, %swap3A_869] {strides = array<i32>} : memref<832x16xf32, #tpu.memory_space<vmem>>, vector<1x16xf32>,
      %swap3A_871 = vector.shape_cast %swap3A_870 : vector<1x16xf32> to vector<16xf32>
      %swap3A_872 = vector.shape_cast %mul3A_867 : vector<16xf32> to vector<1x16xf32>
      tpu.vector_store %arg11[%swap3A_868, %swap3A_869], %swap3A_872 {strides = array<i32>} : memref<832x16xf32, #tpu.memory_space<vmem>>, vector<1x16xf32>,
      %mul3A_873 = arith.constant 16 : i32
      %mul3A_874 = arith.muli %scan3A_607, %mul3A_873 : i32
      %add3A_875 = arith.constant 704 : i32
      %add3A_876 = arith.addi %add3A_875, %mul3A_874 : i32
      %add3A_877 = arith.constant 13 : i32
      %add3A_878 = arith.addi %add3A_876, %add3A_877 : i32
      %get3A_879 = arith.index_cast %add3A_878 : i32 to index
      %get3A_880 = arith.constant 0 : index
      %get3A_881 = tpu.vector_load %arg11[%get3A_879, %get3A_880] {strides = array<i32>} : memref<832x16xf32, #tpu.memory_space<vmem>>, vector<1x16xf32>,
      %get3A_882 = vector.shape_cast %get3A_881 : vector<1x16xf32> to vector<16xf32>
      %broadcast_in_dim3A_883 = arith.constant 13 : i32
      %broadcast_in_dim3A_884 = vector.broadcast %broadcast_in_dim3A_883 : i32 to vector<16x1xi32>
      %gather3A_885 = vector.shape_cast %broadcast_in_dim3A_884 : vector<16x1xi32> to vector<16xi32>
      %gather3A_886 = tpu.dynamic_gather %get3A_614[%gather3A_885] in [0] : vector<16xf32>, vector<16xi32> -> vector<16xf32>
      %mul3A_887 = arith.mulf %get3A_882, %gather3A_886 : vector<16xf32>
      %swap3A_888 = arith.index_cast %add3A_878 : i32 to index
      %swap3A_889 = arith.constant 0 : index
      %swap3A_890 = tpu.vector_load %arg11[%swap3A_888, %swap3A_889] {strides = array<i32>} : memref<832x16xf32, #tpu.memory_space<vmem>>, vector<1x16xf32>,
      %swap3A_891 = vector.shape_cast %swap3A_890 : vector<1x16xf32> to vector<16xf32>
      %swap3A_892 = vector.shape_cast %mul3A_887 : vector<16xf32> to vector<1x16xf32>
      tpu.vector_store %arg11[%swap3A_888, %swap3A_889], %swap3A_892 {strides = array<i32>} : memref<832x16xf32, #tpu.memory_space<vmem>>, vector<1x16xf32>,
      %mul3A_893 = arith.constant 16 : i32
      %mul3A_894 = arith.muli %scan3A_607, %mul3A_893 : i32
      %add3A_895 = arith.constant 704 : i32
      %add3A_896 = arith.addi %add3A_895, %mul3A_894 : i32
      %add3A_897 = arith.constant 14 : i32
      %add3A_898 = arith.addi %add3A_896, %add3A_897 : i32
      %get3A_899 = arith.index_cast %add3A_898 : i32 to index
      %get3A_900 = arith.constant 0 : index
      %get3A_901 = tpu.vector_load %arg11[%get3A_899, %get3A_900] {strides = array<i32>} : memref<832x16xf32, #tpu.memory_space<vmem>>, vector<1x16xf32>,
      %get3A_902 = vector.shape_cast %get3A_901 : vector<1x16xf32> to vector<16xf32>
      %broadcast_in_dim3A_903 = arith.constant 14 : i32
      %broadcast_in_dim3A_904 = vector.broadcast %broadcast_in_dim3A_903 : i32 to vector<16x1xi32>
      %gather3A_905 = vector.shape_cast %broadcast_in_dim3A_904 : vector<16x1xi32> to vector<16xi32>
      %gather3A_906 = tpu.dynamic_gather %get3A_614[%gather3A_905] in [0] : vector<16xf32>, vector<16xi32> -> vector<16xf32>
      %mul3A_907 = arith.mulf %get3A_902, %gather3A_906 : vector<16xf32>
      %swap3A_908 = arith.index_cast %add3A_898 : i32 to index
      %swap3A_909 = arith.constant 0 : index
      %swap3A_910 = tpu.vector_load %arg11[%swap3A_908, %swap3A_909] {strides = array<i32>} : memref<832x16xf32, #tpu.memory_space<vmem>>, vector<1x16xf32>,
      %swap3A_911 = vector.shape_cast %swap3A_910 : vector<1x16xf32> to vector<16xf32>
      %swap3A_912 = vector.shape_cast %mul3A_907 : vector<16xf32> to vector<1x16xf32>
      tpu.vector_store %arg11[%swap3A_908, %swap3A_909], %swap3A_912 {strides = array<i32>} : memref<832x16xf32, #tpu.memory_space<vmem>>, vector<1x16xf32>,
      %mul3A_913 = arith.constant 16 : i32
      %mul3A_914 = arith.muli %scan3A_607, %mul3A_913 : i32
      %add3A_915 = arith.constant 704 : i32
      %add3A_916 = arith.addi %add3A_915, %mul3A_914 : i32
      %add3A_917 = arith.constant 15 : i32
      %add3A_918 = arith.addi %add3A_916, %add3A_917 : i32
      %get3A_919 = arith.index_cast %add3A_918 : i32 to index
      %get3A_920 = arith.constant 0 : index
      %get3A_921 = tpu.vector_load %arg11[%get3A_919, %get3A_920] {strides = array<i32>} : memref<832x16xf32, #tpu.memory_space<vmem>>, vector<1x16xf32>,
      %get3A_922 = vector.shape_cast %get3A_921 : vector<1x16xf32> to vector<16xf32>
      %broadcast_in_dim3A_923 = arith.constant 15 : i32
      %broadcast_in_dim3A_924 = vector.broadcast %broadcast_in_dim3A_923 : i32 to vector<16x1xi32>
      %gather3A_925 = vector.shape_cast %broadcast_in_dim3A_924 : vector<16x1xi32> to vector<16xi32>
      %gather3A_926 = tpu.dynamic_gather %get3A_614[%gather3A_925] in [0] : vector<16xf32>, vector<16xi32> -> vector<16xf32>
      %mul3A_927 = arith.mulf %get3A_922, %gather3A_926 : vector<16xf32>
      %swap3A_928 = arith.index_cast %add3A_918 : i32 to index
      %swap3A_929 = arith.constant 0 : index
      %swap3A_930 = tpu.vector_load %arg11[%swap3A_928, %swap3A_929] {strides = array<i32>} : memref<832x16xf32, #tpu.memory_space<vmem>>, vector<1x16xf32>,
      %swap3A_931 = vector.shape_cast %swap3A_930 : vector<1x16xf32> to vector<16xf32>
      %swap3A_932 = vector.shape_cast %mul3A_927 : vector<16xf32> to vector<1x16xf32>
      tpu.vector_store %arg11[%swap3A_928, %swap3A_929], %swap3A_932 {strides = array<i32>} : memref<832x16xf32, #tpu.memory_space<vmem>>, vector<1x16xf32>,
    }
    %scan3A_437 = arith.constant 4 : i32
    %dma_start3A_438 = arith.constant 11 : i32
    %dma_start3A_439 = arith.constant 704 : i32
    %dma_start3A_440 = arith.constant 0 : i32
    %dma_start3A_441 = tpu.memref_slice %arg11[%dma_start3A_439, %dma_start3A_440] : memref<832x16xf32, #tpu.memory_space<vmem>> -> memref<64x16xf32, #tpu.memory_space<vmem>>
    %dma_start3A_442 = arith.constant 0 : i32
    %dma_start3A_443 = tpu.memref_slice %arg10[%dma_start3A_438, %dma_start3A_442] : memref<13x64xi32, #tpu.memory_space<vmem>> -> memref<1x64xi32, #tpu.memory_space<vmem>>
    %dma_start3A_444 = tpu.memref_squeeze %dma_start3A_443 : memref<1x64xi32, #tpu.memory_space<vmem>> -> memref<64xi32, #tpu.memory_space<vmem>>
    %dma_start3A_445 = arith.constant 0 : i32
    %dma_start3A_446 = arith.constant 0 : i32
    %dma_start3A_447 = tpu.memref_slice %arg14[%dma_start3A_445, %dma_start3A_446] : memref<2816x16xf32, #tpu.memory_space<vmem_shared>> -> memref<2816x16xf32, #tpu.memory_space<vmem_shared>>
    tpu.enqueue_indirect_dma source(%dma_start3A_441 : memref<64x16xf32, #tpu.memory_space<vmem>>) target(%dma_start3A_447 : memref<2816x16xf32, #tpu.memory_space<vmem_shared>>) offsets(%dma_start3A_444 : memref<64xi32, #tpu.memory_space<vmem>>) semaphore(%arg18 : memref<!tpu.dma_semaphore, #tpu.memory_space<semaphore_mem>>) {add = true}
    %dma_wait3A_448 = arith.constant 768 : i32
    %dma_wait3A_449 = arith.constant 0 : i32
    %dma_wait3A_450 = tpu.memref_slice %arg11[%dma_wait3A_448, %dma_wait3A_449] : memref<832x16xf32, #tpu.memory_space<vmem>> -> memref<64x16xf32, #tpu.memory_space<vmem>>
    %dma_wait3A_451 = arith.constant 768 : i32
    %dma_wait3A_452 = tpu.memref_slice %arg7[%dma_wait3A_451] : memref<832xi32, #tpu.memory_space<vmem>> -> memref<64xi32, #tpu.memory_space<vmem>>
    %dma_wait3A_453 = arith.constant 0 : i32
    %dma_wait3A_454 = arith.constant 0 : i32
    %dma_wait3A_455 = tpu.memref_slice %arg15[%dma_wait3A_453, %dma_wait3A_454] : memref<2816x16xf32, #tpu.memory_space<vmem_shared>> -> memref<2816x16xf32, #tpu.memory_space<vmem_shared>>
    tpu.wait_indirect_dma semaphore(%arg17 : memref<!tpu.dma_semaphore, #tpu.memory_space<semaphore_mem>>) src(%dma_wait3A_455 : memref<2816x16xf32, #tpu.memory_space<vmem_shared>>) dst(%dma_wait3A_450 : memref<64x16xf32, #tpu.memory_space<vmem>>)
    %scan3A_456 = arith.constant 0 : i32
    %scan3A_457 = arith.constant 0 : i32
    %scan3A_458 = arith.constant 4 : i32
    %scan3A_459 = arith.addi %scan3A_457, %scan3A_458 : i32
    %scan3A_460 = arith.constant 1 : i32
    scf.for %scan3A_607 = %scan3A_457 to %scan3A_459 step %scan3A_460  : i32 {
      %mul3A_608 = arith.constant 16 : i32
      %mul3A_609 = arith.muli %scan3A_607, %mul3A_608 : i32
      %add3A_610 = arith.constant 768 : i32
      %add3A_611 = arith.addi %add3A_610, %mul3A_609 : i32
      %get3A_612 = arith.index_cast %add3A_611 : i32 to index
      %get3A_613 = tpu.vector_load %arg9[%get3A_612] {strides = array<i32>} : memref<832xf32, #tpu.memory_space<vmem>>, vector<16xf32>,
      %get3A_614 = vector.shape_cast %get3A_613 : vector<16xf32> to vector<16xf32>
      %mul3A_615 = arith.constant 16 : i32
      %mul3A_616 = arith.muli %scan3A_607, %mul3A_615 : i32
      %add3A_617 = arith.constant 768 : i32
      %add3A_618 = arith.addi %add3A_617, %mul3A_616 : i32
      %add3A_619 = arith.constant 0 : i32
      %add3A_620 = arith.addi %add3A_618, %add3A_619 : i32
      %get3A_621 = arith.index_cast %add3A_620 : i32 to index
      %get3A_622 = arith.constant 0 : index
      %get3A_623 = tpu.vector_load %arg11[%get3A_621, %get3A_622] {strides = array<i32>} : memref<832x16xf32, #tpu.memory_space<vmem>>, vector<1x16xf32>,
      %get3A_624 = vector.shape_cast %get3A_623 : vector<1x16xf32> to vector<16xf32>
      %broadcast_in_dim3A_625 = arith.constant 0 : i32
      %broadcast_in_dim3A_626 = vector.broadcast %broadcast_in_dim3A_625 : i32 to vector<16x1xi32>
      %gather3A = vector.shape_cast %broadcast_in_dim3A_626 : vector<16x1xi32> to vector<16xi32>
      %gather3A_627 = tpu.dynamic_gather %get3A_614[%gather3A] in [0] : vector<16xf32>, vector<16xi32> -> vector<16xf32>
      %mul3A_628 = arith.mulf %get3A_624, %gather3A_627 : vector<16xf32>
      %swap3A = arith.index_cast %add3A_620 : i32 to index
      %swap3A_629 = arith.constant 0 : index
      %swap3A_630 = tpu.vector_load %arg11[%swap3A, %swap3A_629] {strides = array<i32>} : memref<832x16xf32, #tpu.memory_space<vmem>>, vector<1x16xf32>,
      %swap3A_631 = vector.shape_cast %swap3A_630 : vector<1x16xf32> to vector<16xf32>
      %swap3A_632 = vector.shape_cast %mul3A_628 : vector<16xf32> to vector<1x16xf32>
      tpu.vector_store %arg11[%swap3A, %swap3A_629], %swap3A_632 {strides = array<i32>} : memref<832x16xf32, #tpu.memory_space<vmem>>, vector<1x16xf32>,
      %mul3A_633 = arith.constant 16 : i32
      %mul3A_634 = arith.muli %scan3A_607, %mul3A_633 : i32
      %add3A_635 = arith.constant 768 : i32
      %add3A_636 = arith.addi %add3A_635, %mul3A_634 : i32
      %add3A_637 = arith.constant 1 : i32
      %add3A_638 = arith.addi %add3A_636, %add3A_637 : i32
      %get3A_639 = arith.index_cast %add3A_638 : i32 to index
      %get3A_640 = arith.constant 0 : index
      %get3A_641 = tpu.vector_load %arg11[%get3A_639, %get3A_640] {strides = array<i32>} : memref<832x16xf32, #tpu.memory_space<vmem>>, vector<1x16xf32>,
      %get3A_642 = vector.shape_cast %get3A_641 : vector<1x16xf32> to vector<16xf32>
      %broadcast_in_dim3A_643 = arith.constant 1 : i32
      %broadcast_in_dim3A_644 = vector.broadcast %broadcast_in_dim3A_643 : i32 to vector<16x1xi32>
      %gather3A_645 = vector.shape_cast %broadcast_in_dim3A_644 : vector<16x1xi32> to vector<16xi32>
      %gather3A_646 = tpu.dynamic_gather %get3A_614[%gather3A_645] in [0] : vector<16xf32>, vector<16xi32> -> vector<16xf32>
      %mul3A_647 = arith.mulf %get3A_642, %gather3A_646 : vector<16xf32>
      %swap3A_648 = arith.index_cast %add3A_638 : i32 to index
      %swap3A_649 = arith.constant 0 : index
      %swap3A_650 = tpu.vector_load %arg11[%swap3A_648, %swap3A_649] {strides = array<i32>} : memref<832x16xf32, #tpu.memory_space<vmem>>, vector<1x16xf32>,
      %swap3A_651 = vector.shape_cast %swap3A_650 : vector<1x16xf32> to vector<16xf32>
      %swap3A_652 = vector.shape_cast %mul3A_647 : vector<16xf32> to vector<1x16xf32>
      tpu.vector_store %arg11[%swap3A_648, %swap3A_649], %swap3A_652 {strides = array<i32>} : memref<832x16xf32, #tpu.memory_space<vmem>>, vector<1x16xf32>,
      %mul3A_653 = arith.constant 16 : i32
      %mul3A_654 = arith.muli %scan3A_607, %mul3A_653 : i32
      %add3A_655 = arith.constant 768 : i32
      %add3A_656 = arith.addi %add3A_655, %mul3A_654 : i32
      %add3A_657 = arith.constant 2 : i32
      %add3A_658 = arith.addi %add3A_656, %add3A_657 : i32
      %get3A_659 = arith.index_cast %add3A_658 : i32 to index
      %get3A_660 = arith.constant 0 : index
      %get3A_661 = tpu.vector_load %arg11[%get3A_659, %get3A_660] {strides = array<i32>} : memref<832x16xf32, #tpu.memory_space<vmem>>, vector<1x16xf32>,
      %get3A_662 = vector.shape_cast %get3A_661 : vector<1x16xf32> to vector<16xf32>
      %broadcast_in_dim3A_663 = arith.constant 2 : i32
      %broadcast_in_dim3A_664 = vector.broadcast %broadcast_in_dim3A_663 : i32 to vector<16x1xi32>
      %gather3A_665 = vector.shape_cast %broadcast_in_dim3A_664 : vector<16x1xi32> to vector<16xi32>
      %gather3A_666 = tpu.dynamic_gather %get3A_614[%gather3A_665] in [0] : vector<16xf32>, vector<16xi32> -> vector<16xf32>
      %mul3A_667 = arith.mulf %get3A_662, %gather3A_666 : vector<16xf32>
      %swap3A_668 = arith.index_cast %add3A_658 : i32 to index
      %swap3A_669 = arith.constant 0 : index
      %swap3A_670 = tpu.vector_load %arg11[%swap3A_668, %swap3A_669] {strides = array<i32>} : memref<832x16xf32, #tpu.memory_space<vmem>>, vector<1x16xf32>,
      %swap3A_671 = vector.shape_cast %swap3A_670 : vector<1x16xf32> to vector<16xf32>
      %swap3A_672 = vector.shape_cast %mul3A_667 : vector<16xf32> to vector<1x16xf32>
      tpu.vector_store %arg11[%swap3A_668, %swap3A_669], %swap3A_672 {strides = array<i32>} : memref<832x16xf32, #tpu.memory_space<vmem>>, vector<1x16xf32>,
      %mul3A_673 = arith.constant 16 : i32
      %mul3A_674 = arith.muli %scan3A_607, %mul3A_673 : i32
      %add3A_675 = arith.constant 768 : i32
      %add3A_676 = arith.addi %add3A_675, %mul3A_674 : i32
      %add3A_677 = arith.constant 3 : i32
      %add3A_678 = arith.addi %add3A_676, %add3A_677 : i32
      %get3A_679 = arith.index_cast %add3A_678 : i32 to index
      %get3A_680 = arith.constant 0 : index
      %get3A_681 = tpu.vector_load %arg11[%get3A_679, %get3A_680] {strides = array<i32>} : memref<832x16xf32, #tpu.memory_space<vmem>>, vector<1x16xf32>,
      %get3A_682 = vector.shape_cast %get3A_681 : vector<1x16xf32> to vector<16xf32>
      %broadcast_in_dim3A_683 = arith.constant 3 : i32
      %broadcast_in_dim3A_684 = vector.broadcast %broadcast_in_dim3A_683 : i32 to vector<16x1xi32>
      %gather3A_685 = vector.shape_cast %broadcast_in_dim3A_684 : vector<16x1xi32> to vector<16xi32>
      %gather3A_686 = tpu.dynamic_gather %get3A_614[%gather3A_685] in [0] : vector<16xf32>, vector<16xi32> -> vector<16xf32>
      %mul3A_687 = arith.mulf %get3A_682, %gather3A_686 : vector<16xf32>
      %swap3A_688 = arith.index_cast %add3A_678 : i32 to index
      %swap3A_689 = arith.constant 0 : index
      %swap3A_690 = tpu.vector_load %arg11[%swap3A_688, %swap3A_689] {strides = array<i32>} : memref<832x16xf32, #tpu.memory_space<vmem>>, vector<1x16xf32>,
      %swap3A_691 = vector.shape_cast %swap3A_690 : vector<1x16xf32> to vector<16xf32>
      %swap3A_692 = vector.shape_cast %mul3A_687 : vector<16xf32> to vector<1x16xf32>
      tpu.vector_store %arg11[%swap3A_688, %swap3A_689], %swap3A_692 {strides = array<i32>} : memref<832x16xf32, #tpu.memory_space<vmem>>, vector<1x16xf32>,
      %mul3A_693 = arith.constant 16 : i32
      %mul3A_694 = arith.muli %scan3A_607, %mul3A_693 : i32
      %add3A_695 = arith.constant 768 : i32
      %add3A_696 = arith.addi %add3A_695, %mul3A_694 : i32
      %add3A_697 = arith.constant 4 : i32
      %add3A_698 = arith.addi %add3A_696, %add3A_697 : i32
      %get3A_699 = arith.index_cast %add3A_698 : i32 to index
      %get3A_700 = arith.constant 0 : index
      %get3A_701 = tpu.vector_load %arg11[%get3A_699, %get3A_700] {strides = array<i32>} : memref<832x16xf32, #tpu.memory_space<vmem>>, vector<1x16xf32>,
      %get3A_702 = vector.shape_cast %get3A_701 : vector<1x16xf32> to vector<16xf32>
      %broadcast_in_dim3A_703 = arith.constant 4 : i32
      %broadcast_in_dim3A_704 = vector.broadcast %broadcast_in_dim3A_703 : i32 to vector<16x1xi32>
      %gather3A_705 = vector.shape_cast %broadcast_in_dim3A_704 : vector<16x1xi32> to vector<16xi32>
      %gather3A_706 = tpu.dynamic_gather %get3A_614[%gather3A_705] in [0] : vector<16xf32>, vector<16xi32> -> vector<16xf32>
      %mul3A_707 = arith.mulf %get3A_702, %gather3A_706 : vector<16xf32>
      %swap3A_708 = arith.index_cast %add3A_698 : i32 to index
      %swap3A_709 = arith.constant 0 : index
      %swap3A_710 = tpu.vector_load %arg11[%swap3A_708, %swap3A_709] {strides = array<i32>} : memref<832x16xf32, #tpu.memory_space<vmem>>, vector<1x16xf32>,
      %swap3A_711 = vector.shape_cast %swap3A_710 : vector<1x16xf32> to vector<16xf32>
      %swap3A_712 = vector.shape_cast %mul3A_707 : vector<16xf32> to vector<1x16xf32>
      tpu.vector_store %arg11[%swap3A_708, %swap3A_709], %swap3A_712 {strides = array<i32>} : memref<832x16xf32, #tpu.memory_space<vmem>>, vector<1x16xf32>,
      %mul3A_713 = arith.constant 16 : i32
      %mul3A_714 = arith.muli %scan3A_607, %mul3A_713 : i32
      %add3A_715 = arith.constant 768 : i32
      %add3A_716 = arith.addi %add3A_715, %mul3A_714 : i32
      %add3A_717 = arith.constant 5 : i32
      %add3A_718 = arith.addi %add3A_716, %add3A_717 : i32
      %get3A_719 = arith.index_cast %add3A_718 : i32 to index
      %get3A_720 = arith.constant 0 : index
      %get3A_721 = tpu.vector_load %arg11[%get3A_719, %get3A_720] {strides = array<i32>} : memref<832x16xf32, #tpu.memory_space<vmem>>, vector<1x16xf32>,
      %get3A_722 = vector.shape_cast %get3A_721 : vector<1x16xf32> to vector<16xf32>
      %broadcast_in_dim3A_723 = arith.constant 5 : i32
      %broadcast_in_dim3A_724 = vector.broadcast %broadcast_in_dim3A_723 : i32 to vector<16x1xi32>
      %gather3A_725 = vector.shape_cast %broadcast_in_dim3A_724 : vector<16x1xi32> to vector<16xi32>
      %gather3A_726 = tpu.dynamic_gather %get3A_614[%gather3A_725] in [0] : vector<16xf32>, vector<16xi32> -> vector<16xf32>
      %mul3A_727 = arith.mulf %get3A_722, %gather3A_726 : vector<16xf32>
      %swap3A_728 = arith.index_cast %add3A_718 : i32 to index
      %swap3A_729 = arith.constant 0 : index
      %swap3A_730 = tpu.vector_load %arg11[%swap3A_728, %swap3A_729] {strides = array<i32>} : memref<832x16xf32, #tpu.memory_space<vmem>>, vector<1x16xf32>,
      %swap3A_731 = vector.shape_cast %swap3A_730 : vector<1x16xf32> to vector<16xf32>
      %swap3A_732 = vector.shape_cast %mul3A_727 : vector<16xf32> to vector<1x16xf32>
      tpu.vector_store %arg11[%swap3A_728, %swap3A_729], %swap3A_732 {strides = array<i32>} : memref<832x16xf32, #tpu.memory_space<vmem>>, vector<1x16xf32>,
      %mul3A_733 = arith.constant 16 : i32
      %mul3A_734 = arith.muli %scan3A_607, %mul3A_733 : i32
      %add3A_735 = arith.constant 768 : i32
      %add3A_736 = arith.addi %add3A_735, %mul3A_734 : i32
      %add3A_737 = arith.constant 6 : i32
      %add3A_738 = arith.addi %add3A_736, %add3A_737 : i32
      %get3A_739 = arith.index_cast %add3A_738 : i32 to index
      %get3A_740 = arith.constant 0 : index
      %get3A_741 = tpu.vector_load %arg11[%get3A_739, %get3A_740] {strides = array<i32>} : memref<832x16xf32, #tpu.memory_space<vmem>>, vector<1x16xf32>,
      %get3A_742 = vector.shape_cast %get3A_741 : vector<1x16xf32> to vector<16xf32>
      %broadcast_in_dim3A_743 = arith.constant 6 : i32
      %broadcast_in_dim3A_744 = vector.broadcast %broadcast_in_dim3A_743 : i32 to vector<16x1xi32>
      %gather3A_745 = vector.shape_cast %broadcast_in_dim3A_744 : vector<16x1xi32> to vector<16xi32>
      %gather3A_746 = tpu.dynamic_gather %get3A_614[%gather3A_745] in [0] : vector<16xf32>, vector<16xi32> -> vector<16xf32>
      %mul3A_747 = arith.mulf %get3A_742, %gather3A_746 : vector<16xf32>
      %swap3A_748 = arith.index_cast %add3A_738 : i32 to index
      %swap3A_749 = arith.constant 0 : index
      %swap3A_750 = tpu.vector_load %arg11[%swap3A_748, %swap3A_749] {strides = array<i32>} : memref<832x16xf32, #tpu.memory_space<vmem>>, vector<1x16xf32>,
      %swap3A_751 = vector.shape_cast %swap3A_750 : vector<1x16xf32> to vector<16xf32>
      %swap3A_752 = vector.shape_cast %mul3A_747 : vector<16xf32> to vector<1x16xf32>
      tpu.vector_store %arg11[%swap3A_748, %swap3A_749], %swap3A_752 {strides = array<i32>} : memref<832x16xf32, #tpu.memory_space<vmem>>, vector<1x16xf32>,
      %mul3A_753 = arith.constant 16 : i32
      %mul3A_754 = arith.muli %scan3A_607, %mul3A_753 : i32
      %add3A_755 = arith.constant 768 : i32
      %add3A_756 = arith.addi %add3A_755, %mul3A_754 : i32
      %add3A_757 = arith.constant 7 : i32
      %add3A_758 = arith.addi %add3A_756, %add3A_757 : i32
      %get3A_759 = arith.index_cast %add3A_758 : i32 to index
      %get3A_760 = arith.constant 0 : index
      %get3A_761 = tpu.vector_load %arg11[%get3A_759, %get3A_760] {strides = array<i32>} : memref<832x16xf32, #tpu.memory_space<vmem>>, vector<1x16xf32>,
      %get3A_762 = vector.shape_cast %get3A_761 : vector<1x16xf32> to vector<16xf32>
      %broadcast_in_dim3A_763 = arith.constant 7 : i32
      %broadcast_in_dim3A_764 = vector.broadcast %broadcast_in_dim3A_763 : i32 to vector<16x1xi32>
      %gather3A_765 = vector.shape_cast %broadcast_in_dim3A_764 : vector<16x1xi32> to vector<16xi32>
      %gather3A_766 = tpu.dynamic_gather %get3A_614[%gather3A_765] in [0] : vector<16xf32>, vector<16xi32> -> vector<16xf32>
      %mul3A_767 = arith.mulf %get3A_762, %gather3A_766 : vector<16xf32>
      %swap3A_768 = arith.index_cast %add3A_758 : i32 to index
      %swap3A_769 = arith.constant 0 : index
      %swap3A_770 = tpu.vector_load %arg11[%swap3A_768, %swap3A_769] {strides = array<i32>} : memref<832x16xf32, #tpu.memory_space<vmem>>, vector<1x16xf32>,
      %swap3A_771 = vector.shape_cast %swap3A_770 : vector<1x16xf32> to vector<16xf32>
      %swap3A_772 = vector.shape_cast %mul3A_767 : vector<16xf32> to vector<1x16xf32>
      tpu.vector_store %arg11[%swap3A_768, %swap3A_769], %swap3A_772 {strides = array<i32>} : memref<832x16xf32, #tpu.memory_space<vmem>>, vector<1x16xf32>,
      %mul3A_773 = arith.constant 16 : i32
      %mul3A_774 = arith.muli %scan3A_607, %mul3A_773 : i32
      %add3A_775 = arith.constant 768 : i32
      %add3A_776 = arith.addi %add3A_775, %mul3A_774 : i32
      %add3A_777 = arith.constant 8 : i32
      %add3A_778 = arith.addi %add3A_776, %add3A_777 : i32
      %get3A_779 = arith.index_cast %add3A_778 : i32 to index
      %get3A_780 = arith.constant 0 : index
      %get3A_781 = tpu.vector_load %arg11[%get3A_779, %get3A_780] {strides = array<i32>} : memref<832x16xf32, #tpu.memory_space<vmem>>, vector<1x16xf32>,
      %get3A_782 = vector.shape_cast %get3A_781 : vector<1x16xf32> to vector<16xf32>
      %broadcast_in_dim3A_783 = arith.constant 8 : i32
      %broadcast_in_dim3A_784 = vector.broadcast %broadcast_in_dim3A_783 : i32 to vector<16x1xi32>
      %gather3A_785 = vector.shape_cast %broadcast_in_dim3A_784 : vector<16x1xi32> to vector<16xi32>
      %gather3A_786 = tpu.dynamic_gather %get3A_614[%gather3A_785] in [0] : vector<16xf32>, vector<16xi32> -> vector<16xf32>
      %mul3A_787 = arith.mulf %get3A_782, %gather3A_786 : vector<16xf32>
      %swap3A_788 = arith.index_cast %add3A_778 : i32 to index
      %swap3A_789 = arith.constant 0 : index
      %swap3A_790 = tpu.vector_load %arg11[%swap3A_788, %swap3A_789] {strides = array<i32>} : memref<832x16xf32, #tpu.memory_space<vmem>>, vector<1x16xf32>,
      %swap3A_791 = vector.shape_cast %swap3A_790 : vector<1x16xf32> to vector<16xf32>
      %swap3A_792 = vector.shape_cast %mul3A_787 : vector<16xf32> to vector<1x16xf32>
      tpu.vector_store %arg11[%swap3A_788, %swap3A_789], %swap3A_792 {strides = array<i32>} : memref<832x16xf32, #tpu.memory_space<vmem>>, vector<1x16xf32>,
      %mul3A_793 = arith.constant 16 : i32
      %mul3A_794 = arith.muli %scan3A_607, %mul3A_793 : i32
      %add3A_795 = arith.constant 768 : i32
      %add3A_796 = arith.addi %add3A_795, %mul3A_794 : i32
      %add3A_797 = arith.constant 9 : i32
      %add3A_798 = arith.addi %add3A_796, %add3A_797 : i32
      %get3A_799 = arith.index_cast %add3A_798 : i32 to index
      %get3A_800 = arith.constant 0 : index
      %get3A_801 = tpu.vector_load %arg11[%get3A_799, %get3A_800] {strides = array<i32>} : memref<832x16xf32, #tpu.memory_space<vmem>>, vector<1x16xf32>,
      %get3A_802 = vector.shape_cast %get3A_801 : vector<1x16xf32> to vector<16xf32>
      %broadcast_in_dim3A_803 = arith.constant 9 : i32
      %broadcast_in_dim3A_804 = vector.broadcast %broadcast_in_dim3A_803 : i32 to vector<16x1xi32>
      %gather3A_805 = vector.shape_cast %broadcast_in_dim3A_804 : vector<16x1xi32> to vector<16xi32>
      %gather3A_806 = tpu.dynamic_gather %get3A_614[%gather3A_805] in [0] : vector<16xf32>, vector<16xi32> -> vector<16xf32>
      %mul3A_807 = arith.mulf %get3A_802, %gather3A_806 : vector<16xf32>
      %swap3A_808 = arith.index_cast %add3A_798 : i32 to index
      %swap3A_809 = arith.constant 0 : index
      %swap3A_810 = tpu.vector_load %arg11[%swap3A_808, %swap3A_809] {strides = array<i32>} : memref<832x16xf32, #tpu.memory_space<vmem>>, vector<1x16xf32>,
      %swap3A_811 = vector.shape_cast %swap3A_810 : vector<1x16xf32> to vector<16xf32>
      %swap3A_812 = vector.shape_cast %mul3A_807 : vector<16xf32> to vector<1x16xf32>
      tpu.vector_store %arg11[%swap3A_808, %swap3A_809], %swap3A_812 {strides = array<i32>} : memref<832x16xf32, #tpu.memory_space<vmem>>, vector<1x16xf32>,
      %mul3A_813 = arith.constant 16 : i32
      %mul3A_814 = arith.muli %scan3A_607, %mul3A_813 : i32
      %add3A_815 = arith.constant 768 : i32
      %add3A_816 = arith.addi %add3A_815, %mul3A_814 : i32
      %add3A_817 = arith.constant 10 : i32
      %add3A_818 = arith.addi %add3A_816, %add3A_817 : i32
      %get3A_819 = arith.index_cast %add3A_818 : i32 to index
      %get3A_820 = arith.constant 0 : index
      %get3A_821 = tpu.vector_load %arg11[%get3A_819, %get3A_820] {strides = array<i32>} : memref<832x16xf32, #tpu.memory_space<vmem>>, vector<1x16xf32>,
      %get3A_822 = vector.shape_cast %get3A_821 : vector<1x16xf32> to vector<16xf32>
      %broadcast_in_dim3A_823 = arith.constant 10 : i32
      %broadcast_in_dim3A_824 = vector.broadcast %broadcast_in_dim3A_823 : i32 to vector<16x1xi32>
      %gather3A_825 = vector.shape_cast %broadcast_in_dim3A_824 : vector<16x1xi32> to vector<16xi32>
      %gather3A_826 = tpu.dynamic_gather %get3A_614[%gather3A_825] in [0] : vector<16xf32>, vector<16xi32> -> vector<16xf32>
      %mul3A_827 = arith.mulf %get3A_822, %gather3A_826 : vector<16xf32>
      %swap3A_828 = arith.index_cast %add3A_818 : i32 to index
      %swap3A_829 = arith.constant 0 : index
      %swap3A_830 = tpu.vector_load %arg11[%swap3A_828, %swap3A_829] {strides = array<i32>} : memref<832x16xf32, #tpu.memory_space<vmem>>, vector<1x16xf32>,
      %swap3A_831 = vector.shape_cast %swap3A_830 : vector<1x16xf32> to vector<16xf32>
      %swap3A_832 = vector.shape_cast %mul3A_827 : vector<16xf32> to vector<1x16xf32>
      tpu.vector_store %arg11[%swap3A_828, %swap3A_829], %swap3A_832 {strides = array<i32>} : memref<832x16xf32, #tpu.memory_space<vmem>>, vector<1x16xf32>,
      %mul3A_833 = arith.constant 16 : i32
      %mul3A_834 = arith.muli %scan3A_607, %mul3A_833 : i32
      %add3A_835 = arith.constant 768 : i32
      %add3A_836 = arith.addi %add3A_835, %mul3A_834 : i32
      %add3A_837 = arith.constant 11 : i32
      %add3A_838 = arith.addi %add3A_836, %add3A_837 : i32
      %get3A_839 = arith.index_cast %add3A_838 : i32 to index
      %get3A_840 = arith.constant 0 : index
      %get3A_841 = tpu.vector_load %arg11[%get3A_839, %get3A_840] {strides = array<i32>} : memref<832x16xf32, #tpu.memory_space<vmem>>, vector<1x16xf32>,
      %get3A_842 = vector.shape_cast %get3A_841 : vector<1x16xf32> to vector<16xf32>
      %broadcast_in_dim3A_843 = arith.constant 11 : i32
      %broadcast_in_dim3A_844 = vector.broadcast %broadcast_in_dim3A_843 : i32 to vector<16x1xi32>
      %gather3A_845 = vector.shape_cast %broadcast_in_dim3A_844 : vector<16x1xi32> to vector<16xi32>
      %gather3A_846 = tpu.dynamic_gather %get3A_614[%gather3A_845] in [0] : vector<16xf32>, vector<16xi32> -> vector<16xf32>
      %mul3A_847 = arith.mulf %get3A_842, %gather3A_846 : vector<16xf32>
      %swap3A_848 = arith.index_cast %add3A_838 : i32 to index
      %swap3A_849 = arith.constant 0 : index
      %swap3A_850 = tpu.vector_load %arg11[%swap3A_848, %swap3A_849] {strides = array<i32>} : memref<832x16xf32, #tpu.memory_space<vmem>>, vector<1x16xf32>,
      %swap3A_851 = vector.shape_cast %swap3A_850 : vector<1x16xf32> to vector<16xf32>
      %swap3A_852 = vector.shape_cast %mul3A_847 : vector<16xf32> to vector<1x16xf32>
      tpu.vector_store %arg11[%swap3A_848, %swap3A_849], %swap3A_852 {strides = array<i32>} : memref<832x16xf32, #tpu.memory_space<vmem>>, vector<1x16xf32>,
      %mul3A_853 = arith.constant 16 : i32
      %mul3A_854 = arith.muli %scan3A_607, %mul3A_853 : i32
      %add3A_855 = arith.constant 768 : i32
      %add3A_856 = arith.addi %add3A_855, %mul3A_854 : i32
      %add3A_857 = arith.constant 12 : i32
      %add3A_858 = arith.addi %add3A_856, %add3A_857 : i32
      %get3A_859 = arith.index_cast %add3A_858 : i32 to index
      %get3A_860 = arith.constant 0 : index
      %get3A_861 = tpu.vector_load %arg11[%get3A_859, %get3A_860] {strides = array<i32>} : memref<832x16xf32, #tpu.memory_space<vmem>>, vector<1x16xf32>,
      %get3A_862 = vector.shape_cast %get3A_861 : vector<1x16xf32> to vector<16xf32>
      %broadcast_in_dim3A_863 = arith.constant 12 : i32
      %broadcast_in_dim3A_864 = vector.broadcast %broadcast_in_dim3A_863 : i32 to vector<16x1xi32>
      %gather3A_865 = vector.shape_cast %broadcast_in_dim3A_864 : vector<16x1xi32> to vector<16xi32>
      %gather3A_866 = tpu.dynamic_gather %get3A_614[%gather3A_865] in [0] : vector<16xf32>, vector<16xi32> -> vector<16xf32>
      %mul3A_867 = arith.mulf %get3A_862, %gather3A_866 : vector<16xf32>
      %swap3A_868 = arith.index_cast %add3A_858 : i32 to index
      %swap3A_869 = arith.constant 0 : index
      %swap3A_870 = tpu.vector_load %arg11[%swap3A_868, %swap3A_869] {strides = array<i32>} : memref<832x16xf32, #tpu.memory_space<vmem>>, vector<1x16xf32>,
      %swap3A_871 = vector.shape_cast %swap3A_870 : vector<1x16xf32> to vector<16xf32>
      %swap3A_872 = vector.shape_cast %mul3A_867 : vector<16xf32> to vector<1x16xf32>
      tpu.vector_store %arg11[%swap3A_868, %swap3A_869], %swap3A_872 {strides = array<i32>} : memref<832x16xf32, #tpu.memory_space<vmem>>, vector<1x16xf32>,
      %mul3A_873 = arith.constant 16 : i32
      %mul3A_874 = arith.muli %scan3A_607, %mul3A_873 : i32
      %add3A_875 = arith.constant 768 : i32
      %add3A_876 = arith.addi %add3A_875, %mul3A_874 : i32
      %add3A_877 = arith.constant 13 : i32
      %add3A_878 = arith.addi %add3A_876, %add3A_877 : i32
      %get3A_879 = arith.index_cast %add3A_878 : i32 to index
      %get3A_880 = arith.constant 0 : index
      %get3A_881 = tpu.vector_load %arg11[%get3A_879, %get3A_880] {strides = array<i32>} : memref<832x16xf32, #tpu.memory_space<vmem>>, vector<1x16xf32>,
      %get3A_882 = vector.shape_cast %get3A_881 : vector<1x16xf32> to vector<16xf32>
      %broadcast_in_dim3A_883 = arith.constant 13 : i32
      %broadcast_in_dim3A_884 = vector.broadcast %broadcast_in_dim3A_883 : i32 to vector<16x1xi32>
      %gather3A_885 = vector.shape_cast %broadcast_in_dim3A_884 : vector<16x1xi32> to vector<16xi32>
      %gather3A_886 = tpu.dynamic_gather %get3A_614[%gather3A_885] in [0] : vector<16xf32>, vector<16xi32> -> vector<16xf32>
      %mul3A_887 = arith.mulf %get3A_882, %gather3A_886 : vector<16xf32>
      %swap3A_888 = arith.index_cast %add3A_878 : i32 to index
      %swap3A_889 = arith.constant 0 : index
      %swap3A_890 = tpu.vector_load %arg11[%swap3A_888, %swap3A_889] {strides = array<i32>} : memref<832x16xf32, #tpu.memory_space<vmem>>, vector<1x16xf32>,
      %swap3A_891 = vector.shape_cast %swap3A_890 : vector<1x16xf32> to vector<16xf32>
      %swap3A_892 = vector.shape_cast %mul3A_887 : vector<16xf32> to vector<1x16xf32>
      tpu.vector_store %arg11[%swap3A_888, %swap3A_889], %swap3A_892 {strides = array<i32>} : memref<832x16xf32, #tpu.memory_space<vmem>>, vector<1x16xf32>,
      %mul3A_893 = arith.constant 16 : i32
      %mul3A_894 = arith.muli %scan3A_607, %mul3A_893 : i32
      %add3A_895 = arith.constant 768 : i32
      %add3A_896 = arith.addi %add3A_895, %mul3A_894 : i32
      %add3A_897 = arith.constant 14 : i32
      %add3A_898 = arith.addi %add3A_896, %add3A_897 : i32
      %get3A_899 = arith.index_cast %add3A_898 : i32 to index
      %get3A_900 = arith.constant 0 : index
      %get3A_901 = tpu.vector_load %arg11[%get3A_899, %get3A_900] {strides = array<i32>} : memref<832x16xf32, #tpu.memory_space<vmem>>, vector<1x16xf32>,
      %get3A_902 = vector.shape_cast %get3A_901 : vector<1x16xf32> to vector<16xf32>
      %broadcast_in_dim3A_903 = arith.constant 14 : i32
      %broadcast_in_dim3A_904 = vector.broadcast %broadcast_in_dim3A_903 : i32 to vector<16x1xi32>
      %gather3A_905 = vector.shape_cast %broadcast_in_dim3A_904 : vector<16x1xi32> to vector<16xi32>
      %gather3A_906 = tpu.dynamic_gather %get3A_614[%gather3A_905] in [0] : vector<16xf32>, vector<16xi32> -> vector<16xf32>
      %mul3A_907 = arith.mulf %get3A_902, %gather3A_906 : vector<16xf32>
      %swap3A_908 = arith.index_cast %add3A_898 : i32 to index
      %swap3A_909 = arith.constant 0 : index
      %swap3A_910 = tpu.vector_load %arg11[%swap3A_908, %swap3A_909] {strides = array<i32>} : memref<832x16xf32, #tpu.memory_space<vmem>>, vector<1x16xf32>,
      %swap3A_911 = vector.shape_cast %swap3A_910 : vector<1x16xf32> to vector<16xf32>
      %swap3A_912 = vector.shape_cast %mul3A_907 : vector<16xf32> to vector<1x16xf32>
      tpu.vector_store %arg11[%swap3A_908, %swap3A_909], %swap3A_912 {strides = array<i32>} : memref<832x16xf32, #tpu.memory_space<vmem>>, vector<1x16xf32>,
      %mul3A_913 = arith.constant 16 : i32
      %mul3A_914 = arith.muli %scan3A_607, %mul3A_913 : i32
      %add3A_915 = arith.constant 768 : i32
      %add3A_916 = arith.addi %add3A_915, %mul3A_914 : i32
      %add3A_917 = arith.constant 15 : i32
      %add3A_918 = arith.addi %add3A_916, %add3A_917 : i32
      %get3A_919 = arith.index_cast %add3A_918 : i32 to index
      %get3A_920 = arith.constant 0 : index
      %get3A_921 = tpu.vector_load %arg11[%get3A_919, %get3A_920] {strides = array<i32>} : memref<832x16xf32, #tpu.memory_space<vmem>>, vector<1x16xf32>,
      %get3A_922 = vector.shape_cast %get3A_921 : vector<1x16xf32> to vector<16xf32>
      %broadcast_in_dim3A_923 = arith.constant 15 : i32
      %broadcast_in_dim3A_924 = vector.broadcast %broadcast_in_dim3A_923 : i32 to vector<16x1xi32>
      %gather3A_925 = vector.shape_cast %broadcast_in_dim3A_924 : vector<16x1xi32> to vector<16xi32>
      %gather3A_926 = tpu.dynamic_gather %get3A_614[%gather3A_925] in [0] : vector<16xf32>, vector<16xi32> -> vector<16xf32>
      %mul3A_927 = arith.mulf %get3A_922, %gather3A_926 : vector<16xf32>
      %swap3A_928 = arith.index_cast %add3A_918 : i32 to index
      %swap3A_929 = arith.constant 0 : index
      %swap3A_930 = tpu.vector_load %arg11[%swap3A_928, %swap3A_929] {strides = array<i32>} : memref<832x16xf32, #tpu.memory_space<vmem>>, vector<1x16xf32>,
      %swap3A_931 = vector.shape_cast %swap3A_930 : vector<1x16xf32> to vector<16xf32>
      %swap3A_932 = vector.shape_cast %mul3A_927 : vector<16xf32> to vector<1x16xf32>
      tpu.vector_store %arg11[%swap3A_928, %swap3A_929], %swap3A_932 {strides = array<i32>} : memref<832x16xf32, #tpu.memory_space<vmem>>, vector<1x16xf32>,
    }
    %scan3A_461 = arith.constant 4 : i32
    %dma_start3A_462 = arith.constant 12 : i32
    %dma_start3A_463 = arith.constant 768 : i32
    %dma_start3A_464 = arith.constant 0 : i32
    %dma_start3A_465 = tpu.memref_slice %arg11[%dma_start3A_463, %dma_start3A_464] : memref<832x16xf32, #tpu.memory_space<vmem>> -> memref<64x16xf32, #tpu.memory_space<vmem>>
    %dma_start3A_466 = arith.constant 0 : i32
    %dma_start3A_467 = tpu.memref_slice %arg10[%dma_start3A_462, %dma_start3A_466] : memref<13x64xi32, #tpu.memory_space<vmem>> -> memref<1x64xi32, #tpu.memory_space<vmem>>
    %dma_start3A_468 = tpu.memref_squeeze %dma_start3A_467 : memref<1x64xi32, #tpu.memory_space<vmem>> -> memref<64xi32, #tpu.memory_space<vmem>>
    %dma_start3A_469 = arith.constant 0 : i32
    %dma_start3A_470 = arith.constant 0 : i32
    %dma_start3A_471 = tpu.memref_slice %arg14[%dma_start3A_469, %dma_start3A_470] : memref<2816x16xf32, #tpu.memory_space<vmem_shared>> -> memref<2816x16xf32, #tpu.memory_space<vmem_shared>>
    tpu.enqueue_indirect_dma source(%dma_start3A_465 : memref<64x16xf32, #tpu.memory_space<vmem>>) target(%dma_start3A_471 : memref<2816x16xf32, #tpu.memory_space<vmem_shared>>) offsets(%dma_start3A_468 : memref<64xi32, #tpu.memory_space<vmem>>) semaphore(%arg18 : memref<!tpu.dma_semaphore, #tpu.memory_space<semaphore_mem>>) {add = true}
    %dma_wait3A_472 = arith.constant 0 : i32
    %dma_wait3A_473 = arith.constant 0 : i32
    %dma_wait3A_474 = arith.constant 0 : i32
    %dma_wait3A_475 = tpu.memref_slice %arg11[%dma_wait3A_473, %dma_wait3A_474] : memref<832x16xf32, #tpu.memory_space<vmem>> -> memref<64x16xf32, #tpu.memory_space<vmem>>
    %dma_wait3A_476 = arith.constant 0 : i32
    %dma_wait3A_477 = tpu.memref_slice %arg10[%dma_wait3A_472, %dma_wait3A_476] : memref<13x64xi32, #tpu.memory_space<vmem>> -> memref<1x64xi32, #tpu.memory_space<vmem>>
    %dma_wait3A_478 = tpu.memref_squeeze %dma_wait3A_477 : memref<1x64xi32, #tpu.memory_space<vmem>> -> memref<64xi32, #tpu.memory_space<vmem>>
    %dma_wait3A_479 = arith.constant 0 : i32
    %dma_wait3A_480 = arith.constant 0 : i32
    %dma_wait3A_481 = tpu.memref_slice %arg14[%dma_wait3A_479, %dma_wait3A_480] : memref<2816x16xf32, #tpu.memory_space<vmem_shared>> -> memref<2816x16xf32, #tpu.memory_space<vmem_shared>>
    tpu.wait_indirect_dma semaphore(%arg18 : memref<!tpu.dma_semaphore, #tpu.memory_space<semaphore_mem>>) src(%dma_wait3A_475 : memref<64x16xf32, #tpu.memory_space<vmem>>) dst(%dma_wait3A_481 : memref<2816x16xf32, #tpu.memory_space<vmem_shared>>)
    %dma_wait3A_482 = arith.constant 1 : i32
    %dma_wait3A_483 = arith.constant 64 : i32
    %dma_wait3A_484 = arith.constant 0 : i32
    %dma_wait3A_485 = tpu.memref_slice %arg11[%dma_wait3A_483, %dma_wait3A_484] : memref<832x16xf32, #tpu.memory_space<vmem>> -> memref<64x16xf32, #tpu.memory_space<vmem>>
    %dma_wait3A_486 = arith.constant 0 : i32
    %dma_wait3A_487 = tpu.memref_slice %arg10[%dma_wait3A_482, %dma_wait3A_486] : memref<13x64xi32, #tpu.memory_space<vmem>> -> memref<1x64xi32, #tpu.memory_space<vmem>>
    %dma_wait3A_488 = tpu.memref_squeeze %dma_wait3A_487 : memref<1x64xi32, #tpu.memory_space<vmem>> -> memref<64xi32, #tpu.memory_space<vmem>>
    %dma_wait3A_489 = arith.constant 0 : i32
    %dma_wait3A_490 = arith.constant 0 : i32
    %dma_wait3A_491 = tpu.memref_slice %arg14[%dma_wait3A_489, %dma_wait3A_490] : memref<2816x16xf32, #tpu.memory_space<vmem_shared>> -> memref<2816x16xf32, #tpu.memory_space<vmem_shared>>
    tpu.wait_indirect_dma semaphore(%arg18 : memref<!tpu.dma_semaphore, #tpu.memory_space<semaphore_mem>>) src(%dma_wait3A_485 : memref<64x16xf32, #tpu.memory_space<vmem>>) dst(%dma_wait3A_491 : memref<2816x16xf32, #tpu.memory_space<vmem_shared>>)
    %dma_wait3A_492 = arith.constant 2 : i32
    %dma_wait3A_493 = arith.constant 128 : i32
    %dma_wait3A_494 = arith.constant 0 : i32
    %dma_wait3A_495 = tpu.memref_slice %arg11[%dma_wait3A_493, %dma_wait3A_494] : memref<832x16xf32, #tpu.memory_space<vmem>> -> memref<64x16xf32, #tpu.memory_space<vmem>>
    %dma_wait3A_496 = arith.constant 0 : i32
    %dma_wait3A_497 = tpu.memref_slice %arg10[%dma_wait3A_492, %dma_wait3A_496] : memref<13x64xi32, #tpu.memory_space<vmem>> -> memref<1x64xi32, #tpu.memory_space<vmem>>
    %dma_wait3A_498 = tpu.memref_squeeze %dma_wait3A_497 : memref<1x64xi32, #tpu.memory_space<vmem>> -> memref<64xi32, #tpu.memory_space<vmem>>
    %dma_wait3A_499 = arith.constant 0 : i32
    %dma_wait3A_500 = arith.constant 0 : i32
    %dma_wait3A_501 = tpu.memref_slice %arg14[%dma_wait3A_499, %dma_wait3A_500] : memref<2816x16xf32, #tpu.memory_space<vmem_shared>> -> memref<2816x16xf32, #tpu.memory_space<vmem_shared>>
    tpu.wait_indirect_dma semaphore(%arg18 : memref<!tpu.dma_semaphore, #tpu.memory_space<semaphore_mem>>) src(%dma_wait3A_495 : memref<64x16xf32, #tpu.memory_space<vmem>>) dst(%dma_wait3A_501 : memref<2816x16xf32, #tpu.memory_space<vmem_shared>>)
    %dma_wait3A_502 = arith.constant 3 : i32
    %dma_wait3A_503 = arith.constant 192 : i32
    %dma_wait3A_504 = arith.constant 0 : i32
    %dma_wait3A_505 = tpu.memref_slice %arg11[%dma_wait3A_503, %dma_wait3A_504] : memref<832x16xf32, #tpu.memory_space<vmem>> -> memref<64x16xf32, #tpu.memory_space<vmem>>
    %dma_wait3A_506 = arith.constant 0 : i32
    %dma_wait3A_507 = tpu.memref_slice %arg10[%dma_wait3A_502, %dma_wait3A_506] : memref<13x64xi32, #tpu.memory_space<vmem>> -> memref<1x64xi32, #tpu.memory_space<vmem>>
    %dma_wait3A_508 = tpu.memref_squeeze %dma_wait3A_507 : memref<1x64xi32, #tpu.memory_space<vmem>> -> memref<64xi32, #tpu.memory_space<vmem>>
    %dma_wait3A_509 = arith.constant 0 : i32
    %dma_wait3A_510 = arith.constant 0 : i32
    %dma_wait3A_511 = tpu.memref_slice %arg14[%dma_wait3A_509, %dma_wait3A_510] : memref<2816x16xf32, #tpu.memory_space<vmem_shared>> -> memref<2816x16xf32, #tpu.memory_space<vmem_shared>>
    tpu.wait_indirect_dma semaphore(%arg18 : memref<!tpu.dma_semaphore, #tpu.memory_space<semaphore_mem>>) src(%dma_wait3A_505 : memref<64x16xf32, #tpu.memory_space<vmem>>) dst(%dma_wait3A_511 : memref<2816x16xf32, #tpu.memory_space<vmem_shared>>)
    %dma_wait3A_512 = arith.constant 4 : i32
    %dma_wait3A_513 = arith.constant 256 : i32
    %dma_wait3A_514 = arith.constant 0 : i32
    %dma_wait3A_515 = tpu.memref_slice %arg11[%dma_wait3A_513, %dma_wait3A_514] : memref<832x16xf32, #tpu.memory_space<vmem>> -> memref<64x16xf32, #tpu.memory_space<vmem>>
    %dma_wait3A_516 = arith.constant 0 : i32
    %dma_wait3A_517 = tpu.memref_slice %arg10[%dma_wait3A_512, %dma_wait3A_516] : memref<13x64xi32, #tpu.memory_space<vmem>> -> memref<1x64xi32, #tpu.memory_space<vmem>>
    %dma_wait3A_518 = tpu.memref_squeeze %dma_wait3A_517 : memref<1x64xi32, #tpu.memory_space<vmem>> -> memref<64xi32, #tpu.memory_space<vmem>>
    %dma_wait3A_519 = arith.constant 0 : i32
    %dma_wait3A_520 = arith.constant 0 : i32
    %dma_wait3A_521 = tpu.memref_slice %arg14[%dma_wait3A_519, %dma_wait3A_520] : memref<2816x16xf32, #tpu.memory_space<vmem_shared>> -> memref<2816x16xf32, #tpu.memory_space<vmem_shared>>
    tpu.wait_indirect_dma semaphore(%arg18 : memref<!tpu.dma_semaphore, #tpu.memory_space<semaphore_mem>>) src(%dma_wait3A_515 : memref<64x16xf32, #tpu.memory_space<vmem>>) dst(%dma_wait3A_521 : memref<2816x16xf32, #tpu.memory_space<vmem_shared>>)
    %dma_wait3A_522 = arith.constant 5 : i32
    %dma_wait3A_523 = arith.constant 320 : i32
    %dma_wait3A_524 = arith.constant 0 : i32
    %dma_wait3A_525 = tpu.memref_slice %arg11[%dma_wait3A_523, %dma_wait3A_524] : memref<832x16xf32, #tpu.memory_space<vmem>> -> memref<64x16xf32, #tpu.memory_space<vmem>>
    %dma_wait3A_526 = arith.constant 0 : i32
    %dma_wait3A_527 = tpu.memref_slice %arg10[%dma_wait3A_522, %dma_wait3A_526] : memref<13x64xi32, #tpu.memory_space<vmem>> -> memref<1x64xi32, #tpu.memory_space<vmem>>
    %dma_wait3A_528 = tpu.memref_squeeze %dma_wait3A_527 : memref<1x64xi32, #tpu.memory_space<vmem>> -> memref<64xi32, #tpu.memory_space<vmem>>
    %dma_wait3A_529 = arith.constant 0 : i32
    %dma_wait3A_530 = arith.constant 0 : i32
    %dma_wait3A_531 = tpu.memref_slice %arg14[%dma_wait3A_529, %dma_wait3A_530] : memref<2816x16xf32, #tpu.memory_space<vmem_shared>> -> memref<2816x16xf32, #tpu.memory_space<vmem_shared>>
    tpu.wait_indirect_dma semaphore(%arg18 : memref<!tpu.dma_semaphore, #tpu.memory_space<semaphore_mem>>) src(%dma_wait3A_525 : memref<64x16xf32, #tpu.memory_space<vmem>>) dst(%dma_wait3A_531 : memref<2816x16xf32, #tpu.memory_space<vmem_shared>>)
    %dma_wait3A_532 = arith.constant 6 : i32
    %dma_wait3A_533 = arith.constant 384 : i32
    %dma_wait3A_534 = arith.constant 0 : i32
    %dma_wait3A_535 = tpu.memref_slice %arg11[%dma_wait3A_533, %dma_wait3A_534] : memref<832x16xf32, #tpu.memory_space<vmem>> -> memref<64x16xf32, #tpu.memory_space<vmem>>
    %dma_wait3A_536 = arith.constant 0 : i32
    %dma_wait3A_537 = tpu.memref_slice %arg10[%dma_wait3A_532, %dma_wait3A_536] : memref<13x64xi32, #tpu.memory_space<vmem>> -> memref<1x64xi32, #tpu.memory_space<vmem>>
    %dma_wait3A_538 = tpu.memref_squeeze %dma_wait3A_537 : memref<1x64xi32, #tpu.memory_space<vmem>> -> memref<64xi32, #tpu.memory_space<vmem>>
    %dma_wait3A_539 = arith.constant 0 : i32
    %dma_wait3A_540 = arith.constant 0 : i32
    %dma_wait3A_541 = tpu.memref_slice %arg14[%dma_wait3A_539, %dma_wait3A_540] : memref<2816x16xf32, #tpu.memory_space<vmem_shared>> -> memref<2816x16xf32, #tpu.memory_space<vmem_shared>>
    tpu.wait_indirect_dma semaphore(%arg18 : memref<!tpu.dma_semaphore, #tpu.memory_space<semaphore_mem>>) src(%dma_wait3A_535 : memref<64x16xf32, #tpu.memory_space<vmem>>) dst(%dma_wait3A_541 : memref<2816x16xf32, #tpu.memory_space<vmem_shared>>)
    %dma_wait3A_542 = arith.constant 7 : i32
    %dma_wait3A_543 = arith.constant 448 : i32
    %dma_wait3A_544 = arith.constant 0 : i32
    %dma_wait3A_545 = tpu.memref_slice %arg11[%dma_wait3A_543, %dma_wait3A_544] : memref<832x16xf32, #tpu.memory_space<vmem>> -> memref<64x16xf32, #tpu.memory_space<vmem>>
    %dma_wait3A_546 = arith.constant 0 : i32
    %dma_wait3A_547 = tpu.memref_slice %arg10[%dma_wait3A_542, %dma_wait3A_546] : memref<13x64xi32, #tpu.memory_space<vmem>> -> memref<1x64xi32, #tpu.memory_space<vmem>>
    %dma_wait3A_548 = tpu.memref_squeeze %dma_wait3A_547 : memref<1x64xi32, #tpu.memory_space<vmem>> -> memref<64xi32, #tpu.memory_space<vmem>>
    %dma_wait3A_549 = arith.constant 0 : i32
    %dma_wait3A_550 = arith.constant 0 : i32
    %dma_wait3A_551 = tpu.memref_slice %arg14[%dma_wait3A_549, %dma_wait3A_550] : memref<2816x16xf32, #tpu.memory_space<vmem_shared>> -> memref<2816x16xf32, #tpu.memory_space<vmem_shared>>
    tpu.wait_indirect_dma semaphore(%arg18 : memref<!tpu.dma_semaphore, #tpu.memory_space<semaphore_mem>>) src(%dma_wait3A_545 : memref<64x16xf32, #tpu.memory_space<vmem>>) dst(%dma_wait3A_551 : memref<2816x16xf32, #tpu.memory_space<vmem_shared>>)
    %dma_wait3A_552 = arith.constant 8 : i32
    %dma_wait3A_553 = arith.constant 512 : i32
    %dma_wait3A_554 = arith.constant 0 : i32
    %dma_wait3A_555 = tpu.memref_slice %arg11[%dma_wait3A_553, %dma_wait3A_554] : memref<832x16xf32, #tpu.memory_space<vmem>> -> memref<64x16xf32, #tpu.memory_space<vmem>>
    %dma_wait3A_556 = arith.constant 0 : i32
    %dma_wait3A_557 = tpu.memref_slice %arg10[%dma_wait3A_552, %dma_wait3A_556] : memref<13x64xi32, #tpu.memory_space<vmem>> -> memref<1x64xi32, #tpu.memory_space<vmem>>
    %dma_wait3A_558 = tpu.memref_squeeze %dma_wait3A_557 : memref<1x64xi32, #tpu.memory_space<vmem>> -> memref<64xi32, #tpu.memory_space<vmem>>
    %dma_wait3A_559 = arith.constant 0 : i32
    %dma_wait3A_560 = arith.constant 0 : i32
    %dma_wait3A_561 = tpu.memref_slice %arg14[%dma_wait3A_559, %dma_wait3A_560] : memref<2816x16xf32, #tpu.memory_space<vmem_shared>> -> memref<2816x16xf32, #tpu.memory_space<vmem_shared>>
    tpu.wait_indirect_dma semaphore(%arg18 : memref<!tpu.dma_semaphore, #tpu.memory_space<semaphore_mem>>) src(%dma_wait3A_555 : memref<64x16xf32, #tpu.memory_space<vmem>>) dst(%dma_wait3A_561 : memref<2816x16xf32, #tpu.memory_space<vmem_shared>>)
    %dma_wait3A_562 = arith.constant 9 : i32
    %dma_wait3A_563 = arith.constant 576 : i32
    %dma_wait3A_564 = arith.constant 0 : i32
    %dma_wait3A_565 = tpu.memref_slice %arg11[%dma_wait3A_563, %dma_wait3A_564] : memref<832x16xf32, #tpu.memory_space<vmem>> -> memref<64x16xf32, #tpu.memory_space<vmem>>
    %dma_wait3A_566 = arith.constant 0 : i32
    %dma_wait3A_567 = tpu.memref_slice %arg10[%dma_wait3A_562, %dma_wait3A_566] : memref<13x64xi32, #tpu.memory_space<vmem>> -> memref<1x64xi32, #tpu.memory_space<vmem>>
    %dma_wait3A_568 = tpu.memref_squeeze %dma_wait3A_567 : memref<1x64xi32, #tpu.memory_space<vmem>> -> memref<64xi32, #tpu.memory_space<vmem>>
    %dma_wait3A_569 = arith.constant 0 : i32
    %dma_wait3A_570 = arith.constant 0 : i32
    %dma_wait3A_571 = tpu.memref_slice %arg14[%dma_wait3A_569, %dma_wait3A_570] : memref<2816x16xf32, #tpu.memory_space<vmem_shared>> -> memref<2816x16xf32, #tpu.memory_space<vmem_shared>>
    tpu.wait_indirect_dma semaphore(%arg18 : memref<!tpu.dma_semaphore, #tpu.memory_space<semaphore_mem>>) src(%dma_wait3A_565 : memref<64x16xf32, #tpu.memory_space<vmem>>) dst(%dma_wait3A_571 : memref<2816x16xf32, #tpu.memory_space<vmem_shared>>)
    %dma_wait3A_572 = arith.constant 10 : i32
    %dma_wait3A_573 = arith.constant 640 : i32
    %dma_wait3A_574 = arith.constant 0 : i32
    %dma_wait3A_575 = tpu.memref_slice %arg11[%dma_wait3A_573, %dma_wait3A_574] : memref<832x16xf32, #tpu.memory_space<vmem>> -> memref<64x16xf32, #tpu.memory_space<vmem>>
    %dma_wait3A_576 = arith.constant 0 : i32
    %dma_wait3A_577 = tpu.memref_slice %arg10[%dma_wait3A_572, %dma_wait3A_576] : memref<13x64xi32, #tpu.memory_space<vmem>> -> memref<1x64xi32, #tpu.memory_space<vmem>>
    %dma_wait3A_578 = tpu.memref_squeeze %dma_wait3A_577 : memref<1x64xi32, #tpu.memory_space<vmem>> -> memref<64xi32, #tpu.memory_space<vmem>>
    %dma_wait3A_579 = arith.constant 0 : i32
    %dma_wait3A_580 = arith.constant 0 : i32
    %dma_wait3A_581 = tpu.memref_slice %arg14[%dma_wait3A_579, %dma_wait3A_580] : memref<2816x16xf32, #tpu.memory_space<vmem_shared>> -> memref<2816x16xf32, #tpu.memory_space<vmem_shared>>
    tpu.wait_indirect_dma semaphore(%arg18 : memref<!tpu.dma_semaphore, #tpu.memory_space<semaphore_mem>>) src(%dma_wait3A_575 : memref<64x16xf32, #tpu.memory_space<vmem>>) dst(%dma_wait3A_581 : memref<2816x16xf32, #tpu.memory_space<vmem_shared>>)
    %dma_wait3A_582 = arith.constant 11 : i32
    %dma_wait3A_583 = arith.constant 704 : i32
    %dma_wait3A_584 = arith.constant 0 : i32
    %dma_wait3A_585 = tpu.memref_slice %arg11[%dma_wait3A_583, %dma_wait3A_584] : memref<832x16xf32, #tpu.memory_space<vmem>> -> memref<64x16xf32, #tpu.memory_space<vmem>>
    %dma_wait3A_586 = arith.constant 0 : i32
    %dma_wait3A_587 = tpu.memref_slice %arg10[%dma_wait3A_582, %dma_wait3A_586] : memref<13x64xi32, #tpu.memory_space<vmem>> -> memref<1x64xi32, #tpu.memory_space<vmem>>
    %dma_wait3A_588 = tpu.memref_squeeze %dma_wait3A_587 : memref<1x64xi32, #tpu.memory_space<vmem>> -> memref<64xi32, #tpu.memory_space<vmem>>
    %dma_wait3A_589 = arith.constant 0 : i32
    %dma_wait3A_590 = arith.constant 0 : i32
    %dma_wait3A_591 = tpu.memref_slice %arg14[%dma_wait3A_589, %dma_wait3A_590] : memref<2816x16xf32, #tpu.memory_space<vmem_shared>> -> memref<2816x16xf32, #tpu.memory_space<vmem_shared>>
    tpu.wait_indirect_dma semaphore(%arg18 : memref<!tpu.dma_semaphore, #tpu.memory_space<semaphore_mem>>) src(%dma_wait3A_585 : memref<64x16xf32, #tpu.memory_space<vmem>>) dst(%dma_wait3A_591 : memref<2816x16xf32, #tpu.memory_space<vmem_shared>>)
    %dma_wait3A_592 = arith.constant 12 : i32
    %dma_wait3A_593 = arith.constant 768 : i32
    %dma_wait3A_594 = arith.constant 0 : i32
    %dma_wait3A_595 = tpu.memref_slice %arg11[%dma_wait3A_593, %dma_wait3A_594] : memref<832x16xf32, #tpu.memory_space<vmem>> -> memref<64x16xf32, #tpu.memory_space<vmem>>
    %dma_wait3A_596 = arith.constant 0 : i32
    %dma_wait3A_597 = tpu.memref_slice %arg10[%dma_wait3A_592, %dma_wait3A_596] : memref<13x64xi32, #tpu.memory_space<vmem>> -> memref<1x64xi32, #tpu.memory_space<vmem>>
    %dma_wait3A_598 = tpu.memref_squeeze %dma_wait3A_597 : memref<1x64xi32, #tpu.memory_space<vmem>> -> memref<64xi32, #tpu.memory_space<vmem>>
    %dma_wait3A_599 = arith.constant 0 : i32
    %dma_wait3A_600 = arith.constant 0 : i32
    %dma_wait3A_601 = tpu.memref_slice %arg14[%dma_wait3A_599, %dma_wait3A_600] : memref<2816x16xf32, #tpu.memory_space<vmem_shared>> -> memref<2816x16xf32, #tpu.memory_space<vmem_shared>>
    tpu.wait_indirect_dma semaphore(%arg18 : memref<!tpu.dma_semaphore, #tpu.memory_space<semaphore_mem>>) src(%dma_wait3A_595 : memref<64x16xf32, #tpu.memory_space<vmem>>) dst(%dma_wait3A_601 : memref<2816x16xf32, #tpu.memory_space<vmem_shared>>)
    %barrier3A_602 = arith.constant 0 : index
    tpu.barrier barrier_id(%barrier3A_602)
    %mul3A_603 = arith.constant 16 : i32
    %mul3A_604 = arith.muli %arg0, %mul3A_603 : i32
    %add3A = arith.addi %mul3A_604, %arg1 : i32
    %mul3A_605 = arith.constant 88 : i32
    %mul3A_606 = arith.muli %add3A, %mul3A_605 : i32
    "tpu.region"() ({
      %run_scoped3A = tpu.sem_alloc : memref<!tpu.dma_semaphore, #tpu.memory_space<semaphore_mem>>
      %dma_start3A_607 = arith.constant 0 : i32
      %dma_start3A_608 = tpu.memref_slice %arg6[%mul3A_606, %dma_start3A_607] : memref<2816x16xf32, #tpu.memory_space<hbm>> -> memref<88x16xf32, #tpu.memory_space<hbm>>
      %dma_start3A_609 = arith.constant 0 : i32
      %dma_start3A_610 = tpu.memref_slice %arg14[%mul3A_606, %dma_start3A_609] : memref<2816x16xf32, #tpu.memory_space<vmem_shared>> -> memref<88x16xf32, #tpu.memory_space<vmem_shared>>
      tpu.enqueue_dma source(%dma_start3A_610 : memref<88x16xf32, #tpu.memory_space<vmem_shared>>) target(%dma_start3A_608 : memref<88x16xf32, #tpu.memory_space<hbm>>) target_semaphore(%run_scoped3A : memref<!tpu.dma_semaphore, #tpu.memory_space<semaphore_mem>>)
      %dma_wait3A_611 = arith.constant 0 : i32
      %dma_wait3A_612 = tpu.memref_slice %arg6[%mul3A_606, %dma_wait3A_611] : memref<2816x16xf32, #tpu.memory_space<hbm>> -> memref<88x16xf32, #tpu.memory_space<hbm>>
      %dma_wait3A_613 = arith.constant 0 : i32
      %dma_wait3A_614 = tpu.memref_slice %arg14[%mul3A_606, %dma_wait3A_613] : memref<2816x16xf32, #tpu.memory_space<vmem_shared>> -> memref<88x16xf32, #tpu.memory_space<vmem_shared>>
      tpu.wait_dma2 semaphore(%run_scoped3A : memref<!tpu.dma_semaphore, #tpu.memory_space<semaphore_mem>>) src(%dma_wait3A_614 : memref<88x16xf32, #tpu.memory_space<vmem_shared>>) dst(%dma_wait3A_612 : memref<88x16xf32, #tpu.memory_space<hbm>>)
      tpu.yield
    }) : () -> ()
    return
  }
}

module attributes {stable_mosaic.version = 14 : i64} {
  func.func @_mm_body(%arg0: i32, %arg1: memref<1433x1408xf32, #tpu.memory_space<vmem>>, %arg2: memref<16x1433xf32, #tpu.memory_space<vmem>>, %arg3: memref<1408x16xf32, #tpu.memory_space<vmem>>) attributes {dimension_semantics = [#tpu.dimension_semantics<arbitrary>], iteration_bounds = array<i64: 2>, scalar_prefetch = 0 : i64, scratch_operands = 0 : i64, tpu.core_type = #tpu.core_type<tc>, window_params = [{transform_indices = @transform_0, window_bounds = array<i64: 1433, 1408>}, {pipeline_mode = #tpu.pipeline_mode<synchronous>, transform_indices = @transform_1, window_bounds = array<i64: 16, 1433>}, {transform_indices = @transform_2, window_bounds = array<i64: 1408, 16>}]} {
    %get3A = arith.constant 0 : index
    %get3A_0 = arith.constant 0 : index
    %get3A_1 = vector.load %arg1[%get3A, %get3A_0] : memref<1433x1408xf32, #tpu.memory_space<vmem>>, vector<1433x1408xf32>
    %get3A_2 = arith.constant 0 : index
    %get3A_3 = arith.constant 0 : index
    %get3A_4 = vector.load %arg2[%get3A_2, %get3A_3] : memref<16x1433xf32, #tpu.memory_space<vmem>>, vector<16x1433xf32>
    %dot_general3A = arith.constant dense<0.000000e+00> : vector<1408x16xf32>
    %dot_general3A_5 = tpu.matmul %get3A_1, %get3A_4, %dot_general3A {dimension_numbers = #tpu.dot_dimension_numbers<[0], [1], [1], [0], [0, 1, 1, 0], [], []>, transpose_lhs_hint = false} : vector<1433x1408xf32>, vector<16x1433xf32>, vector<1408x16xf32> -> vector<1408x16xf32>
    %swap3A = arith.constant 0 : index
    %swap3A_6 = arith.constant 0 : index
    %swap3A_7 = vector.load %arg3[%swap3A, %swap3A_6] : memref<1408x16xf32, #tpu.memory_space<vmem>>, vector<1408x16xf32>
    tpu.vector_store %arg3[%swap3A, %swap3A_6], %dot_general3A_5 {strides = array<i32>} : memref<1408x16xf32, #tpu.memory_space<vmem>>, vector<1408x16xf32>,
    return
  }
  func.func @transform_0(%arg0: i32) -> (i32, i32) {
    %c0_i32 = arith.constant 0 : i32
    %c0_i32_0 = arith.constant 0 : i32
    return %c0_i32, %arg0 : i32, i32
  }
  func.func @transform_1(%arg0: i32) -> (i32, i32) {
    %c0_i32 = arith.constant 0 : i32
    %c0_i32_0 = arith.constant 0 : i32
    %c0_i32_1 = arith.constant 0 : i32
    return %c0_i32, %c0_i32_0 : i32, i32
  }
  func.func @transform_2(%arg0: i32) -> (i32, i32) {
    %c0_i32 = arith.constant 0 : i32
    %c0_i32_0 = arith.constant 0 : i32
    return %arg0, %c0_i32 : i32, i32
  }
}

</mosaic_0001>

<sc_bundles>
// kernel: kernel.4.cloned.1.call-start
scs
__scs_entry_jumppad:
0x0: {  	(pc) =	sbr.rel $0x88, $3  }
0x1: {  	(tag) =	ssettag $0x0;
	lr =	simm.s32 $0x1  }
0x2: {  	[smem:$0x3F9C] =	sst lr;
	_ =	strace $0xD0000000  }
0x3: {  	_ = 	snop  }
0x4: {  	_ = 	snop  }
0x5: {  	_ = 	snop  }
0x6: {  	_ = 	snop  }
0x7: {  	_ = 	snop  }
__scs_overlays_trampoline_lowered:
0x8: {  	[smem:$0x3FAB] =	sst s0  }
0x9: {  	[smem:$0x3FAC] =	sst s1  }
0xa: {  	[smem:$0x3FAD] =	sst s2  }
0xb: {  	[smem:$0x3FAE] =	sst s3  }
0xc: {  	[smem:$0x3FAF] =	sst s4  }
0xd: {  	[smem:$0x3FB0] =	sst s5  }
0xe: {  	[smem:$0x3FB1] =	sst s6  }
0xf: {  	[smem:$0x3FB2] =	sst s7  }
0x10: {  	[smem:$0x3FB3] =	sst s8  }
0x11: {  	[smem:$0x3FB4] =	sst s9;
	s0 =	simm.s32 @!p0 $0x0  }
0x12: {  	s1 =	sld [smem:$0x3F9A];
	s0 =	simm.s32 @p0 $0x1  }
0x13: {  	[smem:$0x3FB5] =	sst s0;
	s0 =	simm.s32 @!p1 $0x0  }
0x14: {  	s2 =	sld [smem:$0x3F99];
	s0 =	simm.s32 @p1 $0x1  }
0x15: {  	[smem:$0x3FB6] =	sst s0;
	s0 =	simm.s32 @!p2 $0x0  }
0x16: {  	s3 =	sld [smem:$0x3FDB];
	s0 =	simm.s32 @p2 $0x1  }
0x17: {  	s4 =	simm.s32 $0x1BF5;
	[smem:$0x3FB8] =	sst s0  }
0x18: {  	s0 =	sld [smem:$0x3F9B];
	_ =	swait.ge [sflag:s4], $0x0  }
0x19: {  	s7 =	sld [smem:$0x3F9C]  }
0x1a: {  	s8 =	sadd.s32 $0xFFFFE003, lr  }
0x1b: {  	s9 =	sadd.s32 $0xFFFFFEF7, lr;
	s5 =	simm.s32 $0xFFFFFFFF;
	p2 =	slt.u32 s8, $0xFFFFF086  }
0x1c: {  	p1 =	slt.u32 s9, $0xF7A;
	s5 =	simm.s32 @!p2 $0x0  }
0x1d: {  	s5 =	simm.s32 @p1 $0x1;
	p0 =	seq.s32 s7, s2  }
0x1e: {  	s7 =	smul.u32 @!p0 $0xF7A, s2;
	p2 =	seq.s32 @!p0 s5, $0x0  }
0x1f: {  	s9 =	smul.u32 $0xF7A, s1;
	s8 =	simm.s32 @!p0 $0x1BF5;
	p2 =	por !p2, p0  }
0x20: {  	[sflag:s8] =	ssyncset.s32 @!p0 $0xFFFFF086;
	s6 =	sadd.s32 @!p0 s3, s7;
	s7 =	simm.s32 @!p0 $0x108  }
0x21: {  	s3 =	sadd.s32 s3, s9;
	s6 =	sadd.s32 @!p0 $0x88, s6;
	s7 =	simm.s32 @p2 $0x1082  }
0x22: {  	[simem:s7], [sflag:s8] =	dma.local @!p0 [hbm:s6], $0xF7A  }
0x23: {  	s9 =	sor.u32 $0xD0000000, s2;
	s6 =	simm.s32 $0x108;
	_ =	swait.ge @!p0 [sflag:s8], $0x0  }
0x24: {  	s3 =	sadd.s32 $0x88, s3;
	s6 =	simm.s32 @!p1 $0x1082;
	[sflag:s4] =	ssyncset.s32 $0xFFFFF086  }
0x25: {  	[simem:s6], [sflag:s4] =	dma.local [hbm:s3], $0xF7A  }
0x26: {  	[smem:$0x3F9C] =	sst s1;
	(tag) =	ssettag s2;
	_ =	strace s9  }
0x27: {  	s1 =	sld [smem:$0x3FAC]  }
0x28: {  	s2 =	sld [smem:$0x3FAD]  }
0x29: {  	s4 =	sld [smem:$0x3FAF]  }
0x2a: {  	p0 =	seq.s32 s5, $0x0;
	s5 =	sld [smem:$0x3FB0]  }
0x2b: {  	s6 =	sld [smem:$0x3FB1]  }
0x2c: {  	s7 =	sld [smem:$0x3FB2]  }
0x2d: {  	s3 =	simm.s32 $0x108;
	s8 =	sld [smem:$0x3FB3]  }
0x2e: {  	s3 =	simm.s32 @!p0 $0x1082;
	s9 =	sld [smem:$0x3FB4]  }
0x2f: {  	lr =	sadd.s32 s0, s3;
	s0 =	sld [smem:$0x3FAB]  }
0x30: {  	s3 =	sld [smem:$0x3FAE]  }
0x31: {  	[smem:$0x3FB7] =	sst s10  }
0x32: {  	s10 =	sld [smem:$0x3FB5];
	_ =	sdelay $0x3  }
0x33: {  	p0 =	seq.s32 s10, $0x1;
	s10 =	sld [smem:$0x3FB7];
	_ =	sdelay $0x3  }
0x34: {  	[smem:$0x3FB7] =	sst s10  }
0x35: {  	s10 =	sld [smem:$0x3FB6];
	_ =	sdelay $0x3  }
0x36: {  	p1 =	seq.s32 s10, $0x1;
	s10 =	sld [smem:$0x3FB7];
	_ =	sdelay $0x3  }
0x37: {  	[smem:$0x3FB7] =	sst s10  }
0x38: {  	s10 =	sld [smem:$0x3FB8]  }
0x39: {  	_ = 	snop;
	(pc) =	sbr.ind lr, $3  }
0x3a: {  	_ = 	snop  }
0x3b: {  	_ = 	snop  }
0x3c: {  	p2 =	seq.s32 s10, $0x1;
	s10 =	sld [smem:$0x3FB7]  }
0x3d: {  	_ =	shalt  }
0x3e: {  	_ =	shalt  }
0x3f: {  	_ =	shalt  }
0x40: {  	_ =	shalt  }
0x41: {  	_ =	shalt  }
0x42: {  	_ =	shalt  }
0x43: {  	_ =	shalt  }
0x44: {  	_ =	shalt  }
0x45: {  	_ =	shalt  }
0x46: {  	_ =	shalt  }
0x47: {  	_ =	shalt  }
0x48: {  	_ =	shalt  }
0x49: {  	_ =	shalt  }
0x4a: {  	_ =	shalt  }
0x4b: {  	_ =	shalt  }
0x4c: {  	_ =	shalt  }
0x4d: {  	_ =	shalt  }
0x4e: {  	_ =	shalt  }
0x4f: {  	_ =	shalt  }
0x50: {  	_ =	shalt  }
0x51: {  	_ =	shalt  }
0x52: {  	_ =	shalt  }
0x53: {  	_ =	shalt  }
0x54: {  	_ =	shalt  }
0x55: {  	_ =	shalt  }
0x56: {  	_ =	shalt  }
0x57: {  	_ =	shalt  }
0x58: {  	_ =	shalt  }
0x59: {  	_ =	shalt  }
0x5a: {  	_ =	shalt  }
0x5b: {  	_ =	shalt  }
0x5c: {  	_ =	shalt  }
0x5d: {  	_ =	shalt  }
0x5e: {  	_ =	shalt  }
0x5f: {  	_ =	shalt  }
0x60: {  	_ =	shalt  }
0x61: {  	_ =	shalt  }
0x62: {  	_ =	shalt  }
0x63: {  	_ =	shalt  }
0x64: {  	_ =	shalt  }
0x65: {  	_ =	shalt  }
0x66: {  	_ =	shalt  }
0x67: {  	_ =	shalt  }
0x68: {  	_ =	shalt  }
0x69: {  	_ =	shalt  }
0x6a: {  	_ =	shalt  }
0x6b: {  	_ =	shalt  }
0x6c: {  	_ =	shalt  }
0x6d: {  	_ =	shalt  }
0x6e: {  	_ =	shalt  }
0x6f: {  	_ =	shalt  }
0x70: {  	_ =	shalt  }
0x71: {  	_ =	shalt  }
0x72: {  	_ =	shalt  }
0x73: {  	_ =	shalt  }
0x74: {  	_ =	shalt  }
0x75: {  	_ =	shalt  }
0x76: {  	_ =	shalt  }
0x77: {  	_ =	shalt  }
0x78: {  	_ =	shalt  }
0x79: {  	_ =	shalt  }
0x7a: {  	_ =	shalt  }
0x7b: {  	_ =	shalt  }
0x7c: {  	_ =	shalt  }
0x7d: {  	_ =	shalt  }
0x7e: {  	_ =	shalt  }
0x7f: {  	_ =	shalt  }
0x80: {  	_ =	shalt  }
0x81: {  	_ =	shalt  }
0x82: {  	_ =	shalt  }
0x83: {  	_ =	shalt  }
0x84: {  	_ =	shalt  }
0x85: {  	_ =	shalt  }
0x86: {  	_ =	shalt  }
0x87: {  	_ =	shalt  }
.Lfunc_end0:
.L_simem_size_0:
called_computation_lowered:
.L_overlay_start_0:
0x88: {  	s2 =	sld [smem:$0x3FD9]  }
0x89: {  	s3 =	sld [smem:$0x3FFE];
	_ =	sdelay $0x1  }
0x8a: {  	s1 =	srdreg.scid  }
0x8b: {  	s0 =	sand.u32 $0x1, s1  }
0x8c: {  	s17 =	sshll.u32 s0, $0xA;
	s2 =	sadd.s32 s3, s2  }
0x8d: {  	s2 =	sadd.s32 s2, s17  }
0x8e: {  	[smem:$0x3FC3] =	sst s2  }
0x8f: {  	_ = 	snop  }
0x90: {  	s2 =	sld [smem:$0x3FC8]  }
0x91: {  	s18 =	sld [smem:$0x3FC6]  }
0x92: {  	s4 =	sld [smem:$0x3FD0];
	(tm) =	ssettm $0x1  }
0x93: {  	s5 =	sld [smem:$0x3FFB];
	_ =	sdelay $0x3  }
0x94: {  	_ =	strace s5  }
0x95: {  	s5 =	sld [smem:$0x3FFC];
	_ =	sdelay $0x3  }
0x96: {  	_ =	strace s5  }
0x97: {  	s5 =	sld [smem:$0x3FFD];
	_ =	sdelay $0x3  }
0x98: {  	_ =	strace s5  }
0x99: {  	_ =	strace $0x8FFFFFFF  }
0x9a: {  	s19 =	sld [smem:$0x3FDB];
	_ =	sdelay $0x1  }
0x9b: {  	s6 =	simm.s32 $_scs_section_size  }
0x9c: {  	s7 =	simm.s32 $_size__tile_overlayer_lowered;
	s8 =	simm.s32 $_tile_overlayer_lowered  }
0x9d: {  	s22 =	simm.s32 $0x1BFF;
	s21 =	sshll.u32 s8, $0x1;
	s5 =	sadd.s32 s6, s19  }
0x9e: {  	s9 =	simm.s32 $0x0;
	s20 =	sshll.u32 s7, $0x1;
	s7 =	sadd.s32 s21, s5  }
0x9f: {  	[timem:s9], [sflag:s22] =	dma.local [hbm:s7], s20  }
0xa0: {  	_ =	swait.ge [sflag:s22], s20  }
0xa1: {  	s6 =	ssub.s32 $0x0, s20;
	[sflag:s22] =	ssyncset.done $0x0  }
0xa2: {  	[sflag:s22] =	ssyncadd.s32 s6;
	_ =	sdelay $0x1  }
0xa3: {  	s23 =	simm.s32 $0x1B8B  }
0xa4: {  	_ =	swait.ge [sflag:s23], $0x1  }
0xa5: {  	[sflag:s23] =	ssyncset.done $0x0  }
0xa6: {  	s25 =	simm.s32 $0x1B8E;
	s24 =	sld [smem:$0x3FFE];
	[sflag:s23] =	ssyncadd.s32 $0xFFFFFFFF  }
0xa7: {  	s26 =	simm.s32 $execute0_lowered;
	[smem:$0x3FD2] =	sst s25  }
0xa8: {  	s7 =	sshll.u32 s26, $0x1;
	_ =	strace $0x80000046;
	[dreg:$0x1] =	wrdreg $0xFFFFFFFF  }
0xa9: {  	s28 =	simm.s32 $_size_execute0_lowered;
	s5 =	sadd.s32 s5, s7;
	[dreg:$0x0] =	wrdreg $0x0  }
0xaa: {  	s7 =	sshll.u32 s28, $0x1;
	[dreg:$0x2] =	wrdreg s5  }
0xab: {  	[dreg:$0x3] =	wrdreg s7  }
0xac: {  	[dreg:$0x4] =	wrdreg $0xC0  }
0xad: {  	_ =	task [dreg:s9], $0x5FFFF  }
0xae: {  	[dreg:$0x1] =	wrdreg $0xFFFFFFFF  }
0xaf: {  	[dreg:$0x0] =	wrdreg $0x60  }
0xb0: {  	[dreg:$0x2] =	wrdreg s4  }
0xb1: {  	[dreg:$0x3] =	wrdreg s24  }
0xb2: {  	[dreg:$0x4] =	wrdreg s18  }
0xb3: {  	[dreg:$0x5] =	wrdreg s2  }
0xb4: {  	[dreg:$0x6] =	wrdreg $0x57100  }
0xb5: {  	[dreg:$0x7] =	wrdreg $0x4C100  }
0xb6: {  	[dreg:$0x8] =	wrdreg $0x9  }
0xb7: {  	_ =	task.clear_ibuf [dreg:s9], $0x9FFFF;
	_ =	strace $0x90000046  }
0xb8: {  	s29 =	simm.s32 $0x9;
	_ =	strace $0x80000048  }
0xb9: {  	_ =	swait.ge [sflag:s29], $0x1  }
0xba: {  	[sflag:s29] =	ssyncadd.s32 $0xFFFFFFFF  }
0xbb: {  	_ =	strace $0x90000048  }
0xbc: {  	_ =	sfence  }
0xbd: {  	s30 =	sld [smem:$0x0];
	_ =	sdelay $0x2  }
0xbe: {  	s31 =	sshll.u32 s1, $0xD;
	s1 =	sshrl.u32 s1, $0x2  }
0xbf: {  	s3 =	sand.u32 $0x4000, s31;
	s1 =	sadd.s32 s1, s30  }
0xc0: {  	s0 =	sor.u32 s3, s0;
	s1 =	sshll.u32 s1, $0x11  }
0xc1: {  	s0 =	sor.u32 s1, s0  }
0xc2: {  	s0 =	sadd.s32 $0x8F2B, s0  }
0xc3: {  	[sflag:s0] =	ssyncadd.remote.s32 $0x1  }
0xc4: {  	_ =	sfence.sel $0xFFFF  }
0xc5: {  	[dreg:$0x0] =	wrdreg $0xFFFFFFFF;
	(pc) =	sbr.abs _section_cstart, $3  }
0xc6: {  	[dreg:$0x1] =	wrdreg $0xFFFFFFFF  }
0xc7: {  	_ =	task.clear_ibuf [dreg:s9], $0x2FFFF;
	_ =	strace $0x9FFFFFFF  }
0xc8: {  	(tm) =	ssettm $0x7FFFFFFF  }
0xc9: {  	_ =	shalt  }
tec
execute0_lowered:
.L_overlay_start_1:
0x0: {  	(tag) =	ssettag $0x1  }
0x1: {  	s0 =	rddreg [dreg:$0x0]  }
0x2: {  	s1 =	rddreg [dreg:$0x1]  }
0x3: {  	s2 =	rddreg [dreg:$0x2];
	s4 =	srdreg.scid  }
0x4: {  	s3 =	rddreg [dreg:$0x4];
	s10 =	stileid.u32;
	s6 =	simm.s32 $0x0  }
0x5: {  	s20 =	simm.s32 $0x4;
	s22 =	simm.s32 $0x1;
	s23 =	simm.s32 $0x2  }
0x6: {  	s24 =	simm.s32 $0x40;
	s29 =	simm.s32 $0x3100;
	s19 =	simm.s32 $0x3500  }
0x7: {  	s28 =	simm.s32 $0x3;
	s7 =	sand.u32 $0x1, s4;
	s4 =	rddreg [dreg:$0x5]  }
0x8: {  	s30 =	simm.s32 $0x0;
	s5 =	smul.u32 $0x340, s10;
	[smem:$0x7FF] =	sst s6  }
0x9: {  	s13 =	smul.u32 $0xB00, s10;
	s8 =	sshll.u32 s7, $0x4;
	_ =	strace $0x80000047  }
0xa: {  	s7 =	ssub.s32 $0x2, s7;
	s8 =	sor.u32 s10, s8;
	s12 =	sshrl.u32 s5, $0x3  }
0xb: {  	s9 =	sshrl.u32 s7, $0x1;
	s17 =	sadd.s32 s13, s3;
	s26 =	sshrl.u32 s13, $0x3  }
0xc: {  	v0 =	vlaneseq.u32;
	s13 =	sadd.s32 s13, s4;
	s15 =	smul.u32 $0x580, s8;
	s11 =	sadd.s32 s12, s1  }
0xd: {  	v1 =	vimm.s32 $0x0;
	v2 =	vimm.s32 $0x1;
	v3 =	vimm.s32 $0x2;
	s16 =	ssub.s32 s7, s9;
	s9 =	sadd.s32 s0, s26;
	s12 =	sadd.s32 s2, s12  }
0xe: {  	v4 =	vimm.s32 $0x3;
	v5 =	vimm.s32 $0x4;
	v6 =	vimm.s32 $0x5;
	s0 =	simm.s32 $0x3900;
	s26 =	simm.s32 $0x3D00;
	s25 =	sadd.s32 $0x800, s11  }
0xf: {  	v7 =	vimm.s32 $0x6;
	v8 =	vimm.s32 $0x7;
	v9 =	vimm.s32 $0x8;
	s11 =	sadd.s32 $0xE7A, s11;
	s8 =	sshrl.u32 s15, $0x3;
	[dreg:$0x7] =	wrdreg s25  }
0x10: {  	v10 =	vimm.s32 $0x9;
	v11 =	vimm.s32 $0xA;
	v0 =	vmul.u32 $0xFFFFFFFF, v0;
	s31 =	sadd.s32 s15, s4;
	s15 =	smax.u32 s16, $0x1;
	s16 =	sshrl.u32 s17, $0x3  }
0x11: {  	v12 =	vimm.s32 $0xB;
	v13 =	vimm.s32 $0xC;
	v14 =	vimm.s32 $0xD;
	s17 =	simm.s32 $0x2D00;
	s1 =	sadd.s32 s8, s1;
	s8 =	sshll.u32 s10, $0x6  }
0x12: {  	v15 =	vimm.s32 $0xE;
	v16 =	vimm.s32 $0xF;
	v0 =	vadd.s32 $0x33D0, v0;
	s25 =	sshrl.u32 s31, $0x3;
	s10 =	sor.u32 $0x1C02, s8;
	s14 =	sadd.s32 $0x1600, s1  }
.LBB2_1:
0x13: {  	s1 =	rddreg [dreg:$0x7];
	s18 =	simm.s32 $0x340  }
0x14: {  	[tilespmem:s6], [sflag:$0x1] =	stream.linear.gather [hbm4b:s1+s6], $0x340, $0x38;
	[tilespmem:$0x6210] =	vst v63  }
0x15: {  	[spmem:s16], [sflag:s10] =	dma.local [hbm:s9], $0x160  }
0x16: {  	[tilespmem:s18], [sflag:$0x1] =	stream.linear.gather [hbm4b:s11+s6], $0x340, $0x38;
	[tilespmem:$0x6210] =	vst v63  }
0x17: {  	s21 =	simm.s32 $0x680  }
0x18: {  	[tilespmem:s21], [sflag:$0x1] =	stream.linear.gather [hbm4b:s12+s6], $0x340, $0x38;
	[tilespmem:$0x6210] =	vst v63  }
0x19: {  	s2 =	simm.s32 $0x4100;
	s31 =	rddreg [dreg:$0x3]  }
0x1a: {  	[tilespmem:s2], [sflag:$0x4] =	stream.linear.gather [hbm4b:s31+s6], $0x10, $0x38;
	[tilespmem:$0x6210] =	vst v63  }
0x1b: {  	_ =	swait.ge [sflag:s20], $0x10  }
0x1c: {  	[sflag:s20] =	ssyncset.done $0x0  }
0x1d: {  	[sflag:s20] =	ssyncadd.s32 $0xFFFFFFF0  }
0x1e: {  	v17 =	vld [tilespmem:$0x4100];
	_ =	sdelay $0x3  }
0x1f: {  	s1 =	simm.s32 $0x40;
	s2 =	simm.s32 $0x0  }
.LBB2_2:
0x20: {  	p0 =	sne.s32 s1, $0x2BC0;
	[tilespmem:s2+$0x4110] =	vst v17;
	s2 =	smov.u32 s1;
	s1 =	sadd.s32 $0x40, s1  }
.Ltmp0:
0x21: {  	(pc) =	sbr.rel @p0 .LBB2_2-.Ltmp0, $2  }
0x22: {  	_ =	sdelay $0x2  }
0x23: {  	s2 =	sshra.s32 s2, $0x2  }
0x24: {  	[tilespmem:s2+$0x4110] =	vst v17;
	s1 =	simm.s32 $0x4110  }
0x25: {  	[spmem:s13] =	stream.linear.scatter [tilespmem:s1], [sflag:$0x4], $0xB00, $0x38;
	[tilespmem:$0x6210] =	vst v63  }
0x26: {  	_ =	swait.ge [sflag:s20], $0xB00  }
0x27: {  	[sflag:s20] =	ssyncset.done $0x0  }
0x28: {  	[sflag:s20] =	ssyncadd.s32 $0xFFFFF500  }
0x29: {  	_ =	swait.ge [sflag:s22], $0x340  }
0x2a: {  	[sflag:s22] =	ssyncset.done $0x0  }
0x2b: {  	[sflag:s22] =	ssyncadd.s32 $0xFFFFFCC0  }
0x2c: {  	_ =	swait.ge [sflag:s22], $0x340  }
0x2d: {  	[sflag:s22] =	ssyncset.done $0x0  }
0x2e: {  	[sflag:s22] =	ssyncadd.s32 $0xFFFFFCC0  }
0x2f: {  	_ =	swait.ge [sflag:s22], $0x340  }
0x30: {  	[sflag:s22] =	ssyncset.done $0x0  }
0x31: {  	s7 =	simm.s32 $0x0;
	[sflag:s22] =	ssyncadd.s32 $0xFFFFFCC0  }
0x32: {  	v17 =	vld [tilespmem:s7+$0x0]  }
0x33: {  	v18 =	vld [tilespmem:s7+$0x340]  }
0x34: {  	s18 =	sadd.s32 $0x0, s5  }
0x35: {  	s1 =	simm.s32 $0x0;
	v19 =	vmov s18  }
0x36: {  	vm0 =	vlt.s32 v19, v0;
	s31 =	sand.u32 $0xF00, s1  }
0x37: {  	s21 =	sand.u32 $0x30, s1;
	s18 =	sshrl.u32 s31, $0x2;
	v17 =	vnsel vm0, $0x0, v17  }
0x38: {  	s18 =	sor.u32 s21, s18;
	v18 =	vnsel vm0, $0xA94, v18;
	[tilespmem:s7+$0x0] =	vst v17  }
0x39: {  	s2 =	simm.s32 $0x10;
	[tilespmem:s18+$0x9C0] =	vst v18  }
0x3a: {  	s21 =	simm.s32 $0x80;
	s18 =	simm.s32 $0x40;
	v17 =	vld [tilespmem:s2+$0x0]  }
.LBB2_4:
0x3b: {  	p0 =	sne.s32 s21, $0xCC0;
	v18 =	vld [tilespmem:s2+$0x340];
	s1 =	sadd.s32 $0x10, s1  }
0x3c: {  	s31 =	sadd.s32 s5, s1  }
0x3d: {  	v19 =	vmov s31  }
.Ltmp1:
0x3e: {  	s31 =	sand.u32 $0xF00, s18;
	s18 =	smov.u32 s21;
	vm0 =	vlt.s32 v19, v0;
	(pc) =	sbr.rel @p0 .LBB2_4-.Ltmp1, $4  }
0x3f: {  	s7 =	sand.u32 $0x30, s1;
	s31 =	sshrl.u32 s31, $0x2;
	v17 =	vnsel vm0, $0x0, v17  }
0x40: {  	s7 =	sor.u32 s7, s31;
	v18 =	vnsel vm0, $0xA94, v18;
	[tilespmem:s2+$0x0] =	vst v17  }
0x41: {  	s2 =	sshra.s32 s21, $0x2;
	[tilespmem:s7+$0x9C0] =	vst v18  }
0x42: {  	s21 =	sadd.s32 $0x40, s21;
	v17 =	vld [tilespmem:s2+$0x0]  }
0x43: {  	v18 =	vld [tilespmem:s2+$0x340];
	s1 =	sadd.s32 $0x10, s1  }
0x44: {  	s7 =	sadd.s32 s5, s1  }
0x45: {  	v19 =	vmov s7  }
0x46: {  	s21 =	sand.u32 $0xF00, s18;
	vm0 =	vlt.s32 v19, v0  }
0x47: {  	s1 =	sand.u32 $0x30, s1;
	s7 =	sshrl.u32 s21, $0x2;
	v17 =	vnsel vm0, $0x0, v17  }
0x48: {  	s1 =	sor.u32 s1, s7;
	v18 =	vnsel vm0, $0xA94, v18;
	[tilespmem:s2+$0x0] =	vst v17  }
0x49: {  	[tilespmem:s1+$0x9C0] =	vst v18  }
0x4a: {  	_ =	swait.ge [sflag:s23], $0x160  }
0x4b: {  	[sflag:s23] =	ssyncset.done $0x0  }
0x4c: {  	[sflag:s23] =	ssyncadd.s32 $0xFFFFFEA0  }
0x4d: {  	s7 =	simm.s32 $0xD00;
	s2 =	simm.s32 $0x0;
	[bflag:$0x0] =	sbarrier.arrive $0xFFFF  }
0x4e: {  	[tilespmem:s7], [sflag:$0x2] =	stream.indirect.gather [spmem:s3], $0x10, s2, s24, $0xb8;
	[tilespmem:$0x6210] =	vst v63  }
0x4f: {  	s31 =	simm.s32 $0x1100  }
0x50: {  	[tilespmem:s31], [sflag:$0x2] =	stream.indirect.gather [spmem:s3], $0x10, s24, s24, $0xb8;
	[tilespmem:$0x6210] =	vst v63  }
0x51: {  	s18 =	simm.s32 $0x80;
	s21 =	simm.s32 $0x1500  }
0x52: {  	[tilespmem:s21], [sflag:$0x2] =	stream.indirect.gather [spmem:s3], $0x10, s18, s24, $0xb8;
	[tilespmem:$0x6210] =	vst v63  }
0x53: {  	s18 =	simm.s32 $0xC0;
	s21 =	simm.s32 $0x1900  }
0x54: {  	[tilespmem:s21], [sflag:$0x2] =	stream.indirect.gather [spmem:s3], $0x10, s18, s24, $0xb8;
	[tilespmem:$0x6210] =	vst v63  }
0x55: {  	s18 =	simm.s32 $0x100;
	s21 =	simm.s32 $0x1D00  }
0x56: {  	[tilespmem:s21], [sflag:$0x2] =	stream.indirect.gather [spmem:s3], $0x10, s18, s24, $0xb8;
	[tilespmem:$0x6210] =	vst v63  }
0x57: {  	s18 =	simm.s32 $0x140;
	s21 =	simm.s32 $0x2100  }
0x58: {  	[tilespmem:s21], [sflag:$0x2] =	stream.indirect.gather [spmem:s3], $0x10, s18, s24, $0xb8;
	[tilespmem:$0x6210] =	vst v63  }
0x59: {  	s18 =	simm.s32 $0x180;
	s21 =	simm.s32 $0x2500  }
0x5a: {  	[tilespmem:s21], [sflag:$0x2] =	stream.indirect.gather [spmem:s3], $0x10, s18, s24, $0xb8;
	[tilespmem:$0x6210] =	vst v63  }
0x5b: {  	s18 =	simm.s32 $0x1C0;
	s21 =	simm.s32 $0x2900  }
0x5c: {  	[tilespmem:s21], [sflag:$0x2] =	stream.indirect.gather [spmem:s3], $0x10, s18, s24, $0xb8;
	[tilespmem:$0x6210] =	vst v63  }
0x5d: {  	s18 =	simm.s32 $0x200  }
0x5e: {  	[tilespmem:s17], [sflag:$0x2] =	stream.indirect.gather [spmem:s3], $0x10, s18, s24, $0xb8;
	[tilespmem:$0x6210] =	vst v63  }
0x5f: {  	s21 =	simm.s32 $0x240  }
0x60: {  	[tilespmem:s29], [sflag:$0x2] =	stream.indirect.gather [spmem:s3], $0x10, s21, s24, $0xb8;
	[tilespmem:$0x6210] =	vst v63  }
0x61: {  	s2 =	simm.s32 $0x280  }
0x62: {  	[tilespmem:s19], [sflag:$0x2] =	stream.indirect.gather [spmem:s3], $0x10, s2, s24, $0xb8;
	[tilespmem:$0x6210] =	vst v63  }
0x63: {  	s18 =	simm.s32 $0x2C0  }
0x64: {  	[tilespmem:s0], [sflag:$0x2] =	stream.indirect.gather [spmem:s3], $0x10, s18, s24, $0xb8;
	[tilespmem:$0x6210] =	vst v63  }
0x65: {  	s21 =	simm.s32 $0x300  }
0x66: {  	[tilespmem:s26], [sflag:$0x2] =	stream.indirect.gather [spmem:s3], $0x10, s21, s24, $0xb8;
	[tilespmem:$0x6210] =	vst v63  }
0x67: {  	_ =	swait.ge [sflag:s23], $0x400  }
0x68: {  	[sflag:s23] =	ssyncset.done $0x0  }
0x69: {  	s2 =	simm.s32 $0xD80;
	[sflag:s23] =	ssyncadd.s32 $0xFFFFFC00  }
0x6a: {  	s1 =	simm.s32 $0xD80;
	s18 =	simm.s32 $0x40;
	s21 =	simm.s32 $0x0;
	v17 =	vld [tilespmem:s2+$0xFFFFFFB0]  }
.LBB2_6:
0x6b: {  	p0 =	sne.s32 s18, $0xC0;
	v18 =	vld [tilespmem:s21+$0x680]  }
0x6c: {  	v19 =	vld [tilespmem:s2+$0xFFFFFF90]  }
0x6d: {  	v20 =	vld [tilespmem:s2+$0xFFFFFF80]  }
0x6e: {  	v21 =	vld [tilespmem:s2+$0xFFFFFFA0]  }
0x6f: {  	v22 =	vld [tilespmem:s2+$0xFFFFFFF0]  }
0x70: {  	v23 =	vperm.xlane v18, v1;
	v24 =	vperm.xlane v18, v2;
	v25 =	vld [tilespmem:s2+$0xFFFFFFD0]  }
0x71: {  	v26 =	vperm.xlane v18, v3;
	v27 =	vperm.xlane v18, v4;
	v28 =	vld [tilespmem:s2+$0xFFFFFFC0]  }
0x72: {  	v20 =	vmul.f32 v23, v20;
	v19 =	vmul.f32 v24, v19;
	v23 =	vld [tilespmem:s2+$0xFFFFFFE0]  }
0x73: {  	v17 =	vmul.f32 v27, v17;
	v21 =	vmul.f32 v26, v21;
	v24 =	vld [tilespmem:s2+$0x30]  }
0x74: {  	v26 =	vperm.xlane v18, v6;
	[tilespmem:s2+$0xFFFFFF80] =	vst v20;
	v20 =	vperm.xlane v18, v5;
	v27 =	vld [tilespmem:s2+$0x10]  }
0x75: {  	v29 =	vperm.xlane v18, v8;
	[tilespmem:s2+$0xFFFFFF90] =	vst v19;
	v19 =	vperm.xlane v18, v7;
	v30 =	vld [tilespmem:s2+$0x0]  }
0x76: {  	[tilespmem:s2+$0xFFFFFFA0] =	vst v21;
	v20 =	vmul.f32 v20, v28;
	v21 =	vmul.f32 v26, v25;
	v25 =	vld [tilespmem:s2+$0x20]  }
0x77: {  	[tilespmem:s2+$0xFFFFFFB0] =	vst v17;
	v17 =	vmul.f32 v19, v23;
	v19 =	vmul.f32 v29, v22;
	v22 =	vld [tilespmem:s2+$0x70]  }
0x78: {  	v23 =	vperm.xlane v18, v10;
	[tilespmem:s2+$0xFFFFFFC0] =	vst v20;
	v20 =	vperm.xlane v18, v9;
	v26 =	vld [tilespmem:s2+$0x50]  }
0x79: {  	v28 =	vperm.xlane v18, v12;
	[tilespmem:s2+$0xFFFFFFD0] =	vst v21;
	v21 =	vperm.xlane v18, v11;
	v29 =	vld [tilespmem:s2+$0x40]  }
0x7a: {  	[tilespmem:s2+$0xFFFFFFE0] =	vst v17;
	v17 =	vmul.f32 v20, v30;
	v20 =	vmul.f32 v23, v27;
	v23 =	vld [tilespmem:s2+$0x60]  }
0x7b: {  	[tilespmem:s2+$0xFFFFFFF0] =	vst v19;
	v19 =	vmul.f32 v21, v25;
	v21 =	vmul.f32 v28, v24  }
0x7c: {  	v24 =	vperm.xlane v18, v14;
	[tilespmem:s2+$0x0] =	vst v17;
	v17 =	vperm.xlane v18, v13  }
0x7d: {  	[tilespmem:s2+$0x10] =	vst v20;
	v20 =	vperm.xlane v18, v15;
	v18 =	vperm.xlane v18, v16  }
0x7e: {  	[tilespmem:s2+$0x20] =	vst v19;
	v17 =	vmul.f32 v17, v29;
	v19 =	vmul.f32 v24, v26  }
.Ltmp2:
0x7f: {  	[tilespmem:s2+$0x30] =	vst v21;
	v20 =	vmul.f32 v20, v23;
	v18 =	vmul.f32 v18, v22;
	(pc) =	sbr.rel @p0 .LBB2_6-.Ltmp2, $4  }
0x80: {  	[tilespmem:s2+$0x40] =	vst v17  }
0x81: {  	[tilespmem:s2+$0x50] =	vst v19  }
0x82: {  	s2 =	sadd.s32 $0x100, s2;
	[tilespmem:s1+$0x60] =	vst v20  }
0x83: {  	s21 =	sshra.s32 s18, $0x2;
	s18 =	sadd.s32 $0x40, s18;
	v17 =	vld [tilespmem:s2+$0xFFFFFFB0];
	[tilespmem:s1+$0x70] =	vst v18;
	s1 =	smov.u32 s2  }
0x84: {  	v18 =	vld [tilespmem:s21+$0x680];
	_ =	sdelay $0x1  }
0x85: {  	v19 =	vld [tilespmem:s2+$0xFFFFFF80]  }
0x86: {  	v20 =	vld [tilespmem:s2+$0xFFFFFF90]  }
0x87: {  	v21 =	vld [tilespmem:s2+$0xFFFFFFA0]  }
0x88: {  	v22 =	vperm.xlane v18, v1  }
0x89: {  	v25 =	vld [tilespmem:s2+$0xFFFFFFD0];
	v23 =	vperm.xlane v18, v2  }
0x8a: {  	v24 =	vld [tilespmem:s2+$0xFFFFFFC0];
	v26 =	vperm.xlane v18, v3;
	v19 =	vmul.f32 v22, v19  }
0x8b: {  	v48 =	vld [tilespmem:s2+$0xFFFFFFE0];
	v47 =	vperm.xlane v18, v4;
	v20 =	vmul.f32 v23, v20  }
0x8c: {  	v51 =	vld [tilespmem:s2+$0x10];
	v49 =	vperm.xlane v18, v6;
	v21 =	vmul.f32 v26, v21;
	[tilespmem:s2+$0xFFFFFF80] =	vst v19  }
0x8d: {  	v27 =	vld [tilespmem:s2+$0xFFFFFFF0];
	v17 =	vmul.f32 v47, v17;
	v19 =	vperm.xlane v18, v5;
	[tilespmem:s2+$0xFFFFFF90] =	vst v20  }
0x8e: {  	v50 =	vld [tilespmem:s2+$0x0];
	v28 =	vperm.xlane v18, v7;
	v22 =	vmul.f32 v49, v25;
	[tilespmem:s2+$0xFFFFFFA0] =	vst v21  }
0x8f: {  	v56 =	vld [tilespmem:s2+$0x50];
	v54 =	vperm.xlane v18, v10;
	[tilespmem:s2+$0xFFFFFFB0] =	vst v17;
	v19 =	vmul.f32 v19, v24  }
0x90: {  	v53 =	vld [tilespmem:s2+$0x20];
	v52 =	vperm.xlane v18, v8;
	v23 =	vmul.f32 v28, v48;
	[tilespmem:s2+$0xFFFFFFD0] =	vst v22  }
0x91: {  	v59 =	vmul.f32 v54, v51;
	v17 =	vld [tilespmem:s2+$0x30];
	[tilespmem:s2+$0xFFFFFFC0] =	vst v19;
	v19 =	vperm.xlane v18, v9  }
0x92: {  	v55 =	vld [tilespmem:s2+$0x40];
	v62 =	vperm.xlane v18, v14;
	v21 =	vmul.f32 v52, v27;
	[tilespmem:s2+$0xFFFFFFE0] =	vst v23  }
0x93: {  	v60 =	vld [tilespmem:s2+$0x60];
	v57 =	vperm.xlane v18, v11;
	[tilespmem:s2+$0x10] =	vst v59;
	v19 =	vmul.f32 v19, v50  }
0x94: {  	v61 =	vld [tilespmem:s2+$0x70];
	v58 =	vperm.xlane v18, v12;
	v20 =	vmul.f32 v62, v56;
	[tilespmem:s2+$0xFFFFFFF0] =	vst v21  }
0x95: {  	v24 =	vmul.f32 v57, v53;
	[tilespmem:s2+$0x0] =	vst v19;
	v19 =	vperm.xlane v18, v13  }
0x96: {  	v63 =	vperm.xlane v18, v15;
	[tilespmem:s2+$0x50] =	vst v20;
	v17 =	vmul.f32 v58, v17  }
0x97: {  	[tilespmem:s2+$0x20] =	vst v24;
	v18 =	vperm.xlane v18, v16;
	v19 =	vmul.f32 v19, v55  }
0x98: {  	[tilespmem:s2+$0x30] =	vst v17;
	v17 =	vmul.f32 v63, v60  }
0x99: {  	v18 =	vmul.f32 v18, v61;
	[tilespmem:s2+$0x40] =	vst v19  }
0x9a: {  	[tilespmem:s1+$0x60] =	vst v17  }
0x9b: {  	s21 =	simm.s32 $0x9C0;
	[tilespmem:s1+$0x70] =	vst v18  }
0x9c: {  	[spmem:s4] =	stream.indirect.scatter.add.f32 [tilespmem:s7], [sflag:$0x3], $0x10, s21, s24, $0xb8;
	[tilespmem:$0x6210] =	vst v63  }
0x9d: {  	_ =	swait.ge [sflag:s23], $0x400  }
0x9e: {  	[sflag:s23] =	ssyncset.done $0x0  }
0x9f: {  	s2 =	simm.s32 $0x11F0;
	[sflag:s23] =	ssyncadd.s32 $0xFFFFFC00  }
0xa0: {  	s18 =	simm.s32 $0x40;
	s1 =	simm.s32 $0x11F0;
	s21 =	simm.s32 $0x0;
	v17 =	vld [tilespmem:s2+$0xFFFFFF40]  }
.LBB2_8:
0xa1: {  	p0 =	sne.s32 s18, $0xC0;
	v18 =	vld [tilespmem:s21+$0x6C0]  }
0xa2: {  	v19 =	vld [tilespmem:s2+$0xFFFFFF20]  }
0xa3: {  	v20 =	vld [tilespmem:s2+$0xFFFFFF10]  }
0xa4: {  	v21 =	vld [tilespmem:s2+$0xFFFFFF30]  }
0xa5: {  	v22 =	vld [tilespmem:s2+$0xFFFFFF80]  }
0xa6: {  	v23 =	vperm.xlane v18, v1;
	v24 =	vperm.xlane v18, v2;
	v25 =	vld [tilespmem:s2+$0xFFFFFF60]  }
0xa7: {  	v26 =	vperm.xlane v18, v3;
	v27 =	vperm.xlane v18, v4;
	v28 =	vld [tilespmem:s2+$0xFFFFFF50]  }
0xa8: {  	v20 =	vmul.f32 v23, v20;
	v19 =	vmul.f32 v24, v19;
	v23 =	vld [tilespmem:s2+$0xFFFFFF70]  }
0xa9: {  	v17 =	vmul.f32 v27, v17;
	v21 =	vmul.f32 v26, v21;
	v24 =	vld [tilespmem:s2+$0xFFFFFFC0]  }
0xaa: {  	v26 =	vperm.xlane v18, v6;
	[tilespmem:s2+$0xFFFFFF10] =	vst v20;
	v20 =	vperm.xlane v18, v5;
	v27 =	vld [tilespmem:s2+$0xFFFFFFA0]  }
0xab: {  	v29 =	vperm.xlane v18, v8;
	[tilespmem:s2+$0xFFFFFF20] =	vst v19;
	v19 =	vperm.xlane v18, v7;
	v30 =	vld [tilespmem:s2+$0xFFFFFF90]  }
0xac: {  	[tilespmem:s2+$0xFFFFFF30] =	vst v21;
	v20 =	vmul.f32 v20, v28;
	v21 =	vmul.f32 v26, v25;
	v25 =	vld [tilespmem:s2+$0xFFFFFFB0]  }
0xad: {  	[tilespmem:s2+$0xFFFFFF40] =	vst v17;
	v17 =	vmul.f32 v19, v23;
	v19 =	vmul.f32 v29, v22;
	v22 =	vld [tilespmem:s2+$0xFFFFFFF0]  }
0xae: {  	v23 =	vperm.xlane v18, v10;
	[tilespmem:s2+$0xFFFFFF50] =	vst v20;
	v20 =	vperm.xlane v18, v9;
	v26 =	vld [tilespmem:s2+$0xFFFFFFE0]  }
0xaf: {  	v28 =	vperm.xlane v18, v12;
	[tilespmem:s2+$0xFFFFFF60] =	vst v21;
	v21 =	vperm.xlane v18, v11;
	v29 =	vld [tilespmem:s2+$0xFFFFFFD0]  }
0xb0: {  	[tilespmem:s2+$0xFFFFFF70] =	vst v17;
	v17 =	vmul.f32 v20, v30;
	v20 =	vmul.f32 v23, v27;
	v23 =	vld [tilespmem:s2+$0x0]  }
0xb1: {  	[tilespmem:s2+$0xFFFFFF80] =	vst v19;
	v19 =	vmul.f32 v21, v25;
	v21 =	vmul.f32 v28, v24  }
0xb2: {  	v24 =	vperm.xlane v18, v14;
	[tilespmem:s2+$0xFFFFFF90] =	vst v17;
	v17 =	vperm.xlane v18, v13  }
0xb3: {  	[tilespmem:s2+$0xFFFFFFA0] =	vst v20;
	v20 =	vperm.xlane v18, v15;
	v18 =	vperm.xlane v18, v16  }
0xb4: {  	[tilespmem:s2+$0xFFFFFFB0] =	vst v19;
	v17 =	vmul.f32 v17, v29;
	v19 =	vmul.f32 v24, v26  }
.Ltmp3:
0xb5: {  	[tilespmem:s2+$0xFFFFFFC0] =	vst v21;
	v20 =	vmul.f32 v20, v22;
	v18 =	vmul.f32 v18, v23;
	(pc) =	sbr.rel @p0 .LBB2_8-.Ltmp3, $4  }
0xb6: {  	[tilespmem:s2+$0xFFFFFFD0] =	vst v17  }
0xb7: {  	[tilespmem:s2+$0xFFFFFFE0] =	vst v19  }
0xb8: {  	s2 =	sadd.s32 $0x100, s2;
	[tilespmem:s1+$0xFFFFFFF0] =	vst v20  }
0xb9: {  	s21 =	sshra.s32 s18, $0x2;
	s18 =	sadd.s32 $0x40, s18;
	v17 =	vld [tilespmem:s2+$0xFFFFFF40];
	[tilespmem:s1+$0x0] =	vst v18;
	s1 =	smov.u32 s2  }
0xba: {  	v18 =	vld [tilespmem:s21+$0x6C0];
	_ =	sdelay $0x1  }
0xbb: {  	v19 =	vld [tilespmem:s2+$0xFFFFFF10]  }
0xbc: {  	v20 =	vld [tilespmem:s2+$0xFFFFFF20]  }
0xbd: {  	v21 =	vld [tilespmem:s2+$0xFFFFFF30]  }
0xbe: {  	v22 =	vperm.xlane v18, v1  }
0xbf: {  	v25 =	vld [tilespmem:s2+$0xFFFFFF60];
	v23 =	vperm.xlane v18, v2  }
0xc0: {  	v24 =	vld [tilespmem:s2+$0xFFFFFF50];
	v26 =	vperm.xlane v18, v3;
	v19 =	vmul.f32 v22, v19  }
0xc1: {  	v48 =	vld [tilespmem:s2+$0xFFFFFF70];
	v47 =	vperm.xlane v18, v4;
	v20 =	vmul.f32 v23, v20  }
0xc2: {  	v51 =	vld [tilespmem:s2+$0xFFFFFFA0];
	v49 =	vperm.xlane v18, v6;
	v21 =	vmul.f32 v26, v21;
	[tilespmem:s2+$0xFFFFFF10] =	vst v19  }
0xc3: {  	v56 =	vld [tilespmem:s2+$0xFFFFFFE0];
	v17 =	vmul.f32 v47, v17;
	v19 =	vperm.xlane v18, v5;
	[tilespmem:s2+$0xFFFFFF20] =	vst v20  }
0xc4: {  	v50 =	vld [tilespmem:s2+$0xFFFFFF90];
	v28 =	vperm.xlane v18, v7;
	v22 =	vmul.f32 v49, v25;
	[tilespmem:s2+$0xFFFFFF30] =	vst v21  }
0xc5: {  	v27 =	vld [tilespmem:s2+$0xFFFFFF80];
	v54 =	vperm.xlane v18, v10;
	[tilespmem:s2+$0xFFFFFF40] =	vst v17;
	v19 =	vmul.f32 v19, v24  }
0xc6: {  	v53 =	vld [tilespmem:s2+$0xFFFFFFB0];
	v61 =	vperm.xlane v18, v14;
	v23 =	vmul.f32 v28, v48;
	[tilespmem:s2+$0xFFFFFF60] =	vst v22  }
0xc7: {  	v25 =	vmul.f32 v54, v51;
	v17 =	vld [tilespmem:s2+$0xFFFFFFC0];
	[tilespmem:s2+$0xFFFFFF50] =	vst v19;
	v19 =	vperm.xlane v18, v9  }
0xc8: {  	v55 =	vld [tilespmem:s2+$0xFFFFFFD0];
	v52 =	vperm.xlane v18, v8;
	v63 =	vmul.f32 v61, v56;
	[tilespmem:s2+$0xFFFFFF70] =	vst v23  }
0xc9: {  	v58 =	vld [tilespmem:s2+$0xFFFFFFF0];
	v57 =	vperm.xlane v18, v11;
	[tilespmem:s2+$0xFFFFFFA0] =	vst v25;
	v19 =	vmul.f32 v19, v50  }
0xca: {  	v60 =	vld [tilespmem:s2+$0x0];
	v59 =	vperm.xlane v18, v12;
	v21 =	vmul.f32 v52, v27;
	[tilespmem:s2+$0xFFFFFFE0] =	vst v63  }
0xcb: {  	v24 =	vmul.f32 v57, v53;
	[tilespmem:s2+$0xFFFFFF90] =	vst v19;
	v19 =	vperm.xlane v18, v13  }
0xcc: {  	v62 =	vperm.xlane v18, v15;
	[tilespmem:s2+$0xFFFFFF80] =	vst v21;
	v17 =	vmul.f32 v59, v17  }
0xcd: {  	[tilespmem:s2+$0xFFFFFFB0] =	vst v24;
	v18 =	vperm.xlane v18, v16;
	v19 =	vmul.f32 v19, v55  }
0xce: {  	[tilespmem:s2+$0xFFFFFFC0] =	vst v17;
	v17 =	vmul.f32 v62, v58  }
0xcf: {  	v18 =	vmul.f32 v18, v60;
	[tilespmem:s2+$0xFFFFFFD0] =	vst v19  }
0xd0: {  	[tilespmem:s1+$0xFFFFFFF0] =	vst v17  }
0xd1: {  	s21 =	simm.s32 $0xA00;
	[tilespmem:s1+$0x0] =	vst v18  }
0xd2: {  	[spmem:s4] =	stream.indirect.scatter.add.f32 [tilespmem:s31], [sflag:$0x3], $0x10, s21, s24, $0xb8;
	[tilespmem:$0x6210] =	vst v63  }
0xd3: {  	_ =	swait.ge [sflag:s23], $0x400  }
0xd4: {  	[sflag:s23] =	ssyncset.done $0x0  }
0xd5: {  	s2 =	simm.s32 $0x15F0;
	[sflag:s23] =	ssyncadd.s32 $0xFFFFFC00  }
0xd6: {  	s18 =	simm.s32 $0x40;
	s1 =	simm.s32 $0x15F0;
	s21 =	simm.s32 $0x0;
	v17 =	vld [tilespmem:s2+$0xFFFFFF40]  }
.LBB2_10:
0xd7: {  	p0 =	sne.s32 s18, $0xC0;
	v18 =	vld [tilespmem:s21+$0x700]  }
0xd8: {  	v19 =	vld [tilespmem:s2+$0xFFFFFF20]  }
0xd9: {  	v20 =	vld [tilespmem:s2+$0xFFFFFF10]  }
0xda: {  	v21 =	vld [tilespmem:s2+$0xFFFFFF30]  }
0xdb: {  	v22 =	vld [tilespmem:s2+$0xFFFFFF80]  }
0xdc: {  	v23 =	vperm.xlane v18, v1;
	v24 =	vperm.xlane v18, v2;
	v25 =	vld [tilespmem:s2+$0xFFFFFF60]  }
0xdd: {  	v26 =	vperm.xlane v18, v3;
	v27 =	vperm.xlane v18, v4;
	v28 =	vld [tilespmem:s2+$0xFFFFFF50]  }
0xde: {  	v20 =	vmul.f32 v23, v20;
	v19 =	vmul.f32 v24, v19;
	v23 =	vld [tilespmem:s2+$0xFFFFFF70]  }
0xdf: {  	v17 =	vmul.f32 v27, v17;
	v21 =	vmul.f32 v26, v21;
	v24 =	vld [tilespmem:s2+$0xFFFFFFC0]  }
0xe0: {  	v26 =	vperm.xlane v18, v6;
	[tilespmem:s2+$0xFFFFFF10] =	vst v20;
	v20 =	vperm.xlane v18, v5;
	v27 =	vld [tilespmem:s2+$0xFFFFFFA0]  }
0xe1: {  	v29 =	vperm.xlane v18, v8;
	[tilespmem:s2+$0xFFFFFF20] =	vst v19;
	v19 =	vperm.xlane v18, v7;
	v30 =	vld [tilespmem:s2+$0xFFFFFF90]  }
0xe2: {  	[tilespmem:s2+$0xFFFFFF30] =	vst v21;
	v20 =	vmul.f32 v20, v28;
	v21 =	vmul.f32 v26, v25;
	v25 =	vld [tilespmem:s2+$0xFFFFFFB0]  }
0xe3: {  	[tilespmem:s2+$0xFFFFFF40] =	vst v17;
	v17 =	vmul.f32 v19, v23;
	v19 =	vmul.f32 v29, v22;
	v22 =	vld [tilespmem:s2+$0xFFFFFFF0]  }
0xe4: {  	v23 =	vperm.xlane v18, v10;
	[tilespmem:s2+$0xFFFFFF50] =	vst v20;
	v20 =	vperm.xlane v18, v9;
	v26 =	vld [tilespmem:s2+$0xFFFFFFE0]  }
0xe5: {  	v28 =	vperm.xlane v18, v12;
	[tilespmem:s2+$0xFFFFFF60] =	vst v21;
	v21 =	vperm.xlane v18, v11;
	v29 =	vld [tilespmem:s2+$0xFFFFFFD0]  }
0xe6: {  	[tilespmem:s2+$0xFFFFFF70] =	vst v17;
	v17 =	vmul.f32 v20, v30;
	v20 =	vmul.f32 v23, v27;
	v23 =	vld [tilespmem:s2+$0x0]  }
0xe7: {  	[tilespmem:s2+$0xFFFFFF80] =	vst v19;
	v19 =	vmul.f32 v21, v25;
	v21 =	vmul.f32 v28, v24  }
0xe8: {  	v24 =	vperm.xlane v18, v14;
	[tilespmem:s2+$0xFFFFFF90] =	vst v17;
	v17 =	vperm.xlane v18, v13  }
0xe9: {  	[tilespmem:s2+$0xFFFFFFA0] =	vst v20;
	v20 =	vperm.xlane v18, v15;
	v18 =	vperm.xlane v18, v16  }
0xea: {  	[tilespmem:s2+$0xFFFFFFB0] =	vst v19;
	v17 =	vmul.f32 v17, v29;
	v19 =	vmul.f32 v24, v26  }
.Ltmp4:
0xeb: {  	[tilespmem:s2+$0xFFFFFFC0] =	vst v21;
	v20 =	vmul.f32 v20, v22;
	v18 =	vmul.f32 v18, v23;
	(pc) =	sbr.rel @p0 .LBB2_10-.Ltmp4, $4  }
0xec: {  	[tilespmem:s2+$0xFFFFFFD0] =	vst v17  }
0xed: {  	[tilespmem:s2+$0xFFFFFFE0] =	vst v19  }
0xee: {  	s2 =	sadd.s32 $0x100, s2;
	[tilespmem:s1+$0xFFFFFFF0] =	vst v20  }
0xef: {  	s21 =	sshra.s32 s18, $0x2;
	s18 =	sadd.s32 $0x40, s18;
	v17 =	vld [tilespmem:s2+$0xFFFFFF40];
	[tilespmem:s1+$0x0] =	vst v18;
	s1 =	smov.u32 s2  }
0xf0: {  	v18 =	vld [tilespmem:s21+$0x700];
	_ =	sdelay $0x1  }
0xf1: {  	v19 =	vld [tilespmem:s2+$0xFFFFFF10]  }
0xf2: {  	v20 =	vld [tilespmem:s2+$0xFFFFFF20]  }
0xf3: {  	v21 =	vld [tilespmem:s2+$0xFFFFFF30]  }
0xf4: {  	v22 =	vperm.xlane v18, v1  }
0xf5: {  	v25 =	vld [tilespmem:s2+$0xFFFFFF60];
	v23 =	vperm.xlane v18, v2  }
0xf6: {  	v24 =	vld [tilespmem:s2+$0xFFFFFF50];
	v26 =	vperm.xlane v18, v3;
	v19 =	vmul.f32 v22, v19  }
0xf7: {  	v48 =	vld [tilespmem:s2+$0xFFFFFF70];
	v47 =	vperm.xlane v18, v4;
	v20 =	vmul.f32 v23, v20  }
0xf8: {  	v51 =	vld [tilespmem:s2+$0xFFFFFFA0];
	v49 =	vperm.xlane v18, v6;
	v21 =	vmul.f32 v26, v21;
	[tilespmem:s2+$0xFFFFFF10] =	vst v19  }
0xf9: {  	v56 =	vld [tilespmem:s2+$0xFFFFFFE0];
	v17 =	vmul.f32 v47, v17;
	v19 =	vperm.xlane v18, v5;
	[tilespmem:s2+$0xFFFFFF20] =	vst v20  }
0xfa: {  	v50 =	vld [tilespmem:s2+$0xFFFFFF90];
	v28 =	vperm.xlane v18, v7;
	v22 =	vmul.f32 v49, v25;
	[tilespmem:s2+$0xFFFFFF30] =	vst v21  }
0xfb: {  	v27 =	vld [tilespmem:s2+$0xFFFFFF80];
	v54 =	vperm.xlane v18, v10;
	[tilespmem:s2+$0xFFFFFF40] =	vst v17;
	v19 =	vmul.f32 v19, v24  }
0xfc: {  	v53 =	vld [tilespmem:s2+$0xFFFFFFB0];
	v61 =	vperm.xlane v18, v14;
	v23 =	vmul.f32 v28, v48;
	[tilespmem:s2+$0xFFFFFF60] =	vst v22  }
0xfd: {  	v25 =	vmul.f32 v54, v51;
	v17 =	vld [tilespmem:s2+$0xFFFFFFC0];
	[tilespmem:s2+$0xFFFFFF50] =	vst v19;
	v19 =	vperm.xlane v18, v9  }
0xfe: {  	v55 =	vld [tilespmem:s2+$0xFFFFFFD0];
	v52 =	vperm.xlane v18, v8;
	v63 =	vmul.f32 v61, v56;
	[tilespmem:s2+$0xFFFFFF70] =	vst v23  }
0xff: {  	v58 =	vld [tilespmem:s2+$0xFFFFFFF0];
	v57 =	vperm.xlane v18, v11;
	[tilespmem:s2+$0xFFFFFFA0] =	vst v25;
	v19 =	vmul.f32 v19, v50  }
0x100: {  	v60 =	vld [tilespmem:s2+$0x0];
	v59 =	vperm.xlane v18, v12;
	v21 =	vmul.f32 v52, v27;
	[tilespmem:s2+$0xFFFFFFE0] =	vst v63  }
0x101: {  	v24 =	vmul.f32 v57, v53;
	[tilespmem:s2+$0xFFFFFF90] =	vst v19;
	v19 =	vperm.xlane v18, v13  }
0x102: {  	v62 =	vperm.xlane v18, v15;
	[tilespmem:s2+$0xFFFFFF80] =	vst v21;
	v17 =	vmul.f32 v59, v17  }
0x103: {  	[tilespmem:s2+$0xFFFFFFB0] =	vst v24;
	v18 =	vperm.xlane v18, v16;
	v19 =	vmul.f32 v19, v55  }
0x104: {  	[tilespmem:s2+$0xFFFFFFC0] =	vst v17;
	v17 =	vmul.f32 v62, v58  }
0x105: {  	v18 =	vmul.f32 v18, v60;
	[tilespmem:s2+$0xFFFFFFD0] =	vst v19  }
0x106: {  	[tilespmem:s1+$0xFFFFFFF0] =	vst v17  }
0x107: {  	s21 =	simm.s32 $0x1500;
	s31 =	simm.s32 $0xA40;
	[tilespmem:s1+$0x0] =	vst v18  }
0x108: {  	[spmem:s4] =	stream.indirect.scatter.add.f32 [tilespmem:s21], [sflag:$0x3], $0x10, s31, s24, $0xb8;
	[tilespmem:$0x6210] =	vst v63  }
0x109: {  	_ =	swait.ge [sflag:s23], $0x400  }
0x10a: {  	[sflag:s23] =	ssyncset.done $0x0  }
0x10b: {  	s2 =	simm.s32 $0x19F0;
	[sflag:s23] =	ssyncadd.s32 $0xFFFFFC00  }
0x10c: {  	s18 =	simm.s32 $0x40;
	s1 =	simm.s32 $0x19F0;
	s21 =	simm.s32 $0x0;
	v17 =	vld [tilespmem:s2+$0xFFFFFF40]  }
.LBB2_12:
0x10d: {  	p0 =	sne.s32 s18, $0xC0;
	v18 =	vld [tilespmem:s21+$0x740]  }
0x10e: {  	v19 =	vld [tilespmem:s2+$0xFFFFFF20]  }
0x10f: {  	v20 =	vld [tilespmem:s2+$0xFFFFFF10]  }
0x110: {  	v21 =	vld [tilespmem:s2+$0xFFFFFF30]  }
0x111: {  	v22 =	vld [tilespmem:s2+$0xFFFFFF80]  }
0x112: {  	v23 =	vperm.xlane v18, v1;
	v24 =	vperm.xlane v18, v2;
	v25 =	vld [tilespmem:s2+$0xFFFFFF60]  }
0x113: {  	v26 =	vperm.xlane v18, v3;
	v27 =	vperm.xlane v18, v4;
	v28 =	vld [tilespmem:s2+$0xFFFFFF50]  }
0x114: {  	v20 =	vmul.f32 v23, v20;
	v19 =	vmul.f32 v24, v19;
	v23 =	vld [tilespmem:s2+$0xFFFFFF70]  }
0x115: {  	v17 =	vmul.f32 v27, v17;
	v21 =	vmul.f32 v26, v21;
	v24 =	vld [tilespmem:s2+$0xFFFFFFC0]  }
0x116: {  	v26 =	vperm.xlane v18, v6;
	[tilespmem:s2+$0xFFFFFF10] =	vst v20;
	v20 =	vperm.xlane v18, v5;
	v27 =	vld [tilespmem:s2+$0xFFFFFFA0]  }
0x117: {  	v29 =	vperm.xlane v18, v8;
	[tilespmem:s2+$0xFFFFFF20] =	vst v19;
	v19 =	vperm.xlane v18, v7;
	v30 =	vld [tilespmem:s2+$0xFFFFFF90]  }
0x118: {  	[tilespmem:s2+$0xFFFFFF30] =	vst v21;
	v20 =	vmul.f32 v20, v28;
	v21 =	vmul.f32 v26, v25;
	v25 =	vld [tilespmem:s2+$0xFFFFFFB0]  }
0x119: {  	[tilespmem:s2+$0xFFFFFF40] =	vst v17;
	v17 =	vmul.f32 v19, v23;
	v19 =	vmul.f32 v29, v22;
	v22 =	vld [tilespmem:s2+$0xFFFFFFF0]  }
0x11a: {  	v23 =	vperm.xlane v18, v10;
	[tilespmem:s2+$0xFFFFFF50] =	vst v20;
	v20 =	vperm.xlane v18, v9;
	v26 =	vld [tilespmem:s2+$0xFFFFFFE0]  }
0x11b: {  	v28 =	vperm.xlane v18, v12;
	[tilespmem:s2+$0xFFFFFF60] =	vst v21;
	v21 =	vperm.xlane v18, v11;
	v29 =	vld [tilespmem:s2+$0xFFFFFFD0]  }
0x11c: {  	[tilespmem:s2+$0xFFFFFF70] =	vst v17;
	v17 =	vmul.f32 v20, v30;
	v20 =	vmul.f32 v23, v27;
	v23 =	vld [tilespmem:s2+$0x0]  }
0x11d: {  	[tilespmem:s2+$0xFFFFFF80] =	vst v19;
	v19 =	vmul.f32 v21, v25;
	v21 =	vmul.f32 v28, v24  }
0x11e: {  	v24 =	vperm.xlane v18, v14;
	[tilespmem:s2+$0xFFFFFF90] =	vst v17;
	v17 =	vperm.xlane v18, v13  }
0x11f: {  	[tilespmem:s2+$0xFFFFFFA0] =	vst v20;
	v20 =	vperm.xlane v18, v15;
	v18 =	vperm.xlane v18, v16  }
0x120: {  	[tilespmem:s2+$0xFFFFFFB0] =	vst v19;
	v17 =	vmul.f32 v17, v29;
	v19 =	vmul.f32 v24, v26  }
.Ltmp5:
0x121: {  	[tilespmem:s2+$0xFFFFFFC0] =	vst v21;
	v20 =	vmul.f32 v20, v22;
	v18 =	vmul.f32 v18, v23;
	(pc) =	sbr.rel @p0 .LBB2_12-.Ltmp5, $4  }
0x122: {  	[tilespmem:s2+$0xFFFFFFD0] =	vst v17  }
0x123: {  	[tilespmem:s2+$0xFFFFFFE0] =	vst v19  }
0x124: {  	s2 =	sadd.s32 $0x100, s2;
	[tilespmem:s1+$0xFFFFFFF0] =	vst v20  }
0x125: {  	s21 =	sshra.s32 s18, $0x2;
	s18 =	sadd.s32 $0x40, s18;
	v17 =	vld [tilespmem:s2+$0xFFFFFF40];
	[tilespmem:s1+$0x0] =	vst v18;
	s1 =	smov.u32 s2  }
0x126: {  	v18 =	vld [tilespmem:s21+$0x740];
	_ =	sdelay $0x1  }
0x127: {  	v19 =	vld [tilespmem:s2+$0xFFFFFF10]  }
0x128: {  	v20 =	vld [tilespmem:s2+$0xFFFFFF20]  }
0x129: {  	v21 =	vld [tilespmem:s2+$0xFFFFFF30]  }
0x12a: {  	v22 =	vperm.xlane v18, v1  }
0x12b: {  	v25 =	vld [tilespmem:s2+$0xFFFFFF60];
	v23 =	vperm.xlane v18, v2  }
0x12c: {  	v24 =	vld [tilespmem:s2+$0xFFFFFF50];
	v26 =	vperm.xlane v18, v3;
	v19 =	vmul.f32 v22, v19  }
0x12d: {  	v48 =	vld [tilespmem:s2+$0xFFFFFF70];
	v47 =	vperm.xlane v18, v4;
	v20 =	vmul.f32 v23, v20  }
0x12e: {  	v51 =	vld [tilespmem:s2+$0xFFFFFFA0];
	v49 =	vperm.xlane v18, v6;
	v21 =	vmul.f32 v26, v21;
	[tilespmem:s2+$0xFFFFFF10] =	vst v19  }
0x12f: {  	v56 =	vld [tilespmem:s2+$0xFFFFFFE0];
	v17 =	vmul.f32 v47, v17;
	v19 =	vperm.xlane v18, v5;
	[tilespmem:s2+$0xFFFFFF20] =	vst v20  }
0x130: {  	v50 =	vld [tilespmem:s2+$0xFFFFFF90];
	v28 =	vperm.xlane v18, v7;
	v22 =	vmul.f32 v49, v25;
	[tilespmem:s2+$0xFFFFFF30] =	vst v21  }
0x131: {  	v27 =	vld [tilespmem:s2+$0xFFFFFF80];
	v54 =	vperm.xlane v18, v10;
	[tilespmem:s2+$0xFFFFFF40] =	vst v17;
	v19 =	vmul.f32 v19, v24  }
0x132: {  	v53 =	vld [tilespmem:s2+$0xFFFFFFB0];
	v61 =	vperm.xlane v18, v14;
	v23 =	vmul.f32 v28, v48;
	[tilespmem:s2+$0xFFFFFF60] =	vst v22  }
0x133: {  	v25 =	vmul.f32 v54, v51;
	v17 =	vld [tilespmem:s2+$0xFFFFFFC0];
	[tilespmem:s2+$0xFFFFFF50] =	vst v19;
	v19 =	vperm.xlane v18, v9  }
0x134: {  	v55 =	vld [tilespmem:s2+$0xFFFFFFD0];
	v52 =	vperm.xlane v18, v8;
	v63 =	vmul.f32 v61, v56;
	[tilespmem:s2+$0xFFFFFF70] =	vst v23  }
0x135: {  	v58 =	vld [tilespmem:s2+$0xFFFFFFF0];
	v57 =	vperm.xlane v18, v11;
	[tilespmem:s2+$0xFFFFFFA0] =	vst v25;
	v19 =	vmul.f32 v19, v50  }
0x136: {  	v60 =	vld [tilespmem:s2+$0x0];
	v59 =	vperm.xlane v18, v12;
	v21 =	vmul.f32 v52, v27;
	[tilespmem:s2+$0xFFFFFFE0] =	vst v63  }
0x137: {  	v24 =	vmul.f32 v57, v53;
	[tilespmem:s2+$0xFFFFFF90] =	vst v19;
	v19 =	vperm.xlane v18, v13  }
0x138: {  	v62 =	vperm.xlane v18, v15;
	[tilespmem:s2+$0xFFFFFF80] =	vst v21;
	v17 =	vmul.f32 v59, v17  }
0x139: {  	[tilespmem:s2+$0xFFFFFFB0] =	vst v24;
	v18 =	vperm.xlane v18, v16;
	v19 =	vmul.f32 v19, v55  }
0x13a: {  	[tilespmem:s2+$0xFFFFFFC0] =	vst v17;
	v17 =	vmul.f32 v62, v58  }
0x13b: {  	v18 =	vmul.f32 v18, v60;
	[tilespmem:s2+$0xFFFFFFD0] =	vst v19  }
0x13c: {  	[tilespmem:s1+$0xFFFFFFF0] =	vst v17  }
0x13d: {  	s21 =	simm.s32 $0x1900;
	s31 =	simm.s32 $0xA80;
	[tilespmem:s1+$0x0] =	vst v18  }
0x13e: {  	[spmem:s4] =	stream.indirect.scatter.add.f32 [tilespmem:s21], [sflag:$0x3], $0x10, s31, s24, $0xb8;
	[tilespmem:$0x6210] =	vst v63  }
0x13f: {  	_ =	swait.ge [sflag:s23], $0x400  }
0x140: {  	[sflag:s23] =	ssyncset.done $0x0  }
0x141: {  	s2 =	simm.s32 $0x1DF0;
	[sflag:s23] =	ssyncadd.s32 $0xFFFFFC00  }
0x142: {  	s18 =	simm.s32 $0x40;
	s1 =	simm.s32 $0x1DF0;
	s21 =	simm.s32 $0x0;
	v17 =	vld [tilespmem:s2+$0xFFFFFF40]  }
.LBB2_14:
0x143: {  	p0 =	sne.s32 s18, $0xC0;
	v18 =	vld [tilespmem:s21+$0x780]  }
0x144: {  	v19 =	vld [tilespmem:s2+$0xFFFFFF20]  }
0x145: {  	v20 =	vld [tilespmem:s2+$0xFFFFFF10]  }
0x146: {  	v21 =	vld [tilespmem:s2+$0xFFFFFF30]  }
0x147: {  	v22 =	vld [tilespmem:s2+$0xFFFFFF80]  }
0x148: {  	v23 =	vperm.xlane v18, v1;
	v24 =	vperm.xlane v18, v2;
	v25 =	vld [tilespmem:s2+$0xFFFFFF60]  }
0x149: {  	v26 =	vperm.xlane v18, v3;
	v27 =	vperm.xlane v18, v4;
	v28 =	vld [tilespmem:s2+$0xFFFFFF50]  }
0x14a: {  	v20 =	vmul.f32 v23, v20;
	v19 =	vmul.f32 v24, v19;
	v23 =	vld [tilespmem:s2+$0xFFFFFF70]  }
0x14b: {  	v17 =	vmul.f32 v27, v17;
	v21 =	vmul.f32 v26, v21;
	v24 =	vld [tilespmem:s2+$0xFFFFFFC0]  }
0x14c: {  	v26 =	vperm.xlane v18, v6;
	[tilespmem:s2+$0xFFFFFF10] =	vst v20;
	v20 =	vperm.xlane v18, v5;
	v27 =	vld [tilespmem:s2+$0xFFFFFFA0]  }
0x14d: {  	v29 =	vperm.xlane v18, v8;
	[tilespmem:s2+$0xFFFFFF20] =	vst v19;
	v19 =	vperm.xlane v18, v7;
	v30 =	vld [tilespmem:s2+$0xFFFFFF90]  }
0x14e: {  	[tilespmem:s2+$0xFFFFFF30] =	vst v21;
	v20 =	vmul.f32 v20, v28;
	v21 =	vmul.f32 v26, v25;
	v25 =	vld [tilespmem:s2+$0xFFFFFFB0]  }
0x14f: {  	[tilespmem:s2+$0xFFFFFF40] =	vst v17;
	v17 =	vmul.f32 v19, v23;
	v19 =	vmul.f32 v29, v22;
	v22 =	vld [tilespmem:s2+$0xFFFFFFF0]  }
0x150: {  	v23 =	vperm.xlane v18, v10;
	[tilespmem:s2+$0xFFFFFF50] =	vst v20;
	v20 =	vperm.xlane v18, v9;
	v26 =	vld [tilespmem:s2+$0xFFFFFFE0]  }
0x151: {  	v28 =	vperm.xlane v18, v12;
	[tilespmem:s2+$0xFFFFFF60] =	vst v21;
	v21 =	vperm.xlane v18, v11;
	v29 =	vld [tilespmem:s2+$0xFFFFFFD0]  }
0x152: {  	[tilespmem:s2+$0xFFFFFF70] =	vst v17;
	v17 =	vmul.f32 v20, v30;
	v20 =	vmul.f32 v23, v27;
	v23 =	vld [tilespmem:s2+$0x0]  }
0x153: {  	[tilespmem:s2+$0xFFFFFF80] =	vst v19;
	v19 =	vmul.f32 v21, v25;
	v21 =	vmul.f32 v28, v24  }
0x154: {  	v24 =	vperm.xlane v18, v14;
	[tilespmem:s2+$0xFFFFFF90] =	vst v17;
	v17 =	vperm.xlane v18, v13  }
0x155: {  	[tilespmem:s2+$0xFFFFFFA0] =	vst v20;
	v20 =	vperm.xlane v18, v15;
	v18 =	vperm.xlane v18, v16  }
0x156: {  	[tilespmem:s2+$0xFFFFFFB0] =	vst v19;
	v17 =	vmul.f32 v17, v29;
	v19 =	vmul.f32 v24, v26  }
.Ltmp6:
0x157: {  	[tilespmem:s2+$0xFFFFFFC0] =	vst v21;
	v20 =	vmul.f32 v20, v22;
	v18 =	vmul.f32 v18, v23;
	(pc) =	sbr.rel @p0 .LBB2_14-.Ltmp6, $4  }
0x158: {  	[tilespmem:s2+$0xFFFFFFD0] =	vst v17  }
0x159: {  	[tilespmem:s2+$0xFFFFFFE0] =	vst v19  }
0x15a: {  	s2 =	sadd.s32 $0x100, s2;
	[tilespmem:s1+$0xFFFFFFF0] =	vst v20  }
0x15b: {  	s21 =	sshra.s32 s18, $0x2;
	s18 =	sadd.s32 $0x40, s18;
	v17 =	vld [tilespmem:s2+$0xFFFFFF40];
	[tilespmem:s1+$0x0] =	vst v18;
	s1 =	smov.u32 s2  }
0x15c: {  	v18 =	vld [tilespmem:s21+$0x780];
	_ =	sdelay $0x1  }
0x15d: {  	v19 =	vld [tilespmem:s2+$0xFFFFFF10]  }
0x15e: {  	v20 =	vld [tilespmem:s2+$0xFFFFFF20]  }
0x15f: {  	v21 =	vld [tilespmem:s2+$0xFFFFFF30]  }
0x160: {  	v22 =	vperm.xlane v18, v1  }
0x161: {  	v25 =	vld [tilespmem:s2+$0xFFFFFF60];
	v23 =	vperm.xlane v18, v2  }
0x162: {  	v24 =	vld [tilespmem:s2+$0xFFFFFF50];
	v26 =	vperm.xlane v18, v3;
	v19 =	vmul.f32 v22, v19  }
0x163: {  	v48 =	vld [tilespmem:s2+$0xFFFFFF70];
	v47 =	vperm.xlane v18, v4;
	v20 =	vmul.f32 v23, v20  }
0x164: {  	v51 =	vld [tilespmem:s2+$0xFFFFFFA0];
	v49 =	vperm.xlane v18, v6;
	v21 =	vmul.f32 v26, v21;
	[tilespmem:s2+$0xFFFFFF10] =	vst v19  }
0x165: {  	v56 =	vld [tilespmem:s2+$0xFFFFFFE0];
	v17 =	vmul.f32 v47, v17;
	v19 =	vperm.xlane v18, v5;
	[tilespmem:s2+$0xFFFFFF20] =	vst v20  }
0x166: {  	v50 =	vld [tilespmem:s2+$0xFFFFFF90];
	v28 =	vperm.xlane v18, v7;
	v22 =	vmul.f32 v49, v25;
	[tilespmem:s2+$0xFFFFFF30] =	vst v21  }
0x167: {  	v27 =	vld [tilespmem:s2+$0xFFFFFF80];
	v54 =	vperm.xlane v18, v10;
	[tilespmem:s2+$0xFFFFFF40] =	vst v17;
	v19 =	vmul.f32 v19, v24  }
0x168: {  	v53 =	vld [tilespmem:s2+$0xFFFFFFB0];
	v61 =	vperm.xlane v18, v14;
	v23 =	vmul.f32 v28, v48;
	[tilespmem:s2+$0xFFFFFF60] =	vst v22  }
0x169: {  	v25 =	vmul.f32 v54, v51;
	v17 =	vld [tilespmem:s2+$0xFFFFFFC0];
	[tilespmem:s2+$0xFFFFFF50] =	vst v19;
	v19 =	vperm.xlane v18, v9  }
0x16a: {  	v55 =	vld [tilespmem:s2+$0xFFFFFFD0];
	v52 =	vperm.xlane v18, v8;
	v63 =	vmul.f32 v61, v56;
	[tilespmem:s2+$0xFFFFFF70] =	vst v23  }
0x16b: {  	v58 =	vld [tilespmem:s2+$0xFFFFFFF0];
	v57 =	vperm.xlane v18, v11;
	[tilespmem:s2+$0xFFFFFFA0] =	vst v25;
	v19 =	vmul.f32 v19, v50  }
0x16c: {  	v60 =	vld [tilespmem:s2+$0x0];
	v59 =	vperm.xlane v18, v12;
	v21 =	vmul.f32 v52, v27;
	[tilespmem:s2+$0xFFFFFFE0] =	vst v63  }
0x16d: {  	v24 =	vmul.f32 v57, v53;
	[tilespmem:s2+$0xFFFFFF90] =	vst v19;
	v19 =	vperm.xlane v18, v13  }
0x16e: {  	v62 =	vperm.xlane v18, v15;
	[tilespmem:s2+$0xFFFFFF80] =	vst v21;
	v17 =	vmul.f32 v59, v17  }
0x16f: {  	[tilespmem:s2+$0xFFFFFFB0] =	vst v24;
	v18 =	vperm.xlane v18, v16;
	v19 =	vmul.f32 v19, v55  }
0x170: {  	[tilespmem:s2+$0xFFFFFFC0] =	vst v17;
	v17 =	vmul.f32 v62, v58  }
0x171: {  	v18 =	vmul.f32 v18, v60;
	[tilespmem:s2+$0xFFFFFFD0] =	vst v19  }
0x172: {  	[tilespmem:s1+$0xFFFFFFF0] =	vst v17  }
0x173: {  	s21 =	simm.s32 $0x1D00;
	s31 =	simm.s32 $0xAC0;
	[tilespmem:s1+$0x0] =	vst v18  }
0x174: {  	[spmem:s4] =	stream.indirect.scatter.add.f32 [tilespmem:s21], [sflag:$0x3], $0x10, s31, s24, $0xb8;
	[tilespmem:$0x6210] =	vst v63  }
0x175: {  	_ =	swait.ge [sflag:s23], $0x400  }
0x176: {  	[sflag:s23] =	ssyncset.done $0x0  }
0x177: {  	s2 =	simm.s32 $0x21F0;
	[sflag:s23] =	ssyncadd.s32 $0xFFFFFC00  }
0x178: {  	s18 =	simm.s32 $0x40;
	s1 =	simm.s32 $0x21F0;
	s21 =	simm.s32 $0x0;
	v17 =	vld [tilespmem:s2+$0xFFFFFF40]  }
.LBB2_16:
0x179: {  	p0 =	sne.s32 s18, $0xC0;
	v18 =	vld [tilespmem:s21+$0x7C0]  }
0x17a: {  	v19 =	vld [tilespmem:s2+$0xFFFFFF20]  }
0x17b: {  	v20 =	vld [tilespmem:s2+$0xFFFFFF10]  }
0x17c: {  	v21 =	vld [tilespmem:s2+$0xFFFFFF30]  }
0x17d: {  	v22 =	vld [tilespmem:s2+$0xFFFFFF80]  }
0x17e: {  	v23 =	vperm.xlane v18, v1;
	v24 =	vperm.xlane v18, v2;
	v25 =	vld [tilespmem:s2+$0xFFFFFF60]  }
0x17f: {  	v26 =	vperm.xlane v18, v3;
	v27 =	vperm.xlane v18, v4;
	v28 =	vld [tilespmem:s2+$0xFFFFFF50]  }
0x180: {  	v20 =	vmul.f32 v23, v20;
	v19 =	vmul.f32 v24, v19;
	v23 =	vld [tilespmem:s2+$0xFFFFFF70]  }
0x181: {  	v17 =	vmul.f32 v27, v17;
	v21 =	vmul.f32 v26, v21;
	v24 =	vld [tilespmem:s2+$0xFFFFFFC0]  }
0x182: {  	v26 =	vperm.xlane v18, v6;
	[tilespmem:s2+$0xFFFFFF10] =	vst v20;
	v20 =	vperm.xlane v18, v5;
	v27 =	vld [tilespmem:s2+$0xFFFFFFA0]  }
0x183: {  	v29 =	vperm.xlane v18, v8;
	[tilespmem:s2+$0xFFFFFF20] =	vst v19;
	v19 =	vperm.xlane v18, v7;
	v30 =	vld [tilespmem:s2+$0xFFFFFF90]  }
0x184: {  	[tilespmem:s2+$0xFFFFFF30] =	vst v21;
	v20 =	vmul.f32 v20, v28;
	v21 =	vmul.f32 v26, v25;
	v25 =	vld [tilespmem:s2+$0xFFFFFFB0]  }
0x185: {  	[tilespmem:s2+$0xFFFFFF40] =	vst v17;
	v17 =	vmul.f32 v19, v23;
	v19 =	vmul.f32 v29, v22;
	v22 =	vld [tilespmem:s2+$0xFFFFFFF0]  }
0x186: {  	v23 =	vperm.xlane v18, v10;
	[tilespmem:s2+$0xFFFFFF50] =	vst v20;
	v20 =	vperm.xlane v18, v9;
	v26 =	vld [tilespmem:s2+$0xFFFFFFE0]  }
0x187: {  	v28 =	vperm.xlane v18, v12;
	[tilespmem:s2+$0xFFFFFF60] =	vst v21;
	v21 =	vperm.xlane v18, v11;
	v29 =	vld [tilespmem:s2+$0xFFFFFFD0]  }
0x188: {  	[tilespmem:s2+$0xFFFFFF70] =	vst v17;
	v17 =	vmul.f32 v20, v30;
	v20 =	vmul.f32 v23, v27;
	v23 =	vld [tilespmem:s2+$0x0]  }
0x189: {  	[tilespmem:s2+$0xFFFFFF80] =	vst v19;
	v19 =	vmul.f32 v21, v25;
	v21 =	vmul.f32 v28, v24  }
0x18a: {  	v24 =	vperm.xlane v18, v14;
	[tilespmem:s2+$0xFFFFFF90] =	vst v17;
	v17 =	vperm.xlane v18, v13  }
0x18b: {  	[tilespmem:s2+$0xFFFFFFA0] =	vst v20;
	v20 =	vperm.xlane v18, v15;
	v18 =	vperm.xlane v18, v16  }
0x18c: {  	[tilespmem:s2+$0xFFFFFFB0] =	vst v19;
	v17 =	vmul.f32 v17, v29;
	v19 =	vmul.f32 v24, v26  }
.Ltmp7:
0x18d: {  	[tilespmem:s2+$0xFFFFFFC0] =	vst v21;
	v20 =	vmul.f32 v20, v22;
	v18 =	vmul.f32 v18, v23;
	(pc) =	sbr.rel @p0 .LBB2_16-.Ltmp7, $4  }
0x18e: {  	[tilespmem:s2+$0xFFFFFFD0] =	vst v17  }
0x18f: {  	[tilespmem:s2+$0xFFFFFFE0] =	vst v19  }
0x190: {  	s2 =	sadd.s32 $0x100, s2;
	[tilespmem:s1+$0xFFFFFFF0] =	vst v20  }
0x191: {  	s21 =	sshra.s32 s18, $0x2;
	s18 =	sadd.s32 $0x40, s18;
	v17 =	vld [tilespmem:s2+$0xFFFFFF40];
	[tilespmem:s1+$0x0] =	vst v18;
	s1 =	smov.u32 s2  }
0x192: {  	v18 =	vld [tilespmem:s21+$0x7C0];
	_ =	sdelay $0x1  }
0x193: {  	v19 =	vld [tilespmem:s2+$0xFFFFFF10]  }
0x194: {  	v20 =	vld [tilespmem:s2+$0xFFFFFF20]  }
0x195: {  	v21 =	vld [tilespmem:s2+$0xFFFFFF30]  }
0x196: {  	v22 =	vperm.xlane v18, v1  }
0x197: {  	v25 =	vld [tilespmem:s2+$0xFFFFFF60];
	v23 =	vperm.xlane v18, v2  }
0x198: {  	v24 =	vld [tilespmem:s2+$0xFFFFFF50];
	v26 =	vperm.xlane v18, v3;
	v19 =	vmul.f32 v22, v19  }
0x199: {  	v48 =	vld [tilespmem:s2+$0xFFFFFF70];
	v47 =	vperm.xlane v18, v4;
	v20 =	vmul.f32 v23, v20  }
0x19a: {  	v51 =	vld [tilespmem:s2+$0xFFFFFFA0];
	v49 =	vperm.xlane v18, v6;
	v21 =	vmul.f32 v26, v21;
	[tilespmem:s2+$0xFFFFFF10] =	vst v19  }
0x19b: {  	v56 =	vld [tilespmem:s2+$0xFFFFFFE0];
	v17 =	vmul.f32 v47, v17;
	v19 =	vperm.xlane v18, v5;
	[tilespmem:s2+$0xFFFFFF20] =	vst v20  }
0x19c: {  	v50 =	vld [tilespmem:s2+$0xFFFFFF90];
	v28 =	vperm.xlane v18, v7;
	v22 =	vmul.f32 v49, v25;
	[tilespmem:s2+$0xFFFFFF30] =	vst v21  }
0x19d: {  	v27 =	vld [tilespmem:s2+$0xFFFFFF80];
	v54 =	vperm.xlane v18, v10;
	[tilespmem:s2+$0xFFFFFF40] =	vst v17;
	v19 =	vmul.f32 v19, v24  }
0x19e: {  	v53 =	vld [tilespmem:s2+$0xFFFFFFB0];
	v61 =	vperm.xlane v18, v14;
	v23 =	vmul.f32 v28, v48;
	[tilespmem:s2+$0xFFFFFF60] =	vst v22  }
0x19f: {  	v25 =	vmul.f32 v54, v51;
	v17 =	vld [tilespmem:s2+$0xFFFFFFC0];
	[tilespmem:s2+$0xFFFFFF50] =	vst v19;
	v19 =	vperm.xlane v18, v9  }
0x1a0: {  	v55 =	vld [tilespmem:s2+$0xFFFFFFD0];
	v52 =	vperm.xlane v18, v8;
	v63 =	vmul.f32 v61, v56;
	[tilespmem:s2+$0xFFFFFF70] =	vst v23  }
0x1a1: {  	v58 =	vld [tilespmem:s2+$0xFFFFFFF0];
	v57 =	vperm.xlane v18, v11;
	[tilespmem:s2+$0xFFFFFFA0] =	vst v25;
	v19 =	vmul.f32 v19, v50  }
0x1a2: {  	v60 =	vld [tilespmem:s2+$0x0];
	v59 =	vperm.xlane v18, v12;
	v21 =	vmul.f32 v52, v27;
	[tilespmem:s2+$0xFFFFFFE0] =	vst v63  }
0x1a3: {  	v24 =	vmul.f32 v57, v53;
	[tilespmem:s2+$0xFFFFFF90] =	vst v19;
	v19 =	vperm.xlane v18, v13  }
0x1a4: {  	v62 =	vperm.xlane v18, v15;
	[tilespmem:s2+$0xFFFFFF80] =	vst v21;
	v17 =	vmul.f32 v59, v17  }
0x1a5: {  	[tilespmem:s2+$0xFFFFFFB0] =	vst v24;
	v18 =	vperm.xlane v18, v16;
	v19 =	vmul.f32 v19, v55  }
0x1a6: {  	[tilespmem:s2+$0xFFFFFFC0] =	vst v17;
	v17 =	vmul.f32 v62, v58  }
0x1a7: {  	v18 =	vmul.f32 v18, v60;
	[tilespmem:s2+$0xFFFFFFD0] =	vst v19  }
0x1a8: {  	[tilespmem:s1+$0xFFFFFFF0] =	vst v17  }
0x1a9: {  	s21 =	simm.s32 $0x2100;
	s31 =	simm.s32 $0xB00;
	[tilespmem:s1+$0x0] =	vst v18  }
0x1aa: {  	[spmem:s4] =	stream.indirect.scatter.add.f32 [tilespmem:s21], [sflag:$0x3], $0x10, s31, s24, $0xb8;
	[tilespmem:$0x6210] =	vst v63  }
0x1ab: {  	_ =	swait.ge [sflag:s23], $0x400  }
0x1ac: {  	[sflag:s23] =	ssyncset.done $0x0  }
0x1ad: {  	s2 =	simm.s32 $0x25F0;
	[sflag:s23] =	ssyncadd.s32 $0xFFFFFC00  }
0x1ae: {  	s18 =	simm.s32 $0x40;
	s1 =	simm.s32 $0x25F0;
	s21 =	simm.s32 $0x0;
	v17 =	vld [tilespmem:s2+$0xFFFFFF40]  }
.LBB2_18:
0x1af: {  	p0 =	sne.s32 s18, $0xC0;
	v18 =	vld [tilespmem:s21+$0x800]  }
0x1b0: {  	v19 =	vld [tilespmem:s2+$0xFFFFFF20]  }
0x1b1: {  	v20 =	vld [tilespmem:s2+$0xFFFFFF10]  }
0x1b2: {  	v21 =	vld [tilespmem:s2+$0xFFFFFF30]  }
0x1b3: {  	v22 =	vld [tilespmem:s2+$0xFFFFFF80]  }
0x1b4: {  	v23 =	vperm.xlane v18, v1;
	v24 =	vperm.xlane v18, v2;
	v25 =	vld [tilespmem:s2+$0xFFFFFF60]  }
0x1b5: {  	v26 =	vperm.xlane v18, v3;
	v27 =	vperm.xlane v18, v4;
	v28 =	vld [tilespmem:s2+$0xFFFFFF50]  }
0x1b6: {  	v20 =	vmul.f32 v23, v20;
	v19 =	vmul.f32 v24, v19;
	v23 =	vld [tilespmem:s2+$0xFFFFFF70]  }
0x1b7: {  	v17 =	vmul.f32 v27, v17;
	v21 =	vmul.f32 v26, v21;
	v24 =	vld [tilespmem:s2+$0xFFFFFFC0]  }
0x1b8: {  	v26 =	vperm.xlane v18, v6;
	[tilespmem:s2+$0xFFFFFF10] =	vst v20;
	v20 =	vperm.xlane v18, v5;
	v27 =	vld [tilespmem:s2+$0xFFFFFFA0]  }
0x1b9: {  	v29 =	vperm.xlane v18, v8;
	[tilespmem:s2+$0xFFFFFF20] =	vst v19;
	v19 =	vperm.xlane v18, v7;
	v30 =	vld [tilespmem:s2+$0xFFFFFF90]  }
0x1ba: {  	[tilespmem:s2+$0xFFFFFF30] =	vst v21;
	v20 =	vmul.f32 v20, v28;
	v21 =	vmul.f32 v26, v25;
	v25 =	vld [tilespmem:s2+$0xFFFFFFB0]  }
0x1bb: {  	[tilespmem:s2+$0xFFFFFF40] =	vst v17;
	v17 =	vmul.f32 v19, v23;
	v19 =	vmul.f32 v29, v22;
	v22 =	vld [tilespmem:s2+$0xFFFFFFF0]  }
0x1bc: {  	v23 =	vperm.xlane v18, v10;
	[tilespmem:s2+$0xFFFFFF50] =	vst v20;
	v20 =	vperm.xlane v18, v9;
	v26 =	vld [tilespmem:s2+$0xFFFFFFE0]  }
0x1bd: {  	v28 =	vperm.xlane v18, v12;
	[tilespmem:s2+$0xFFFFFF60] =	vst v21;
	v21 =	vperm.xlane v18, v11;
	v29 =	vld [tilespmem:s2+$0xFFFFFFD0]  }
0x1be: {  	[tilespmem:s2+$0xFFFFFF70] =	vst v17;
	v17 =	vmul.f32 v20, v30;
	v20 =	vmul.f32 v23, v27;
	v23 =	vld [tilespmem:s2+$0x0]  }
0x1bf: {  	[tilespmem:s2+$0xFFFFFF80] =	vst v19;
	v19 =	vmul.f32 v21, v25;
	v21 =	vmul.f32 v28, v24  }
0x1c0: {  	v24 =	vperm.xlane v18, v14;
	[tilespmem:s2+$0xFFFFFF90] =	vst v17;
	v17 =	vperm.xlane v18, v13  }
0x1c1: {  	[tilespmem:s2+$0xFFFFFFA0] =	vst v20;
	v20 =	vperm.xlane v18, v15;
	v18 =	vperm.xlane v18, v16  }
0x1c2: {  	[tilespmem:s2+$0xFFFFFFB0] =	vst v19;
	v17 =	vmul.f32 v17, v29;
	v19 =	vmul.f32 v24, v26  }
.Ltmp8:
0x1c3: {  	[tilespmem:s2+$0xFFFFFFC0] =	vst v21;
	v20 =	vmul.f32 v20, v22;
	v18 =	vmul.f32 v18, v23;
	(pc) =	sbr.rel @p0 .LBB2_18-.Ltmp8, $4  }
0x1c4: {  	[tilespmem:s2+$0xFFFFFFD0] =	vst v17  }
0x1c5: {  	[tilespmem:s2+$0xFFFFFFE0] =	vst v19  }
0x1c6: {  	s2 =	sadd.s32 $0x100, s2;
	[tilespmem:s1+$0xFFFFFFF0] =	vst v20  }
0x1c7: {  	s21 =	sshra.s32 s18, $0x2;
	s18 =	sadd.s32 $0x40, s18;
	v17 =	vld [tilespmem:s2+$0xFFFFFF40];
	[tilespmem:s1+$0x0] =	vst v18;
	s1 =	smov.u32 s2  }
0x1c8: {  	v18 =	vld [tilespmem:s21+$0x800];
	_ =	sdelay $0x1  }
0x1c9: {  	v19 =	vld [tilespmem:s2+$0xFFFFFF10]  }
0x1ca: {  	v20 =	vld [tilespmem:s2+$0xFFFFFF20]  }
0x1cb: {  	v21 =	vld [tilespmem:s2+$0xFFFFFF30]  }
0x1cc: {  	v22 =	vperm.xlane v18, v1  }
0x1cd: {  	v25 =	vld [tilespmem:s2+$0xFFFFFF60];
	v23 =	vperm.xlane v18, v2  }
0x1ce: {  	v24 =	vld [tilespmem:s2+$0xFFFFFF50];
	v26 =	vperm.xlane v18, v3;
	v19 =	vmul.f32 v22, v19  }
0x1cf: {  	v48 =	vld [tilespmem:s2+$0xFFFFFF70];
	v47 =	vperm.xlane v18, v4;
	v20 =	vmul.f32 v23, v20  }
0x1d0: {  	v51 =	vld [tilespmem:s2+$0xFFFFFFA0];
	v49 =	vperm.xlane v18, v6;
	v21 =	vmul.f32 v26, v21;
	[tilespmem:s2+$0xFFFFFF10] =	vst v19  }
0x1d1: {  	v56 =	vld [tilespmem:s2+$0xFFFFFFE0];
	v17 =	vmul.f32 v47, v17;
	v19 =	vperm.xlane v18, v5;
	[tilespmem:s2+$0xFFFFFF20] =	vst v20  }
0x1d2: {  	v50 =	vld [tilespmem:s2+$0xFFFFFF90];
	v28 =	vperm.xlane v18, v7;
	v22 =	vmul.f32 v49, v25;
	[tilespmem:s2+$0xFFFFFF30] =	vst v21  }
0x1d3: {  	v27 =	vld [tilespmem:s2+$0xFFFFFF80];
	v54 =	vperm.xlane v18, v10;
	[tilespmem:s2+$0xFFFFFF40] =	vst v17;
	v19 =	vmul.f32 v19, v24  }
0x1d4: {  	v53 =	vld [tilespmem:s2+$0xFFFFFFB0];
	v61 =	vperm.xlane v18, v14;
	v23 =	vmul.f32 v28, v48;
	[tilespmem:s2+$0xFFFFFF60] =	vst v22  }
0x1d5: {  	v25 =	vmul.f32 v54, v51;
	v17 =	vld [tilespmem:s2+$0xFFFFFFC0];
	[tilespmem:s2+$0xFFFFFF50] =	vst v19;
	v19 =	vperm.xlane v18, v9  }
0x1d6: {  	v55 =	vld [tilespmem:s2+$0xFFFFFFD0];
	v52 =	vperm.xlane v18, v8;
	v63 =	vmul.f32 v61, v56;
	[tilespmem:s2+$0xFFFFFF70] =	vst v23  }
0x1d7: {  	v58 =	vld [tilespmem:s2+$0xFFFFFFF0];
	v57 =	vperm.xlane v18, v11;
	[tilespmem:s2+$0xFFFFFFA0] =	vst v25;
	v19 =	vmul.f32 v19, v50  }
0x1d8: {  	v60 =	vld [tilespmem:s2+$0x0];
	v59 =	vperm.xlane v18, v12;
	v21 =	vmul.f32 v52, v27;
	[tilespmem:s2+$0xFFFFFFE0] =	vst v63  }
0x1d9: {  	v24 =	vmul.f32 v57, v53;
	[tilespmem:s2+$0xFFFFFF90] =	vst v19;
	v19 =	vperm.xlane v18, v13  }
0x1da: {  	v62 =	vperm.xlane v18, v15;
	[tilespmem:s2+$0xFFFFFF80] =	vst v21;
	v17 =	vmul.f32 v59, v17  }
0x1db: {  	[tilespmem:s2+$0xFFFFFFB0] =	vst v24;
	v18 =	vperm.xlane v18, v16;
	v19 =	vmul.f32 v19, v55  }
0x1dc: {  	[tilespmem:s2+$0xFFFFFFC0] =	vst v17;
	v17 =	vmul.f32 v62, v58  }
0x1dd: {  	v18 =	vmul.f32 v18, v60;
	[tilespmem:s2+$0xFFFFFFD0] =	vst v19  }
0x1de: {  	[tilespmem:s1+$0xFFFFFFF0] =	vst v17  }
0x1df: {  	s21 =	simm.s32 $0x2500;
	s31 =	simm.s32 $0xB40;
	[tilespmem:s1+$0x0] =	vst v18  }
0x1e0: {  	[spmem:s4] =	stream.indirect.scatter.add.f32 [tilespmem:s21], [sflag:$0x3], $0x10, s31, s24, $0xb8;
	[tilespmem:$0x6210] =	vst v63  }
0x1e1: {  	_ =	swait.ge [sflag:s23], $0x400  }
0x1e2: {  	[sflag:s23] =	ssyncset.done $0x0  }
0x1e3: {  	s2 =	simm.s32 $0x29F0;
	[sflag:s23] =	ssyncadd.s32 $0xFFFFFC00  }
0x1e4: {  	s18 =	simm.s32 $0x40;
	s1 =	simm.s32 $0x29F0;
	s21 =	simm.s32 $0x0;
	v17 =	vld [tilespmem:s2+$0xFFFFFF40]  }
.LBB2_20:
0x1e5: {  	p0 =	sne.s32 s18, $0xC0;
	v18 =	vld [tilespmem:s21+$0x840]  }
0x1e6: {  	v19 =	vld [tilespmem:s2+$0xFFFFFF20]  }
0x1e7: {  	v20 =	vld [tilespmem:s2+$0xFFFFFF10]  }
0x1e8: {  	v21 =	vld [tilespmem:s2+$0xFFFFFF30]  }
0x1e9: {  	v22 =	vld [tilespmem:s2+$0xFFFFFF80]  }
0x1ea: {  	v23 =	vperm.xlane v18, v1;
	v24 =	vperm.xlane v18, v2;
	v25 =	vld [tilespmem:s2+$0xFFFFFF60]  }
0x1eb: {  	v26 =	vperm.xlane v18, v3;
	v27 =	vperm.xlane v18, v4;
	v28 =	vld [tilespmem:s2+$0xFFFFFF50]  }
0x1ec: {  	v20 =	vmul.f32 v23, v20;
	v19 =	vmul.f32 v24, v19;
	v23 =	vld [tilespmem:s2+$0xFFFFFF70]  }
0x1ed: {  	v17 =	vmul.f32 v27, v17;
	v21 =	vmul.f32 v26, v21;
	v24 =	vld [tilespmem:s2+$0xFFFFFFC0]  }
0x1ee: {  	v26 =	vperm.xlane v18, v6;
	[tilespmem:s2+$0xFFFFFF10] =	vst v20;
	v20 =	vperm.xlane v18, v5;
	v27 =	vld [tilespmem:s2+$0xFFFFFFA0]  }
0x1ef: {  	v29 =	vperm.xlane v18, v8;
	[tilespmem:s2+$0xFFFFFF20] =	vst v19;
	v19 =	vperm.xlane v18, v7;
	v30 =	vld [tilespmem:s2+$0xFFFFFF90]  }
0x1f0: {  	[tilespmem:s2+$0xFFFFFF30] =	vst v21;
	v20 =	vmul.f32 v20, v28;
	v21 =	vmul.f32 v26, v25;
	v25 =	vld [tilespmem:s2+$0xFFFFFFB0]  }
0x1f1: {  	[tilespmem:s2+$0xFFFFFF40] =	vst v17;
	v17 =	vmul.f32 v19, v23;
	v19 =	vmul.f32 v29, v22;
	v22 =	vld [tilespmem:s2+$0xFFFFFFF0]  }
0x1f2: {  	v23 =	vperm.xlane v18, v10;
	[tilespmem:s2+$0xFFFFFF50] =	vst v20;
	v20 =	vperm.xlane v18, v9;
	v26 =	vld [tilespmem:s2+$0xFFFFFFE0]  }
0x1f3: {  	v28 =	vperm.xlane v18, v12;
	[tilespmem:s2+$0xFFFFFF60] =	vst v21;
	v21 =	vperm.xlane v18, v11;
	v29 =	vld [tilespmem:s2+$0xFFFFFFD0]  }
0x1f4: {  	[tilespmem:s2+$0xFFFFFF70] =	vst v17;
	v17 =	vmul.f32 v20, v30;
	v20 =	vmul.f32 v23, v27;
	v23 =	vld [tilespmem:s2+$0x0]  }
0x1f5: {  	[tilespmem:s2+$0xFFFFFF80] =	vst v19;
	v19 =	vmul.f32 v21, v25;
	v21 =	vmul.f32 v28, v24  }
0x1f6: {  	v24 =	vperm.xlane v18, v14;
	[tilespmem:s2+$0xFFFFFF90] =	vst v17;
	v17 =	vperm.xlane v18, v13  }
0x1f7: {  	[tilespmem:s2+$0xFFFFFFA0] =	vst v20;
	v20 =	vperm.xlane v18, v15;
	v18 =	vperm.xlane v18, v16  }
0x1f8: {  	[tilespmem:s2+$0xFFFFFFB0] =	vst v19;
	v17 =	vmul.f32 v17, v29;
	v19 =	vmul.f32 v24, v26  }
.Ltmp9:
0x1f9: {  	[tilespmem:s2+$0xFFFFFFC0] =	vst v21;
	v20 =	vmul.f32 v20, v22;
	v18 =	vmul.f32 v18, v23;
	(pc) =	sbr.rel @p0 .LBB2_20-.Ltmp9, $4  }
0x1fa: {  	[tilespmem:s2+$0xFFFFFFD0] =	vst v17  }
0x1fb: {  	[tilespmem:s2+$0xFFFFFFE0] =	vst v19  }
0x1fc: {  	s2 =	sadd.s32 $0x100, s2;
	[tilespmem:s1+$0xFFFFFFF0] =	vst v20  }
0x1fd: {  	s21 =	sshra.s32 s18, $0x2;
	s18 =	sadd.s32 $0x40, s18;
	v17 =	vld [tilespmem:s2+$0xFFFFFF40];
	[tilespmem:s1+$0x0] =	vst v18;
	s1 =	smov.u32 s2  }
0x1fe: {  	v18 =	vld [tilespmem:s21+$0x840];
	_ =	sdelay $0x1  }
0x1ff: {  	v19 =	vld [tilespmem:s2+$0xFFFFFF10]  }
0x200: {  	v20 =	vld [tilespmem:s2+$0xFFFFFF20]  }
0x201: {  	v21 =	vld [tilespmem:s2+$0xFFFFFF30]  }
0x202: {  	v22 =	vperm.xlane v18, v1  }
0x203: {  	v25 =	vld [tilespmem:s2+$0xFFFFFF60];
	v23 =	vperm.xlane v18, v2  }
0x204: {  	v24 =	vld [tilespmem:s2+$0xFFFFFF50];
	v26 =	vperm.xlane v18, v3;
	v19 =	vmul.f32 v22, v19  }
0x205: {  	v48 =	vld [tilespmem:s2+$0xFFFFFF70];
	v47 =	vperm.xlane v18, v4;
	v20 =	vmul.f32 v23, v20  }
0x206: {  	v51 =	vld [tilespmem:s2+$0xFFFFFFA0];
	v49 =	vperm.xlane v18, v6;
	v21 =	vmul.f32 v26, v21;
	[tilespmem:s2+$0xFFFFFF10] =	vst v19  }
0x207: {  	v56 =	vld [tilespmem:s2+$0xFFFFFFE0];
	v17 =	vmul.f32 v47, v17;
	v19 =	vperm.xlane v18, v5;
	[tilespmem:s2+$0xFFFFFF20] =	vst v20  }
0x208: {  	v50 =	vld [tilespmem:s2+$0xFFFFFF90];
	v28 =	vperm.xlane v18, v7;
	v22 =	vmul.f32 v49, v25;
	[tilespmem:s2+$0xFFFFFF30] =	vst v21  }
0x209: {  	v27 =	vld [tilespmem:s2+$0xFFFFFF80];
	v54 =	vperm.xlane v18, v10;
	[tilespmem:s2+$0xFFFFFF40] =	vst v17;
	v19 =	vmul.f32 v19, v24  }
0x20a: {  	v53 =	vld [tilespmem:s2+$0xFFFFFFB0];
	v61 =	vperm.xlane v18, v14;
	v23 =	vmul.f32 v28, v48;
	[tilespmem:s2+$0xFFFFFF60] =	vst v22  }
0x20b: {  	v25 =	vmul.f32 v54, v51;
	v17 =	vld [tilespmem:s2+$0xFFFFFFC0];
	[tilespmem:s2+$0xFFFFFF50] =	vst v19;
	v19 =	vperm.xlane v18, v9  }
0x20c: {  	v55 =	vld [tilespmem:s2+$0xFFFFFFD0];
	v52 =	vperm.xlane v18, v8;
	v63 =	vmul.f32 v61, v56;
	[tilespmem:s2+$0xFFFFFF70] =	vst v23  }
0x20d: {  	v58 =	vld [tilespmem:s2+$0xFFFFFFF0];
	v57 =	vperm.xlane v18, v11;
	[tilespmem:s2+$0xFFFFFFA0] =	vst v25;
	v19 =	vmul.f32 v19, v50  }
0x20e: {  	v60 =	vld [tilespmem:s2+$0x0];
	v59 =	vperm.xlane v18, v12;
	v21 =	vmul.f32 v52, v27;
	[tilespmem:s2+$0xFFFFFFE0] =	vst v63  }
0x20f: {  	v24 =	vmul.f32 v57, v53;
	[tilespmem:s2+$0xFFFFFF90] =	vst v19;
	v19 =	vperm.xlane v18, v13  }
0x210: {  	v62 =	vperm.xlane v18, v15;
	[tilespmem:s2+$0xFFFFFF80] =	vst v21;
	v17 =	vmul.f32 v59, v17  }
0x211: {  	[tilespmem:s2+$0xFFFFFFB0] =	vst v24;
	v18 =	vperm.xlane v18, v16;
	v19 =	vmul.f32 v19, v55  }
0x212: {  	[tilespmem:s2+$0xFFFFFFC0] =	vst v17;
	v17 =	vmul.f32 v62, v58  }
0x213: {  	v18 =	vmul.f32 v18, v60;
	[tilespmem:s2+$0xFFFFFFD0] =	vst v19  }
0x214: {  	[tilespmem:s1+$0xFFFFFFF0] =	vst v17  }
0x215: {  	s21 =	simm.s32 $0x2900;
	s31 =	simm.s32 $0xB80;
	[tilespmem:s1+$0x0] =	vst v18  }
0x216: {  	[spmem:s4] =	stream.indirect.scatter.add.f32 [tilespmem:s21], [sflag:$0x3], $0x10, s31, s24, $0xb8;
	[tilespmem:$0x6210] =	vst v63  }
0x217: {  	_ =	swait.ge [sflag:s23], $0x400  }
0x218: {  	[sflag:s23] =	ssyncset.done $0x0  }
0x219: {  	s2 =	simm.s32 $0x2DF0;
	[sflag:s23] =	ssyncadd.s32 $0xFFFFFC00  }
0x21a: {  	s18 =	simm.s32 $0x40;
	s1 =	simm.s32 $0x2DF0;
	s21 =	simm.s32 $0x0;
	v17 =	vld [tilespmem:s2+$0xFFFFFF40]  }
.LBB2_22:
0x21b: {  	p0 =	sne.s32 s18, $0xC0;
	v18 =	vld [tilespmem:s21+$0x880]  }
0x21c: {  	v19 =	vld [tilespmem:s2+$0xFFFFFF20]  }
0x21d: {  	v20 =	vld [tilespmem:s2+$0xFFFFFF10]  }
0x21e: {  	v21 =	vld [tilespmem:s2+$0xFFFFFF30]  }
0x21f: {  	v22 =	vld [tilespmem:s2+$0xFFFFFF80]  }
0x220: {  	v23 =	vperm.xlane v18, v1;
	v24 =	vperm.xlane v18, v2;
	v25 =	vld [tilespmem:s2+$0xFFFFFF60]  }
0x221: {  	v26 =	vperm.xlane v18, v3;
	v27 =	vperm.xlane v18, v4;
	v28 =	vld [tilespmem:s2+$0xFFFFFF50]  }
0x222: {  	v20 =	vmul.f32 v23, v20;
	v19 =	vmul.f32 v24, v19;
	v23 =	vld [tilespmem:s2+$0xFFFFFF70]  }
0x223: {  	v17 =	vmul.f32 v27, v17;
	v21 =	vmul.f32 v26, v21;
	v24 =	vld [tilespmem:s2+$0xFFFFFFC0]  }
0x224: {  	v26 =	vperm.xlane v18, v6;
	[tilespmem:s2+$0xFFFFFF10] =	vst v20;
	v20 =	vperm.xlane v18, v5;
	v27 =	vld [tilespmem:s2+$0xFFFFFFA0]  }
0x225: {  	v29 =	vperm.xlane v18, v8;
	[tilespmem:s2+$0xFFFFFF20] =	vst v19;
	v19 =	vperm.xlane v18, v7;
	v30 =	vld [tilespmem:s2+$0xFFFFFF90]  }
0x226: {  	[tilespmem:s2+$0xFFFFFF30] =	vst v21;
	v20 =	vmul.f32 v20, v28;
	v21 =	vmul.f32 v26, v25;
	v25 =	vld [tilespmem:s2+$0xFFFFFFB0]  }
0x227: {  	[tilespmem:s2+$0xFFFFFF40] =	vst v17;
	v17 =	vmul.f32 v19, v23;
	v19 =	vmul.f32 v29, v22;
	v22 =	vld [tilespmem:s2+$0xFFFFFFF0]  }
0x228: {  	v23 =	vperm.xlane v18, v10;
	[tilespmem:s2+$0xFFFFFF50] =	vst v20;
	v20 =	vperm.xlane v18, v9;
	v26 =	vld [tilespmem:s2+$0xFFFFFFE0]  }
0x229: {  	v28 =	vperm.xlane v18, v12;
	[tilespmem:s2+$0xFFFFFF60] =	vst v21;
	v21 =	vperm.xlane v18, v11;
	v29 =	vld [tilespmem:s2+$0xFFFFFFD0]  }
0x22a: {  	[tilespmem:s2+$0xFFFFFF70] =	vst v17;
	v17 =	vmul.f32 v20, v30;
	v20 =	vmul.f32 v23, v27;
	v23 =	vld [tilespmem:s2+$0x0]  }
0x22b: {  	[tilespmem:s2+$0xFFFFFF80] =	vst v19;
	v19 =	vmul.f32 v21, v25;
	v21 =	vmul.f32 v28, v24  }
0x22c: {  	v24 =	vperm.xlane v18, v14;
	[tilespmem:s2+$0xFFFFFF90] =	vst v17;
	v17 =	vperm.xlane v18, v13  }
0x22d: {  	[tilespmem:s2+$0xFFFFFFA0] =	vst v20;
	v20 =	vperm.xlane v18, v15;
	v18 =	vperm.xlane v18, v16  }
0x22e: {  	[tilespmem:s2+$0xFFFFFFB0] =	vst v19;
	v17 =	vmul.f32 v17, v29;
	v19 =	vmul.f32 v24, v26  }
.Ltmp10:
0x22f: {  	[tilespmem:s2+$0xFFFFFFC0] =	vst v21;
	v20 =	vmul.f32 v20, v22;
	v18 =	vmul.f32 v18, v23;
	(pc) =	sbr.rel @p0 .LBB2_22-.Ltmp10, $4  }
0x230: {  	[tilespmem:s2+$0xFFFFFFD0] =	vst v17  }
0x231: {  	[tilespmem:s2+$0xFFFFFFE0] =	vst v19  }
0x232: {  	s2 =	sadd.s32 $0x100, s2;
	[tilespmem:s1+$0xFFFFFFF0] =	vst v20  }
0x233: {  	s21 =	sshra.s32 s18, $0x2;
	s18 =	sadd.s32 $0x40, s18;
	v17 =	vld [tilespmem:s2+$0xFFFFFF40];
	[tilespmem:s1+$0x0] =	vst v18;
	s1 =	smov.u32 s2  }
0x234: {  	v18 =	vld [tilespmem:s21+$0x880];
	_ =	sdelay $0x1  }
0x235: {  	v19 =	vld [tilespmem:s2+$0xFFFFFF10]  }
0x236: {  	v20 =	vld [tilespmem:s2+$0xFFFFFF20]  }
0x237: {  	v21 =	vld [tilespmem:s2+$0xFFFFFF30]  }
0x238: {  	v22 =	vperm.xlane v18, v1  }
0x239: {  	v25 =	vld [tilespmem:s2+$0xFFFFFF60];
	v23 =	vperm.xlane v18, v2  }
0x23a: {  	v24 =	vld [tilespmem:s2+$0xFFFFFF50];
	v26 =	vperm.xlane v18, v3;
	v19 =	vmul.f32 v22, v19  }
0x23b: {  	v48 =	vld [tilespmem:s2+$0xFFFFFF70];
	v47 =	vperm.xlane v18, v4;
	v20 =	vmul.f32 v23, v20  }
0x23c: {  	v51 =	vld [tilespmem:s2+$0xFFFFFFA0];
	v49 =	vperm.xlane v18, v6;
	v21 =	vmul.f32 v26, v21;
	[tilespmem:s2+$0xFFFFFF10] =	vst v19  }
0x23d: {  	v56 =	vld [tilespmem:s2+$0xFFFFFFE0];
	v17 =	vmul.f32 v47, v17;
	v19 =	vperm.xlane v18, v5;
	[tilespmem:s2+$0xFFFFFF20] =	vst v20  }
0x23e: {  	v50 =	vld [tilespmem:s2+$0xFFFFFF90];
	v28 =	vperm.xlane v18, v7;
	v22 =	vmul.f32 v49, v25;
	[tilespmem:s2+$0xFFFFFF30] =	vst v21  }
0x23f: {  	v27 =	vld [tilespmem:s2+$0xFFFFFF80];
	v54 =	vperm.xlane v18, v10;
	[tilespmem:s2+$0xFFFFFF40] =	vst v17;
	v19 =	vmul.f32 v19, v24  }
0x240: {  	v53 =	vld [tilespmem:s2+$0xFFFFFFB0];
	v61 =	vperm.xlane v18, v14;
	v23 =	vmul.f32 v28, v48;
	[tilespmem:s2+$0xFFFFFF60] =	vst v22  }
0x241: {  	v25 =	vmul.f32 v54, v51;
	v17 =	vld [tilespmem:s2+$0xFFFFFFC0];
	[tilespmem:s2+$0xFFFFFF50] =	vst v19;
	v19 =	vperm.xlane v18, v9  }
0x242: {  	v55 =	vld [tilespmem:s2+$0xFFFFFFD0];
	v52 =	vperm.xlane v18, v8;
	v63 =	vmul.f32 v61, v56;
	[tilespmem:s2+$0xFFFFFF70] =	vst v23  }
0x243: {  	v58 =	vld [tilespmem:s2+$0xFFFFFFF0];
	v57 =	vperm.xlane v18, v11;
	[tilespmem:s2+$0xFFFFFFA0] =	vst v25;
	v19 =	vmul.f32 v19, v50  }
0x244: {  	v60 =	vld [tilespmem:s2+$0x0];
	v59 =	vperm.xlane v18, v12;
	v21 =	vmul.f32 v52, v27;
	[tilespmem:s2+$0xFFFFFFE0] =	vst v63  }
0x245: {  	v24 =	vmul.f32 v57, v53;
	[tilespmem:s2+$0xFFFFFF90] =	vst v19;
	v19 =	vperm.xlane v18, v13  }
0x246: {  	v62 =	vperm.xlane v18, v15;
	[tilespmem:s2+$0xFFFFFF80] =	vst v21;
	v17 =	vmul.f32 v59, v17  }
0x247: {  	[tilespmem:s2+$0xFFFFFFB0] =	vst v24;
	v18 =	vperm.xlane v18, v16;
	v19 =	vmul.f32 v19, v55  }
0x248: {  	[tilespmem:s2+$0xFFFFFFC0] =	vst v17;
	v17 =	vmul.f32 v62, v58  }
0x249: {  	v18 =	vmul.f32 v18, v60;
	[tilespmem:s2+$0xFFFFFFD0] =	vst v19  }
0x24a: {  	[tilespmem:s1+$0xFFFFFFF0] =	vst v17  }
0x24b: {  	s31 =	simm.s32 $0xBC0;
	[tilespmem:s1+$0x0] =	vst v18  }
0x24c: {  	[spmem:s4] =	stream.indirect.scatter.add.f32 [tilespmem:s17], [sflag:$0x3], $0x10, s31, s24, $0xb8;
	[tilespmem:$0x6210] =	vst v63  }
0x24d: {  	_ =	swait.ge [sflag:s23], $0x400  }
0x24e: {  	[sflag:s23] =	ssyncset.done $0x0  }
0x24f: {  	s2 =	simm.s32 $0x31F0;
	[sflag:s23] =	ssyncadd.s32 $0xFFFFFC00  }
0x250: {  	s21 =	simm.s32 $0x0;
	s18 =	simm.s32 $0x40;
	s1 =	simm.s32 $0x31F0;
	v17 =	vld [tilespmem:s2+$0xFFFFFF40]  }
.LBB2_24:
0x251: {  	p0 =	sne.s32 s18, $0xC0;
	v18 =	vld [tilespmem:s21+$0x8C0]  }
0x252: {  	v19 =	vld [tilespmem:s2+$0xFFFFFF20]  }
0x253: {  	v20 =	vld [tilespmem:s2+$0xFFFFFF10]  }
0x254: {  	v21 =	vld [tilespmem:s2+$0xFFFFFF30]  }
0x255: {  	v22 =	vld [tilespmem:s2+$0xFFFFFF80]  }
0x256: {  	v23 =	vperm.xlane v18, v1;
	v24 =	vperm.xlane v18, v2;
	v25 =	vld [tilespmem:s2+$0xFFFFFF60]  }
0x257: {  	v26 =	vperm.xlane v18, v3;
	v27 =	vperm.xlane v18, v4;
	v28 =	vld [tilespmem:s2+$0xFFFFFF50]  }
0x258: {  	v20 =	vmul.f32 v23, v20;
	v19 =	vmul.f32 v24, v19;
	v23 =	vld [tilespmem:s2+$0xFFFFFF70]  }
0x259: {  	v17 =	vmul.f32 v27, v17;
	v21 =	vmul.f32 v26, v21;
	v24 =	vld [tilespmem:s2+$0xFFFFFFC0]  }
0x25a: {  	v26 =	vperm.xlane v18, v6;
	[tilespmem:s2+$0xFFFFFF10] =	vst v20;
	v20 =	vperm.xlane v18, v5;
	v27 =	vld [tilespmem:s2+$0xFFFFFFA0]  }
0x25b: {  	v29 =	vperm.xlane v18, v8;
	[tilespmem:s2+$0xFFFFFF20] =	vst v19;
	v19 =	vperm.xlane v18, v7;
	v30 =	vld [tilespmem:s2+$0xFFFFFF90]  }
0x25c: {  	[tilespmem:s2+$0xFFFFFF30] =	vst v21;
	v20 =	vmul.f32 v20, v28;
	v21 =	vmul.f32 v26, v25;
	v25 =	vld [tilespmem:s2+$0xFFFFFFB0]  }
0x25d: {  	[tilespmem:s2+$0xFFFFFF40] =	vst v17;
	v17 =	vmul.f32 v19, v23;
	v19 =	vmul.f32 v29, v22;
	v22 =	vld [tilespmem:s2+$0xFFFFFFF0]  }
0x25e: {  	v23 =	vperm.xlane v18, v10;
	[tilespmem:s2+$0xFFFFFF50] =	vst v20;
	v20 =	vperm.xlane v18, v9;
	v26 =	vld [tilespmem:s2+$0xFFFFFFE0]  }
0x25f: {  	v28 =	vperm.xlane v18, v12;
	[tilespmem:s2+$0xFFFFFF60] =	vst v21;
	v21 =	vperm.xlane v18, v11;
	v29 =	vld [tilespmem:s2+$0xFFFFFFD0]  }
0x260: {  	[tilespmem:s2+$0xFFFFFF70] =	vst v17;
	v17 =	vmul.f32 v20, v30;
	v20 =	vmul.f32 v23, v27;
	v23 =	vld [tilespmem:s2+$0x0]  }
0x261: {  	[tilespmem:s2+$0xFFFFFF80] =	vst v19;
	v19 =	vmul.f32 v21, v25;
	v21 =	vmul.f32 v28, v24  }
0x262: {  	v24 =	vperm.xlane v18, v14;
	[tilespmem:s2+$0xFFFFFF90] =	vst v17;
	v17 =	vperm.xlane v18, v13  }
0x263: {  	[tilespmem:s2+$0xFFFFFFA0] =	vst v20;
	v20 =	vperm.xlane v18, v15;
	v18 =	vperm.xlane v18, v16  }
0x264: {  	[tilespmem:s2+$0xFFFFFFB0] =	vst v19;
	v17 =	vmul.f32 v17, v29;
	v19 =	vmul.f32 v24, v26  }
.Ltmp11:
0x265: {  	[tilespmem:s2+$0xFFFFFFC0] =	vst v21;
	v20 =	vmul.f32 v20, v22;
	v18 =	vmul.f32 v18, v23;
	(pc) =	sbr.rel @p0 .LBB2_24-.Ltmp11, $4  }
0x266: {  	[tilespmem:s2+$0xFFFFFFD0] =	vst v17  }
0x267: {  	[tilespmem:s2+$0xFFFFFFE0] =	vst v19  }
0x268: {  	s2 =	sadd.s32 $0x100, s2;
	[tilespmem:s1+$0xFFFFFFF0] =	vst v20  }
0x269: {  	s21 =	sshra.s32 s18, $0x2;
	s18 =	sadd.s32 $0x40, s18;
	v17 =	vld [tilespmem:s2+$0xFFFFFF40];
	[tilespmem:s1+$0x0] =	vst v18;
	s1 =	smov.u32 s2  }
0x26a: {  	v18 =	vld [tilespmem:s21+$0x8C0];
	_ =	sdelay $0x1  }
0x26b: {  	v19 =	vld [tilespmem:s2+$0xFFFFFF10]  }
0x26c: {  	v20 =	vld [tilespmem:s2+$0xFFFFFF20]  }
0x26d: {  	v21 =	vld [tilespmem:s2+$0xFFFFFF30]  }
0x26e: {  	v22 =	vperm.xlane v18, v1  }
0x26f: {  	v25 =	vld [tilespmem:s2+$0xFFFFFF60];
	v23 =	vperm.xlane v18, v2  }
0x270: {  	v24 =	vld [tilespmem:s2+$0xFFFFFF50];
	v26 =	vperm.xlane v18, v3;
	v19 =	vmul.f32 v22, v19  }
0x271: {  	v48 =	vld [tilespmem:s2+$0xFFFFFF70];
	v47 =	vperm.xlane v18, v4;
	v20 =	vmul.f32 v23, v20  }
0x272: {  	v51 =	vld [tilespmem:s2+$0xFFFFFFA0];
	v49 =	vperm.xlane v18, v6;
	v21 =	vmul.f32 v26, v21;
	[tilespmem:s2+$0xFFFFFF10] =	vst v19  }
0x273: {  	v56 =	vld [tilespmem:s2+$0xFFFFFFE0];
	v17 =	vmul.f32 v47, v17;
	v19 =	vperm.xlane v18, v5;
	[tilespmem:s2+$0xFFFFFF20] =	vst v20  }
0x274: {  	v50 =	vld [tilespmem:s2+$0xFFFFFF90];
	v28 =	vperm.xlane v18, v7;
	v22 =	vmul.f32 v49, v25;
	[tilespmem:s2+$0xFFFFFF30] =	vst v21  }
0x275: {  	v27 =	vld [tilespmem:s2+$0xFFFFFF80];
	v54 =	vperm.xlane v18, v10;
	[tilespmem:s2+$0xFFFFFF40] =	vst v17;
	v19 =	vmul.f32 v19, v24  }
0x276: {  	v53 =	vld [tilespmem:s2+$0xFFFFFFB0];
	v61 =	vperm.xlane v18, v14;
	v23 =	vmul.f32 v28, v48;
	[tilespmem:s2+$0xFFFFFF60] =	vst v22  }
0x277: {  	v25 =	vmul.f32 v54, v51;
	v17 =	vld [tilespmem:s2+$0xFFFFFFC0];
	[tilespmem:s2+$0xFFFFFF50] =	vst v19;
	v19 =	vperm.xlane v18, v9  }
0x278: {  	v55 =	vld [tilespmem:s2+$0xFFFFFFD0];
	v52 =	vperm.xlane v18, v8;
	v63 =	vmul.f32 v61, v56;
	[tilespmem:s2+$0xFFFFFF70] =	vst v23  }
0x279: {  	v58 =	vld [tilespmem:s2+$0xFFFFFFF0];
	v57 =	vperm.xlane v18, v11;
	[tilespmem:s2+$0xFFFFFFA0] =	vst v25;
	v19 =	vmul.f32 v19, v50  }
0x27a: {  	v60 =	vld [tilespmem:s2+$0x0];
	v59 =	vperm.xlane v18, v12;
	v21 =	vmul.f32 v52, v27;
	[tilespmem:s2+$0xFFFFFFE0] =	vst v63  }
0x27b: {  	v24 =	vmul.f32 v57, v53;
	[tilespmem:s2+$0xFFFFFF90] =	vst v19;
	v19 =	vperm.xlane v18, v13  }
0x27c: {  	v62 =	vperm.xlane v18, v15;
	[tilespmem:s2+$0xFFFFFF80] =	vst v21;
	v17 =	vmul.f32 v59, v17  }
0x27d: {  	[tilespmem:s2+$0xFFFFFFB0] =	vst v24;
	v18 =	vperm.xlane v18, v16;
	v19 =	vmul.f32 v19, v55  }
0x27e: {  	[tilespmem:s2+$0xFFFFFFC0] =	vst v17;
	v17 =	vmul.f32 v62, v58  }
0x27f: {  	v18 =	vmul.f32 v18, v60;
	[tilespmem:s2+$0xFFFFFFD0] =	vst v19  }
0x280: {  	[tilespmem:s1+$0xFFFFFFF0] =	vst v17  }
0x281: {  	s31 =	simm.s32 $0xC00;
	[tilespmem:s1+$0x0] =	vst v18  }
0x282: {  	[spmem:s4] =	stream.indirect.scatter.add.f32 [tilespmem:s29], [sflag:$0x3], $0x10, s31, s24, $0xb8;
	[tilespmem:$0x6210] =	vst v63  }
0x283: {  	_ =	swait.ge [sflag:s23], $0x400  }
0x284: {  	[sflag:s23] =	ssyncset.done $0x0  }
0x285: {  	s2 =	simm.s32 $0x35F0;
	[sflag:s23] =	ssyncadd.s32 $0xFFFFFC00  }
0x286: {  	s21 =	simm.s32 $0x0;
	s18 =	simm.s32 $0x40;
	s1 =	simm.s32 $0x35F0;
	v17 =	vld [tilespmem:s2+$0xFFFFFF40]  }
.LBB2_26:
0x287: {  	p0 =	sne.s32 s18, $0xC0;
	v18 =	vld [tilespmem:s21+$0x900]  }
0x288: {  	v19 =	vld [tilespmem:s2+$0xFFFFFF20]  }
0x289: {  	v20 =	vld [tilespmem:s2+$0xFFFFFF10]  }
0x28a: {  	v21 =	vld [tilespmem:s2+$0xFFFFFF30]  }
0x28b: {  	v22 =	vld [tilespmem:s2+$0xFFFFFF80]  }
0x28c: {  	v23 =	vperm.xlane v18, v1;
	v24 =	vperm.xlane v18, v2;
	v25 =	vld [tilespmem:s2+$0xFFFFFF60]  }
0x28d: {  	v26 =	vperm.xlane v18, v3;
	v27 =	vperm.xlane v18, v4;
	v28 =	vld [tilespmem:s2+$0xFFFFFF50]  }
0x28e: {  	v20 =	vmul.f32 v23, v20;
	v19 =	vmul.f32 v24, v19;
	v23 =	vld [tilespmem:s2+$0xFFFFFF70]  }
0x28f: {  	v17 =	vmul.f32 v27, v17;
	v21 =	vmul.f32 v26, v21;
	v24 =	vld [tilespmem:s2+$0xFFFFFFC0]  }
0x290: {  	v26 =	vperm.xlane v18, v6;
	[tilespmem:s2+$0xFFFFFF10] =	vst v20;
	v20 =	vperm.xlane v18, v5;
	v27 =	vld [tilespmem:s2+$0xFFFFFFA0]  }
0x291: {  	v29 =	vperm.xlane v18, v8;
	[tilespmem:s2+$0xFFFFFF20] =	vst v19;
	v19 =	vperm.xlane v18, v7;
	v30 =	vld [tilespmem:s2+$0xFFFFFF90]  }
0x292: {  	[tilespmem:s2+$0xFFFFFF30] =	vst v21;
	v20 =	vmul.f32 v20, v28;
	v21 =	vmul.f32 v26, v25;
	v25 =	vld [tilespmem:s2+$0xFFFFFFB0]  }
0x293: {  	[tilespmem:s2+$0xFFFFFF40] =	vst v17;
	v17 =	vmul.f32 v19, v23;
	v19 =	vmul.f32 v29, v22;
	v22 =	vld [tilespmem:s2+$0xFFFFFFF0]  }
0x294: {  	v23 =	vperm.xlane v18, v10;
	[tilespmem:s2+$0xFFFFFF50] =	vst v20;
	v20 =	vperm.xlane v18, v9;
	v26 =	vld [tilespmem:s2+$0xFFFFFFE0]  }
0x295: {  	v28 =	vperm.xlane v18, v12;
	[tilespmem:s2+$0xFFFFFF60] =	vst v21;
	v21 =	vperm.xlane v18, v11;
	v29 =	vld [tilespmem:s2+$0xFFFFFFD0]  }
0x296: {  	[tilespmem:s2+$0xFFFFFF70] =	vst v17;
	v17 =	vmul.f32 v20, v30;
	v20 =	vmul.f32 v23, v27;
	v23 =	vld [tilespmem:s2+$0x0]  }
0x297: {  	[tilespmem:s2+$0xFFFFFF80] =	vst v19;
	v19 =	vmul.f32 v21, v25;
	v21 =	vmul.f32 v28, v24  }
0x298: {  	v24 =	vperm.xlane v18, v14;
	[tilespmem:s2+$0xFFFFFF90] =	vst v17;
	v17 =	vperm.xlane v18, v13  }
0x299: {  	[tilespmem:s2+$0xFFFFFFA0] =	vst v20;
	v20 =	vperm.xlane v18, v15;
	v18 =	vperm.xlane v18, v16  }
0x29a: {  	[tilespmem:s2+$0xFFFFFFB0] =	vst v19;
	v17 =	vmul.f32 v17, v29;
	v19 =	vmul.f32 v24, v26  }
.Ltmp12:
0x29b: {  	[tilespmem:s2+$0xFFFFFFC0] =	vst v21;
	v20 =	vmul.f32 v20, v22;
	v18 =	vmul.f32 v18, v23;
	(pc) =	sbr.rel @p0 .LBB2_26-.Ltmp12, $4  }
0x29c: {  	[tilespmem:s2+$0xFFFFFFD0] =	vst v17  }
0x29d: {  	[tilespmem:s2+$0xFFFFFFE0] =	vst v19  }
0x29e: {  	s2 =	sadd.s32 $0x100, s2;
	[tilespmem:s1+$0xFFFFFFF0] =	vst v20  }
0x29f: {  	s21 =	sshra.s32 s18, $0x2;
	s18 =	sadd.s32 $0x40, s18;
	v17 =	vld [tilespmem:s2+$0xFFFFFF40];
	[tilespmem:s1+$0x0] =	vst v18;
	s1 =	smov.u32 s2  }
0x2a0: {  	v18 =	vld [tilespmem:s21+$0x900];
	_ =	sdelay $0x1  }
0x2a1: {  	v19 =	vld [tilespmem:s2+$0xFFFFFF10]  }
0x2a2: {  	v20 =	vld [tilespmem:s2+$0xFFFFFF20]  }
0x2a3: {  	v21 =	vld [tilespmem:s2+$0xFFFFFF30]  }
0x2a4: {  	v22 =	vperm.xlane v18, v1  }
0x2a5: {  	v25 =	vld [tilespmem:s2+$0xFFFFFF60];
	v23 =	vperm.xlane v18, v2  }
0x2a6: {  	v24 =	vld [tilespmem:s2+$0xFFFFFF50];
	v26 =	vperm.xlane v18, v3;
	v19 =	vmul.f32 v22, v19  }
0x2a7: {  	v48 =	vld [tilespmem:s2+$0xFFFFFF70];
	v47 =	vperm.xlane v18, v4;
	v20 =	vmul.f32 v23, v20  }
0x2a8: {  	v51 =	vld [tilespmem:s2+$0xFFFFFFA0];
	v49 =	vperm.xlane v18, v6;
	v21 =	vmul.f32 v26, v21;
	[tilespmem:s2+$0xFFFFFF10] =	vst v19  }
0x2a9: {  	v56 =	vld [tilespmem:s2+$0xFFFFFFE0];
	v17 =	vmul.f32 v47, v17;
	v19 =	vperm.xlane v18, v5;
	[tilespmem:s2+$0xFFFFFF20] =	vst v20  }
0x2aa: {  	v50 =	vld [tilespmem:s2+$0xFFFFFF90];
	v28 =	vperm.xlane v18, v7;
	v22 =	vmul.f32 v49, v25;
	[tilespmem:s2+$0xFFFFFF30] =	vst v21  }
0x2ab: {  	v27 =	vld [tilespmem:s2+$0xFFFFFF80];
	v54 =	vperm.xlane v18, v10;
	[tilespmem:s2+$0xFFFFFF40] =	vst v17;
	v19 =	vmul.f32 v19, v24  }
0x2ac: {  	v53 =	vld [tilespmem:s2+$0xFFFFFFB0];
	v61 =	vperm.xlane v18, v14;
	v23 =	vmul.f32 v28, v48;
	[tilespmem:s2+$0xFFFFFF60] =	vst v22  }
0x2ad: {  	v25 =	vmul.f32 v54, v51;
	v17 =	vld [tilespmem:s2+$0xFFFFFFC0];
	[tilespmem:s2+$0xFFFFFF50] =	vst v19;
	v19 =	vperm.xlane v18, v9  }
0x2ae: {  	v55 =	vld [tilespmem:s2+$0xFFFFFFD0];
	v52 =	vperm.xlane v18, v8;
	v63 =	vmul.f32 v61, v56;
	[tilespmem:s2+$0xFFFFFF70] =	vst v23  }
0x2af: {  	v58 =	vld [tilespmem:s2+$0xFFFFFFF0];
	v57 =	vperm.xlane v18, v11;
	[tilespmem:s2+$0xFFFFFFA0] =	vst v25;
	v19 =	vmul.f32 v19, v50  }
0x2b0: {  	v60 =	vld [tilespmem:s2+$0x0];
	v59 =	vperm.xlane v18, v12;
	v21 =	vmul.f32 v52, v27;
	[tilespmem:s2+$0xFFFFFFE0] =	vst v63  }
0x2b1: {  	v24 =	vmul.f32 v57, v53;
	[tilespmem:s2+$0xFFFFFF90] =	vst v19;
	v19 =	vperm.xlane v18, v13  }
0x2b2: {  	v62 =	vperm.xlane v18, v15;
	[tilespmem:s2+$0xFFFFFF80] =	vst v21;
	v17 =	vmul.f32 v59, v17  }
0x2b3: {  	[tilespmem:s2+$0xFFFFFFB0] =	vst v24;
	v18 =	vperm.xlane v18, v16;
	v19 =	vmul.f32 v19, v55  }
0x2b4: {  	[tilespmem:s2+$0xFFFFFFC0] =	vst v17;
	v17 =	vmul.f32 v62, v58  }
0x2b5: {  	v18 =	vmul.f32 v18, v60;
	[tilespmem:s2+$0xFFFFFFD0] =	vst v19  }
0x2b6: {  	[tilespmem:s1+$0xFFFFFFF0] =	vst v17  }
0x2b7: {  	s31 =	simm.s32 $0xC40;
	[tilespmem:s1+$0x0] =	vst v18  }
0x2b8: {  	[spmem:s4] =	stream.indirect.scatter.add.f32 [tilespmem:s19], [sflag:$0x3], $0x10, s31, s24, $0xb8;
	[tilespmem:$0x6210] =	vst v63  }
0x2b9: {  	_ =	swait.ge [sflag:s23], $0x400  }
0x2ba: {  	[sflag:s23] =	ssyncset.done $0x0  }
0x2bb: {  	s2 =	simm.s32 $0x39F0;
	[sflag:s23] =	ssyncadd.s32 $0xFFFFFC00  }
0x2bc: {  	s21 =	simm.s32 $0x0;
	s18 =	simm.s32 $0x40;
	s1 =	simm.s32 $0x39F0;
	v17 =	vld [tilespmem:s2+$0xFFFFFF40]  }
.LBB2_28:
0x2bd: {  	p0 =	sne.s32 s18, $0xC0;
	v18 =	vld [tilespmem:s21+$0x940]  }
0x2be: {  	v19 =	vld [tilespmem:s2+$0xFFFFFF20]  }
0x2bf: {  	v20 =	vld [tilespmem:s2+$0xFFFFFF10]  }
0x2c0: {  	v21 =	vld [tilespmem:s2+$0xFFFFFF30]  }
0x2c1: {  	v22 =	vld [tilespmem:s2+$0xFFFFFF80]  }
0x2c2: {  	v23 =	vperm.xlane v18, v1;
	v24 =	vperm.xlane v18, v2;
	v25 =	vld [tilespmem:s2+$0xFFFFFF60]  }
0x2c3: {  	v26 =	vperm.xlane v18, v3;
	v27 =	vperm.xlane v18, v4;
	v28 =	vld [tilespmem:s2+$0xFFFFFF50]  }
0x2c4: {  	v20 =	vmul.f32 v23, v20;
	v19 =	vmul.f32 v24, v19;
	v23 =	vld [tilespmem:s2+$0xFFFFFF70]  }
0x2c5: {  	v17 =	vmul.f32 v27, v17;
	v21 =	vmul.f32 v26, v21;
	v24 =	vld [tilespmem:s2+$0xFFFFFFC0]  }
0x2c6: {  	v26 =	vperm.xlane v18, v6;
	[tilespmem:s2+$0xFFFFFF10] =	vst v20;
	v20 =	vperm.xlane v18, v5;
	v27 =	vld [tilespmem:s2+$0xFFFFFFA0]  }
0x2c7: {  	v29 =	vperm.xlane v18, v8;
	[tilespmem:s2+$0xFFFFFF20] =	vst v19;
	v19 =	vperm.xlane v18, v7;
	v30 =	vld [tilespmem:s2+$0xFFFFFF90]  }
0x2c8: {  	[tilespmem:s2+$0xFFFFFF30] =	vst v21;
	v20 =	vmul.f32 v20, v28;
	v21 =	vmul.f32 v26, v25;
	v25 =	vld [tilespmem:s2+$0xFFFFFFB0]  }
0x2c9: {  	[tilespmem:s2+$0xFFFFFF40] =	vst v17;
	v17 =	vmul.f32 v19, v23;
	v19 =	vmul.f32 v29, v22;
	v22 =	vld [tilespmem:s2+$0xFFFFFFF0]  }
0x2ca: {  	v23 =	vperm.xlane v18, v10;
	[tilespmem:s2+$0xFFFFFF50] =	vst v20;
	v20 =	vperm.xlane v18, v9;
	v26 =	vld [tilespmem:s2+$0xFFFFFFE0]  }
0x2cb: {  	v28 =	vperm.xlane v18, v12;
	[tilespmem:s2+$0xFFFFFF60] =	vst v21;
	v21 =	vperm.xlane v18, v11;
	v29 =	vld [tilespmem:s2+$0xFFFFFFD0]  }
0x2cc: {  	[tilespmem:s2+$0xFFFFFF70] =	vst v17;
	v17 =	vmul.f32 v20, v30;
	v20 =	vmul.f32 v23, v27;
	v23 =	vld [tilespmem:s2+$0x0]  }
0x2cd: {  	[tilespmem:s2+$0xFFFFFF80] =	vst v19;
	v19 =	vmul.f32 v21, v25;
	v21 =	vmul.f32 v28, v24  }
0x2ce: {  	v24 =	vperm.xlane v18, v14;
	[tilespmem:s2+$0xFFFFFF90] =	vst v17;
	v17 =	vperm.xlane v18, v13  }
0x2cf: {  	[tilespmem:s2+$0xFFFFFFA0] =	vst v20;
	v20 =	vperm.xlane v18, v15;
	v18 =	vperm.xlane v18, v16  }
0x2d0: {  	[tilespmem:s2+$0xFFFFFFB0] =	vst v19;
	v17 =	vmul.f32 v17, v29;
	v19 =	vmul.f32 v24, v26  }
.Ltmp13:
0x2d1: {  	[tilespmem:s2+$0xFFFFFFC0] =	vst v21;
	v20 =	vmul.f32 v20, v22;
	v18 =	vmul.f32 v18, v23;
	(pc) =	sbr.rel @p0 .LBB2_28-.Ltmp13, $4  }
0x2d2: {  	[tilespmem:s2+$0xFFFFFFD0] =	vst v17  }
0x2d3: {  	[tilespmem:s2+$0xFFFFFFE0] =	vst v19  }
0x2d4: {  	s2 =	sadd.s32 $0x100, s2;
	[tilespmem:s1+$0xFFFFFFF0] =	vst v20  }
0x2d5: {  	s21 =	sshra.s32 s18, $0x2;
	s18 =	sadd.s32 $0x40, s18;
	v17 =	vld [tilespmem:s2+$0xFFFFFF40];
	[tilespmem:s1+$0x0] =	vst v18;
	s1 =	smov.u32 s2  }
0x2d6: {  	v18 =	vld [tilespmem:s21+$0x940];
	_ =	sdelay $0x1  }
0x2d7: {  	v19 =	vld [tilespmem:s2+$0xFFFFFF10]  }
0x2d8: {  	v20 =	vld [tilespmem:s2+$0xFFFFFF20]  }
0x2d9: {  	v21 =	vld [tilespmem:s2+$0xFFFFFF30]  }
0x2da: {  	v22 =	vperm.xlane v18, v1  }
0x2db: {  	v25 =	vld [tilespmem:s2+$0xFFFFFF60];
	v23 =	vperm.xlane v18, v2  }
0x2dc: {  	v24 =	vld [tilespmem:s2+$0xFFFFFF50];
	v26 =	vperm.xlane v18, v3;
	v19 =	vmul.f32 v22, v19  }
0x2dd: {  	v48 =	vld [tilespmem:s2+$0xFFFFFF70];
	v47 =	vperm.xlane v18, v4;
	v20 =	vmul.f32 v23, v20  }
0x2de: {  	v51 =	vld [tilespmem:s2+$0xFFFFFFA0];
	v49 =	vperm.xlane v18, v6;
	v21 =	vmul.f32 v26, v21;
	[tilespmem:s2+$0xFFFFFF10] =	vst v19  }
0x2df: {  	v56 =	vld [tilespmem:s2+$0xFFFFFFE0];
	v17 =	vmul.f32 v47, v17;
	v19 =	vperm.xlane v18, v5;
	[tilespmem:s2+$0xFFFFFF20] =	vst v20  }
0x2e0: {  	v50 =	vld [tilespmem:s2+$0xFFFFFF90];
	v28 =	vperm.xlane v18, v7;
	v22 =	vmul.f32 v49, v25;
	[tilespmem:s2+$0xFFFFFF30] =	vst v21  }
0x2e1: {  	v27 =	vld [tilespmem:s2+$0xFFFFFF80];
	v54 =	vperm.xlane v18, v10;
	[tilespmem:s2+$0xFFFFFF40] =	vst v17;
	v19 =	vmul.f32 v19, v24  }
0x2e2: {  	v53 =	vld [tilespmem:s2+$0xFFFFFFB0];
	v61 =	vperm.xlane v18, v14;
	v23 =	vmul.f32 v28, v48;
	[tilespmem:s2+$0xFFFFFF60] =	vst v22  }
0x2e3: {  	v25 =	vmul.f32 v54, v51;
	v17 =	vld [tilespmem:s2+$0xFFFFFFC0];
	[tilespmem:s2+$0xFFFFFF50] =	vst v19;
	v19 =	vperm.xlane v18, v9  }
0x2e4: {  	v55 =	vld [tilespmem:s2+$0xFFFFFFD0];
	v52 =	vperm.xlane v18, v8;
	v63 =	vmul.f32 v61, v56;
	[tilespmem:s2+$0xFFFFFF70] =	vst v23  }
0x2e5: {  	v58 =	vld [tilespmem:s2+$0xFFFFFFF0];
	v57 =	vperm.xlane v18, v11;
	[tilespmem:s2+$0xFFFFFFA0] =	vst v25;
	v19 =	vmul.f32 v19, v50  }
0x2e6: {  	v60 =	vld [tilespmem:s2+$0x0];
	v59 =	vperm.xlane v18, v12;
	v21 =	vmul.f32 v52, v27;
	[tilespmem:s2+$0xFFFFFFE0] =	vst v63  }
0x2e7: {  	v24 =	vmul.f32 v57, v53;
	[tilespmem:s2+$0xFFFFFF90] =	vst v19;
	v19 =	vperm.xlane v18, v13  }
0x2e8: {  	v62 =	vperm.xlane v18, v15;
	[tilespmem:s2+$0xFFFFFF80] =	vst v21;
	v17 =	vmul.f32 v59, v17  }
0x2e9: {  	[tilespmem:s2+$0xFFFFFFB0] =	vst v24;
	v18 =	vperm.xlane v18, v16;
	v19 =	vmul.f32 v19, v55  }
0x2ea: {  	[tilespmem:s2+$0xFFFFFFC0] =	vst v17;
	v17 =	vmul.f32 v62, v58  }
0x2eb: {  	v18 =	vmul.f32 v18, v60;
	[tilespmem:s2+$0xFFFFFFD0] =	vst v19  }
0x2ec: {  	[tilespmem:s1+$0xFFFFFFF0] =	vst v17  }
0x2ed: {  	s31 =	simm.s32 $0xC80;
	[tilespmem:s1+$0x0] =	vst v18  }
0x2ee: {  	[spmem:s4] =	stream.indirect.scatter.add.f32 [tilespmem:s0], [sflag:$0x3], $0x10, s31, s24, $0xb8;
	[tilespmem:$0x6210] =	vst v63  }
0x2ef: {  	_ =	swait.ge [sflag:s23], $0x400  }
0x2f0: {  	[sflag:s23] =	ssyncset.done $0x0  }
0x2f1: {  	s2 =	simm.s32 $0x3DF0;
	[sflag:s23] =	ssyncadd.s32 $0xFFFFFC00  }
0x2f2: {  	s21 =	simm.s32 $0x0;
	s18 =	simm.s32 $0x40;
	s1 =	simm.s32 $0x3DF0;
	v17 =	vld [tilespmem:s2+$0xFFFFFF40]  }
.LBB2_30:
0x2f3: {  	p0 =	sne.s32 s18, $0xC0;
	v18 =	vld [tilespmem:s21+$0x980]  }
0x2f4: {  	v19 =	vld [tilespmem:s2+$0xFFFFFF20]  }
0x2f5: {  	v20 =	vld [tilespmem:s2+$0xFFFFFF10]  }
0x2f6: {  	v21 =	vld [tilespmem:s2+$0xFFFFFF30]  }
0x2f7: {  	v22 =	vld [tilespmem:s2+$0xFFFFFF80]  }
0x2f8: {  	v23 =	vperm.xlane v18, v1;
	v24 =	vperm.xlane v18, v2;
	v25 =	vld [tilespmem:s2+$0xFFFFFF60]  }
0x2f9: {  	v26 =	vperm.xlane v18, v3;
	v27 =	vperm.xlane v18, v4;
	v28 =	vld [tilespmem:s2+$0xFFFFFF50]  }
0x2fa: {  	v20 =	vmul.f32 v23, v20;
	v19 =	vmul.f32 v24, v19;
	v23 =	vld [tilespmem:s2+$0xFFFFFF70]  }
0x2fb: {  	v17 =	vmul.f32 v27, v17;
	v21 =	vmul.f32 v26, v21;
	v24 =	vld [tilespmem:s2+$0xFFFFFFC0]  }
0x2fc: {  	v26 =	vperm.xlane v18, v6;
	[tilespmem:s2+$0xFFFFFF10] =	vst v20;
	v20 =	vperm.xlane v18, v5;
	v27 =	vld [tilespmem:s2+$0xFFFFFFA0]  }
0x2fd: {  	v29 =	vperm.xlane v18, v8;
	[tilespmem:s2+$0xFFFFFF20] =	vst v19;
	v19 =	vperm.xlane v18, v7;
	v30 =	vld [tilespmem:s2+$0xFFFFFF90]  }
0x2fe: {  	[tilespmem:s2+$0xFFFFFF30] =	vst v21;
	v20 =	vmul.f32 v20, v28;
	v21 =	vmul.f32 v26, v25;
	v25 =	vld [tilespmem:s2+$0xFFFFFFB0]  }
0x2ff: {  	[tilespmem:s2+$0xFFFFFF40] =	vst v17;
	v17 =	vmul.f32 v19, v23;
	v19 =	vmul.f32 v29, v22;
	v22 =	vld [tilespmem:s2+$0xFFFFFFF0]  }
0x300: {  	v23 =	vperm.xlane v18, v10;
	[tilespmem:s2+$0xFFFFFF50] =	vst v20;
	v20 =	vperm.xlane v18, v9;
	v26 =	vld [tilespmem:s2+$0xFFFFFFE0]  }
0x301: {  	v28 =	vperm.xlane v18, v12;
	[tilespmem:s2+$0xFFFFFF60] =	vst v21;
	v21 =	vperm.xlane v18, v11;
	v29 =	vld [tilespmem:s2+$0xFFFFFFD0]  }
0x302: {  	[tilespmem:s2+$0xFFFFFF70] =	vst v17;
	v17 =	vmul.f32 v20, v30;
	v20 =	vmul.f32 v23, v27;
	v23 =	vld [tilespmem:s2+$0x0]  }
0x303: {  	[tilespmem:s2+$0xFFFFFF80] =	vst v19;
	v19 =	vmul.f32 v21, v25;
	v21 =	vmul.f32 v28, v24  }
0x304: {  	v24 =	vperm.xlane v18, v14;
	[tilespmem:s2+$0xFFFFFF90] =	vst v17;
	v17 =	vperm.xlane v18, v13  }
0x305: {  	[tilespmem:s2+$0xFFFFFFA0] =	vst v20;
	v20 =	vperm.xlane v18, v15;
	v18 =	vperm.xlane v18, v16  }
0x306: {  	[tilespmem:s2+$0xFFFFFFB0] =	vst v19;
	v17 =	vmul.f32 v17, v29;
	v19 =	vmul.f32 v24, v26  }
.Ltmp14:
0x307: {  	[tilespmem:s2+$0xFFFFFFC0] =	vst v21;
	v20 =	vmul.f32 v20, v22;
	v18 =	vmul.f32 v18, v23;
	(pc) =	sbr.rel @p0 .LBB2_30-.Ltmp14, $4  }
0x308: {  	[tilespmem:s2+$0xFFFFFFD0] =	vst v17  }
0x309: {  	[tilespmem:s2+$0xFFFFFFE0] =	vst v19  }
0x30a: {  	s2 =	sadd.s32 $0x100, s2;
	[tilespmem:s1+$0xFFFFFFF0] =	vst v20  }
0x30b: {  	s21 =	sshra.s32 s18, $0x2;
	s18 =	sadd.s32 $0x40, s18;
	v17 =	vld [tilespmem:s2+$0xFFFFFF40];
	[tilespmem:s1+$0x0] =	vst v18;
	s1 =	smov.u32 s2  }
0x30c: {  	v18 =	vld [tilespmem:s21+$0x980];
	_ =	sdelay $0x1  }
0x30d: {  	v19 =	vld [tilespmem:s2+$0xFFFFFF10]  }
0x30e: {  	v20 =	vld [tilespmem:s2+$0xFFFFFF20]  }
0x30f: {  	v21 =	vld [tilespmem:s2+$0xFFFFFF30]  }
0x310: {  	v22 =	vperm.xlane v18, v1  }
0x311: {  	v25 =	vld [tilespmem:s2+$0xFFFFFF60];
	v23 =	vperm.xlane v18, v2  }
0x312: {  	v24 =	vld [tilespmem:s2+$0xFFFFFF50];
	v26 =	vperm.xlane v18, v3;
	v19 =	vmul.f32 v22, v19  }
0x313: {  	v48 =	vld [tilespmem:s2+$0xFFFFFF70];
	v47 =	vperm.xlane v18, v4;
	v20 =	vmul.f32 v23, v20  }
0x314: {  	v51 =	vld [tilespmem:s2+$0xFFFFFFA0];
	v49 =	vperm.xlane v18, v6;
	v21 =	vmul.f32 v26, v21;
	[tilespmem:s2+$0xFFFFFF10] =	vst v19  }
0x315: {  	v56 =	vld [tilespmem:s2+$0xFFFFFFE0];
	v17 =	vmul.f32 v47, v17;
	v19 =	vperm.xlane v18, v5;
	[tilespmem:s2+$0xFFFFFF20] =	vst v20  }
0x316: {  	v50 =	vld [tilespmem:s2+$0xFFFFFF90];
	v28 =	vperm.xlane v18, v7;
	v22 =	vmul.f32 v49, v25;
	[tilespmem:s2+$0xFFFFFF30] =	vst v21  }
0x317: {  	v27 =	vld [tilespmem:s2+$0xFFFFFF80];
	v54 =	vperm.xlane v18, v10;
	[tilespmem:s2+$0xFFFFFF40] =	vst v17;
	v19 =	vmul.f32 v19, v24  }
0x318: {  	v53 =	vld [tilespmem:s2+$0xFFFFFFB0];
	v61 =	vperm.xlane v18, v14;
	v23 =	vmul.f32 v28, v48;
	[tilespmem:s2+$0xFFFFFF60] =	vst v22  }
0x319: {  	v25 =	vmul.f32 v54, v51;
	v17 =	vld [tilespmem:s2+$0xFFFFFFC0];
	[tilespmem:s2+$0xFFFFFF50] =	vst v19;
	v19 =	vperm.xlane v18, v9  }
0x31a: {  	v55 =	vld [tilespmem:s2+$0xFFFFFFD0];
	v52 =	vperm.xlane v18, v8;
	v63 =	vmul.f32 v61, v56;
	[tilespmem:s2+$0xFFFFFF70] =	vst v23  }
0x31b: {  	v58 =	vld [tilespmem:s2+$0xFFFFFFF0];
	v57 =	vperm.xlane v18, v11;
	[tilespmem:s2+$0xFFFFFFA0] =	vst v25;
	v19 =	vmul.f32 v19, v50  }
0x31c: {  	v60 =	vld [tilespmem:s2+$0x0];
	v59 =	vperm.xlane v18, v12;
	v21 =	vmul.f32 v52, v27;
	[tilespmem:s2+$0xFFFFFFE0] =	vst v63  }
0x31d: {  	v24 =	vmul.f32 v57, v53;
	[tilespmem:s2+$0xFFFFFF90] =	vst v19;
	v19 =	vperm.xlane v18, v13  }
0x31e: {  	v62 =	vperm.xlane v18, v15;
	[tilespmem:s2+$0xFFFFFF80] =	vst v21;
	v17 =	vmul.f32 v59, v17  }
0x31f: {  	[tilespmem:s2+$0xFFFFFFB0] =	vst v24;
	v18 =	vperm.xlane v18, v16;
	v19 =	vmul.f32 v19, v55  }
0x320: {  	[tilespmem:s2+$0xFFFFFFC0] =	vst v17;
	v17 =	vmul.f32 v62, v58  }
0x321: {  	v18 =	vmul.f32 v18, v60;
	[tilespmem:s2+$0xFFFFFFD0] =	vst v19  }
0x322: {  	[tilespmem:s1+$0xFFFFFFF0] =	vst v17  }
0x323: {  	s21 =	simm.s32 $0xCC0;
	[tilespmem:s1+$0x0] =	vst v18  }
0x324: {  	[spmem:s4] =	stream.indirect.scatter.add.f32 [tilespmem:s26], [sflag:$0x3], $0x10, s21, s24, $0xb8;
	[tilespmem:$0x6210] =	vst v63  }
0x325: {  	_ =	swait.ge [sflag:s28], $0x400  }
0x326: {  	[sflag:s28] =	ssyncset.done $0x0  }
0x327: {  	[sflag:s28] =	ssyncadd.s32 $0xFFFFFC00  }
0x328: {  	_ =	swait.ge [sflag:s28], $0x400  }
0x329: {  	[sflag:s28] =	ssyncset.done $0x0  }
0x32a: {  	[sflag:s28] =	ssyncadd.s32 $0xFFFFFC00  }
0x32b: {  	_ =	swait.ge [sflag:s28], $0x400  }
0x32c: {  	[sflag:s28] =	ssyncset.done $0x0  }
0x32d: {  	[sflag:s28] =	ssyncadd.s32 $0xFFFFFC00  }
0x32e: {  	_ =	swait.ge [sflag:s28], $0x400  }
0x32f: {  	[sflag:s28] =	ssyncset.done $0x0  }
0x330: {  	[sflag:s28] =	ssyncadd.s32 $0xFFFFFC00  }
0x331: {  	_ =	swait.ge [sflag:s28], $0x400  }
0x332: {  	[sflag:s28] =	ssyncset.done $0x0  }
0x333: {  	[sflag:s28] =	ssyncadd.s32 $0xFFFFFC00  }
0x334: {  	_ =	swait.ge [sflag:s28], $0x400  }
0x335: {  	[sflag:s28] =	ssyncset.done $0x0  }
0x336: {  	[sflag:s28] =	ssyncadd.s32 $0xFFFFFC00  }
0x337: {  	_ =	swait.ge [sflag:s28], $0x400  }
0x338: {  	[sflag:s28] =	ssyncset.done $0x0  }
0x339: {  	[sflag:s28] =	ssyncadd.s32 $0xFFFFFC00  }
0x33a: {  	_ =	swait.ge [sflag:s28], $0x400  }
0x33b: {  	[sflag:s28] =	ssyncset.done $0x0  }
0x33c: {  	[sflag:s28] =	ssyncadd.s32 $0xFFFFFC00  }
0x33d: {  	_ =	swait.ge [sflag:s28], $0x400  }
0x33e: {  	[sflag:s28] =	ssyncset.done $0x0  }
0x33f: {  	[sflag:s28] =	ssyncadd.s32 $0xFFFFFC00  }
0x340: {  	_ =	swait.ge [sflag:s28], $0x400  }
0x341: {  	[sflag:s28] =	ssyncset.done $0x0  }
0x342: {  	[sflag:s28] =	ssyncadd.s32 $0xFFFFFC00  }
0x343: {  	_ =	swait.ge [sflag:s28], $0x400  }
0x344: {  	[sflag:s28] =	ssyncset.done $0x0  }
0x345: {  	[sflag:s28] =	ssyncadd.s32 $0xFFFFFC00  }
0x346: {  	_ =	swait.ge [sflag:s28], $0x400  }
0x347: {  	[sflag:s28] =	ssyncset.done $0x0  }
0x348: {  	[sflag:s28] =	ssyncadd.s32 $0xFFFFFC00  }
0x349: {  	_ =	swait.ge [sflag:s28], $0x400  }
0x34a: {  	s30 =	sadd.s32 $0x1, s30;
	[sflag:s28] =	ssyncset.done $0x0  }
0x34b: {  	p0 =	sne.s32 s30, s15;
	[sflag:s28] =	ssyncadd.s32 $0xFFFFFC00  }
.Ltmp15:
0x34c: {  	s31 =	sor.u32 $0x1C04, s8;
	[bflag:$0x0] =	sbarrier.arrive $0xFFFF;
	(pc) =	sbr.rel @p0 .LBB2_1-.Ltmp15, $4  }
0x34d: {  	[hbm:s14], [sflag:s31] =	dma.local [spmem:s25], $0xB0  }
0x34e: {  	_ =	swait.ge [sflag:s20], $0xB0  }
0x34f: {  	[sflag:s20] =	ssyncset.done $0x0  }
0x350: {  	[sflag:s20] =	ssyncadd.s32 $0xFFFFFF50  }
0x351: {  	_ =	sfence.sel $0x180000  }
0x352: {  	[bflag:$0x0] =	sbarrier.arrive $0xFFFF  }
0x353: {  	_ =	strace $0x90000047  }
0x354: {  	s0 =	stileid.u32;
	[bflag:$0x2] =	sbarrier.arrive $0xFFFF  }
0x355: {  	p0 =	sne.s32 s0, $0x0;
	s0 =	rddreg [dreg:$0x6]  }
0x356: {  	s0 =	sadd.s32 @!p0 $0x100000, s0  }
0x357: {  	[sflag:s0] =	ssyncadd.tile.s32 @!p0 $0x1;
	_ =	shalt  }
.Lfunc_end2:
_tile_overlayer_lowered:
.L_overlay_start_2:
0x358: {  	(tag) =	ssettag $0x2  }
0x359: {  	s0 =	rddreg [dreg:$0x0];
	s2 =	stileid.u32  }
0x35a: {  	s1 =	rddreg [dreg:$0x1];
	p0 =	sne.s32 s2, $0x0  }
0x35b: {  	s3 =	rddreg [dreg:$0x2];
	[bflag:$0x3] =	sbarrier.arrive $0xFFFF;
	s2 =	simm.s32 @!p0 $0x1C04  }
0x35c: {  	[timem:s3], [sflag:s2] =	dma.local @!p0 [hbm:s0], s1  }
0x35d: {  	s0 =	simm.s32 @!p0 $0x4  }
0x35e: {  	_ =	swait.ge @!p0 [sflag:s0], s1  }
0x35f: {  	s1 =	ssub.s32 @!p0 $0x0, s1;
	[sflag:s0] =	ssyncset.done @!p0 $0x0  }
0x360: {  	[sflag:s0] =	ssyncadd.s32 @!p0 s1  }
0x361: {  	[bflag:$0x3] =	sbarrier.arrive $0xFFFF  }
0x362: {  	_ =	shalt  }

</sc_bundles>
